<compile_context>
chip_gen: v7x
topology: tpu7x:2x2x1
jax: 0.10.2.dev20260603
libtpu: 0.0.44.dev20260713+nightly
codegen_flags: <defaults>
</compile_context>

<pallas_src>
import functools

import jax
import jax.numpy as jnp
from jax import lax
from jax.experimental import pallas as pl
from jax.experimental.pallas import tpu as pltpu
from jax.experimental.pallas import tpu_sc as plsc

N = 10000
E = 320000
HD = 64
ZD = 64

NW = 32
B = 128
NBLK = -(-E // (NW * B))
EPAD = NW * B * NBLK
NACC = 10240
ZB = NACC // 16 // B
RPZ = NACC // 16


def _sc_mesh():
    return plsc.VectorSubcoreMesh(core_axis_name="c", subcore_axis_name="s")


_SC_PARAMS = pltpu.CompilerParams(use_tc_tiling_on_sc=False)


def _make_deg():
    C = 16

    @functools.partial(
        pl.kernel,
        mesh=_sc_mesh(),
        out_type=jax.ShapeDtypeStruct((2, NACC, C), jnp.float32),
        compiler_params=_SC_PARAMS,
        scratch_types=[
            pltpu.VMEM((NBLK, B), jnp.int32),
            pltpu.VMEM((B, C), jnp.float32),
            pltpu.VMEM_SHARED((NACC, C), jnp.float32),
        ],
    )
    def deg_k(dst_hbm, out_hbm, dst2d, rowsb, acc):
        cid = lax.axis_index("c")
        sid = lax.axis_index("s")
        wid = sid * 2 + cid
        pltpu.sync_copy(dst_hbm.at[wid], dst2d)
        ov = jnp.ones((16,), jnp.float32)
        zv = jnp.zeros((16,), jnp.float32)

        def zfill(i, c):
            rowsb[i, :] = zv
            return c

        lax.fori_loop(0, B, zfill, 0)
        for r in range(ZB):
            pltpu.sync_copy(rowsb, acc.at[pl.ds(sid * RPZ + r * B, B)])

        def ofill(i, c):
            rowsb[i, :] = ov
            return c

        lax.fori_loop(0, B, ofill, 0)
        plsc.subcore_barrier()

        def blk(b, c):
            pltpu.sync_copy(rowsb, acc.at[dst2d.at[b]], add=True)
            return c

        lax.fori_loop(0, NBLK, blk, 0)
        plsc.subcore_barrier()
        pltpu.sync_copy(acc.at[pl.ds(sid * RPZ, RPZ)],
                        out_hbm.at[cid, pl.ds(sid * RPZ, RPZ)])

    return deg_k


def _make_agg(widths):
    k = len(widths)
    dws = sorted(set(widths))

    scratch = [pltpu.VMEM((NBLK, B), jnp.int32),
               pltpu.VMEM((NBLK, B), jnp.int32)]
    scratch += [pltpu.VMEM((B, C), jnp.float32) for C in dws]
    scratch += [pltpu.VMEM_SHARED((NACC, C), jnp.float32) for C in dws]
    scratch += [pltpu.SemaphoreType.DMA]

    @functools.partial(
        pl.kernel,
        mesh=_sc_mesh(),
        out_type=tuple(jax.ShapeDtypeStruct((2, NACC, C), jnp.float32)
                       for C in widths),
        compiler_params=_SC_PARAMS,
        scratch_types=scratch,
    )
    def agg_k(src_hbm, dst_hbm, *refs):
        vals = refs[:k]
        outs = refs[k:2 * k]
        pos = 2 * k
        src2d, dst2d = refs[pos], refs[pos + 1]
        pos += 2
        rw = dict(zip(dws, refs[pos:pos + len(dws)]))
        pos += len(dws)
        ac = dict(zip(dws, refs[pos:pos + len(dws)]))
        pos += len(dws)
        sem = refs[pos]

        cid = lax.axis_index("c")
        sid = lax.axis_index("s")
        wid = sid * 2 + cid
        pltpu.sync_copy(src_hbm.at[wid], src2d)
        pltpu.sync_copy(dst_hbm.at[wid], dst2d)
        zv = jnp.zeros((16,), jnp.float32)

        for (val_hbm, out_hbm, C) in zip(vals, outs, widths):
            acc = ac[C]
            rows = rw[C]

            def zrow(i, c, rows=rows, C=C):
                for j in range(C // 16):
                    rows[i, pl.ds(j * 16, 16)] = zv
                return c

            lax.fori_loop(0, B, zrow, 0)
            for r in range(ZB):
                pltpu.sync_copy(rows, acc.at[pl.ds(sid * RPZ + r * B, B)])
            plsc.subcore_barrier()

            def blk(b, c, val_hbm=val_hbm, acc=acc, rows=rows):
                pltpu.async_copy(val_hbm.at[src2d.at[b]], rows, sem).wait()
                pltpu.sync_copy(rows, acc.at[dst2d.at[b]], add=True)
                return c

            lax.fori_loop(0, NBLK, blk, 0)
            plsc.subcore_barrier()
            pltpu.sync_copy(acc.at[pl.ds(sid * RPZ, RPZ)],
                            out_hbm.at[cid, pl.ds(sid * RPZ, RPZ)])
            plsc.subcore_barrier()

    return agg_k


_deg_call = _make_deg()
_agg64 = _make_agg([64])
_agg128 = _make_agg([128])
_agg128x2 = _make_agg([128, 128])


def _agg320(srcp, dstp, va, vb, vc):
    sa, sb = _agg128x2(srcp, dstp, va, vb)
    sc, = _agg64(srcp, dstp, vc)
    return sa, sb, sc


_RB = 1000
_G = N // _RB


def _rows_spec(c):
    return pl.BlockSpec((_RB, c), lambda i: (i, 0))


def _full_spec(shape):
    return pl.BlockSpec(shape, lambda i, _n=len(shape): (0,) * _n)


def _tc(fn, out_cols, *arrs):
    in_specs = [(_rows_spec(a.shape[1]) if a.shape[0] in (N, NACC)
                 else _full_spec(a.shape)) for a in arrs]
    out_shape = tuple(jax.ShapeDtypeStruct((N, c), jnp.float32)
                      for c in out_cols)
    out_specs = tuple(_rows_spec(c) for c in out_cols)
    return pl.pallas_call(fn, grid=(_G,), in_specs=in_specs,
                          out_specs=out_specs, out_shape=out_shape)(*arrs)


def _mm(a, w):
    return lax.dot_general(a, w, (((1,), (0,)), ((), ())),
                           preferred_element_type=jnp.float32,
                           precision=lax.Precision.HIGHEST)


def _t0(x_r, h1_r, wpx, bpx, wenc, phix_o, hle_o):
    phx = jnp.maximum(_mm(x_r[...], wpx[...]) + bpx[...], 0.0)
    phix_o[...] = phx
    ei = jnp.concatenate([phx, h1_r[...]], axis=1)
    hle_o[...] = _mm(ei, wenc[...])


def _t1(d0, d1, hle, h1r, diffr, wph, wpd, bpr, wpm, bpm, wps, bps,
        v1o, dvo, pmo, pso):
    deg = d0[:, 0:1] + d1[:, 0:1] + 1.0
    dinv = 1.0 / jnp.sqrt(jnp.maximum(deg, 1.0))
    dvo[...] = dinv
    v1o[...] = hle[...] * dinv
    px = jnp.maximum(_mm(h1r[...], wph[...]) + diffr[...] * wpd[...]
                     + bpr[...], 0.0)
    pmo[...] = _mm(px, wpm[...]) + bpm[...]
    pso[...] = jax.nn.softplus(_mm(px, wps[...]) + bps[...])


def _t2(s1a, s1b, v1, dv, benc, wms, v2o):
    encx = jnp.maximum(dv[...] * (s1a[...] + s1b[...] + v1[...]) + benc[...],
                       0.0)
    v2o[...] = _mm(encx, wms[...]) * dv[...]


def _t3(s2a, s2b, v2, dv, bms, epsr, wpz, bpz, phixr, h0r, wx0, wh0,
        emo, eso, zo, vao, vbo, vco):
    ms = dv[...] * (s2a[...] + s2b[...] + v2[...]) + bms[...]
    em = ms[:, :HD]
    es = jax.nn.softplus(ms[:, HD:])
    emo[...] = em
    eso[...] = es
    zz = epsr[...] * es + em
    zo[...] = zz
    phz = jnp.maximum(_mm(zz, wpz[...]) + bpz[...], 0.0)
    ri = jnp.concatenate([phixr[...], phz], axis=1)
    big = jnp.concatenate([_mm(ri, wx0[...]), _mm(h0r[...], wh0[...])],
                          axis=1) * dv[...]
    vao[...] = big[:, :128]
    vbo[...] = big[:, 128:256]
    vco[...] = big[:, 256:]


def _t4(saa, sab, sba, sbb, sca, scb, va, vb, vc, dv, hc, whh, bz, br, bxhh,
        zgo, xpo, v4o):
    aA = dv[...] * (saa[...] + sab[...] + va[...])
    aB = dv[...] * (sba[...] + sbb[...] + vb[...])
    aC = dv[...] * (sca[...] + scb[...] + vc[...])
    xz = aA[:, :HD]
    xr = aA[:, HD:]
    xh = aB[:, :HD]
    hz = aB[:, HD:]
    zg = jax.nn.sigmoid(xz + hz + bz[...])
    rg = jax.nn.sigmoid(xr + aC + br[...])
    zgo[...] = zg
    xpo[...] = xh + bxhh[...]
    v4o[...] = _mm(rg * hc[...], whh[...]) * dv[...]


def _t5(s4a, s4b, v4, dv, zg, xp, hcr, hnr, wx1, wh1, oo, vao, vbo, vco):
    ht = jnp.tanh(xp[...] + dv[...] * (s4a[...] + s4b[...] + v4[...]))
    o = zg[...] * hcr[...] + (1.0 - zg[...]) * ht
    oo[...] = o
    big = jnp.concatenate([_mm(o, wx1[...]), _mm(hnr[...], wh1[...])],
                          axis=1) * dv[...]
    vao[...] = big[:, :128]
    vbo[...] = big[:, 128:256]
    vco[...] = big[:, 256:]


def _t7(s6a, s6b, v6, dv, zg, xp, h1r, o1):
    ht = jnp.tanh(xp[...] + dv[...] * (s6a[...] + s6b[...] + v6[...]))
    o1[...] = zg[...] * h1r[...] + (1.0 - zg[...]) * ht


def kernel(x, h, diff, edge_index, params):
    p = params
    h0 = h[0]
    h1 = h[1]
    src = edge_index[0].astype(jnp.int32)
    dst = edge_index[1].astype(jnp.int32)
    pad = EPAD - E
    srcp = jnp.concatenate([src, jnp.zeros((pad,), jnp.int32)]
                           ).reshape(NW, NBLK, B)
    dstp = jnp.concatenate([dst, jnp.full((pad,), N, jnp.int32)]
                           ).reshape(NW, NBLK, B)

    degp = _deg_call(dstp)

    bpx = p['b_phi_x'][None]
    benc = p['b_enc'][None]
    wms = jnp.concatenate([p['W_mean'], p['W_std']], axis=1)
    bms = jnp.concatenate([p['b_mean'], p['b_std']])[None]
    wpr = p['W_prior']
    wph, wpd = wpr[:HD], wpr[HD:HD + 1]
    bpr = p['b_prior'][None]
    bpm = p['b_pm'][None]
    bps = p['b_ps'][None]
    bpz = p['b_phi_z'][None]
    wx = [jnp.concatenate([p['W_xz%d' % i], p['W_xr%d' % i],
                           p['W_xh%d' % i]], axis=1) for i in range(2)]
    wh = [jnp.concatenate([p['W_hz%d' % i], p['W_hr%d' % i]], axis=1)
          for i in range(2)]
    bz = [(p['b_xz%d' % i] + p['b_hz%d' % i])[None] for i in range(2)]
    br = [(p['b_xr%d' % i] + p['b_hr%d' % i])[None] for i in range(2)]
    bxhh = [(p['b_xh%d' % i] + p['b_hh%d' % i])[None] for i in range(2)]

    phiX, hle = _tc(_t0, (HD, HD), x, h1, p['W_phi_x'], bpx, p['W_enc'])
    v1, dinv, pm, ps = _tc(_t1, (HD, 1, ZD, ZD), degp[0], degp[1], hle, h1,
                           diff, wph, wpd, bpr, p['W_pm'], bpm,
                           p['W_ps'], bps)
    s1, = _agg64(srcp, dstp, v1)
    v2, = _tc(_t2, (2 * HD,), s1[0], s1[1], v1, dinv, benc, wms)
    s2, = _agg128(srcp, dstp, v2)
    eps = jax.random.normal(jax.random.key(42), (N, ZD), jnp.float32)
    em, es, z, vA, vB, vC = _tc(_t3, (ZD, ZD, ZD, 128, 128, 64),
                                s2[0], s2[1], v2, dinv, bms, eps,
                                p['W_phi_z'], bpz, phiX, h0, wx[0], wh[0])
    sA, sB, sC = _agg320(srcp, dstp, vA, vB, vC)
    zg0, xp0, v4 = _tc(_t4, (HD, HD, HD), sA[0], sA[1], sB[0], sB[1],
                       sC[0], sC[1], vA, vB, vC, dinv, h0, p['W_hh0'],
                       bz[0], br[0], bxhh[0])
    s4, = _agg64(srcp, dstp, v4)
    o0, vA1, vB1, vC1 = _tc(_t5, (HD, 128, 128, 64), s4[0], s4[1], v4, dinv,
                            zg0, xp0, h0, h1, wx[1], wh[1])
    sA1, sB1, sC1 = _agg320(srcp, dstp, vA1, vB1, vC1)
    zg1, xp1, v6 = _tc(_t4, (HD, HD, HD), sA1[0], sA1[1], sB1[0], sB1[1],
                       sC1[0], sC1[1], vA1, vB1, vC1, dinv, h1, p['W_hh1'],
                       bz[1], br[1], bxhh[1])
    s6, = _agg64(srcp, dstp, v6)
    o1, = _tc(_t7, (HD,), s6[0], s6[1], v6, dinv, zg1, xp1, h1)
    h_out = jnp.stack([o0, o1])
    return (pm, ps, em, es, z, h_out)

# --- scband reference (transcript-rebuilt; emitter-appended) ---
"""Pipeline reference for scband-rust-graph-7327214207536 (READ-ONLY COPY).

The authoritative reference and input builder live on the scoring server;
editing this copy changes nothing except your own understanding.
"""

import jax, jax.numpy as jnp
import numpy as np

N = 10000
E = 320000
D_IN = 128
HD = 64
ZD = 64
L = 2

def _glorot(key, fan_in, fan_out):
    s = (6.0 / (fan_in + fan_out)) ** 0.5
    return jax.random.uniform(key, (fan_in, fan_out), jnp.float32, -s, s)

def setup_inputs(seed: int = 0):
    key = jax.random.key(seed)
    ks = iter(jax.random.split(key, 80))
    x = jax.random.normal(next(ks), (N, D_IN), jnp.float32)
    edge_index = jax.random.randint(next(ks), (2, E), 0, N)
    diff = jax.random.uniform(next(ks), (N, 1), jnp.float32)
    h = jnp.zeros((L, N, HD), jnp.float32)
    params = {}
    def add(name, fi, fo):
        params['W_' + name] = _glorot(next(ks), fi, fo)
        params['b_' + name] = jnp.zeros((fo,), jnp.float32)
    add('phi_x', D_IN, HD)
    add('enc', 2 * HD, HD)
    add('mean', HD, ZD)
    add('std', HD, ZD)
    add('prior', HD + 1, HD)
    add('pm', HD, ZD)
    add('ps', HD, ZD)
    add('phi_z', ZD, HD)
    for i in range(L):
        for nm in ['xz', 'hz', 'xr', 'hr', 'xh', 'hh']:
            fi = 2 * HD if (i == 0 and nm[0] == 'x') else HD
            add(nm + str(i), fi, HD)
    return {'x': x, 'h': h, 'diff': diff, 'edge_index': edge_index, 'params': params}

def _gcn(x, src, dst, W, b):
    # GCNConv: self-loops added to src/dst by caller, symmetric normalization
    hlin = x @ W
    deg = jnp.zeros((N,), x.dtype).at[dst].add(1.0)
    dinv = 1.0 / jnp.sqrt(jnp.maximum(deg, 1.0))
    norm = dinv[src] * dinv[dst]
    msg = hlin[src] * norm[:, None]
    out = jnp.zeros((N, W.shape[1]), x.dtype).at[dst].add(msg)
    return out + b

def _forward(x, h, diff, params, src, dst):
    phiX = jax.nn.relu(x @ params['W_phi_x'] + params['b_phi_x'])
    enc_in = jnp.concatenate([phiX, h[-1]], axis=1)
    enc_x = jax.nn.relu(_gcn(enc_in, src, dst, params['W_enc'], params['b_enc']))
    enc_mean = _gcn(enc_x, src, dst, params['W_mean'], params['b_mean'])
    enc_std = jax.nn.softplus(_gcn(enc_x, src, dst, params['W_std'], params['b_std']))
    prior_x = jax.nn.relu(jnp.concatenate([h[-1], diff], axis=1) @ params['W_prior'] + params['b_prior'])
    prior_mean = prior_x @ params['W_pm'] + params['b_pm']
    prior_std = jax.nn.softplus(prior_x @ params['W_ps'] + params['b_ps'])
    eps = jax.random.normal(jax.random.key(42), enc_std.shape, jnp.float32)
    z = eps * enc_std + enc_mean
    phiZ = jax.nn.relu(z @ params['W_phi_z'] + params['b_phi_z'])
    rnn_in = jnp.concatenate([phiX, phiZ], axis=1)
    h_list = []
    out = rnn_in
    for i in range(L):
        inp = rnn_in if i == 0 else out
        z_g = jax.nn.sigmoid(_gcn(inp, src, dst, params['W_xz' + str(i)], params['b_xz' + str(i)]) + _gcn(h[i], src, dst, params['W_hz' + str(i)], params['b_hz' + str(i)]))
        r_g = jax.nn.sigmoid(_gcn(inp, src, dst, params['W_xr' + str(i)], params['b_xr' + str(i)]) + _gcn(h[i], src, dst, params['W_hr' + str(i)], params['b_hr' + str(i)]))
        h_tilde = jnp.tanh(_gcn(inp, src, dst, params['W_xh' + str(i)], params['b_xh' + str(i)]) + _gcn(r_g * h[i], src, dst, params['W_hh' + str(i)], params['b_hh' + str(i)]))
        out = z_g * h[i] + (1.0 - z_g) * h_tilde
        h_list.append(out)
    h_out = jnp.stack(h_list)
    return (prior_mean, prior_std, enc_mean, enc_std, z, h_out)

def reference(x, h, diff, edge_index, params):
    sl = jnp.arange(N, dtype=edge_index.dtype)
    src = jnp.concatenate([edge_index[0], sl])
    dst = jnp.concatenate([edge_index[1], sl])
    return _forward(x, h, diff, params, src, dst)

if __name__ == "__main__":
    import jax
    _d = setup_inputs()
    print(jax.jit(kernel)(*tuple(_d.values())))

</pallas_src>

<mosaic_0001>
#map = affine_map<(d0, d1) -> (0, 0, 0)>
#map1 = affine_map<(d0, d1) -> (0, 0)>
module attributes {stable_mosaic.version = 14 : i64} {
  func.func @agg_k(%arg0: i32, %arg1: i32, %arg2: memref<32x79x128xi32, #tpu.memory_space<hbm>>, %arg3: memref<32x79x128xi32, #tpu.memory_space<hbm>>, %arg4: memref<10000x128xf32, #tpu.memory_space<hbm>>, %arg5: memref<2x10240x128xf32, #tpu.memory_space<hbm>>, %arg6: memref<79x128xi32, #tpu.memory_space<vmem>>, %arg7: memref<79x128xi32, #tpu.memory_space<vmem>>, %arg8: memref<128x128xf32, #tpu.memory_space<vmem>>, %arg9: memref<10240x128xf32, #tpu.memory_space<vmem_shared>>, %arg10: memref<!tpu.dma_semaphore, #tpu.memory_space<semaphore_mem>>) attributes {dimension_semantics = [#tpu.dimension_semantics<core_parallel>, #tpu.dimension_semantics<subcore_parallel>], iteration_bounds = array<i64: 2, 16>, scalar_prefetch = 0 : i64, scratch_operands = 5 : i64, tpu.core_type = #tpu.core_type<sc_vector_subcore>, window_params = [{transform_indices = #map}, {transform_indices = #map}, {transform_indices = #map1}, {transform_indices = #map}]} {
    %mul3A = arith.constant 2 : i32
    %mul3A_0 = arith.muli %arg1, %mul3A : i32
    %add3A = arith.addi %mul3A_0, %arg0 : i32
    "tpu.region"() ({
      %run_scoped3A = tpu.sem_alloc : memref<!tpu.dma_semaphore, #tpu.memory_space<semaphore_mem>>
      %dma_start3A = arith.constant 0 : i32
      %dma_start3A_39 = arith.constant 0 : i32
      %dma_start3A_40 = tpu.memref_slice %arg2[%add3A, %dma_start3A, %dma_start3A_39] : memref<32x79x128xi32, #tpu.memory_space<hbm>> -> memref<1x79x128xi32, #tpu.memory_space<hbm>>
      %dma_start3A_41 = tpu.memref_squeeze %dma_start3A_40 : memref<1x79x128xi32, #tpu.memory_space<hbm>> -> memref<79x128xi32, #tpu.memory_space<hbm>>
      %dma_start3A_42 = arith.constant 0 : i32
      %dma_start3A_43 = arith.constant 0 : i32
      %dma_start3A_44 = tpu.memref_slice %arg2[%add3A, %dma_start3A_42, %dma_start3A_43] : memref<32x79x128xi32, #tpu.memory_space<hbm>> -> memref<1x79x128xi32, #tpu.memory_space<hbm>>
      %dma_start3A_45 = tpu.memref_squeeze %dma_start3A_44 : memref<1x79x128xi32, #tpu.memory_space<hbm>> -> memref<79x128xi32, #tpu.memory_space<hbm>>
      tpu.enqueue_dma source(%dma_start3A_45 : memref<79x128xi32, #tpu.memory_space<hbm>>) target(%arg6 : memref<79x128xi32, #tpu.memory_space<vmem>>) target_semaphore(%run_scoped3A : memref<!tpu.dma_semaphore, #tpu.memory_space<semaphore_mem>>)
      %dma_wait3A = arith.constant 0 : i32
      %dma_wait3A_46 = arith.constant 0 : i32
      %dma_wait3A_47 = tpu.memref_slice %arg2[%add3A, %dma_wait3A, %dma_wait3A_46] : memref<32x79x128xi32, #tpu.memory_space<hbm>> -> memref<1x79x128xi32, #tpu.memory_space<hbm>>
      %dma_wait3A_48 = tpu.memref_squeeze %dma_wait3A_47 : memref<1x79x128xi32, #tpu.memory_space<hbm>> -> memref<79x128xi32, #tpu.memory_space<hbm>>
      %dma_wait3A_49 = arith.constant 0 : i32
      %dma_wait3A_50 = arith.constant 0 : i32
      %dma_wait3A_51 = tpu.memref_slice %arg2[%add3A, %dma_wait3A_49, %dma_wait3A_50] : memref<32x79x128xi32, #tpu.memory_space<hbm>> -> memref<1x79x128xi32, #tpu.memory_space<hbm>>
      %dma_wait3A_52 = tpu.memref_squeeze %dma_wait3A_51 : memref<1x79x128xi32, #tpu.memory_space<hbm>> -> memref<79x128xi32, #tpu.memory_space<hbm>>
      tpu.wait_dma2 semaphore(%run_scoped3A : memref<!tpu.dma_semaphore, #tpu.memory_space<semaphore_mem>>) src(%dma_wait3A_52 : memref<79x128xi32, #tpu.memory_space<hbm>>) dst(%arg6 : memref<79x128xi32, #tpu.memory_space<vmem>>)
      tpu.yield
    }) : () -> ()
    "tpu.region"() ({
      %run_scoped3A = tpu.sem_alloc : memref<!tpu.dma_semaphore, #tpu.memory_space<semaphore_mem>>
      %dma_start3A = arith.constant 0 : i32
      %dma_start3A_39 = arith.constant 0 : i32
      %dma_start3A_40 = tpu.memref_slice %arg3[%add3A, %dma_start3A, %dma_start3A_39] : memref<32x79x128xi32, #tpu.memory_space<hbm>> -> memref<1x79x128xi32, #tpu.memory_space<hbm>>
      %dma_start3A_41 = tpu.memref_squeeze %dma_start3A_40 : memref<1x79x128xi32, #tpu.memory_space<hbm>> -> memref<79x128xi32, #tpu.memory_space<hbm>>
      %dma_start3A_42 = arith.constant 0 : i32
      %dma_start3A_43 = arith.constant 0 : i32
      %dma_start3A_44 = tpu.memref_slice %arg3[%add3A, %dma_start3A_42, %dma_start3A_43] : memref<32x79x128xi32, #tpu.memory_space<hbm>> -> memref<1x79x128xi32, #tpu.memory_space<hbm>>
      %dma_start3A_45 = tpu.memref_squeeze %dma_start3A_44 : memref<1x79x128xi32, #tpu.memory_space<hbm>> -> memref<79x128xi32, #tpu.memory_space<hbm>>
      tpu.enqueue_dma source(%dma_start3A_45 : memref<79x128xi32, #tpu.memory_space<hbm>>) target(%arg7 : memref<79x128xi32, #tpu.memory_space<vmem>>) target_semaphore(%run_scoped3A : memref<!tpu.dma_semaphore, #tpu.memory_space<semaphore_mem>>)
      %dma_wait3A = arith.constant 0 : i32
      %dma_wait3A_46 = arith.constant 0 : i32
      %dma_wait3A_47 = tpu.memref_slice %arg3[%add3A, %dma_wait3A, %dma_wait3A_46] : memref<32x79x128xi32, #tpu.memory_space<hbm>> -> memref<1x79x128xi32, #tpu.memory_space<hbm>>
      %dma_wait3A_48 = tpu.memref_squeeze %dma_wait3A_47 : memref<1x79x128xi32, #tpu.memory_space<hbm>> -> memref<79x128xi32, #tpu.memory_space<hbm>>
      %dma_wait3A_49 = arith.constant 0 : i32
      %dma_wait3A_50 = arith.constant 0 : i32
      %dma_wait3A_51 = tpu.memref_slice %arg3[%add3A, %dma_wait3A_49, %dma_wait3A_50] : memref<32x79x128xi32, #tpu.memory_space<hbm>> -> memref<1x79x128xi32, #tpu.memory_space<hbm>>
      %dma_wait3A_52 = tpu.memref_squeeze %dma_wait3A_51 : memref<1x79x128xi32, #tpu.memory_space<hbm>> -> memref<79x128xi32, #tpu.memory_space<hbm>>
      tpu.wait_dma2 semaphore(%run_scoped3A : memref<!tpu.dma_semaphore, #tpu.memory_space<semaphore_mem>>) src(%dma_wait3A_52 : memref<79x128xi32, #tpu.memory_space<hbm>>) dst(%arg7 : memref<79x128xi32, #tpu.memory_space<vmem>>)
      tpu.yield
    }) : () -> ()
    %broadcast_in_dim3A = arith.constant 0.000000e+00 : f32
    %broadcast_in_dim3A_1 = vector.broadcast %broadcast_in_dim3A : f32 to vector<16xf32>
    %scan3A = arith.constant 0 : i32
    %scan3A_2 = arith.constant 0 : i32
    %scan3A_3 = arith.constant 128 : i32
    %scan3A_4 = arith.addi %scan3A_2, %scan3A_3 : i32
    %scan3A_5 = arith.constant 1 : i32
    scf.for %scan3A_39 = %scan3A_2 to %scan3A_4 step %scan3A_5  : i32 {
      %swap3A = arith.index_cast %scan3A_39 : i32 to index
      %swap3A_40 = arith.constant 0 : index
      %swap3A_41 = tpu.vector_load %arg8[%swap3A, %swap3A_40] {strides = array<i32>} : memref<128x128xf32, #tpu.memory_space<vmem>>, vector<1x16xf32>,
      %swap3A_42 = vector.shape_cast %swap3A_41 : vector<1x16xf32> to vector<16xf32>
      %swap3A_43 = vector.shape_cast %broadcast_in_dim3A_1 : vector<16xf32> to vector<1x16xf32>
      tpu.vector_store %arg8[%swap3A, %swap3A_40], %swap3A_43 {strides = array<i32>} : memref<128x128xf32, #tpu.memory_space<vmem>>, vector<1x16xf32>,
      %swap3A_44 = arith.index_cast %scan3A_39 : i32 to index
      %swap3A_45 = arith.constant 16 : index
      %swap3A_46 = tpu.vector_load %arg8[%swap3A_44, %swap3A_45] {strides = array<i32>} : memref<128x128xf32, #tpu.memory_space<vmem>>, vector<1x16xf32>,
      %swap3A_47 = vector.shape_cast %swap3A_46 : vector<1x16xf32> to vector<16xf32>
      %swap3A_48 = vector.shape_cast %broadcast_in_dim3A_1 : vector<16xf32> to vector<1x16xf32>
      tpu.vector_store %arg8[%swap3A_44, %swap3A_45], %swap3A_48 {strides = array<i32>} : memref<128x128xf32, #tpu.memory_space<vmem>>, vector<1x16xf32>,
      %swap3A_49 = arith.index_cast %scan3A_39 : i32 to index
      %swap3A_50 = arith.constant 32 : index
      %swap3A_51 = tpu.vector_load %arg8[%swap3A_49, %swap3A_50] {strides = array<i32>} : memref<128x128xf32, #tpu.memory_space<vmem>>, vector<1x16xf32>,
      %swap3A_52 = vector.shape_cast %swap3A_51 : vector<1x16xf32> to vector<16xf32>
      %swap3A_53 = vector.shape_cast %broadcast_in_dim3A_1 : vector<16xf32> to vector<1x16xf32>
      tpu.vector_store %arg8[%swap3A_49, %swap3A_50], %swap3A_53 {strides = array<i32>} : memref<128x128xf32, #tpu.memory_space<vmem>>, vector<1x16xf32>,
      %swap3A_54 = arith.index_cast %scan3A_39 : i32 to index
      %swap3A_55 = arith.constant 48 : index
      %swap3A_56 = tpu.vector_load %arg8[%swap3A_54, %swap3A_55] {strides = array<i32>} : memref<128x128xf32, #tpu.memory_space<vmem>>, vector<1x16xf32>,
      %swap3A_57 = vector.shape_cast %swap3A_56 : vector<1x16xf32> to vector<16xf32>
      %swap3A_58 = vector.shape_cast %broadcast_in_dim3A_1 : vector<16xf32> to vector<1x16xf32>
      tpu.vector_store %arg8[%swap3A_54, %swap3A_55], %swap3A_58 {strides = array<i32>} : memref<128x128xf32, #tpu.memory_space<vmem>>, vector<1x16xf32>,
      %swap3A_59 = arith.index_cast %scan3A_39 : i32 to index
      %swap3A_60 = arith.constant 64 : index
      %swap3A_61 = tpu.vector_load %arg8[%swap3A_59, %swap3A_60] {strides = array<i32>} : memref<128x128xf32, #tpu.memory_space<vmem>>, vector<1x16xf32>,
      %swap3A_62 = vector.shape_cast %swap3A_61 : vector<1x16xf32> to vector<16xf32>
      %swap3A_63 = vector.shape_cast %broadcast_in_dim3A_1 : vector<16xf32> to vector<1x16xf32>
      tpu.vector_store %arg8[%swap3A_59, %swap3A_60], %swap3A_63 {strides = array<i32>} : memref<128x128xf32, #tpu.memory_space<vmem>>, vector<1x16xf32>,
      %swap3A_64 = arith.index_cast %scan3A_39 : i32 to index
      %swap3A_65 = arith.constant 80 : index
      %swap3A_66 = tpu.vector_load %arg8[%swap3A_64, %swap3A_65] {strides = array<i32>} : memref<128x128xf32, #tpu.memory_space<vmem>>, vector<1x16xf32>,
      %swap3A_67 = vector.shape_cast %swap3A_66 : vector<1x16xf32> to vector<16xf32>
      %swap3A_68 = vector.shape_cast %broadcast_in_dim3A_1 : vector<16xf32> to vector<1x16xf32>
      tpu.vector_store %arg8[%swap3A_64, %swap3A_65], %swap3A_68 {strides = array<i32>} : memref<128x128xf32, #tpu.memory_space<vmem>>, vector<1x16xf32>,
      %swap3A_69 = arith.index_cast %scan3A_39 : i32 to index
      %swap3A_70 = arith.constant 96 : index
      %swap3A_71 = tpu.vector_load %arg8[%swap3A_69, %swap3A_70] {strides = array<i32>} : memref<128x128xf32, #tpu.memory_space<vmem>>, vector<1x16xf32>,
      %swap3A_72 = vector.shape_cast %swap3A_71 : vector<1x16xf32> to vector<16xf32>
      %swap3A_73 = vector.shape_cast %broadcast_in_dim3A_1 : vector<16xf32> to vector<1x16xf32>
      tpu.vector_store %arg8[%swap3A_69, %swap3A_70], %swap3A_73 {strides = array<i32>} : memref<128x128xf32, #tpu.memory_space<vmem>>, vector<1x16xf32>,
      %swap3A_74 = arith.index_cast %scan3A_39 : i32 to index
      %swap3A_75 = arith.constant 112 : index
      %swap3A_76 = tpu.vector_load %arg8[%swap3A_74, %swap3A_75] {strides = array<i32>} : memref<128x128xf32, #tpu.memory_space<vmem>>, vector<1x16xf32>,
      %swap3A_77 = vector.shape_cast %swap3A_76 : vector<1x16xf32> to vector<16xf32>
      %swap3A_78 = vector.shape_cast %broadcast_in_dim3A_1 : vector<16xf32> to vector<1x16xf32>
      tpu.vector_store %arg8[%swap3A_74, %swap3A_75], %swap3A_78 {strides = array<i32>} : memref<128x128xf32, #tpu.memory_space<vmem>>, vector<1x16xf32>,
    }
    %scan3A_6 = arith.constant 128 : i32
    %mul3A_7 = arith.constant 640 : i32
    %mul3A_8 = arith.muli %arg1, %mul3A_7 : i32
    %add3A_9 = arith.constant 0 : i32
    %add3A_10 = arith.addi %mul3A_8, %add3A_9 : i32
    "tpu.region"() ({
      %run_scoped3A = tpu.sem_alloc : memref<!tpu.dma_semaphore, #tpu.memory_space<semaphore_mem>>
      %dma_start3A = arith.constant 0 : i32
      %dma_start3A_39 = tpu.memref_slice %arg9[%add3A_10, %dma_start3A] : memref<10240x128xf32, #tpu.memory_space<vmem_shared>> -> memref<128x128xf32, #tpu.memory_space<vmem_shared>>
      %dma_start3A_40 = arith.constant 0 : i32
      %dma_start3A_41 = tpu.memref_slice %arg9[%add3A_10, %dma_start3A_40] : memref<10240x128xf32, #tpu.memory_space<vmem_shared>> -> memref<128x128xf32, #tpu.memory_space<vmem_shared>>
      tpu.enqueue_dma source(%arg8 : memref<128x128xf32, #tpu.memory_space<vmem>>) target(%dma_start3A_41 : memref<128x128xf32, #tpu.memory_space<vmem_shared>>) target_semaphore(%run_scoped3A : memref<!tpu.dma_semaphore, #tpu.memory_space<semaphore_mem>>)
      %dma_wait3A = arith.constant 0 : i32
      %dma_wait3A_42 = tpu.memref_slice %arg9[%add3A_10, %dma_wait3A] : memref<10240x128xf32, #tpu.memory_space<vmem_shared>> -> memref<128x128xf32, #tpu.memory_space<vmem_shared>>
      %dma_wait3A_43 = arith.constant 0 : i32
      %dma_wait3A_44 = tpu.memref_slice %arg9[%add3A_10, %dma_wait3A_43] : memref<10240x128xf32, #tpu.memory_space<vmem_shared>> -> memref<128x128xf32, #tpu.memory_space<vmem_shared>>
      tpu.wait_dma2 semaphore(%run_scoped3A : memref<!tpu.dma_semaphore, #tpu.memory_space<semaphore_mem>>) src(%arg8 : memref<128x128xf32, #tpu.memory_space<vmem>>) dst(%dma_wait3A_44 : memref<128x128xf32, #tpu.memory_space<vmem_shared>>)
      tpu.yield
    }) : () -> ()
    %mul3A_11 = arith.constant 640 : i32
    %mul3A_12 = arith.muli %arg1, %mul3A_11 : i32
    %add3A_13 = arith.constant 128 : i32
    %add3A_14 = arith.addi %mul3A_12, %add3A_13 : i32
    "tpu.region"() ({
      %run_scoped3A = tpu.sem_alloc : memref<!tpu.dma_semaphore, #tpu.memory_space<semaphore_mem>>
      %dma_start3A = arith.constant 0 : i32
      %dma_start3A_39 = tpu.memref_slice %arg9[%add3A_14, %dma_start3A] : memref<10240x128xf32, #tpu.memory_space<vmem_shared>> -> memref<128x128xf32, #tpu.memory_space<vmem_shared>>
      %dma_start3A_40 = arith.constant 0 : i32
      %dma_start3A_41 = tpu.memref_slice %arg9[%add3A_14, %dma_start3A_40] : memref<10240x128xf32, #tpu.memory_space<vmem_shared>> -> memref<128x128xf32, #tpu.memory_space<vmem_shared>>
      tpu.enqueue_dma source(%arg8 : memref<128x128xf32, #tpu.memory_space<vmem>>) target(%dma_start3A_41 : memref<128x128xf32, #tpu.memory_space<vmem_shared>>) target_semaphore(%run_scoped3A : memref<!tpu.dma_semaphore, #tpu.memory_space<semaphore_mem>>)
      %dma_wait3A = arith.constant 0 : i32
      %dma_wait3A_42 = tpu.memref_slice %arg9[%add3A_14, %dma_wait3A] : memref<10240x128xf32, #tpu.memory_space<vmem_shared>> -> memref<128x128xf32, #tpu.memory_space<vmem_shared>>
      %dma_wait3A_43 = arith.constant 0 : i32
      %dma_wait3A_44 = tpu.memref_slice %arg9[%add3A_14, %dma_wait3A_43] : memref<10240x128xf32, #tpu.memory_space<vmem_shared>> -> memref<128x128xf32, #tpu.memory_space<vmem_shared>>
      tpu.wait_dma2 semaphore(%run_scoped3A : memref<!tpu.dma_semaphore, #tpu.memory_space<semaphore_mem>>) src(%arg8 : memref<128x128xf32, #tpu.memory_space<vmem>>) dst(%dma_wait3A_44 : memref<128x128xf32, #tpu.memory_space<vmem_shared>>)
      tpu.yield
    }) : () -> ()
    %mul3A_15 = arith.constant 640 : i32
    %mul3A_16 = arith.muli %arg1, %mul3A_15 : i32
    %add3A_17 = arith.constant 256 : i32
    %add3A_18 = arith.addi %mul3A_16, %add3A_17 : i32
    "tpu.region"() ({
      %run_scoped3A = tpu.sem_alloc : memref<!tpu.dma_semaphore, #tpu.memory_space<semaphore_mem>>
      %dma_start3A = arith.constant 0 : i32
      %dma_start3A_39 = tpu.memref_slice %arg9[%add3A_18, %dma_start3A] : memref<10240x128xf32, #tpu.memory_space<vmem_shared>> -> memref<128x128xf32, #tpu.memory_space<vmem_shared>>
      %dma_start3A_40 = arith.constant 0 : i32
      %dma_start3A_41 = tpu.memref_slice %arg9[%add3A_18, %dma_start3A_40] : memref<10240x128xf32, #tpu.memory_space<vmem_shared>> -> memref<128x128xf32, #tpu.memory_space<vmem_shared>>
      tpu.enqueue_dma source(%arg8 : memref<128x128xf32, #tpu.memory_space<vmem>>) target(%dma_start3A_41 : memref<128x128xf32, #tpu.memory_space<vmem_shared>>) target_semaphore(%run_scoped3A : memref<!tpu.dma_semaphore, #tpu.memory_space<semaphore_mem>>)
      %dma_wait3A = arith.constant 0 : i32
      %dma_wait3A_42 = tpu.memref_slice %arg9[%add3A_18, %dma_wait3A] : memref<10240x128xf32, #tpu.memory_space<vmem_shared>> -> memref<128x128xf32, #tpu.memory_space<vmem_shared>>
      %dma_wait3A_43 = arith.constant 0 : i32
      %dma_wait3A_44 = tpu.memref_slice %arg9[%add3A_18, %dma_wait3A_43] : memref<10240x128xf32, #tpu.memory_space<vmem_shared>> -> memref<128x128xf32, #tpu.memory_space<vmem_shared>>
      tpu.wait_dma2 semaphore(%run_scoped3A : memref<!tpu.dma_semaphore, #tpu.memory_space<semaphore_mem>>) src(%arg8 : memref<128x128xf32, #tpu.memory_space<vmem>>) dst(%dma_wait3A_44 : memref<128x128xf32, #tpu.memory_space<vmem_shared>>)
      tpu.yield
    }) : () -> ()
    %mul3A_19 = arith.constant 640 : i32
    %mul3A_20 = arith.muli %arg1, %mul3A_19 : i32
    %add3A_21 = arith.constant 384 : i32
    %add3A_22 = arith.addi %mul3A_20, %add3A_21 : i32
    "tpu.region"() ({
      %run_scoped3A = tpu.sem_alloc : memref<!tpu.dma_semaphore, #tpu.memory_space<semaphore_mem>>
      %dma_start3A = arith.constant 0 : i32
      %dma_start3A_39 = tpu.memref_slice %arg9[%add3A_22, %dma_start3A] : memref<10240x128xf32, #tpu.memory_space<vmem_shared>> -> memref<128x128xf32, #tpu.memory_space<vmem_shared>>
      %dma_start3A_40 = arith.constant 0 : i32
      %dma_start3A_41 = tpu.memref_slice %arg9[%add3A_22, %dma_start3A_40] : memref<10240x128xf32, #tpu.memory_space<vmem_shared>> -> memref<128x128xf32, #tpu.memory_space<vmem_shared>>
      tpu.enqueue_dma source(%arg8 : memref<128x128xf32, #tpu.memory_space<vmem>>) target(%dma_start3A_41 : memref<128x128xf32, #tpu.memory_space<vmem_shared>>) target_semaphore(%run_scoped3A : memref<!tpu.dma_semaphore, #tpu.memory_space<semaphore_mem>>)
      %dma_wait3A = arith.constant 0 : i32
      %dma_wait3A_42 = tpu.memref_slice %arg9[%add3A_22, %dma_wait3A] : memref<10240x128xf32, #tpu.memory_space<vmem_shared>> -> memref<128x128xf32, #tpu.memory_space<vmem_shared>>
      %dma_wait3A_43 = arith.constant 0 : i32
      %dma_wait3A_44 = tpu.memref_slice %arg9[%add3A_22, %dma_wait3A_43] : memref<10240x128xf32, #tpu.memory_space<vmem_shared>> -> memref<128x128xf32, #tpu.memory_space<vmem_shared>>
      tpu.wait_dma2 semaphore(%run_scoped3A : memref<!tpu.dma_semaphore, #tpu.memory_space<semaphore_mem>>) src(%arg8 : memref<128x128xf32, #tpu.memory_space<vmem>>) dst(%dma_wait3A_44 : memref<128x128xf32, #tpu.memory_space<vmem_shared>>)
      tpu.yield
    }) : () -> ()
    %mul3A_23 = arith.constant 640 : i32
    %mul3A_24 = arith.muli %arg1, %mul3A_23 : i32
    %add3A_25 = arith.constant 512 : i32
    %add3A_26 = arith.addi %mul3A_24, %add3A_25 : i32
    "tpu.region"() ({
      %run_scoped3A = tpu.sem_alloc : memref<!tpu.dma_semaphore, #tpu.memory_space<semaphore_mem>>
      %dma_start3A = arith.constant 0 : i32
      %dma_start3A_39 = tpu.memref_slice %arg9[%add3A_26, %dma_start3A] : memref<10240x128xf32, #tpu.memory_space<vmem_shared>> -> memref<128x128xf32, #tpu.memory_space<vmem_shared>>
      %dma_start3A_40 = arith.constant 0 : i32
      %dma_start3A_41 = tpu.memref_slice %arg9[%add3A_26, %dma_start3A_40] : memref<10240x128xf32, #tpu.memory_space<vmem_shared>> -> memref<128x128xf32, #tpu.memory_space<vmem_shared>>
      tpu.enqueue_dma source(%arg8 : memref<128x128xf32, #tpu.memory_space<vmem>>) target(%dma_start3A_41 : memref<128x128xf32, #tpu.memory_space<vmem_shared>>) target_semaphore(%run_scoped3A : memref<!tpu.dma_semaphore, #tpu.memory_space<semaphore_mem>>)
      %dma_wait3A = arith.constant 0 : i32
      %dma_wait3A_42 = tpu.memref_slice %arg9[%add3A_26, %dma_wait3A] : memref<10240x128xf32, #tpu.memory_space<vmem_shared>> -> memref<128x128xf32, #tpu.memory_space<vmem_shared>>
      %dma_wait3A_43 = arith.constant 0 : i32
      %dma_wait3A_44 = tpu.memref_slice %arg9[%add3A_26, %dma_wait3A_43] : memref<10240x128xf32, #tpu.memory_space<vmem_shared>> -> memref<128x128xf32, #tpu.memory_space<vmem_shared>>
      tpu.wait_dma2 semaphore(%run_scoped3A : memref<!tpu.dma_semaphore, #tpu.memory_space<semaphore_mem>>) src(%arg8 : memref<128x128xf32, #tpu.memory_space<vmem>>) dst(%dma_wait3A_44 : memref<128x128xf32, #tpu.memory_space<vmem_shared>>)
      tpu.yield
    }) : () -> ()
    %barrier3A = arith.constant 0 : index
    tpu.barrier barrier_id(%barrier3A)
    %scan3A_27 = arith.constant 0 : i32
    %scan3A_28 = arith.constant 0 : i32
    %scan3A_29 = arith.constant 79 : i32
    %scan3A_30 = arith.addi %scan3A_28, %scan3A_29 : i32
    %scan3A_31 = arith.constant 1 : i32
    scf.for %scan3A_39 = %scan3A_28 to %scan3A_30 step %scan3A_31  : i32 {
      %dma_start3A = arith.constant 0 : i32
      %dma_start3A_40 = tpu.memref_slice %arg6[%scan3A_39, %dma_start3A] : memref<79x128xi32, #tpu.memory_space<vmem>> -> memref<1x128xi32, #tpu.memory_space<vmem>>
      %dma_start3A_41 = tpu.memref_squeeze %dma_start3A_40 : memref<1x128xi32, #tpu.memory_space<vmem>> -> memref<128xi32, #tpu.memory_space<vmem>>
      %dma_start3A_42 = arith.constant 0 : i32
      %dma_start3A_43 = arith.constant 0 : i32
      %dma_start3A_44 = tpu.memref_slice %arg4[%dma_start3A_42, %dma_start3A_43] : memref<10000x128xf32, #tpu.memory_space<hbm>> -> memref<10000x128xf32, #tpu.memory_space<hbm>>
      tpu.enqueue_indirect_dma source(%dma_start3A_44 : memref<10000x128xf32, #tpu.memory_space<hbm>>) target(%arg8 : memref<128x128xf32, #tpu.memory_space<vmem>>) offsets(%dma_start3A_41 : memref<128xi32, #tpu.memory_space<vmem>>) semaphore(%arg10 : memref<!tpu.dma_semaphore, #tpu.memory_space<semaphore_mem>>)
      %dma_wait3A = arith.constant 0 : i32
      %dma_wait3A_45 = tpu.memref_slice %arg6[%scan3A_39, %dma_wait3A] : memref<79x128xi32, #tpu.memory_space<vmem>> -> memref<1x128xi32, #tpu.memory_space<vmem>>
      %dma_wait3A_46 = tpu.memref_squeeze %dma_wait3A_45 : memref<1x128xi32, #tpu.memory_space<vmem>> -> memref<128xi32, #tpu.memory_space<vmem>>
      %dma_wait3A_47 = arith.constant 0 : i32
      %dma_wait3A_48 = arith.constant 0 : i32
      %dma_wait3A_49 = tpu.memref_slice %arg4[%dma_wait3A_47, %dma_wait3A_48] : memref<10000x128xf32, #tpu.memory_space<hbm>> -> memref<10000x128xf32, #tpu.memory_space<hbm>>
      tpu.wait_indirect_dma semaphore(%arg10 : memref<!tpu.dma_semaphore, #tpu.memory_space<semaphore_mem>>) src(%dma_wait3A_49 : memref<10000x128xf32, #tpu.memory_space<hbm>>) dst(%arg8 : memref<128x128xf32, #tpu.memory_space<vmem>>)
      "tpu.region"() ({
        %run_scoped3A = tpu.sem_alloc : memref<!tpu.dma_semaphore, #tpu.memory_space<semaphore_mem>>
        %dma_start3A_50 = arith.constant 0 : i32
        %dma_start3A_51 = tpu.memref_slice %arg7[%scan3A_39, %dma_start3A_50] : memref<79x128xi32, #tpu.memory_space<vmem>> -> memref<1x128xi32, #tpu.memory_space<vmem>>
        %dma_start3A_52 = tpu.memref_squeeze %dma_start3A_51 : memref<1x128xi32, #tpu.memory_space<vmem>> -> memref<128xi32, #tpu.memory_space<vmem>>
        %dma_start3A_53 = arith.constant 0 : i32
        %dma_start3A_54 = arith.constant 0 : i32
        %dma_start3A_55 = tpu.memref_slice %arg9[%dma_start3A_53, %dma_start3A_54] : memref<10240x128xf32, #tpu.memory_space<vmem_shared>> -> memref<10240x128xf32, #tpu.memory_space<vmem_shared>>
        tpu.enqueue_indirect_dma source(%arg8 : memref<128x128xf32, #tpu.memory_space<vmem>>) target(%dma_start3A_55 : memref<10240x128xf32, #tpu.memory_space<vmem_shared>>) offsets(%dma_start3A_52 : memref<128xi32, #tpu.memory_space<vmem>>) semaphore(%run_scoped3A : memref<!tpu.dma_semaphore, #tpu.memory_space<semaphore_mem>>) {add = true}
        %dma_wait3A_56 = arith.constant 0 : i32
        %dma_wait3A_57 = tpu.memref_slice %arg7[%scan3A_39, %dma_wait3A_56] : memref<79x128xi32, #tpu.memory_space<vmem>> -> memref<1x128xi32, #tpu.memory_space<vmem>>
        %dma_wait3A_58 = tpu.memref_squeeze %dma_wait3A_57 : memref<1x128xi32, #tpu.memory_space<vmem>> -> memref<128xi32, #tpu.memory_space<vmem>>
        %dma_wait3A_59 = arith.constant 0 : i32
        %dma_wait3A_60 = arith.constant 0 : i32
        %dma_wait3A_61 = tpu.memref_slice %arg9[%dma_wait3A_59, %dma_wait3A_60] : memref<10240x128xf32, #tpu.memory_space<vmem_shared>> -> memref<10240x128xf32, #tpu.memory_space<vmem_shared>>
        tpu.wait_indirect_dma semaphore(%run_scoped3A : memref<!tpu.dma_semaphore, #tpu.memory_space<semaphore_mem>>) src(%arg8 : memref<128x128xf32, #tpu.memory_space<vmem>>) dst(%dma_wait3A_61 : memref<10240x128xf32, #tpu.memory_space<vmem_shared>>)
        tpu.yield
      }) : () -> ()
    }
    %scan3A_32 = arith.constant 79 : i32
    %barrier3A_33 = arith.constant 0 : index
    tpu.barrier barrier_id(%barrier3A_33)
    %mul3A_34 = arith.constant 640 : i32
    %mul3A_35 = arith.muli %arg1, %mul3A_34 : i32
    %mul3A_36 = arith.constant 640 : i32
    %mul3A_37 = arith.muli %arg1, %mul3A_36 : i32
    "tpu.region"() ({
      %run_scoped3A = tpu.sem_alloc : memref<!tpu.dma_semaphore, #tpu.memory_space<semaphore_mem>>
      %dma_start3A = arith.constant 0 : i32
      %dma_start3A_39 = tpu.memref_slice %arg5[%arg0, %mul3A_37, %dma_start3A] : memref<2x10240x128xf32, #tpu.memory_space<hbm>> -> memref<1x640x128xf32, #tpu.memory_space<hbm>>
      %dma_start3A_40 = tpu.memref_squeeze %dma_start3A_39 : memref<1x640x128xf32, #tpu.memory_space<hbm>> -> memref<640x128xf32, #tpu.memory_space<hbm>>
      %dma_start3A_41 = arith.constant 0 : i32
      %dma_start3A_42 = tpu.memref_slice %arg9[%mul3A_35, %dma_start3A_41] : memref<10240x128xf32, #tpu.memory_space<vmem_shared>> -> memref<640x128xf32, #tpu.memory_space<vmem_shared>>
      tpu.enqueue_dma source(%dma_start3A_42 : memref<640x128xf32, #tpu.memory_space<vmem_shared>>) target(%dma_start3A_40 : memref<640x128xf32, #tpu.memory_space<hbm>>) target_semaphore(%run_scoped3A : memref<!tpu.dma_semaphore, #tpu.memory_space<semaphore_mem>>)
      %dma_wait3A = arith.constant 0 : i32
      %dma_wait3A_43 = tpu.memref_slice %arg5[%arg0, %mul3A_37, %dma_wait3A] : memref<2x10240x128xf32, #tpu.memory_space<hbm>> -> memref<1x640x128xf32, #tpu.memory_space<hbm>>
      %dma_wait3A_44 = tpu.memref_squeeze %dma_wait3A_43 : memref<1x640x128xf32, #tpu.memory_space<hbm>> -> memref<640x128xf32, #tpu.memory_space<hbm>>
      %dma_wait3A_45 = arith.constant 0 : i32
      %dma_wait3A_46 = tpu.memref_slice %arg9[%mul3A_35, %dma_wait3A_45] : memref<10240x128xf32, #tpu.memory_space<vmem_shared>> -> memref<640x128xf32, #tpu.memory_space<vmem_shared>>
      tpu.wait_dma2 semaphore(%run_scoped3A : memref<!tpu.dma_semaphore, #tpu.memory_space<semaphore_mem>>) src(%dma_wait3A_46 : memref<640x128xf32, #tpu.memory_space<vmem_shared>>) dst(%dma_wait3A_44 : memref<640x128xf32, #tpu.memory_space<hbm>>)
      tpu.yield
    }) : () -> ()
    %barrier3A_38 = arith.constant 0 : index
    tpu.barrier barrier_id(%barrier3A_38)
    return
  }
}

#map = affine_map<(d0, d1) -> (0, 0, 0)>
module attributes {stable_mosaic.version = 14 : i64} {
  func.func @deg_k(%arg0: i32, %arg1: i32, %arg2: memref<32x79x128xi32, #tpu.memory_space<hbm>>, %arg3: memref<2x10240x16xf32, #tpu.memory_space<hbm>>, %arg4: memref<79x128xi32, #tpu.memory_space<vmem>>, %arg5: memref<128x16xf32, #tpu.memory_space<vmem>>, %arg6: memref<10240x16xf32, #tpu.memory_space<vmem_shared>>) attributes {dimension_semantics = [#tpu.dimension_semantics<core_parallel>, #tpu.dimension_semantics<subcore_parallel>], iteration_bounds = array<i64: 2, 16>, scalar_prefetch = 0 : i64, scratch_operands = 3 : i64, tpu.core_type = #tpu.core_type<sc_vector_subcore>, window_params = [{transform_indices = #map}, {transform_indices = #map}]} {
    %mul3A = arith.constant 2 : i32
    %mul3A_0 = arith.muli %arg1, %mul3A : i32
    %add3A = arith.addi %mul3A_0, %arg0 : i32
    "tpu.region"() ({
      %run_scoped3A = tpu.sem_alloc : memref<!tpu.dma_semaphore, #tpu.memory_space<semaphore_mem>>
      %dma_start3A = arith.constant 0 : i32
      %dma_start3A_46 = arith.constant 0 : i32
      %dma_start3A_47 = tpu.memref_slice %arg2[%add3A, %dma_start3A, %dma_start3A_46] : memref<32x79x128xi32, #tpu.memory_space<hbm>> -> memref<1x79x128xi32, #tpu.memory_space<hbm>>
      %dma_start3A_48 = tpu.memref_squeeze %dma_start3A_47 : memref<1x79x128xi32, #tpu.memory_space<hbm>> -> memref<79x128xi32, #tpu.memory_space<hbm>>
      %dma_start3A_49 = arith.constant 0 : i32
      %dma_start3A_50 = arith.constant 0 : i32
      %dma_start3A_51 = tpu.memref_slice %arg2[%add3A, %dma_start3A_49, %dma_start3A_50] : memref<32x79x128xi32, #tpu.memory_space<hbm>> -> memref<1x79x128xi32, #tpu.memory_space<hbm>>
      %dma_start3A_52 = tpu.memref_squeeze %dma_start3A_51 : memref<1x79x128xi32, #tpu.memory_space<hbm>> -> memref<79x128xi32, #tpu.memory_space<hbm>>
      tpu.enqueue_dma source(%dma_start3A_52 : memref<79x128xi32, #tpu.memory_space<hbm>>) target(%arg4 : memref<79x128xi32, #tpu.memory_space<vmem>>) target_semaphore(%run_scoped3A : memref<!tpu.dma_semaphore, #tpu.memory_space<semaphore_mem>>)
      %dma_wait3A = arith.constant 0 : i32
      %dma_wait3A_53 = arith.constant 0 : i32
      %dma_wait3A_54 = tpu.memref_slice %arg2[%add3A, %dma_wait3A, %dma_wait3A_53] : memref<32x79x128xi32, #tpu.memory_space<hbm>> -> memref<1x79x128xi32, #tpu.memory_space<hbm>>
      %dma_wait3A_55 = tpu.memref_squeeze %dma_wait3A_54 : memref<1x79x128xi32, #tpu.memory_space<hbm>> -> memref<79x128xi32, #tpu.memory_space<hbm>>
      %dma_wait3A_56 = arith.constant 0 : i32
      %dma_wait3A_57 = arith.constant 0 : i32
      %dma_wait3A_58 = tpu.memref_slice %arg2[%add3A, %dma_wait3A_56, %dma_wait3A_57] : memref<32x79x128xi32, #tpu.memory_space<hbm>> -> memref<1x79x128xi32, #tpu.memory_space<hbm>>
      %dma_wait3A_59 = tpu.memref_squeeze %dma_wait3A_58 : memref<1x79x128xi32, #tpu.memory_space<hbm>> -> memref<79x128xi32, #tpu.memory_space<hbm>>
      tpu.wait_dma2 semaphore(%run_scoped3A : memref<!tpu.dma_semaphore, #tpu.memory_space<semaphore_mem>>) src(%dma_wait3A_59 : memref<79x128xi32, #tpu.memory_space<hbm>>) dst(%arg4 : memref<79x128xi32, #tpu.memory_space<vmem>>)
      tpu.yield
    }) : () -> ()
    %broadcast_in_dim3A = arith.constant 1.000000e+00 : f32
    %broadcast_in_dim3A_1 = vector.broadcast %broadcast_in_dim3A : f32 to vector<16xf32>
    %broadcast_in_dim3A_2 = arith.constant 0.000000e+00 : f32
    %broadcast_in_dim3A_3 = vector.broadcast %broadcast_in_dim3A_2 : f32 to vector<16xf32>
    %scan3A = arith.constant 0 : i32
    %scan3A_4 = arith.constant 0 : i32
    %scan3A_5 = arith.constant 128 : i32
    %scan3A_6 = arith.addi %scan3A_4, %scan3A_5 : i32
    %scan3A_7 = arith.constant 1 : i32
    scf.for %scan3A_46 = %scan3A_4 to %scan3A_6 step %scan3A_7  : i32 {
      %swap3A = arith.index_cast %scan3A_46 : i32 to index
      %swap3A_47 = arith.constant 0 : index
      %swap3A_48 = tpu.vector_load %arg5[%swap3A, %swap3A_47] {strides = array<i32>} : memref<128x16xf32, #tpu.memory_space<vmem>>, vector<1x16xf32>,
      %swap3A_49 = vector.shape_cast %swap3A_48 : vector<1x16xf32> to vector<16xf32>
      %swap3A_50 = vector.shape_cast %broadcast_in_dim3A_3 : vector<16xf32> to vector<1x16xf32>
      tpu.vector_store %arg5[%swap3A, %swap3A_47], %swap3A_50 {strides = array<i32>} : memref<128x16xf32, #tpu.memory_space<vmem>>, vector<1x16xf32>,
    }
    %scan3A_8 = arith.constant 128 : i32
    %mul3A_9 = arith.constant 640 : i32
    %mul3A_10 = arith.muli %arg1, %mul3A_9 : i32
    %add3A_11 = arith.constant 0 : i32
    %add3A_12 = arith.addi %mul3A_10, %add3A_11 : i32
    "tpu.region"() ({
      %run_scoped3A = tpu.sem_alloc : memref<!tpu.dma_semaphore, #tpu.memory_space<semaphore_mem>>
      %dma_start3A = arith.constant 0 : i32
      %dma_start3A_46 = tpu.memref_slice %arg6[%add3A_12, %dma_start3A] : memref<10240x16xf32, #tpu.memory_space<vmem_shared>> -> memref<128x16xf32, #tpu.memory_space<vmem_shared>>
      %dma_start3A_47 = arith.constant 0 : i32
      %dma_start3A_48 = tpu.memref_slice %arg6[%add3A_12, %dma_start3A_47] : memref<10240x16xf32, #tpu.memory_space<vmem_shared>> -> memref<128x16xf32, #tpu.memory_space<vmem_shared>>
      tpu.enqueue_dma source(%arg5 : memref<128x16xf32, #tpu.memory_space<vmem>>) target(%dma_start3A_48 : memref<128x16xf32, #tpu.memory_space<vmem_shared>>) target_semaphore(%run_scoped3A : memref<!tpu.dma_semaphore, #tpu.memory_space<semaphore_mem>>)
      %dma_wait3A = arith.constant 0 : i32
      %dma_wait3A_49 = tpu.memref_slice %arg6[%add3A_12, %dma_wait3A] : memref<10240x16xf32, #tpu.memory_space<vmem_shared>> -> memref<128x16xf32, #tpu.memory_space<vmem_shared>>
      %dma_wait3A_50 = arith.constant 0 : i32
      %dma_wait3A_51 = tpu.memref_slice %arg6[%add3A_12, %dma_wait3A_50] : memref<10240x16xf32, #tpu.memory_space<vmem_shared>> -> memref<128x16xf32, #tpu.memory_space<vmem_shared>>
      tpu.wait_dma2 semaphore(%run_scoped3A : memref<!tpu.dma_semaphore, #tpu.memory_space<semaphore_mem>>) src(%arg5 : memref<128x16xf32, #tpu.memory_space<vmem>>) dst(%dma_wait3A_51 : memref<128x16xf32, #tpu.memory_space<vmem_shared>>)
      tpu.yield
    }) : () -> ()
    %mul3A_13 = arith.constant 640 : i32
    %mul3A_14 = arith.muli %arg1, %mul3A_13 : i32
    %add3A_15 = arith.constant 128 : i32
    %add3A_16 = arith.addi %mul3A_14, %add3A_15 : i32
    "tpu.region"() ({
      %run_scoped3A = tpu.sem_alloc : memref<!tpu.dma_semaphore, #tpu.memory_space<semaphore_mem>>
      %dma_start3A = arith.constant 0 : i32
      %dma_start3A_46 = tpu.memref_slice %arg6[%add3A_16, %dma_start3A] : memref<10240x16xf32, #tpu.memory_space<vmem_shared>> -> memref<128x16xf32, #tpu.memory_space<vmem_shared>>
      %dma_start3A_47 = arith.constant 0 : i32
      %dma_start3A_48 = tpu.memref_slice %arg6[%add3A_16, %dma_start3A_47] : memref<10240x16xf32, #tpu.memory_space<vmem_shared>> -> memref<128x16xf32, #tpu.memory_space<vmem_shared>>
      tpu.enqueue_dma source(%arg5 : memref<128x16xf32, #tpu.memory_space<vmem>>) target(%dma_start3A_48 : memref<128x16xf32, #tpu.memory_space<vmem_shared>>) target_semaphore(%run_scoped3A : memref<!tpu.dma_semaphore, #tpu.memory_space<semaphore_mem>>)
      %dma_wait3A = arith.constant 0 : i32
      %dma_wait3A_49 = tpu.memref_slice %arg6[%add3A_16, %dma_wait3A] : memref<10240x16xf32, #tpu.memory_space<vmem_shared>> -> memref<128x16xf32, #tpu.memory_space<vmem_shared>>
      %dma_wait3A_50 = arith.constant 0 : i32
      %dma_wait3A_51 = tpu.memref_slice %arg6[%add3A_16, %dma_wait3A_50] : memref<10240x16xf32, #tpu.memory_space<vmem_shared>> -> memref<128x16xf32, #tpu.memory_space<vmem_shared>>
      tpu.wait_dma2 semaphore(%run_scoped3A : memref<!tpu.dma_semaphore, #tpu.memory_space<semaphore_mem>>) src(%arg5 : memref<128x16xf32, #tpu.memory_space<vmem>>) dst(%dma_wait3A_51 : memref<128x16xf32, #tpu.memory_space<vmem_shared>>)
      tpu.yield
    }) : () -> ()
    %mul3A_17 = arith.constant 640 : i32
    %mul3A_18 = arith.muli %arg1, %mul3A_17 : i32
    %add3A_19 = arith.constant 256 : i32
    %add3A_20 = arith.addi %mul3A_18, %add3A_19 : i32
    "tpu.region"() ({
      %run_scoped3A = tpu.sem_alloc : memref<!tpu.dma_semaphore, #tpu.memory_space<semaphore_mem>>
      %dma_start3A = arith.constant 0 : i32
      %dma_start3A_46 = tpu.memref_slice %arg6[%add3A_20, %dma_start3A] : memref<10240x16xf32, #tpu.memory_space<vmem_shared>> -> memref<128x16xf32, #tpu.memory_space<vmem_shared>>
      %dma_start3A_47 = arith.constant 0 : i32
      %dma_start3A_48 = tpu.memref_slice %arg6[%add3A_20, %dma_start3A_47] : memref<10240x16xf32, #tpu.memory_space<vmem_shared>> -> memref<128x16xf32, #tpu.memory_space<vmem_shared>>
      tpu.enqueue_dma source(%arg5 : memref<128x16xf32, #tpu.memory_space<vmem>>) target(%dma_start3A_48 : memref<128x16xf32, #tpu.memory_space<vmem_shared>>) target_semaphore(%run_scoped3A : memref<!tpu.dma_semaphore, #tpu.memory_space<semaphore_mem>>)
      %dma_wait3A = arith.constant 0 : i32
      %dma_wait3A_49 = tpu.memref_slice %arg6[%add3A_20, %dma_wait3A] : memref<10240x16xf32, #tpu.memory_space<vmem_shared>> -> memref<128x16xf32, #tpu.memory_space<vmem_shared>>
      %dma_wait3A_50 = arith.constant 0 : i32
      %dma_wait3A_51 = tpu.memref_slice %arg6[%add3A_20, %dma_wait3A_50] : memref<10240x16xf32, #tpu.memory_space<vmem_shared>> -> memref<128x16xf32, #tpu.memory_space<vmem_shared>>
      tpu.wait_dma2 semaphore(%run_scoped3A : memref<!tpu.dma_semaphore, #tpu.memory_space<semaphore_mem>>) src(%arg5 : memref<128x16xf32, #tpu.memory_space<vmem>>) dst(%dma_wait3A_51 : memref<128x16xf32, #tpu.memory_space<vmem_shared>>)
      tpu.yield
    }) : () -> ()
    %mul3A_21 = arith.constant 640 : i32
    %mul3A_22 = arith.muli %arg1, %mul3A_21 : i32
    %add3A_23 = arith.constant 384 : i32
    %add3A_24 = arith.addi %mul3A_22, %add3A_23 : i32
    "tpu.region"() ({
      %run_scoped3A = tpu.sem_alloc : memref<!tpu.dma_semaphore, #tpu.memory_space<semaphore_mem>>
      %dma_start3A = arith.constant 0 : i32
      %dma_start3A_46 = tpu.memref_slice %arg6[%add3A_24, %dma_start3A] : memref<10240x16xf32, #tpu.memory_space<vmem_shared>> -> memref<128x16xf32, #tpu.memory_space<vmem_shared>>
      %dma_start3A_47 = arith.constant 0 : i32
      %dma_start3A_48 = tpu.memref_slice %arg6[%add3A_24, %dma_start3A_47] : memref<10240x16xf32, #tpu.memory_space<vmem_shared>> -> memref<128x16xf32, #tpu.memory_space<vmem_shared>>
      tpu.enqueue_dma source(%arg5 : memref<128x16xf32, #tpu.memory_space<vmem>>) target(%dma_start3A_48 : memref<128x16xf32, #tpu.memory_space<vmem_shared>>) target_semaphore(%run_scoped3A : memref<!tpu.dma_semaphore, #tpu.memory_space<semaphore_mem>>)
      %dma_wait3A = arith.constant 0 : i32
      %dma_wait3A_49 = tpu.memref_slice %arg6[%add3A_24, %dma_wait3A] : memref<10240x16xf32, #tpu.memory_space<vmem_shared>> -> memref<128x16xf32, #tpu.memory_space<vmem_shared>>
      %dma_wait3A_50 = arith.constant 0 : i32
      %dma_wait3A_51 = tpu.memref_slice %arg6[%add3A_24, %dma_wait3A_50] : memref<10240x16xf32, #tpu.memory_space<vmem_shared>> -> memref<128x16xf32, #tpu.memory_space<vmem_shared>>
      tpu.wait_dma2 semaphore(%run_scoped3A : memref<!tpu.dma_semaphore, #tpu.memory_space<semaphore_mem>>) src(%arg5 : memref<128x16xf32, #tpu.memory_space<vmem>>) dst(%dma_wait3A_51 : memref<128x16xf32, #tpu.memory_space<vmem_shared>>)
      tpu.yield
    }) : () -> ()
    %mul3A_25 = arith.constant 640 : i32
    %mul3A_26 = arith.muli %arg1, %mul3A_25 : i32
    %add3A_27 = arith.constant 512 : i32
    %add3A_28 = arith.addi %mul3A_26, %add3A_27 : i32
    "tpu.region"() ({
      %run_scoped3A = tpu.sem_alloc : memref<!tpu.dma_semaphore, #tpu.memory_space<semaphore_mem>>
      %dma_start3A = arith.constant 0 : i32
      %dma_start3A_46 = tpu.memref_slice %arg6[%add3A_28, %dma_start3A] : memref<10240x16xf32, #tpu.memory_space<vmem_shared>> -> memref<128x16xf32, #tpu.memory_space<vmem_shared>>
      %dma_start3A_47 = arith.constant 0 : i32
      %dma_start3A_48 = tpu.memref_slice %arg6[%add3A_28, %dma_start3A_47] : memref<10240x16xf32, #tpu.memory_space<vmem_shared>> -> memref<128x16xf32, #tpu.memory_space<vmem_shared>>
      tpu.enqueue_dma source(%arg5 : memref<128x16xf32, #tpu.memory_space<vmem>>) target(%dma_start3A_48 : memref<128x16xf32, #tpu.memory_space<vmem_shared>>) target_semaphore(%run_scoped3A : memref<!tpu.dma_semaphore, #tpu.memory_space<semaphore_mem>>)
      %dma_wait3A = arith.constant 0 : i32
      %dma_wait3A_49 = tpu.memref_slice %arg6[%add3A_28, %dma_wait3A] : memref<10240x16xf32, #tpu.memory_space<vmem_shared>> -> memref<128x16xf32, #tpu.memory_space<vmem_shared>>
      %dma_wait3A_50 = arith.constant 0 : i32
      %dma_wait3A_51 = tpu.memref_slice %arg6[%add3A_28, %dma_wait3A_50] : memref<10240x16xf32, #tpu.memory_space<vmem_shared>> -> memref<128x16xf32, #tpu.memory_space<vmem_shared>>
      tpu.wait_dma2 semaphore(%run_scoped3A : memref<!tpu.dma_semaphore, #tpu.memory_space<semaphore_mem>>) src(%arg5 : memref<128x16xf32, #tpu.memory_space<vmem>>) dst(%dma_wait3A_51 : memref<128x16xf32, #tpu.memory_space<vmem_shared>>)
      tpu.yield
    }) : () -> ()
    %scan3A_29 = arith.constant 0 : i32
    %scan3A_30 = arith.constant 0 : i32
    %scan3A_31 = arith.constant 128 : i32
    %scan3A_32 = arith.addi %scan3A_30, %scan3A_31 : i32
    %scan3A_33 = arith.constant 1 : i32
    scf.for %scan3A_46 = %scan3A_30 to %scan3A_32 step %scan3A_33  : i32 {
      %swap3A = arith.index_cast %scan3A_46 : i32 to index
      %swap3A_47 = arith.constant 0 : index
      %swap3A_48 = tpu.vector_load %arg5[%swap3A, %swap3A_47] {strides = array<i32>} : memref<128x16xf32, #tpu.memory_space<vmem>>, vector<1x16xf32>,
      %swap3A_49 = vector.shape_cast %swap3A_48 : vector<1x16xf32> to vector<16xf32>
      %swap3A_50 = vector.shape_cast %broadcast_in_dim3A_1 : vector<16xf32> to vector<1x16xf32>
      tpu.vector_store %arg5[%swap3A, %swap3A_47], %swap3A_50 {strides = array<i32>} : memref<128x16xf32, #tpu.memory_space<vmem>>, vector<1x16xf32>,
    }
    %scan3A_34 = arith.constant 128 : i32
    %barrier3A = arith.constant 0 : index
    tpu.barrier barrier_id(%barrier3A)
    %scan3A_35 = arith.constant 0 : i32
    %scan3A_36 = arith.constant 0 : i32
    %scan3A_37 = arith.constant 79 : i32
    %scan3A_38 = arith.addi %scan3A_36, %scan3A_37 : i32
    %scan3A_39 = arith.constant 1 : i32
    scf.for %scan3A_46 = %scan3A_36 to %scan3A_38 step %scan3A_39  : i32 {
      "tpu.region"() ({
        %run_scoped3A = tpu.sem_alloc : memref<!tpu.dma_semaphore, #tpu.memory_space<semaphore_mem>>
        %dma_start3A = arith.constant 0 : i32
        %dma_start3A_47 = tpu.memref_slice %arg4[%scan3A_46, %dma_start3A] : memref<79x128xi32, #tpu.memory_space<vmem>> -> memref<1x128xi32, #tpu.memory_space<vmem>>
        %dma_start3A_48 = tpu.memref_squeeze %dma_start3A_47 : memref<1x128xi32, #tpu.memory_space<vmem>> -> memref<128xi32, #tpu.memory_space<vmem>>
        %dma_start3A_49 = arith.constant 0 : i32
        %dma_start3A_50 = arith.constant 0 : i32
        %dma_start3A_51 = tpu.memref_slice %arg6[%dma_start3A_49, %dma_start3A_50] : memref<10240x16xf32, #tpu.memory_space<vmem_shared>> -> memref<10240x16xf32, #tpu.memory_space<vmem_shared>>
        tpu.enqueue_indirect_dma source(%arg5 : memref<128x16xf32, #tpu.memory_space<vmem>>) target(%dma_start3A_51 : memref<10240x16xf32, #tpu.memory_space<vmem_shared>>) offsets(%dma_start3A_48 : memref<128xi32, #tpu.memory_space<vmem>>) semaphore(%run_scoped3A : memref<!tpu.dma_semaphore, #tpu.memory_space<semaphore_mem>>) {add = true}
        %dma_wait3A = arith.constant 0 : i32
        %dma_wait3A_52 = tpu.memref_slice %arg4[%scan3A_46, %dma_wait3A] : memref<79x128xi32, #tpu.memory_space<vmem>> -> memref<1x128xi32, #tpu.memory_space<vmem>>
        %dma_wait3A_53 = tpu.memref_squeeze %dma_wait3A_52 : memref<1x128xi32, #tpu.memory_space<vmem>> -> memref<128xi32, #tpu.memory_space<vmem>>
        %dma_wait3A_54 = arith.constant 0 : i32
        %dma_wait3A_55 = arith.constant 0 : i32
        %dma_wait3A_56 = tpu.memref_slice %arg6[%dma_wait3A_54, %dma_wait3A_55] : memref<10240x16xf32, #tpu.memory_space<vmem_shared>> -> memref<10240x16xf32, #tpu.memory_space<vmem_shared>>
        tpu.wait_indirect_dma semaphore(%run_scoped3A : memref<!tpu.dma_semaphore, #tpu.memory_space<semaphore_mem>>) src(%arg5 : memref<128x16xf32, #tpu.memory_space<vmem>>) dst(%dma_wait3A_56 : memref<10240x16xf32, #tpu.memory_space<vmem_shared>>)
        tpu.yield
      }) : () -> ()
    }
    %scan3A_40 = arith.constant 79 : i32
    %barrier3A_41 = arith.constant 0 : index
    tpu.barrier barrier_id(%barrier3A_41)
    %mul3A_42 = arith.constant 640 : i32
    %mul3A_43 = arith.muli %arg1, %mul3A_42 : i32
    %mul3A_44 = arith.constant 640 : i32
    %mul3A_45 = arith.muli %arg1, %mul3A_44 : i32
    "tpu.region"() ({
      %run_scoped3A = tpu.sem_alloc : memref<!tpu.dma_semaphore, #tpu.memory_space<semaphore_mem>>
      %dma_start3A = arith.constant 0 : i32
      %dma_start3A_46 = tpu.memref_slice %arg3[%arg0, %mul3A_45, %dma_start3A] : memref<2x10240x16xf32, #tpu.memory_space<hbm>> -> memref<1x640x16xf32, #tpu.memory_space<hbm>>
      %dma_start3A_47 = tpu.memref_squeeze %dma_start3A_46 : memref<1x640x16xf32, #tpu.memory_space<hbm>> -> memref<640x16xf32, #tpu.memory_space<hbm>>
      %dma_start3A_48 = arith.constant 0 : i32
      %dma_start3A_49 = tpu.memref_slice %arg6[%mul3A_43, %dma_start3A_48] : memref<10240x16xf32, #tpu.memory_space<vmem_shared>> -> memref<640x16xf32, #tpu.memory_space<vmem_shared>>
      tpu.enqueue_dma source(%dma_start3A_49 : memref<640x16xf32, #tpu.memory_space<vmem_shared>>) target(%dma_start3A_47 : memref<640x16xf32, #tpu.memory_space<hbm>>) target_semaphore(%run_scoped3A : memref<!tpu.dma_semaphore, #tpu.memory_space<semaphore_mem>>)
      %dma_wait3A = arith.constant 0 : i32
      %dma_wait3A_50 = tpu.memref_slice %arg3[%arg0, %mul3A_45, %dma_wait3A] : memref<2x10240x16xf32, #tpu.memory_space<hbm>> -> memref<1x640x16xf32, #tpu.memory_space<hbm>>
      %dma_wait3A_51 = tpu.memref_squeeze %dma_wait3A_50 : memref<1x640x16xf32, #tpu.memory_space<hbm>> -> memref<640x16xf32, #tpu.memory_space<hbm>>
      %dma_wait3A_52 = arith.constant 0 : i32
      %dma_wait3A_53 = tpu.memref_slice %arg6[%mul3A_43, %dma_wait3A_52] : memref<10240x16xf32, #tpu.memory_space<vmem_shared>> -> memref<640x16xf32, #tpu.memory_space<vmem_shared>>
      tpu.wait_dma2 semaphore(%run_scoped3A : memref<!tpu.dma_semaphore, #tpu.memory_space<semaphore_mem>>) src(%dma_wait3A_53 : memref<640x16xf32, #tpu.memory_space<vmem_shared>>) dst(%dma_wait3A_51 : memref<640x16xf32, #tpu.memory_space<hbm>>)
      tpu.yield
    }) : () -> ()
    return
  }
}

#map = affine_map<(d0, d1) -> (0, 0, 0)>
#map1 = affine_map<(d0, d1) -> (0, 0)>
module attributes {stable_mosaic.version = 14 : i64} {
  func.func @agg_k(%arg0: i32, %arg1: i32, %arg2: memref<32x79x128xi32, #tpu.memory_space<hbm>>, %arg3: memref<32x79x128xi32, #tpu.memory_space<hbm>>, %arg4: memref<10000x128xf32, #tpu.memory_space<hbm>>, %arg5: memref<10000x128xf32, #tpu.memory_space<hbm>>, %arg6: memref<2x10240x128xf32, #tpu.memory_space<hbm>>, %arg7: memref<2x10240x128xf32, #tpu.memory_space<hbm>>, %arg8: memref<79x128xi32, #tpu.memory_space<vmem>>, %arg9: memref<79x128xi32, #tpu.memory_space<vmem>>, %arg10: memref<128x128xf32, #tpu.memory_space<vmem>>, %arg11: memref<10240x128xf32, #tpu.memory_space<vmem_shared>>, %arg12: memref<!tpu.dma_semaphore, #tpu.memory_space<semaphore_mem>>) attributes {dimension_semantics = [#tpu.dimension_semantics<core_parallel>, #tpu.dimension_semantics<subcore_parallel>], iteration_bounds = array<i64: 2, 16>, scalar_prefetch = 0 : i64, scratch_operands = 5 : i64, tpu.core_type = #tpu.core_type<sc_vector_subcore>, window_params = [{transform_indices = #map}, {transform_indices = #map}, {transform_indices = #map1}, {transform_indices = #map1}, {transform_indices = #map}, {transform_indices = #map}]} {
    %mul3A = arith.constant 2 : i32
    %mul3A_0 = arith.muli %arg1, %mul3A : i32
    %add3A = arith.addi %mul3A_0, %arg0 : i32
    "tpu.region"() ({
      %run_scoped3A = tpu.sem_alloc : memref<!tpu.dma_semaphore, #tpu.memory_space<semaphore_mem>>
      %dma_start3A = arith.constant 0 : i32
      %dma_start3A_78 = arith.constant 0 : i32
      %dma_start3A_79 = tpu.memref_slice %arg2[%add3A, %dma_start3A, %dma_start3A_78] : memref<32x79x128xi32, #tpu.memory_space<hbm>> -> memref<1x79x128xi32, #tpu.memory_space<hbm>>
      %dma_start3A_80 = tpu.memref_squeeze %dma_start3A_79 : memref<1x79x128xi32, #tpu.memory_space<hbm>> -> memref<79x128xi32, #tpu.memory_space<hbm>>
      %dma_start3A_81 = arith.constant 0 : i32
      %dma_start3A_82 = arith.constant 0 : i32
      %dma_start3A_83 = tpu.memref_slice %arg2[%add3A, %dma_start3A_81, %dma_start3A_82] : memref<32x79x128xi32, #tpu.memory_space<hbm>> -> memref<1x79x128xi32, #tpu.memory_space<hbm>>
      %dma_start3A_84 = tpu.memref_squeeze %dma_start3A_83 : memref<1x79x128xi32, #tpu.memory_space<hbm>> -> memref<79x128xi32, #tpu.memory_space<hbm>>
      tpu.enqueue_dma source(%dma_start3A_84 : memref<79x128xi32, #tpu.memory_space<hbm>>) target(%arg8 : memref<79x128xi32, #tpu.memory_space<vmem>>) target_semaphore(%run_scoped3A : memref<!tpu.dma_semaphore, #tpu.memory_space<semaphore_mem>>)
      %dma_wait3A = arith.constant 0 : i32
      %dma_wait3A_85 = arith.constant 0 : i32
      %dma_wait3A_86 = tpu.memref_slice %arg2[%add3A, %dma_wait3A, %dma_wait3A_85] : memref<32x79x128xi32, #tpu.memory_space<hbm>> -> memref<1x79x128xi32, #tpu.memory_space<hbm>>
      %dma_wait3A_87 = tpu.memref_squeeze %dma_wait3A_86 : memref<1x79x128xi32, #tpu.memory_space<hbm>> -> memref<79x128xi32, #tpu.memory_space<hbm>>
      %dma_wait3A_88 = arith.constant 0 : i32
      %dma_wait3A_89 = arith.constant 0 : i32
      %dma_wait3A_90 = tpu.memref_slice %arg2[%add3A, %dma_wait3A_88, %dma_wait3A_89] : memref<32x79x128xi32, #tpu.memory_space<hbm>> -> memref<1x79x128xi32, #tpu.memory_space<hbm>>
      %dma_wait3A_91 = tpu.memref_squeeze %dma_wait3A_90 : memref<1x79x128xi32, #tpu.memory_space<hbm>> -> memref<79x128xi32, #tpu.memory_space<hbm>>
      tpu.wait_dma2 semaphore(%run_scoped3A : memref<!tpu.dma_semaphore, #tpu.memory_space<semaphore_mem>>) src(%dma_wait3A_91 : memref<79x128xi32, #tpu.memory_space<hbm>>) dst(%arg8 : memref<79x128xi32, #tpu.memory_space<vmem>>)
      tpu.yield
    }) : () -> ()
    "tpu.region"() ({
      %run_scoped3A = tpu.sem_alloc : memref<!tpu.dma_semaphore, #tpu.memory_space<semaphore_mem>>
      %dma_start3A = arith.constant 0 : i32
      %dma_start3A_78 = arith.constant 0 : i32
      %dma_start3A_79 = tpu.memref_slice %arg3[%add3A, %dma_start3A, %dma_start3A_78] : memref<32x79x128xi32, #tpu.memory_space<hbm>> -> memref<1x79x128xi32, #tpu.memory_space<hbm>>
      %dma_start3A_80 = tpu.memref_squeeze %dma_start3A_79 : memref<1x79x128xi32, #tpu.memory_space<hbm>> -> memref<79x128xi32, #tpu.memory_space<hbm>>
      %dma_start3A_81 = arith.constant 0 : i32
      %dma_start3A_82 = arith.constant 0 : i32
      %dma_start3A_83 = tpu.memref_slice %arg3[%add3A, %dma_start3A_81, %dma_start3A_82] : memref<32x79x128xi32, #tpu.memory_space<hbm>> -> memref<1x79x128xi32, #tpu.memory_space<hbm>>
      %dma_start3A_84 = tpu.memref_squeeze %dma_start3A_83 : memref<1x79x128xi32, #tpu.memory_space<hbm>> -> memref<79x128xi32, #tpu.memory_space<hbm>>
      tpu.enqueue_dma source(%dma_start3A_84 : memref<79x128xi32, #tpu.memory_space<hbm>>) target(%arg9 : memref<79x128xi32, #tpu.memory_space<vmem>>) target_semaphore(%run_scoped3A : memref<!tpu.dma_semaphore, #tpu.memory_space<semaphore_mem>>)
      %dma_wait3A = arith.constant 0 : i32
      %dma_wait3A_85 = arith.constant 0 : i32
      %dma_wait3A_86 = tpu.memref_slice %arg3[%add3A, %dma_wait3A, %dma_wait3A_85] : memref<32x79x128xi32, #tpu.memory_space<hbm>> -> memref<1x79x128xi32, #tpu.memory_space<hbm>>
      %dma_wait3A_87 = tpu.memref_squeeze %dma_wait3A_86 : memref<1x79x128xi32, #tpu.memory_space<hbm>> -> memref<79x128xi32, #tpu.memory_space<hbm>>
      %dma_wait3A_88 = arith.constant 0 : i32
      %dma_wait3A_89 = arith.constant 0 : i32
      %dma_wait3A_90 = tpu.memref_slice %arg3[%add3A, %dma_wait3A_88, %dma_wait3A_89] : memref<32x79x128xi32, #tpu.memory_space<hbm>> -> memref<1x79x128xi32, #tpu.memory_space<hbm>>
      %dma_wait3A_91 = tpu.memref_squeeze %dma_wait3A_90 : memref<1x79x128xi32, #tpu.memory_space<hbm>> -> memref<79x128xi32, #tpu.memory_space<hbm>>
      tpu.wait_dma2 semaphore(%run_scoped3A : memref<!tpu.dma_semaphore, #tpu.memory_space<semaphore_mem>>) src(%dma_wait3A_91 : memref<79x128xi32, #tpu.memory_space<hbm>>) dst(%arg9 : memref<79x128xi32, #tpu.memory_space<vmem>>)
      tpu.yield
    }) : () -> ()
    %broadcast_in_dim3A = arith.constant 0.000000e+00 : f32
    %broadcast_in_dim3A_1 = vector.broadcast %broadcast_in_dim3A : f32 to vector<16xf32>
    %scan3A = arith.constant 0 : i32
    %scan3A_2 = arith.constant 0 : i32
    %scan3A_3 = arith.constant 128 : i32
    %scan3A_4 = arith.addi %scan3A_2, %scan3A_3 : i32
    %scan3A_5 = arith.constant 1 : i32
    scf.for %scan3A_78 = %scan3A_2 to %scan3A_4 step %scan3A_5  : i32 {
      %swap3A = arith.index_cast %scan3A_78 : i32 to index
      %swap3A_79 = arith.constant 0 : index
      %swap3A_80 = tpu.vector_load %arg10[%swap3A, %swap3A_79] {strides = array<i32>} : memref<128x128xf32, #tpu.memory_space<vmem>>, vector<1x16xf32>,
      %swap3A_81 = vector.shape_cast %swap3A_80 : vector<1x16xf32> to vector<16xf32>
      %swap3A_82 = vector.shape_cast %broadcast_in_dim3A_1 : vector<16xf32> to vector<1x16xf32>
      tpu.vector_store %arg10[%swap3A, %swap3A_79], %swap3A_82 {strides = array<i32>} : memref<128x128xf32, #tpu.memory_space<vmem>>, vector<1x16xf32>,
      %swap3A_83 = arith.index_cast %scan3A_78 : i32 to index
      %swap3A_84 = arith.constant 16 : index
      %swap3A_85 = tpu.vector_load %arg10[%swap3A_83, %swap3A_84] {strides = array<i32>} : memref<128x128xf32, #tpu.memory_space<vmem>>, vector<1x16xf32>,
      %swap3A_86 = vector.shape_cast %swap3A_85 : vector<1x16xf32> to vector<16xf32>
      %swap3A_87 = vector.shape_cast %broadcast_in_dim3A_1 : vector<16xf32> to vector<1x16xf32>
      tpu.vector_store %arg10[%swap3A_83, %swap3A_84], %swap3A_87 {strides = array<i32>} : memref<128x128xf32, #tpu.memory_space<vmem>>, vector<1x16xf32>,
      %swap3A_88 = arith.index_cast %scan3A_78 : i32 to index
      %swap3A_89 = arith.constant 32 : index
      %swap3A_90 = tpu.vector_load %arg10[%swap3A_88, %swap3A_89] {strides = array<i32>} : memref<128x128xf32, #tpu.memory_space<vmem>>, vector<1x16xf32>,
      %swap3A_91 = vector.shape_cast %swap3A_90 : vector<1x16xf32> to vector<16xf32>
      %swap3A_92 = vector.shape_cast %broadcast_in_dim3A_1 : vector<16xf32> to vector<1x16xf32>
      tpu.vector_store %arg10[%swap3A_88, %swap3A_89], %swap3A_92 {strides = array<i32>} : memref<128x128xf32, #tpu.memory_space<vmem>>, vector<1x16xf32>,
      %swap3A_93 = arith.index_cast %scan3A_78 : i32 to index
      %swap3A_94 = arith.constant 48 : index
      %swap3A_95 = tpu.vector_load %arg10[%swap3A_93, %swap3A_94] {strides = array<i32>} : memref<128x128xf32, #tpu.memory_space<vmem>>, vector<1x16xf32>,
      %swap3A_96 = vector.shape_cast %swap3A_95 : vector<1x16xf32> to vector<16xf32>
      %swap3A_97 = vector.shape_cast %broadcast_in_dim3A_1 : vector<16xf32> to vector<1x16xf32>
      tpu.vector_store %arg10[%swap3A_93, %swap3A_94], %swap3A_97 {strides = array<i32>} : memref<128x128xf32, #tpu.memory_space<vmem>>, vector<1x16xf32>,
      %swap3A_98 = arith.index_cast %scan3A_78 : i32 to index
      %swap3A_99 = arith.constant 64 : index
      %swap3A_100 = tpu.vector_load %arg10[%swap3A_98, %swap3A_99] {strides = array<i32>} : memref<128x128xf32, #tpu.memory_space<vmem>>, vector<1x16xf32>,
      %swap3A_101 = vector.shape_cast %swap3A_100 : vector<1x16xf32> to vector<16xf32>
      %swap3A_102 = vector.shape_cast %broadcast_in_dim3A_1 : vector<16xf32> to vector<1x16xf32>
      tpu.vector_store %arg10[%swap3A_98, %swap3A_99], %swap3A_102 {strides = array<i32>} : memref<128x128xf32, #tpu.memory_space<vmem>>, vector<1x16xf32>,
      %swap3A_103 = arith.index_cast %scan3A_78 : i32 to index
      %swap3A_104 = arith.constant 80 : index
      %swap3A_105 = tpu.vector_load %arg10[%swap3A_103, %swap3A_104] {strides = array<i32>} : memref<128x128xf32, #tpu.memory_space<vmem>>, vector<1x16xf32>,
      %swap3A_106 = vector.shape_cast %swap3A_105 : vector<1x16xf32> to vector<16xf32>
      %swap3A_107 = vector.shape_cast %broadcast_in_dim3A_1 : vector<16xf32> to vector<1x16xf32>
      tpu.vector_store %arg10[%swap3A_103, %swap3A_104], %swap3A_107 {strides = array<i32>} : memref<128x128xf32, #tpu.memory_space<vmem>>, vector<1x16xf32>,
      %swap3A_108 = arith.index_cast %scan3A_78 : i32 to index
      %swap3A_109 = arith.constant 96 : index
      %swap3A_110 = tpu.vector_load %arg10[%swap3A_108, %swap3A_109] {strides = array<i32>} : memref<128x128xf32, #tpu.memory_space<vmem>>, vector<1x16xf32>,
      %swap3A_111 = vector.shape_cast %swap3A_110 : vector<1x16xf32> to vector<16xf32>
      %swap3A_112 = vector.shape_cast %broadcast_in_dim3A_1 : vector<16xf32> to vector<1x16xf32>
      tpu.vector_store %arg10[%swap3A_108, %swap3A_109], %swap3A_112 {strides = array<i32>} : memref<128x128xf32, #tpu.memory_space<vmem>>, vector<1x16xf32>,
      %swap3A_113 = arith.index_cast %scan3A_78 : i32 to index
      %swap3A_114 = arith.constant 112 : index
      %swap3A_115 = tpu.vector_load %arg10[%swap3A_113, %swap3A_114] {strides = array<i32>} : memref<128x128xf32, #tpu.memory_space<vmem>>, vector<1x16xf32>,
      %swap3A_116 = vector.shape_cast %swap3A_115 : vector<1x16xf32> to vector<16xf32>
      %swap3A_117 = vector.shape_cast %broadcast_in_dim3A_1 : vector<16xf32> to vector<1x16xf32>
      tpu.vector_store %arg10[%swap3A_113, %swap3A_114], %swap3A_117 {strides = array<i32>} : memref<128x128xf32, #tpu.memory_space<vmem>>, vector<1x16xf32>,
    }
    %scan3A_6 = arith.constant 128 : i32
    %mul3A_7 = arith.constant 640 : i32
    %mul3A_8 = arith.muli %arg1, %mul3A_7 : i32
    %add3A_9 = arith.constant 0 : i32
    %add3A_10 = arith.addi %mul3A_8, %add3A_9 : i32
    "tpu.region"() ({
      %run_scoped3A = tpu.sem_alloc : memref<!tpu.dma_semaphore, #tpu.memory_space<semaphore_mem>>
      %dma_start3A = arith.constant 0 : i32
      %dma_start3A_78 = tpu.memref_slice %arg11[%add3A_10, %dma_start3A] : memref<10240x128xf32, #tpu.memory_space<vmem_shared>> -> memref<128x128xf32, #tpu.memory_space<vmem_shared>>
      %dma_start3A_79 = arith.constant 0 : i32
      %dma_start3A_80 = tpu.memref_slice %arg11[%add3A_10, %dma_start3A_79] : memref<10240x128xf32, #tpu.memory_space<vmem_shared>> -> memref<128x128xf32, #tpu.memory_space<vmem_shared>>
      tpu.enqueue_dma source(%arg10 : memref<128x128xf32, #tpu.memory_space<vmem>>) target(%dma_start3A_80 : memref<128x128xf32, #tpu.memory_space<vmem_shared>>) target_semaphore(%run_scoped3A : memref<!tpu.dma_semaphore, #tpu.memory_space<semaphore_mem>>)
      %dma_wait3A = arith.constant 0 : i32
      %dma_wait3A_81 = tpu.memref_slice %arg11[%add3A_10, %dma_wait3A] : memref<10240x128xf32, #tpu.memory_space<vmem_shared>> -> memref<128x128xf32, #tpu.memory_space<vmem_shared>>
      %dma_wait3A_82 = arith.constant 0 : i32
      %dma_wait3A_83 = tpu.memref_slice %arg11[%add3A_10, %dma_wait3A_82] : memref<10240x128xf32, #tpu.memory_space<vmem_shared>> -> memref<128x128xf32, #tpu.memory_space<vmem_shared>>
      tpu.wait_dma2 semaphore(%run_scoped3A : memref<!tpu.dma_semaphore, #tpu.memory_space<semaphore_mem>>) src(%arg10 : memref<128x128xf32, #tpu.memory_space<vmem>>) dst(%dma_wait3A_83 : memref<128x128xf32, #tpu.memory_space<vmem_shared>>)
      tpu.yield
    }) : () -> ()
    %mul3A_11 = arith.constant 640 : i32
    %mul3A_12 = arith.muli %arg1, %mul3A_11 : i32
    %add3A_13 = arith.constant 128 : i32
    %add3A_14 = arith.addi %mul3A_12, %add3A_13 : i32
    "tpu.region"() ({
      %run_scoped3A = tpu.sem_alloc : memref<!tpu.dma_semaphore, #tpu.memory_space<semaphore_mem>>
      %dma_start3A = arith.constant 0 : i32
      %dma_start3A_78 = tpu.memref_slice %arg11[%add3A_14, %dma_start3A] : memref<10240x128xf32, #tpu.memory_space<vmem_shared>> -> memref<128x128xf32, #tpu.memory_space<vmem_shared>>
      %dma_start3A_79 = arith.constant 0 : i32
      %dma_start3A_80 = tpu.memref_slice %arg11[%add3A_14, %dma_start3A_79] : memref<10240x128xf32, #tpu.memory_space<vmem_shared>> -> memref<128x128xf32, #tpu.memory_space<vmem_shared>>
      tpu.enqueue_dma source(%arg10 : memref<128x128xf32, #tpu.memory_space<vmem>>) target(%dma_start3A_80 : memref<128x128xf32, #tpu.memory_space<vmem_shared>>) target_semaphore(%run_scoped3A : memref<!tpu.dma_semaphore, #tpu.memory_space<semaphore_mem>>)
      %dma_wait3A = arith.constant 0 : i32
      %dma_wait3A_81 = tpu.memref_slice %arg11[%add3A_14, %dma_wait3A] : memref<10240x128xf32, #tpu.memory_space<vmem_shared>> -> memref<128x128xf32, #tpu.memory_space<vmem_shared>>
      %dma_wait3A_82 = arith.constant 0 : i32
      %dma_wait3A_83 = tpu.memref_slice %arg11[%add3A_14, %dma_wait3A_82] : memref<10240x128xf32, #tpu.memory_space<vmem_shared>> -> memref<128x128xf32, #tpu.memory_space<vmem_shared>>
      tpu.wait_dma2 semaphore(%run_scoped3A : memref<!tpu.dma_semaphore, #tpu.memory_space<semaphore_mem>>) src(%arg10 : memref<128x128xf32, #tpu.memory_space<vmem>>) dst(%dma_wait3A_83 : memref<128x128xf32, #tpu.memory_space<vmem_shared>>)
      tpu.yield
    }) : () -> ()
    %mul3A_15 = arith.constant 640 : i32
    %mul3A_16 = arith.muli %arg1, %mul3A_15 : i32
    %add3A_17 = arith.constant 256 : i32
    %add3A_18 = arith.addi %mul3A_16, %add3A_17 : i32
    "tpu.region"() ({
      %run_scoped3A = tpu.sem_alloc : memref<!tpu.dma_semaphore, #tpu.memory_space<semaphore_mem>>
      %dma_start3A = arith.constant 0 : i32
      %dma_start3A_78 = tpu.memref_slice %arg11[%add3A_18, %dma_start3A] : memref<10240x128xf32, #tpu.memory_space<vmem_shared>> -> memref<128x128xf32, #tpu.memory_space<vmem_shared>>
      %dma_start3A_79 = arith.constant 0 : i32
      %dma_start3A_80 = tpu.memref_slice %arg11[%add3A_18, %dma_start3A_79] : memref<10240x128xf32, #tpu.memory_space<vmem_shared>> -> memref<128x128xf32, #tpu.memory_space<vmem_shared>>
      tpu.enqueue_dma source(%arg10 : memref<128x128xf32, #tpu.memory_space<vmem>>) target(%dma_start3A_80 : memref<128x128xf32, #tpu.memory_space<vmem_shared>>) target_semaphore(%run_scoped3A : memref<!tpu.dma_semaphore, #tpu.memory_space<semaphore_mem>>)
      %dma_wait3A = arith.constant 0 : i32
      %dma_wait3A_81 = tpu.memref_slice %arg11[%add3A_18, %dma_wait3A] : memref<10240x128xf32, #tpu.memory_space<vmem_shared>> -> memref<128x128xf32, #tpu.memory_space<vmem_shared>>
      %dma_wait3A_82 = arith.constant 0 : i32
      %dma_wait3A_83 = tpu.memref_slice %arg11[%add3A_18, %dma_wait3A_82] : memref<10240x128xf32, #tpu.memory_space<vmem_shared>> -> memref<128x128xf32, #tpu.memory_space<vmem_shared>>
      tpu.wait_dma2 semaphore(%run_scoped3A : memref<!tpu.dma_semaphore, #tpu.memory_space<semaphore_mem>>) src(%arg10 : memref<128x128xf32, #tpu.memory_space<vmem>>) dst(%dma_wait3A_83 : memref<128x128xf32, #tpu.memory_space<vmem_shared>>)
      tpu.yield
    }) : () -> ()
    %mul3A_19 = arith.constant 640 : i32
    %mul3A_20 = arith.muli %arg1, %mul3A_19 : i32
    %add3A_21 = arith.constant 384 : i32
    %add3A_22 = arith.addi %mul3A_20, %add3A_21 : i32
    "tpu.region"() ({
      %run_scoped3A = tpu.sem_alloc : memref<!tpu.dma_semaphore, #tpu.memory_space<semaphore_mem>>
      %dma_start3A = arith.constant 0 : i32
      %dma_start3A_78 = tpu.memref_slice %arg11[%add3A_22, %dma_start3A] : memref<10240x128xf32, #tpu.memory_space<vmem_shared>> -> memref<128x128xf32, #tpu.memory_space<vmem_shared>>
      %dma_start3A_79 = arith.constant 0 : i32
      %dma_start3A_80 = tpu.memref_slice %arg11[%add3A_22, %dma_start3A_79] : memref<10240x128xf32, #tpu.memory_space<vmem_shared>> -> memref<128x128xf32, #tpu.memory_space<vmem_shared>>
      tpu.enqueue_dma source(%arg10 : memref<128x128xf32, #tpu.memory_space<vmem>>) target(%dma_start3A_80 : memref<128x128xf32, #tpu.memory_space<vmem_shared>>) target_semaphore(%run_scoped3A : memref<!tpu.dma_semaphore, #tpu.memory_space<semaphore_mem>>)
      %dma_wait3A = arith.constant 0 : i32
      %dma_wait3A_81 = tpu.memref_slice %arg11[%add3A_22, %dma_wait3A] : memref<10240x128xf32, #tpu.memory_space<vmem_shared>> -> memref<128x128xf32, #tpu.memory_space<vmem_shared>>
      %dma_wait3A_82 = arith.constant 0 : i32
      %dma_wait3A_83 = tpu.memref_slice %arg11[%add3A_22, %dma_wait3A_82] : memref<10240x128xf32, #tpu.memory_space<vmem_shared>> -> memref<128x128xf32, #tpu.memory_space<vmem_shared>>
      tpu.wait_dma2 semaphore(%run_scoped3A : memref<!tpu.dma_semaphore, #tpu.memory_space<semaphore_mem>>) src(%arg10 : memref<128x128xf32, #tpu.memory_space<vmem>>) dst(%dma_wait3A_83 : memref<128x128xf32, #tpu.memory_space<vmem_shared>>)
      tpu.yield
    }) : () -> ()
    %mul3A_23 = arith.constant 640 : i32
    %mul3A_24 = arith.muli %arg1, %mul3A_23 : i32
    %add3A_25 = arith.constant 512 : i32
    %add3A_26 = arith.addi %mul3A_24, %add3A_25 : i32
    "tpu.region"() ({
      %run_scoped3A = tpu.sem_alloc : memref<!tpu.dma_semaphore, #tpu.memory_space<semaphore_mem>>
      %dma_start3A = arith.constant 0 : i32
      %dma_start3A_78 = tpu.memref_slice %arg11[%add3A_26, %dma_start3A] : memref<10240x128xf32, #tpu.memory_space<vmem_shared>> -> memref<128x128xf32, #tpu.memory_space<vmem_shared>>
      %dma_start3A_79 = arith.constant 0 : i32
      %dma_start3A_80 = tpu.memref_slice %arg11[%add3A_26, %dma_start3A_79] : memref<10240x128xf32, #tpu.memory_space<vmem_shared>> -> memref<128x128xf32, #tpu.memory_space<vmem_shared>>
      tpu.enqueue_dma source(%arg10 : memref<128x128xf32, #tpu.memory_space<vmem>>) target(%dma_start3A_80 : memref<128x128xf32, #tpu.memory_space<vmem_shared>>) target_semaphore(%run_scoped3A : memref<!tpu.dma_semaphore, #tpu.memory_space<semaphore_mem>>)
      %dma_wait3A = arith.constant 0 : i32
      %dma_wait3A_81 = tpu.memref_slice %arg11[%add3A_26, %dma_wait3A] : memref<10240x128xf32, #tpu.memory_space<vmem_shared>> -> memref<128x128xf32, #tpu.memory_space<vmem_shared>>
      %dma_wait3A_82 = arith.constant 0 : i32
      %dma_wait3A_83 = tpu.memref_slice %arg11[%add3A_26, %dma_wait3A_82] : memref<10240x128xf32, #tpu.memory_space<vmem_shared>> -> memref<128x128xf32, #tpu.memory_space<vmem_shared>>
      tpu.wait_dma2 semaphore(%run_scoped3A : memref<!tpu.dma_semaphore, #tpu.memory_space<semaphore_mem>>) src(%arg10 : memref<128x128xf32, #tpu.memory_space<vmem>>) dst(%dma_wait3A_83 : memref<128x128xf32, #tpu.memory_space<vmem_shared>>)
      tpu.yield
    }) : () -> ()
    %barrier3A = arith.constant 0 : index
    tpu.barrier barrier_id(%barrier3A)
    %scan3A_27 = arith.constant 0 : i32
    %scan3A_28 = arith.constant 0 : i32
    %scan3A_29 = arith.constant 79 : i32
    %scan3A_30 = arith.addi %scan3A_28, %scan3A_29 : i32
    %scan3A_31 = arith.constant 1 : i32
    scf.for %scan3A_78 = %scan3A_28 to %scan3A_30 step %scan3A_31  : i32 {
      %dma_start3A = arith.constant 0 : i32
      %dma_start3A_79 = tpu.memref_slice %arg8[%scan3A_78, %dma_start3A] : memref<79x128xi32, #tpu.memory_space<vmem>> -> memref<1x128xi32, #tpu.memory_space<vmem>>
      %dma_start3A_80 = tpu.memref_squeeze %dma_start3A_79 : memref<1x128xi32, #tpu.memory_space<vmem>> -> memref<128xi32, #tpu.memory_space<vmem>>
      %dma_start3A_81 = arith.constant 0 : i32
      %dma_start3A_82 = arith.constant 0 : i32
      %dma_start3A_83 = tpu.memref_slice %arg4[%dma_start3A_81, %dma_start3A_82] : memref<10000x128xf32, #tpu.memory_space<hbm>> -> memref<10000x128xf32, #tpu.memory_space<hbm>>
      tpu.enqueue_indirect_dma source(%dma_start3A_83 : memref<10000x128xf32, #tpu.memory_space<hbm>>) target(%arg10 : memref<128x128xf32, #tpu.memory_space<vmem>>) offsets(%dma_start3A_80 : memref<128xi32, #tpu.memory_space<vmem>>) semaphore(%arg12 : memref<!tpu.dma_semaphore, #tpu.memory_space<semaphore_mem>>)
      %dma_wait3A = arith.constant 0 : i32
      %dma_wait3A_84 = tpu.memref_slice %arg8[%scan3A_78, %dma_wait3A] : memref<79x128xi32, #tpu.memory_space<vmem>> -> memref<1x128xi32, #tpu.memory_space<vmem>>
      %dma_wait3A_85 = tpu.memref_squeeze %dma_wait3A_84 : memref<1x128xi32, #tpu.memory_space<vmem>> -> memref<128xi32, #tpu.memory_space<vmem>>
      %dma_wait3A_86 = arith.constant 0 : i32
      %dma_wait3A_87 = arith.constant 0 : i32
      %dma_wait3A_88 = tpu.memref_slice %arg4[%dma_wait3A_86, %dma_wait3A_87] : memref<10000x128xf32, #tpu.memory_space<hbm>> -> memref<10000x128xf32, #tpu.memory_space<hbm>>
      tpu.wait_indirect_dma semaphore(%arg12 : memref<!tpu.dma_semaphore, #tpu.memory_space<semaphore_mem>>) src(%dma_wait3A_88 : memref<10000x128xf32, #tpu.memory_space<hbm>>) dst(%arg10 : memref<128x128xf32, #tpu.memory_space<vmem>>)
      "tpu.region"() ({
        %run_scoped3A = tpu.sem_alloc : memref<!tpu.dma_semaphore, #tpu.memory_space<semaphore_mem>>
        %dma_start3A_89 = arith.constant 0 : i32
        %dma_start3A_90 = tpu.memref_slice %arg9[%scan3A_78, %dma_start3A_89] : memref<79x128xi32, #tpu.memory_space<vmem>> -> memref<1x128xi32, #tpu.memory_space<vmem>>
        %dma_start3A_91 = tpu.memref_squeeze %dma_start3A_90 : memref<1x128xi32, #tpu.memory_space<vmem>> -> memref<128xi32, #tpu.memory_space<vmem>>
        %dma_start3A_92 = arith.constant 0 : i32
        %dma_start3A_93 = arith.constant 0 : i32
        %dma_start3A_94 = tpu.memref_slice %arg11[%dma_start3A_92, %dma_start3A_93] : memref<10240x128xf32, #tpu.memory_space<vmem_shared>> -> memref<10240x128xf32, #tpu.memory_space<vmem_shared>>
        tpu.enqueue_indirect_dma source(%arg10 : memref<128x128xf32, #tpu.memory_space<vmem>>) target(%dma_start3A_94 : memref<10240x128xf32, #tpu.memory_space<vmem_shared>>) offsets(%dma_start3A_91 : memref<128xi32, #tpu.memory_space<vmem>>) semaphore(%run_scoped3A : memref<!tpu.dma_semaphore, #tpu.memory_space<semaphore_mem>>) {add = true}
        %dma_wait3A_95 = arith.constant 0 : i32
        %dma_wait3A_96 = tpu.memref_slice %arg9[%scan3A_78, %dma_wait3A_95] : memref<79x128xi32, #tpu.memory_space<vmem>> -> memref<1x128xi32, #tpu.memory_space<vmem>>
        %dma_wait3A_97 = tpu.memref_squeeze %dma_wait3A_96 : memref<1x128xi32, #tpu.memory_space<vmem>> -> memref<128xi32, #tpu.memory_space<vmem>>
        %dma_wait3A_98 = arith.constant 0 : i32
        %dma_wait3A_99 = arith.constant 0 : i32
        %dma_wait3A_100 = tpu.memref_slice %arg11[%dma_wait3A_98, %dma_wait3A_99] : memref<10240x128xf32, #tpu.memory_space<vmem_shared>> -> memref<10240x128xf32, #tpu.memory_space<vmem_shared>>
        tpu.wait_indirect_dma semaphore(%run_scoped3A : memref<!tpu.dma_semaphore, #tpu.memory_space<semaphore_mem>>) src(%arg10 : memref<128x128xf32, #tpu.memory_space<vmem>>) dst(%dma_wait3A_100 : memref<10240x128xf32, #tpu.memory_space<vmem_shared>>)
        tpu.yield
      }) : () -> ()
    }
    %scan3A_32 = arith.constant 79 : i32
    %barrier3A_33 = arith.constant 0 : index
    tpu.barrier barrier_id(%barrier3A_33)
    %mul3A_34 = arith.constant 640 : i32
    %mul3A_35 = arith.muli %arg1, %mul3A_34 : i32
    %mul3A_36 = arith.constant 640 : i32
    %mul3A_37 = arith.muli %arg1, %mul3A_36 : i32
    "tpu.region"() ({
      %run_scoped3A = tpu.sem_alloc : memref<!tpu.dma_semaphore, #tpu.memory_space<semaphore_mem>>
      %dma_start3A = arith.constant 0 : i32
      %dma_start3A_78 = tpu.memref_slice %arg6[%arg0, %mul3A_37, %dma_start3A] : memref<2x10240x128xf32, #tpu.memory_space<hbm>> -> memref<1x640x128xf32, #tpu.memory_space<hbm>>
      %dma_start3A_79 = tpu.memref_squeeze %dma_start3A_78 : memref<1x640x128xf32, #tpu.memory_space<hbm>> -> memref<640x128xf32, #tpu.memory_space<hbm>>
      %dma_start3A_80 = arith.constant 0 : i32
      %dma_start3A_81 = tpu.memref_slice %arg11[%mul3A_35, %dma_start3A_80] : memref<10240x128xf32, #tpu.memory_space<vmem_shared>> -> memref<640x128xf32, #tpu.memory_space<vmem_shared>>
      tpu.enqueue_dma source(%dma_start3A_81 : memref<640x128xf32, #tpu.memory_space<vmem_shared>>) target(%dma_start3A_79 : memref<640x128xf32, #tpu.memory_space<hbm>>) target_semaphore(%run_scoped3A : memref<!tpu.dma_semaphore, #tpu.memory_space<semaphore_mem>>)
      %dma_wait3A = arith.constant 0 : i32
      %dma_wait3A_82 = tpu.memref_slice %arg6[%arg0, %mul3A_37, %dma_wait3A] : memref<2x10240x128xf32, #tpu.memory_space<hbm>> -> memref<1x640x128xf32, #tpu.memory_space<hbm>>
      %dma_wait3A_83 = tpu.memref_squeeze %dma_wait3A_82 : memref<1x640x128xf32, #tpu.memory_space<hbm>> -> memref<640x128xf32, #tpu.memory_space<hbm>>
      %dma_wait3A_84 = arith.constant 0 : i32
      %dma_wait3A_85 = tpu.memref_slice %arg11[%mul3A_35, %dma_wait3A_84] : memref<10240x128xf32, #tpu.memory_space<vmem_shared>> -> memref<640x128xf32, #tpu.memory_space<vmem_shared>>
      tpu.wait_dma2 semaphore(%run_scoped3A : memref<!tpu.dma_semaphore, #tpu.memory_space<semaphore_mem>>) src(%dma_wait3A_85 : memref<640x128xf32, #tpu.memory_space<vmem_shared>>) dst(%dma_wait3A_83 : memref<640x128xf32, #tpu.memory_space<hbm>>)
      tpu.yield
    }) : () -> ()
    %barrier3A_38 = arith.constant 0 : index
    tpu.barrier barrier_id(%barrier3A_38)
    %scan3A_39 = arith.constant 0 : i32
    %scan3A_40 = arith.constant 0 : i32
    %scan3A_41 = arith.constant 128 : i32
    %scan3A_42 = arith.addi %scan3A_40, %scan3A_41 : i32
    %scan3A_43 = arith.constant 1 : i32
    scf.for %scan3A_78 = %scan3A_40 to %scan3A_42 step %scan3A_43  : i32 {
      %swap3A = arith.index_cast %scan3A_78 : i32 to index
      %swap3A_79 = arith.constant 0 : index
      %swap3A_80 = tpu.vector_load %arg10[%swap3A, %swap3A_79] {strides = array<i32>} : memref<128x128xf32, #tpu.memory_space<vmem>>, vector<1x16xf32>,
      %swap3A_81 = vector.shape_cast %swap3A_80 : vector<1x16xf32> to vector<16xf32>
      %swap3A_82 = vector.shape_cast %broadcast_in_dim3A_1 : vector<16xf32> to vector<1x16xf32>
      tpu.vector_store %arg10[%swap3A, %swap3A_79], %swap3A_82 {strides = array<i32>} : memref<128x128xf32, #tpu.memory_space<vmem>>, vector<1x16xf32>,
      %swap3A_83 = arith.index_cast %scan3A_78 : i32 to index
      %swap3A_84 = arith.constant 16 : index
      %swap3A_85 = tpu.vector_load %arg10[%swap3A_83, %swap3A_84] {strides = array<i32>} : memref<128x128xf32, #tpu.memory_space<vmem>>, vector<1x16xf32>,
      %swap3A_86 = vector.shape_cast %swap3A_85 : vector<1x16xf32> to vector<16xf32>
      %swap3A_87 = vector.shape_cast %broadcast_in_dim3A_1 : vector<16xf32> to vector<1x16xf32>
      tpu.vector_store %arg10[%swap3A_83, %swap3A_84], %swap3A_87 {strides = array<i32>} : memref<128x128xf32, #tpu.memory_space<vmem>>, vector<1x16xf32>,
      %swap3A_88 = arith.index_cast %scan3A_78 : i32 to index
      %swap3A_89 = arith.constant 32 : index
      %swap3A_90 = tpu.vector_load %arg10[%swap3A_88, %swap3A_89] {strides = array<i32>} : memref<128x128xf32, #tpu.memory_space<vmem>>, vector<1x16xf32>,
      %swap3A_91 = vector.shape_cast %swap3A_90 : vector<1x16xf32> to vector<16xf32>
      %swap3A_92 = vector.shape_cast %broadcast_in_dim3A_1 : vector<16xf32> to vector<1x16xf32>
      tpu.vector_store %arg10[%swap3A_88, %swap3A_89], %swap3A_92 {strides = array<i32>} : memref<128x128xf32, #tpu.memory_space<vmem>>, vector<1x16xf32>,
      %swap3A_93 = arith.index_cast %scan3A_78 : i32 to index
      %swap3A_94 = arith.constant 48 : index
      %swap3A_95 = tpu.vector_load %arg10[%swap3A_93, %swap3A_94] {strides = array<i32>} : memref<128x128xf32, #tpu.memory_space<vmem>>, vector<1x16xf32>,
      %swap3A_96 = vector.shape_cast %swap3A_95 : vector<1x16xf32> to vector<16xf32>
      %swap3A_97 = vector.shape_cast %broadcast_in_dim3A_1 : vector<16xf32> to vector<1x16xf32>
      tpu.vector_store %arg10[%swap3A_93, %swap3A_94], %swap3A_97 {strides = array<i32>} : memref<128x128xf32, #tpu.memory_space<vmem>>, vector<1x16xf32>,
      %swap3A_98 = arith.index_cast %scan3A_78 : i32 to index
      %swap3A_99 = arith.constant 64 : index
      %swap3A_100 = tpu.vector_load %arg10[%swap3A_98, %swap3A_99] {strides = array<i32>} : memref<128x128xf32, #tpu.memory_space<vmem>>, vector<1x16xf32>,
      %swap3A_101 = vector.shape_cast %swap3A_100 : vector<1x16xf32> to vector<16xf32>
      %swap3A_102 = vector.shape_cast %broadcast_in_dim3A_1 : vector<16xf32> to vector<1x16xf32>
      tpu.vector_store %arg10[%swap3A_98, %swap3A_99], %swap3A_102 {strides = array<i32>} : memref<128x128xf32, #tpu.memory_space<vmem>>, vector<1x16xf32>,
      %swap3A_103 = arith.index_cast %scan3A_78 : i32 to index
      %swap3A_104 = arith.constant 80 : index
      %swap3A_105 = tpu.vector_load %arg10[%swap3A_103, %swap3A_104] {strides = array<i32>} : memref<128x128xf32, #tpu.memory_space<vmem>>, vector<1x16xf32>,
      %swap3A_106 = vector.shape_cast %swap3A_105 : vector<1x16xf32> to vector<16xf32>
      %swap3A_107 = vector.shape_cast %broadcast_in_dim3A_1 : vector<16xf32> to vector<1x16xf32>
      tpu.vector_store %arg10[%swap3A_103, %swap3A_104], %swap3A_107 {strides = array<i32>} : memref<128x128xf32, #tpu.memory_space<vmem>>, vector<1x16xf32>,
      %swap3A_108 = arith.index_cast %scan3A_78 : i32 to index
      %swap3A_109 = arith.constant 96 : index
      %swap3A_110 = tpu.vector_load %arg10[%swap3A_108, %swap3A_109] {strides = array<i32>} : memref<128x128xf32, #tpu.memory_space<vmem>>, vector<1x16xf32>,
      %swap3A_111 = vector.shape_cast %swap3A_110 : vector<1x16xf32> to vector<16xf32>
      %swap3A_112 = vector.shape_cast %broadcast_in_dim3A_1 : vector<16xf32> to vector<1x16xf32>
      tpu.vector_store %arg10[%swap3A_108, %swap3A_109], %swap3A_112 {strides = array<i32>} : memref<128x128xf32, #tpu.memory_space<vmem>>, vector<1x16xf32>,
      %swap3A_113 = arith.index_cast %scan3A_78 : i32 to index
      %swap3A_114 = arith.constant 112 : index
      %swap3A_115 = tpu.vector_load %arg10[%swap3A_113, %swap3A_114] {strides = array<i32>} : memref<128x128xf32, #tpu.memory_space<vmem>>, vector<1x16xf32>,
      %swap3A_116 = vector.shape_cast %swap3A_115 : vector<1x16xf32> to vector<16xf32>
      %swap3A_117 = vector.shape_cast %broadcast_in_dim3A_1 : vector<16xf32> to vector<1x16xf32>
      tpu.vector_store %arg10[%swap3A_113, %swap3A_114], %swap3A_117 {strides = array<i32>} : memref<128x128xf32, #tpu.memory_space<vmem>>, vector<1x16xf32>,
    }
    %scan3A_44 = arith.constant 128 : i32
    %mul3A_45 = arith.constant 640 : i32
    %mul3A_46 = arith.muli %arg1, %mul3A_45 : i32
    %add3A_47 = arith.constant 0 : i32
    %add3A_48 = arith.addi %mul3A_46, %add3A_47 : i32
    "tpu.region"() ({
      %run_scoped3A = tpu.sem_alloc : memref<!tpu.dma_semaphore, #tpu.memory_space<semaphore_mem>>
      %dma_start3A = arith.constant 0 : i32
      %dma_start3A_78 = tpu.memref_slice %arg11[%add3A_48, %dma_start3A] : memref<10240x128xf32, #tpu.memory_space<vmem_shared>> -> memref<128x128xf32, #tpu.memory_space<vmem_shared>>
      %dma_start3A_79 = arith.constant 0 : i32
      %dma_start3A_80 = tpu.memref_slice %arg11[%add3A_48, %dma_start3A_79] : memref<10240x128xf32, #tpu.memory_space<vmem_shared>> -> memref<128x128xf32, #tpu.memory_space<vmem_shared>>
      tpu.enqueue_dma source(%arg10 : memref<128x128xf32, #tpu.memory_space<vmem>>) target(%dma_start3A_80 : memref<128x128xf32, #tpu.memory_space<vmem_shared>>) target_semaphore(%run_scoped3A : memref<!tpu.dma_semaphore, #tpu.memory_space<semaphore_mem>>)
      %dma_wait3A = arith.constant 0 : i32
      %dma_wait3A_81 = tpu.memref_slice %arg11[%add3A_48, %dma_wait3A] : memref<10240x128xf32, #tpu.memory_space<vmem_shared>> -> memref<128x128xf32, #tpu.memory_space<vmem_shared>>
      %dma_wait3A_82 = arith.constant 0 : i32
      %dma_wait3A_83 = tpu.memref_slice %arg11[%add3A_48, %dma_wait3A_82] : memref<10240x128xf32, #tpu.memory_space<vmem_shared>> -> memref<128x128xf32, #tpu.memory_space<vmem_shared>>
      tpu.wait_dma2 semaphore(%run_scoped3A : memref<!tpu.dma_semaphore, #tpu.memory_space<semaphore_mem>>) src(%arg10 : memref<128x128xf32, #tpu.memory_space<vmem>>) dst(%dma_wait3A_83 : memref<128x128xf32, #tpu.memory_space<vmem_shared>>)
      tpu.yield
    }) : () -> ()
    %mul3A_49 = arith.constant 640 : i32
    %mul3A_50 = arith.muli %arg1, %mul3A_49 : i32
    %add3A_51 = arith.constant 128 : i32
    %add3A_52 = arith.addi %mul3A_50, %add3A_51 : i32
    "tpu.region"() ({
      %run_scoped3A = tpu.sem_alloc : memref<!tpu.dma_semaphore, #tpu.memory_space<semaphore_mem>>
      %dma_start3A = arith.constant 0 : i32
      %dma_start3A_78 = tpu.memref_slice %arg11[%add3A_52, %dma_start3A] : memref<10240x128xf32, #tpu.memory_space<vmem_shared>> -> memref<128x128xf32, #tpu.memory_space<vmem_shared>>
      %dma_start3A_79 = arith.constant 0 : i32
      %dma_start3A_80 = tpu.memref_slice %arg11[%add3A_52, %dma_start3A_79] : memref<10240x128xf32, #tpu.memory_space<vmem_shared>> -> memref<128x128xf32, #tpu.memory_space<vmem_shared>>
      tpu.enqueue_dma source(%arg10 : memref<128x128xf32, #tpu.memory_space<vmem>>) target(%dma_start3A_80 : memref<128x128xf32, #tpu.memory_space<vmem_shared>>) target_semaphore(%run_scoped3A : memref<!tpu.dma_semaphore, #tpu.memory_space<semaphore_mem>>)
      %dma_wait3A = arith.constant 0 : i32
      %dma_wait3A_81 = tpu.memref_slice %arg11[%add3A_52, %dma_wait3A] : memref<10240x128xf32, #tpu.memory_space<vmem_shared>> -> memref<128x128xf32, #tpu.memory_space<vmem_shared>>
      %dma_wait3A_82 = arith.constant 0 : i32
      %dma_wait3A_83 = tpu.memref_slice %arg11[%add3A_52, %dma_wait3A_82] : memref<10240x128xf32, #tpu.memory_space<vmem_shared>> -> memref<128x128xf32, #tpu.memory_space<vmem_shared>>
      tpu.wait_dma2 semaphore(%run_scoped3A : memref<!tpu.dma_semaphore, #tpu.memory_space<semaphore_mem>>) src(%arg10 : memref<128x128xf32, #tpu.memory_space<vmem>>) dst(%dma_wait3A_83 : memref<128x128xf32, #tpu.memory_space<vmem_shared>>)
      tpu.yield
    }) : () -> ()
    %mul3A_53 = arith.constant 640 : i32
    %mul3A_54 = arith.muli %arg1, %mul3A_53 : i32
    %add3A_55 = arith.constant 256 : i32
    %add3A_56 = arith.addi %mul3A_54, %add3A_55 : i32
    "tpu.region"() ({
      %run_scoped3A = tpu.sem_alloc : memref<!tpu.dma_semaphore, #tpu.memory_space<semaphore_mem>>
      %dma_start3A = arith.constant 0 : i32
      %dma_start3A_78 = tpu.memref_slice %arg11[%add3A_56, %dma_start3A] : memref<10240x128xf32, #tpu.memory_space<vmem_shared>> -> memref<128x128xf32, #tpu.memory_space<vmem_shared>>
      %dma_start3A_79 = arith.constant 0 : i32
      %dma_start3A_80 = tpu.memref_slice %arg11[%add3A_56, %dma_start3A_79] : memref<10240x128xf32, #tpu.memory_space<vmem_shared>> -> memref<128x128xf32, #tpu.memory_space<vmem_shared>>
      tpu.enqueue_dma source(%arg10 : memref<128x128xf32, #tpu.memory_space<vmem>>) target(%dma_start3A_80 : memref<128x128xf32, #tpu.memory_space<vmem_shared>>) target_semaphore(%run_scoped3A : memref<!tpu.dma_semaphore, #tpu.memory_space<semaphore_mem>>)
      %dma_wait3A = arith.constant 0 : i32
      %dma_wait3A_81 = tpu.memref_slice %arg11[%add3A_56, %dma_wait3A] : memref<10240x128xf32, #tpu.memory_space<vmem_shared>> -> memref<128x128xf32, #tpu.memory_space<vmem_shared>>
      %dma_wait3A_82 = arith.constant 0 : i32
      %dma_wait3A_83 = tpu.memref_slice %arg11[%add3A_56, %dma_wait3A_82] : memref<10240x128xf32, #tpu.memory_space<vmem_shared>> -> memref<128x128xf32, #tpu.memory_space<vmem_shared>>
      tpu.wait_dma2 semaphore(%run_scoped3A : memref<!tpu.dma_semaphore, #tpu.memory_space<semaphore_mem>>) src(%arg10 : memref<128x128xf32, #tpu.memory_space<vmem>>) dst(%dma_wait3A_83 : memref<128x128xf32, #tpu.memory_space<vmem_shared>>)
      tpu.yield
    }) : () -> ()
    %mul3A_57 = arith.constant 640 : i32
    %mul3A_58 = arith.muli %arg1, %mul3A_57 : i32
    %add3A_59 = arith.constant 384 : i32
    %add3A_60 = arith.addi %mul3A_58, %add3A_59 : i32
    "tpu.region"() ({
      %run_scoped3A = tpu.sem_alloc : memref<!tpu.dma_semaphore, #tpu.memory_space<semaphore_mem>>
      %dma_start3A = arith.constant 0 : i32
      %dma_start3A_78 = tpu.memref_slice %arg11[%add3A_60, %dma_start3A] : memref<10240x128xf32, #tpu.memory_space<vmem_shared>> -> memref<128x128xf32, #tpu.memory_space<vmem_shared>>
      %dma_start3A_79 = arith.constant 0 : i32
      %dma_start3A_80 = tpu.memref_slice %arg11[%add3A_60, %dma_start3A_79] : memref<10240x128xf32, #tpu.memory_space<vmem_shared>> -> memref<128x128xf32, #tpu.memory_space<vmem_shared>>
      tpu.enqueue_dma source(%arg10 : memref<128x128xf32, #tpu.memory_space<vmem>>) target(%dma_start3A_80 : memref<128x128xf32, #tpu.memory_space<vmem_shared>>) target_semaphore(%run_scoped3A : memref<!tpu.dma_semaphore, #tpu.memory_space<semaphore_mem>>)
      %dma_wait3A = arith.constant 0 : i32
      %dma_wait3A_81 = tpu.memref_slice %arg11[%add3A_60, %dma_wait3A] : memref<10240x128xf32, #tpu.memory_space<vmem_shared>> -> memref<128x128xf32, #tpu.memory_space<vmem_shared>>
      %dma_wait3A_82 = arith.constant 0 : i32
      %dma_wait3A_83 = tpu.memref_slice %arg11[%add3A_60, %dma_wait3A_82] : memref<10240x128xf32, #tpu.memory_space<vmem_shared>> -> memref<128x128xf32, #tpu.memory_space<vmem_shared>>
      tpu.wait_dma2 semaphore(%run_scoped3A : memref<!tpu.dma_semaphore, #tpu.memory_space<semaphore_mem>>) src(%arg10 : memref<128x128xf32, #tpu.memory_space<vmem>>) dst(%dma_wait3A_83 : memref<128x128xf32, #tpu.memory_space<vmem_shared>>)
      tpu.yield
    }) : () -> ()
    %mul3A_61 = arith.constant 640 : i32
    %mul3A_62 = arith.muli %arg1, %mul3A_61 : i32
    %add3A_63 = arith.constant 512 : i32
    %add3A_64 = arith.addi %mul3A_62, %add3A_63 : i32
    "tpu.region"() ({
      %run_scoped3A = tpu.sem_alloc : memref<!tpu.dma_semaphore, #tpu.memory_space<semaphore_mem>>
      %dma_start3A = arith.constant 0 : i32
      %dma_start3A_78 = tpu.memref_slice %arg11[%add3A_64, %dma_start3A] : memref<10240x128xf32, #tpu.memory_space<vmem_shared>> -> memref<128x128xf32, #tpu.memory_space<vmem_shared>>
      %dma_start3A_79 = arith.constant 0 : i32
      %dma_start3A_80 = tpu.memref_slice %arg11[%add3A_64, %dma_start3A_79] : memref<10240x128xf32, #tpu.memory_space<vmem_shared>> -> memref<128x128xf32, #tpu.memory_space<vmem_shared>>
      tpu.enqueue_dma source(%arg10 : memref<128x128xf32, #tpu.memory_space<vmem>>) target(%dma_start3A_80 : memref<128x128xf32, #tpu.memory_space<vmem_shared>>) target_semaphore(%run_scoped3A : memref<!tpu.dma_semaphore, #tpu.memory_space<semaphore_mem>>)
      %dma_wait3A = arith.constant 0 : i32
      %dma_wait3A_81 = tpu.memref_slice %arg11[%add3A_64, %dma_wait3A] : memref<10240x128xf32, #tpu.memory_space<vmem_shared>> -> memref<128x128xf32, #tpu.memory_space<vmem_shared>>
      %dma_wait3A_82 = arith.constant 0 : i32
      %dma_wait3A_83 = tpu.memref_slice %arg11[%add3A_64, %dma_wait3A_82] : memref<10240x128xf32, #tpu.memory_space<vmem_shared>> -> memref<128x128xf32, #tpu.memory_space<vmem_shared>>
      tpu.wait_dma2 semaphore(%run_scoped3A : memref<!tpu.dma_semaphore, #tpu.memory_space<semaphore_mem>>) src(%arg10 : memref<128x128xf32, #tpu.memory_space<vmem>>) dst(%dma_wait3A_83 : memref<128x128xf32, #tpu.memory_space<vmem_shared>>)
      tpu.yield
    }) : () -> ()
    %barrier3A_65 = arith.constant 0 : index
    tpu.barrier barrier_id(%barrier3A_65)
    %scan3A_66 = arith.constant 0 : i32
    %scan3A_67 = arith.constant 0 : i32
    %scan3A_68 = arith.constant 79 : i32
    %scan3A_69 = arith.addi %scan3A_67, %scan3A_68 : i32
    %scan3A_70 = arith.constant 1 : i32
    scf.for %scan3A_78 = %scan3A_67 to %scan3A_69 step %scan3A_70  : i32 {
      %dma_start3A = arith.constant 0 : i32
      %dma_start3A_79 = tpu.memref_slice %arg8[%scan3A_78, %dma_start3A] : memref<79x128xi32, #tpu.memory_space<vmem>> -> memref<1x128xi32, #tpu.memory_space<vmem>>
      %dma_start3A_80 = tpu.memref_squeeze %dma_start3A_79 : memref<1x128xi32, #tpu.memory_space<vmem>> -> memref<128xi32, #tpu.memory_space<vmem>>
      %dma_start3A_81 = arith.constant 0 : i32
      %dma_start3A_82 = arith.constant 0 : i32
      %dma_start3A_83 = tpu.memref_slice %arg5[%dma_start3A_81, %dma_start3A_82] : memref<10000x128xf32, #tpu.memory_space<hbm>> -> memref<10000x128xf32, #tpu.memory_space<hbm>>
      tpu.enqueue_indirect_dma source(%dma_start3A_83 : memref<10000x128xf32, #tpu.memory_space<hbm>>) target(%arg10 : memref<128x128xf32, #tpu.memory_space<vmem>>) offsets(%dma_start3A_80 : memref<128xi32, #tpu.memory_space<vmem>>) semaphore(%arg12 : memref<!tpu.dma_semaphore, #tpu.memory_space<semaphore_mem>>)
      %dma_wait3A = arith.constant 0 : i32
      %dma_wait3A_84 = tpu.memref_slice %arg8[%scan3A_78, %dma_wait3A] : memref<79x128xi32, #tpu.memory_space<vmem>> -> memref<1x128xi32, #tpu.memory_space<vmem>>
      %dma_wait3A_85 = tpu.memref_squeeze %dma_wait3A_84 : memref<1x128xi32, #tpu.memory_space<vmem>> -> memref<128xi32, #tpu.memory_space<vmem>>
      %dma_wait3A_86 = arith.constant 0 : i32
      %dma_wait3A_87 = arith.constant 0 : i32
      %dma_wait3A_88 = tpu.memref_slice %arg5[%dma_wait3A_86, %dma_wait3A_87] : memref<10000x128xf32, #tpu.memory_space<hbm>> -> memref<10000x128xf32, #tpu.memory_space<hbm>>
      tpu.wait_indirect_dma semaphore(%arg12 : memref<!tpu.dma_semaphore, #tpu.memory_space<semaphore_mem>>) src(%dma_wait3A_88 : memref<10000x128xf32, #tpu.memory_space<hbm>>) dst(%arg10 : memref<128x128xf32, #tpu.memory_space<vmem>>)
      "tpu.region"() ({
        %run_scoped3A = tpu.sem_alloc : memref<!tpu.dma_semaphore, #tpu.memory_space<semaphore_mem>>
        %dma_start3A_89 = arith.constant 0 : i32
        %dma_start3A_90 = tpu.memref_slice %arg9[%scan3A_78, %dma_start3A_89] : memref<79x128xi32, #tpu.memory_space<vmem>> -> memref<1x128xi32, #tpu.memory_space<vmem>>
        %dma_start3A_91 = tpu.memref_squeeze %dma_start3A_90 : memref<1x128xi32, #tpu.memory_space<vmem>> -> memref<128xi32, #tpu.memory_space<vmem>>
        %dma_start3A_92 = arith.constant 0 : i32
        %dma_start3A_93 = arith.constant 0 : i32
        %dma_start3A_94 = tpu.memref_slice %arg11[%dma_start3A_92, %dma_start3A_93] : memref<10240x128xf32, #tpu.memory_space<vmem_shared>> -> memref<10240x128xf32, #tpu.memory_space<vmem_shared>>
        tpu.enqueue_indirect_dma source(%arg10 : memref<128x128xf32, #tpu.memory_space<vmem>>) target(%dma_start3A_94 : memref<10240x128xf32, #tpu.memory_space<vmem_shared>>) offsets(%dma_start3A_91 : memref<128xi32, #tpu.memory_space<vmem>>) semaphore(%run_scoped3A : memref<!tpu.dma_semaphore, #tpu.memory_space<semaphore_mem>>) {add = true}
        %dma_wait3A_95 = arith.constant 0 : i32
        %dma_wait3A_96 = tpu.memref_slice %arg9[%scan3A_78, %dma_wait3A_95] : memref<79x128xi32, #tpu.memory_space<vmem>> -> memref<1x128xi32, #tpu.memory_space<vmem>>
        %dma_wait3A_97 = tpu.memref_squeeze %dma_wait3A_96 : memref<1x128xi32, #tpu.memory_space<vmem>> -> memref<128xi32, #tpu.memory_space<vmem>>
        %dma_wait3A_98 = arith.constant 0 : i32
        %dma_wait3A_99 = arith.constant 0 : i32
        %dma_wait3A_100 = tpu.memref_slice %arg11[%dma_wait3A_98, %dma_wait3A_99] : memref<10240x128xf32, #tpu.memory_space<vmem_shared>> -> memref<10240x128xf32, #tpu.memory_space<vmem_shared>>
        tpu.wait_indirect_dma semaphore(%run_scoped3A : memref<!tpu.dma_semaphore, #tpu.memory_space<semaphore_mem>>) src(%arg10 : memref<128x128xf32, #tpu.memory_space<vmem>>) dst(%dma_wait3A_100 : memref<10240x128xf32, #tpu.memory_space<vmem_shared>>)
        tpu.yield
      }) : () -> ()
    }
    %scan3A_71 = arith.constant 79 : i32
    %barrier3A_72 = arith.constant 0 : index
    tpu.barrier barrier_id(%barrier3A_72)
    %mul3A_73 = arith.constant 640 : i32
    %mul3A_74 = arith.muli %arg1, %mul3A_73 : i32
    %mul3A_75 = arith.constant 640 : i32
    %mul3A_76 = arith.muli %arg1, %mul3A_75 : i32
    "tpu.region"() ({
      %run_scoped3A = tpu.sem_alloc : memref<!tpu.dma_semaphore, #tpu.memory_space<semaphore_mem>>
      %dma_start3A = arith.constant 0 : i32
      %dma_start3A_78 = tpu.memref_slice %arg7[%arg0, %mul3A_76, %dma_start3A] : memref<2x10240x128xf32, #tpu.memory_space<hbm>> -> memref<1x640x128xf32, #tpu.memory_space<hbm>>
      %dma_start3A_79 = tpu.memref_squeeze %dma_start3A_78 : memref<1x640x128xf32, #tpu.memory_space<hbm>> -> memref<640x128xf32, #tpu.memory_space<hbm>>
      %dma_start3A_80 = arith.constant 0 : i32
      %dma_start3A_81 = tpu.memref_slice %arg11[%mul3A_74, %dma_start3A_80] : memref<10240x128xf32, #tpu.memory_space<vmem_shared>> -> memref<640x128xf32, #tpu.memory_space<vmem_shared>>
      tpu.enqueue_dma source(%dma_start3A_81 : memref<640x128xf32, #tpu.memory_space<vmem_shared>>) target(%dma_start3A_79 : memref<640x128xf32, #tpu.memory_space<hbm>>) target_semaphore(%run_scoped3A : memref<!tpu.dma_semaphore, #tpu.memory_space<semaphore_mem>>)
      %dma_wait3A = arith.constant 0 : i32
      %dma_wait3A_82 = tpu.memref_slice %arg7[%arg0, %mul3A_76, %dma_wait3A] : memref<2x10240x128xf32, #tpu.memory_space<hbm>> -> memref<1x640x128xf32, #tpu.memory_space<hbm>>
      %dma_wait3A_83 = tpu.memref_squeeze %dma_wait3A_82 : memref<1x640x128xf32, #tpu.memory_space<hbm>> -> memref<640x128xf32, #tpu.memory_space<hbm>>
      %dma_wait3A_84 = arith.constant 0 : i32
      %dma_wait3A_85 = tpu.memref_slice %arg11[%mul3A_74, %dma_wait3A_84] : memref<10240x128xf32, #tpu.memory_space<vmem_shared>> -> memref<640x128xf32, #tpu.memory_space<vmem_shared>>
      tpu.wait_dma2 semaphore(%run_scoped3A : memref<!tpu.dma_semaphore, #tpu.memory_space<semaphore_mem>>) src(%dma_wait3A_85 : memref<640x128xf32, #tpu.memory_space<vmem_shared>>) dst(%dma_wait3A_83 : memref<640x128xf32, #tpu.memory_space<hbm>>)
      tpu.yield
    }) : () -> ()
    %barrier3A_77 = arith.constant 0 : index
    tpu.barrier barrier_id(%barrier3A_77)
    return
  }
}

#map = affine_map<(d0, d1) -> (0, 0, 0)>
#map1 = affine_map<(d0, d1) -> (0, 0)>
module attributes {stable_mosaic.version = 14 : i64} {
  func.func @agg_k(%arg0: i32, %arg1: i32, %arg2: memref<32x79x128xi32, #tpu.memory_space<hbm>>, %arg3: memref<32x79x128xi32, #tpu.memory_space<hbm>>, %arg4: memref<10000x64xf32, #tpu.memory_space<hbm>>, %arg5: memref<2x10240x64xf32, #tpu.memory_space<hbm>>, %arg6: memref<79x128xi32, #tpu.memory_space<vmem>>, %arg7: memref<79x128xi32, #tpu.memory_space<vmem>>, %arg8: memref<128x64xf32, #tpu.memory_space<vmem>>, %arg9: memref<10240x64xf32, #tpu.memory_space<vmem_shared>>, %arg10: memref<!tpu.dma_semaphore, #tpu.memory_space<semaphore_mem>>) attributes {dimension_semantics = [#tpu.dimension_semantics<core_parallel>, #tpu.dimension_semantics<subcore_parallel>], iteration_bounds = array<i64: 2, 16>, scalar_prefetch = 0 : i64, scratch_operands = 5 : i64, tpu.core_type = #tpu.core_type<sc_vector_subcore>, window_params = [{transform_indices = #map}, {transform_indices = #map}, {transform_indices = #map1}, {transform_indices = #map}]} {
    %mul3A = arith.constant 2 : i32
    %mul3A_0 = arith.muli %arg1, %mul3A : i32
    %add3A = arith.addi %mul3A_0, %arg0 : i32
    "tpu.region"() ({
      %run_scoped3A = tpu.sem_alloc : memref<!tpu.dma_semaphore, #tpu.memory_space<semaphore_mem>>
      %dma_start3A = arith.constant 0 : i32
      %dma_start3A_39 = arith.constant 0 : i32
      %dma_start3A_40 = tpu.memref_slice %arg2[%add3A, %dma_start3A, %dma_start3A_39] : memref<32x79x128xi32, #tpu.memory_space<hbm>> -> memref<1x79x128xi32, #tpu.memory_space<hbm>>
      %dma_start3A_41 = tpu.memref_squeeze %dma_start3A_40 : memref<1x79x128xi32, #tpu.memory_space<hbm>> -> memref<79x128xi32, #tpu.memory_space<hbm>>
      %dma_start3A_42 = arith.constant 0 : i32
      %dma_start3A_43 = arith.constant 0 : i32
      %dma_start3A_44 = tpu.memref_slice %arg2[%add3A, %dma_start3A_42, %dma_start3A_43] : memref<32x79x128xi32, #tpu.memory_space<hbm>> -> memref<1x79x128xi32, #tpu.memory_space<hbm>>
      %dma_start3A_45 = tpu.memref_squeeze %dma_start3A_44 : memref<1x79x128xi32, #tpu.memory_space<hbm>> -> memref<79x128xi32, #tpu.memory_space<hbm>>
      tpu.enqueue_dma source(%dma_start3A_45 : memref<79x128xi32, #tpu.memory_space<hbm>>) target(%arg6 : memref<79x128xi32, #tpu.memory_space<vmem>>) target_semaphore(%run_scoped3A : memref<!tpu.dma_semaphore, #tpu.memory_space<semaphore_mem>>)
      %dma_wait3A = arith.constant 0 : i32
      %dma_wait3A_46 = arith.constant 0 : i32
      %dma_wait3A_47 = tpu.memref_slice %arg2[%add3A, %dma_wait3A, %dma_wait3A_46] : memref<32x79x128xi32, #tpu.memory_space<hbm>> -> memref<1x79x128xi32, #tpu.memory_space<hbm>>
      %dma_wait3A_48 = tpu.memref_squeeze %dma_wait3A_47 : memref<1x79x128xi32, #tpu.memory_space<hbm>> -> memref<79x128xi32, #tpu.memory_space<hbm>>
      %dma_wait3A_49 = arith.constant 0 : i32
      %dma_wait3A_50 = arith.constant 0 : i32
      %dma_wait3A_51 = tpu.memref_slice %arg2[%add3A, %dma_wait3A_49, %dma_wait3A_50] : memref<32x79x128xi32, #tpu.memory_space<hbm>> -> memref<1x79x128xi32, #tpu.memory_space<hbm>>
      %dma_wait3A_52 = tpu.memref_squeeze %dma_wait3A_51 : memref<1x79x128xi32, #tpu.memory_space<hbm>> -> memref<79x128xi32, #tpu.memory_space<hbm>>
      tpu.wait_dma2 semaphore(%run_scoped3A : memref<!tpu.dma_semaphore, #tpu.memory_space<semaphore_mem>>) src(%dma_wait3A_52 : memref<79x128xi32, #tpu.memory_space<hbm>>) dst(%arg6 : memref<79x128xi32, #tpu.memory_space<vmem>>)
      tpu.yield
    }) : () -> ()
    "tpu.region"() ({
      %run_scoped3A = tpu.sem_alloc : memref<!tpu.dma_semaphore, #tpu.memory_space<semaphore_mem>>
      %dma_start3A = arith.constant 0 : i32
      %dma_start3A_39 = arith.constant 0 : i32
      %dma_start3A_40 = tpu.memref_slice %arg3[%add3A, %dma_start3A, %dma_start3A_39] : memref<32x79x128xi32, #tpu.memory_space<hbm>> -> memref<1x79x128xi32, #tpu.memory_space<hbm>>
      %dma_start3A_41 = tpu.memref_squeeze %dma_start3A_40 : memref<1x79x128xi32, #tpu.memory_space<hbm>> -> memref<79x128xi32, #tpu.memory_space<hbm>>
      %dma_start3A_42 = arith.constant 0 : i32
      %dma_start3A_43 = arith.constant 0 : i32
      %dma_start3A_44 = tpu.memref_slice %arg3[%add3A, %dma_start3A_42, %dma_start3A_43] : memref<32x79x128xi32, #tpu.memory_space<hbm>> -> memref<1x79x128xi32, #tpu.memory_space<hbm>>
      %dma_start3A_45 = tpu.memref_squeeze %dma_start3A_44 : memref<1x79x128xi32, #tpu.memory_space<hbm>> -> memref<79x128xi32, #tpu.memory_space<hbm>>
      tpu.enqueue_dma source(%dma_start3A_45 : memref<79x128xi32, #tpu.memory_space<hbm>>) target(%arg7 : memref<79x128xi32, #tpu.memory_space<vmem>>) target_semaphore(%run_scoped3A : memref<!tpu.dma_semaphore, #tpu.memory_space<semaphore_mem>>)
      %dma_wait3A = arith.constant 0 : i32
      %dma_wait3A_46 = arith.constant 0 : i32
      %dma_wait3A_47 = tpu.memref_slice %arg3[%add3A, %dma_wait3A, %dma_wait3A_46] : memref<32x79x128xi32, #tpu.memory_space<hbm>> -> memref<1x79x128xi32, #tpu.memory_space<hbm>>
      %dma_wait3A_48 = tpu.memref_squeeze %dma_wait3A_47 : memref<1x79x128xi32, #tpu.memory_space<hbm>> -> memref<79x128xi32, #tpu.memory_space<hbm>>
      %dma_wait3A_49 = arith.constant 0 : i32
      %dma_wait3A_50 = arith.constant 0 : i32
      %dma_wait3A_51 = tpu.memref_slice %arg3[%add3A, %dma_wait3A_49, %dma_wait3A_50] : memref<32x79x128xi32, #tpu.memory_space<hbm>> -> memref<1x79x128xi32, #tpu.memory_space<hbm>>
      %dma_wait3A_52 = tpu.memref_squeeze %dma_wait3A_51 : memref<1x79x128xi32, #tpu.memory_space<hbm>> -> memref<79x128xi32, #tpu.memory_space<hbm>>
      tpu.wait_dma2 semaphore(%run_scoped3A : memref<!tpu.dma_semaphore, #tpu.memory_space<semaphore_mem>>) src(%dma_wait3A_52 : memref<79x128xi32, #tpu.memory_space<hbm>>) dst(%arg7 : memref<79x128xi32, #tpu.memory_space<vmem>>)
      tpu.yield
    }) : () -> ()
    %broadcast_in_dim3A = arith.constant 0.000000e+00 : f32
    %broadcast_in_dim3A_1 = vector.broadcast %broadcast_in_dim3A : f32 to vector<16xf32>
    %scan3A = arith.constant 0 : i32
    %scan3A_2 = arith.constant 0 : i32
    %scan3A_3 = arith.constant 128 : i32
    %scan3A_4 = arith.addi %scan3A_2, %scan3A_3 : i32
    %scan3A_5 = arith.constant 1 : i32
    scf.for %scan3A_39 = %scan3A_2 to %scan3A_4 step %scan3A_5  : i32 {
      %swap3A = arith.index_cast %scan3A_39 : i32 to index
      %swap3A_40 = arith.constant 0 : index
      %swap3A_41 = tpu.vector_load %arg8[%swap3A, %swap3A_40] {strides = array<i32>} : memref<128x64xf32, #tpu.memory_space<vmem>>, vector<1x16xf32>,
      %swap3A_42 = vector.shape_cast %swap3A_41 : vector<1x16xf32> to vector<16xf32>
      %swap3A_43 = vector.shape_cast %broadcast_in_dim3A_1 : vector<16xf32> to vector<1x16xf32>
      tpu.vector_store %arg8[%swap3A, %swap3A_40], %swap3A_43 {strides = array<i32>} : memref<128x64xf32, #tpu.memory_space<vmem>>, vector<1x16xf32>,
      %swap3A_44 = arith.index_cast %scan3A_39 : i32 to index
      %swap3A_45 = arith.constant 16 : index
      %swap3A_46 = tpu.vector_load %arg8[%swap3A_44, %swap3A_45] {strides = array<i32>} : memref<128x64xf32, #tpu.memory_space<vmem>>, vector<1x16xf32>,
      %swap3A_47 = vector.shape_cast %swap3A_46 : vector<1x16xf32> to vector<16xf32>
      %swap3A_48 = vector.shape_cast %broadcast_in_dim3A_1 : vector<16xf32> to vector<1x16xf32>
      tpu.vector_store %arg8[%swap3A_44, %swap3A_45], %swap3A_48 {strides = array<i32>} : memref<128x64xf32, #tpu.memory_space<vmem>>, vector<1x16xf32>,
      %swap3A_49 = arith.index_cast %scan3A_39 : i32 to index
      %swap3A_50 = arith.constant 32 : index
      %swap3A_51 = tpu.vector_load %arg8[%swap3A_49, %swap3A_50] {strides = array<i32>} : memref<128x64xf32, #tpu.memory_space<vmem>>, vector<1x16xf32>,
      %swap3A_52 = vector.shape_cast %swap3A_51 : vector<1x16xf32> to vector<16xf32>
      %swap3A_53 = vector.shape_cast %broadcast_in_dim3A_1 : vector<16xf32> to vector<1x16xf32>
      tpu.vector_store %arg8[%swap3A_49, %swap3A_50], %swap3A_53 {strides = array<i32>} : memref<128x64xf32, #tpu.memory_space<vmem>>, vector<1x16xf32>,
      %swap3A_54 = arith.index_cast %scan3A_39 : i32 to index
      %swap3A_55 = arith.constant 48 : index
      %swap3A_56 = tpu.vector_load %arg8[%swap3A_54, %swap3A_55] {strides = array<i32>} : memref<128x64xf32, #tpu.memory_space<vmem>>, vector<1x16xf32>,
      %swap3A_57 = vector.shape_cast %swap3A_56 : vector<1x16xf32> to vector<16xf32>
      %swap3A_58 = vector.shape_cast %broadcast_in_dim3A_1 : vector<16xf32> to vector<1x16xf32>
      tpu.vector_store %arg8[%swap3A_54, %swap3A_55], %swap3A_58 {strides = array<i32>} : memref<128x64xf32, #tpu.memory_space<vmem>>, vector<1x16xf32>,
    }
    %scan3A_6 = arith.constant 128 : i32
    %mul3A_7 = arith.constant 640 : i32
    %mul3A_8 = arith.muli %arg1, %mul3A_7 : i32
    %add3A_9 = arith.constant 0 : i32
    %add3A_10 = arith.addi %mul3A_8, %add3A_9 : i32
    "tpu.region"() ({
      %run_scoped3A = tpu.sem_alloc : memref<!tpu.dma_semaphore, #tpu.memory_space<semaphore_mem>>
      %dma_start3A = arith.constant 0 : i32
      %dma_start3A_39 = tpu.memref_slice %arg9[%add3A_10, %dma_start3A] : memref<10240x64xf32, #tpu.memory_space<vmem_shared>> -> memref<128x64xf32, #tpu.memory_space<vmem_shared>>
      %dma_start3A_40 = arith.constant 0 : i32
      %dma_start3A_41 = tpu.memref_slice %arg9[%add3A_10, %dma_start3A_40] : memref<10240x64xf32, #tpu.memory_space<vmem_shared>> -> memref<128x64xf32, #tpu.memory_space<vmem_shared>>
      tpu.enqueue_dma source(%arg8 : memref<128x64xf32, #tpu.memory_space<vmem>>) target(%dma_start3A_41 : memref<128x64xf32, #tpu.memory_space<vmem_shared>>) target_semaphore(%run_scoped3A : memref<!tpu.dma_semaphore, #tpu.memory_space<semaphore_mem>>)
      %dma_wait3A = arith.constant 0 : i32
      %dma_wait3A_42 = tpu.memref_slice %arg9[%add3A_10, %dma_wait3A] : memref<10240x64xf32, #tpu.memory_space<vmem_shared>> -> memref<128x64xf32, #tpu.memory_space<vmem_shared>>
      %dma_wait3A_43 = arith.constant 0 : i32
      %dma_wait3A_44 = tpu.memref_slice %arg9[%add3A_10, %dma_wait3A_43] : memref<10240x64xf32, #tpu.memory_space<vmem_shared>> -> memref<128x64xf32, #tpu.memory_space<vmem_shared>>
      tpu.wait_dma2 semaphore(%run_scoped3A : memref<!tpu.dma_semaphore, #tpu.memory_space<semaphore_mem>>) src(%arg8 : memref<128x64xf32, #tpu.memory_space<vmem>>) dst(%dma_wait3A_44 : memref<128x64xf32, #tpu.memory_space<vmem_shared>>)
      tpu.yield
    }) : () -> ()
    %mul3A_11 = arith.constant 640 : i32
    %mul3A_12 = arith.muli %arg1, %mul3A_11 : i32
    %add3A_13 = arith.constant 128 : i32
    %add3A_14 = arith.addi %mul3A_12, %add3A_13 : i32
    "tpu.region"() ({
      %run_scoped3A = tpu.sem_alloc : memref<!tpu.dma_semaphore, #tpu.memory_space<semaphore_mem>>
      %dma_start3A = arith.constant 0 : i32
      %dma_start3A_39 = tpu.memref_slice %arg9[%add3A_14, %dma_start3A] : memref<10240x64xf32, #tpu.memory_space<vmem_shared>> -> memref<128x64xf32, #tpu.memory_space<vmem_shared>>
      %dma_start3A_40 = arith.constant 0 : i32
      %dma_start3A_41 = tpu.memref_slice %arg9[%add3A_14, %dma_start3A_40] : memref<10240x64xf32, #tpu.memory_space<vmem_shared>> -> memref<128x64xf32, #tpu.memory_space<vmem_shared>>
      tpu.enqueue_dma source(%arg8 : memref<128x64xf32, #tpu.memory_space<vmem>>) target(%dma_start3A_41 : memref<128x64xf32, #tpu.memory_space<vmem_shared>>) target_semaphore(%run_scoped3A : memref<!tpu.dma_semaphore, #tpu.memory_space<semaphore_mem>>)
      %dma_wait3A = arith.constant 0 : i32
      %dma_wait3A_42 = tpu.memref_slice %arg9[%add3A_14, %dma_wait3A] : memref<10240x64xf32, #tpu.memory_space<vmem_shared>> -> memref<128x64xf32, #tpu.memory_space<vmem_shared>>
      %dma_wait3A_43 = arith.constant 0 : i32
      %dma_wait3A_44 = tpu.memref_slice %arg9[%add3A_14, %dma_wait3A_43] : memref<10240x64xf32, #tpu.memory_space<vmem_shared>> -> memref<128x64xf32, #tpu.memory_space<vmem_shared>>
      tpu.wait_dma2 semaphore(%run_scoped3A : memref<!tpu.dma_semaphore, #tpu.memory_space<semaphore_mem>>) src(%arg8 : memref<128x64xf32, #tpu.memory_space<vmem>>) dst(%dma_wait3A_44 : memref<128x64xf32, #tpu.memory_space<vmem_shared>>)
      tpu.yield
    }) : () -> ()
    %mul3A_15 = arith.constant 640 : i32
    %mul3A_16 = arith.muli %arg1, %mul3A_15 : i32
    %add3A_17 = arith.constant 256 : i32
    %add3A_18 = arith.addi %mul3A_16, %add3A_17 : i32
    "tpu.region"() ({
      %run_scoped3A = tpu.sem_alloc : memref<!tpu.dma_semaphore, #tpu.memory_space<semaphore_mem>>
      %dma_start3A = arith.constant 0 : i32
      %dma_start3A_39 = tpu.memref_slice %arg9[%add3A_18, %dma_start3A] : memref<10240x64xf32, #tpu.memory_space<vmem_shared>> -> memref<128x64xf32, #tpu.memory_space<vmem_shared>>
      %dma_start3A_40 = arith.constant 0 : i32
      %dma_start3A_41 = tpu.memref_slice %arg9[%add3A_18, %dma_start3A_40] : memref<10240x64xf32, #tpu.memory_space<vmem_shared>> -> memref<128x64xf32, #tpu.memory_space<vmem_shared>>
      tpu.enqueue_dma source(%arg8 : memref<128x64xf32, #tpu.memory_space<vmem>>) target(%dma_start3A_41 : memref<128x64xf32, #tpu.memory_space<vmem_shared>>) target_semaphore(%run_scoped3A : memref<!tpu.dma_semaphore, #tpu.memory_space<semaphore_mem>>)
      %dma_wait3A = arith.constant 0 : i32
      %dma_wait3A_42 = tpu.memref_slice %arg9[%add3A_18, %dma_wait3A] : memref<10240x64xf32, #tpu.memory_space<vmem_shared>> -> memref<128x64xf32, #tpu.memory_space<vmem_shared>>
      %dma_wait3A_43 = arith.constant 0 : i32
      %dma_wait3A_44 = tpu.memref_slice %arg9[%add3A_18, %dma_wait3A_43] : memref<10240x64xf32, #tpu.memory_space<vmem_shared>> -> memref<128x64xf32, #tpu.memory_space<vmem_shared>>
      tpu.wait_dma2 semaphore(%run_scoped3A : memref<!tpu.dma_semaphore, #tpu.memory_space<semaphore_mem>>) src(%arg8 : memref<128x64xf32, #tpu.memory_space<vmem>>) dst(%dma_wait3A_44 : memref<128x64xf32, #tpu.memory_space<vmem_shared>>)
      tpu.yield
    }) : () -> ()
    %mul3A_19 = arith.constant 640 : i32
    %mul3A_20 = arith.muli %arg1, %mul3A_19 : i32
    %add3A_21 = arith.constant 384 : i32
    %add3A_22 = arith.addi %mul3A_20, %add3A_21 : i32
    "tpu.region"() ({
      %run_scoped3A = tpu.sem_alloc : memref<!tpu.dma_semaphore, #tpu.memory_space<semaphore_mem>>
      %dma_start3A = arith.constant 0 : i32
      %dma_start3A_39 = tpu.memref_slice %arg9[%add3A_22, %dma_start3A] : memref<10240x64xf32, #tpu.memory_space<vmem_shared>> -> memref<128x64xf32, #tpu.memory_space<vmem_shared>>
      %dma_start3A_40 = arith.constant 0 : i32
      %dma_start3A_41 = tpu.memref_slice %arg9[%add3A_22, %dma_start3A_40] : memref<10240x64xf32, #tpu.memory_space<vmem_shared>> -> memref<128x64xf32, #tpu.memory_space<vmem_shared>>
      tpu.enqueue_dma source(%arg8 : memref<128x64xf32, #tpu.memory_space<vmem>>) target(%dma_start3A_41 : memref<128x64xf32, #tpu.memory_space<vmem_shared>>) target_semaphore(%run_scoped3A : memref<!tpu.dma_semaphore, #tpu.memory_space<semaphore_mem>>)
      %dma_wait3A = arith.constant 0 : i32
      %dma_wait3A_42 = tpu.memref_slice %arg9[%add3A_22, %dma_wait3A] : memref<10240x64xf32, #tpu.memory_space<vmem_shared>> -> memref<128x64xf32, #tpu.memory_space<vmem_shared>>
      %dma_wait3A_43 = arith.constant 0 : i32
      %dma_wait3A_44 = tpu.memref_slice %arg9[%add3A_22, %dma_wait3A_43] : memref<10240x64xf32, #tpu.memory_space<vmem_shared>> -> memref<128x64xf32, #tpu.memory_space<vmem_shared>>
      tpu.wait_dma2 semaphore(%run_scoped3A : memref<!tpu.dma_semaphore, #tpu.memory_space<semaphore_mem>>) src(%arg8 : memref<128x64xf32, #tpu.memory_space<vmem>>) dst(%dma_wait3A_44 : memref<128x64xf32, #tpu.memory_space<vmem_shared>>)
      tpu.yield
    }) : () -> ()
    %mul3A_23 = arith.constant 640 : i32
    %mul3A_24 = arith.muli %arg1, %mul3A_23 : i32
    %add3A_25 = arith.constant 512 : i32
    %add3A_26 = arith.addi %mul3A_24, %add3A_25 : i32
    "tpu.region"() ({
      %run_scoped3A = tpu.sem_alloc : memref<!tpu.dma_semaphore, #tpu.memory_space<semaphore_mem>>
      %dma_start3A = arith.constant 0 : i32
      %dma_start3A_39 = tpu.memref_slice %arg9[%add3A_26, %dma_start3A] : memref<10240x64xf32, #tpu.memory_space<vmem_shared>> -> memref<128x64xf32, #tpu.memory_space<vmem_shared>>
      %dma_start3A_40 = arith.constant 0 : i32
      %dma_start3A_41 = tpu.memref_slice %arg9[%add3A_26, %dma_start3A_40] : memref<10240x64xf32, #tpu.memory_space<vmem_shared>> -> memref<128x64xf32, #tpu.memory_space<vmem_shared>>
      tpu.enqueue_dma source(%arg8 : memref<128x64xf32, #tpu.memory_space<vmem>>) target(%dma_start3A_41 : memref<128x64xf32, #tpu.memory_space<vmem_shared>>) target_semaphore(%run_scoped3A : memref<!tpu.dma_semaphore, #tpu.memory_space<semaphore_mem>>)
      %dma_wait3A = arith.constant 0 : i32
      %dma_wait3A_42 = tpu.memref_slice %arg9[%add3A_26, %dma_wait3A] : memref<10240x64xf32, #tpu.memory_space<vmem_shared>> -> memref<128x64xf32, #tpu.memory_space<vmem_shared>>
      %dma_wait3A_43 = arith.constant 0 : i32
      %dma_wait3A_44 = tpu.memref_slice %arg9[%add3A_26, %dma_wait3A_43] : memref<10240x64xf32, #tpu.memory_space<vmem_shared>> -> memref<128x64xf32, #tpu.memory_space<vmem_shared>>
      tpu.wait_dma2 semaphore(%run_scoped3A : memref<!tpu.dma_semaphore, #tpu.memory_space<semaphore_mem>>) src(%arg8 : memref<128x64xf32, #tpu.memory_space<vmem>>) dst(%dma_wait3A_44 : memref<128x64xf32, #tpu.memory_space<vmem_shared>>)
      tpu.yield
    }) : () -> ()
    %barrier3A = arith.constant 0 : index
    tpu.barrier barrier_id(%barrier3A)
    %scan3A_27 = arith.constant 0 : i32
    %scan3A_28 = arith.constant 0 : i32
    %scan3A_29 = arith.constant 79 : i32
    %scan3A_30 = arith.addi %scan3A_28, %scan3A_29 : i32
    %scan3A_31 = arith.constant 1 : i32
    scf.for %scan3A_39 = %scan3A_28 to %scan3A_30 step %scan3A_31  : i32 {
      %dma_start3A = arith.constant 0 : i32
      %dma_start3A_40 = tpu.memref_slice %arg6[%scan3A_39, %dma_start3A] : memref<79x128xi32, #tpu.memory_space<vmem>> -> memref<1x128xi32, #tpu.memory_space<vmem>>
      %dma_start3A_41 = tpu.memref_squeeze %dma_start3A_40 : memref<1x128xi32, #tpu.memory_space<vmem>> -> memref<128xi32, #tpu.memory_space<vmem>>
      %dma_start3A_42 = arith.constant 0 : i32
      %dma_start3A_43 = arith.constant 0 : i32
      %dma_start3A_44 = tpu.memref_slice %arg4[%dma_start3A_42, %dma_start3A_43] : memref<10000x64xf32, #tpu.memory_space<hbm>> -> memref<10000x64xf32, #tpu.memory_space<hbm>>
      tpu.enqueue_indirect_dma source(%dma_start3A_44 : memref<10000x64xf32, #tpu.memory_space<hbm>>) target(%arg8 : memref<128x64xf32, #tpu.memory_space<vmem>>) offsets(%dma_start3A_41 : memref<128xi32, #tpu.memory_space<vmem>>) semaphore(%arg10 : memref<!tpu.dma_semaphore, #tpu.memory_space<semaphore_mem>>)
      %dma_wait3A = arith.constant 0 : i32
      %dma_wait3A_45 = tpu.memref_slice %arg6[%scan3A_39, %dma_wait3A] : memref<79x128xi32, #tpu.memory_space<vmem>> -> memref<1x128xi32, #tpu.memory_space<vmem>>
      %dma_wait3A_46 = tpu.memref_squeeze %dma_wait3A_45 : memref<1x128xi32, #tpu.memory_space<vmem>> -> memref<128xi32, #tpu.memory_space<vmem>>
      %dma_wait3A_47 = arith.constant 0 : i32
      %dma_wait3A_48 = arith.constant 0 : i32
      %dma_wait3A_49 = tpu.memref_slice %arg4[%dma_wait3A_47, %dma_wait3A_48] : memref<10000x64xf32, #tpu.memory_space<hbm>> -> memref<10000x64xf32, #tpu.memory_space<hbm>>
      tpu.wait_indirect_dma semaphore(%arg10 : memref<!tpu.dma_semaphore, #tpu.memory_space<semaphore_mem>>) src(%dma_wait3A_49 : memref<10000x64xf32, #tpu.memory_space<hbm>>) dst(%arg8 : memref<128x64xf32, #tpu.memory_space<vmem>>)
      "tpu.region"() ({
        %run_scoped3A = tpu.sem_alloc : memref<!tpu.dma_semaphore, #tpu.memory_space<semaphore_mem>>
        %dma_start3A_50 = arith.constant 0 : i32
        %dma_start3A_51 = tpu.memref_slice %arg7[%scan3A_39, %dma_start3A_50] : memref<79x128xi32, #tpu.memory_space<vmem>> -> memref<1x128xi32, #tpu.memory_space<vmem>>
        %dma_start3A_52 = tpu.memref_squeeze %dma_start3A_51 : memref<1x128xi32, #tpu.memory_space<vmem>> -> memref<128xi32, #tpu.memory_space<vmem>>
        %dma_start3A_53 = arith.constant 0 : i32
        %dma_start3A_54 = arith.constant 0 : i32
        %dma_start3A_55 = tpu.memref_slice %arg9[%dma_start3A_53, %dma_start3A_54] : memref<10240x64xf32, #tpu.memory_space<vmem_shared>> -> memref<10240x64xf32, #tpu.memory_space<vmem_shared>>
        tpu.enqueue_indirect_dma source(%arg8 : memref<128x64xf32, #tpu.memory_space<vmem>>) target(%dma_start3A_55 : memref<10240x64xf32, #tpu.memory_space<vmem_shared>>) offsets(%dma_start3A_52 : memref<128xi32, #tpu.memory_space<vmem>>) semaphore(%run_scoped3A : memref<!tpu.dma_semaphore, #tpu.memory_space<semaphore_mem>>) {add = true}
        %dma_wait3A_56 = arith.constant 0 : i32
        %dma_wait3A_57 = tpu.memref_slice %arg7[%scan3A_39, %dma_wait3A_56] : memref<79x128xi32, #tpu.memory_space<vmem>> -> memref<1x128xi32, #tpu.memory_space<vmem>>
        %dma_wait3A_58 = tpu.memref_squeeze %dma_wait3A_57 : memref<1x128xi32, #tpu.memory_space<vmem>> -> memref<128xi32, #tpu.memory_space<vmem>>
        %dma_wait3A_59 = arith.constant 0 : i32
        %dma_wait3A_60 = arith.constant 0 : i32
        %dma_wait3A_61 = tpu.memref_slice %arg9[%dma_wait3A_59, %dma_wait3A_60] : memref<10240x64xf32, #tpu.memory_space<vmem_shared>> -> memref<10240x64xf32, #tpu.memory_space<vmem_shared>>
        tpu.wait_indirect_dma semaphore(%run_scoped3A : memref<!tpu.dma_semaphore, #tpu.memory_space<semaphore_mem>>) src(%arg8 : memref<128x64xf32, #tpu.memory_space<vmem>>) dst(%dma_wait3A_61 : memref<10240x64xf32, #tpu.memory_space<vmem_shared>>)
        tpu.yield
      }) : () -> ()
    }
    %scan3A_32 = arith.constant 79 : i32
    %barrier3A_33 = arith.constant 0 : index
    tpu.barrier barrier_id(%barrier3A_33)
    %mul3A_34 = arith.constant 640 : i32
    %mul3A_35 = arith.muli %arg1, %mul3A_34 : i32
    %mul3A_36 = arith.constant 640 : i32
    %mul3A_37 = arith.muli %arg1, %mul3A_36 : i32
    "tpu.region"() ({
      %run_scoped3A = tpu.sem_alloc : memref<!tpu.dma_semaphore, #tpu.memory_space<semaphore_mem>>
      %dma_start3A = arith.constant 0 : i32
      %dma_start3A_39 = tpu.memref_slice %arg5[%arg0, %mul3A_37, %dma_start3A] : memref<2x10240x64xf32, #tpu.memory_space<hbm>> -> memref<1x640x64xf32, #tpu.memory_space<hbm>>
      %dma_start3A_40 = tpu.memref_squeeze %dma_start3A_39 : memref<1x640x64xf32, #tpu.memory_space<hbm>> -> memref<640x64xf32, #tpu.memory_space<hbm>>
      %dma_start3A_41 = arith.constant 0 : i32
      %dma_start3A_42 = tpu.memref_slice %arg9[%mul3A_35, %dma_start3A_41] : memref<10240x64xf32, #tpu.memory_space<vmem_shared>> -> memref<640x64xf32, #tpu.memory_space<vmem_shared>>
      tpu.enqueue_dma source(%dma_start3A_42 : memref<640x64xf32, #tpu.memory_space<vmem_shared>>) target(%dma_start3A_40 : memref<640x64xf32, #tpu.memory_space<hbm>>) target_semaphore(%run_scoped3A : memref<!tpu.dma_semaphore, #tpu.memory_space<semaphore_mem>>)
      %dma_wait3A = arith.constant 0 : i32
      %dma_wait3A_43 = tpu.memref_slice %arg5[%arg0, %mul3A_37, %dma_wait3A] : memref<2x10240x64xf32, #tpu.memory_space<hbm>> -> memref<1x640x64xf32, #tpu.memory_space<hbm>>
      %dma_wait3A_44 = tpu.memref_squeeze %dma_wait3A_43 : memref<1x640x64xf32, #tpu.memory_space<hbm>> -> memref<640x64xf32, #tpu.memory_space<hbm>>
      %dma_wait3A_45 = arith.constant 0 : i32
      %dma_wait3A_46 = tpu.memref_slice %arg9[%mul3A_35, %dma_wait3A_45] : memref<10240x64xf32, #tpu.memory_space<vmem_shared>> -> memref<640x64xf32, #tpu.memory_space<vmem_shared>>
      tpu.wait_dma2 semaphore(%run_scoped3A : memref<!tpu.dma_semaphore, #tpu.memory_space<semaphore_mem>>) src(%dma_wait3A_46 : memref<640x64xf32, #tpu.memory_space<vmem_shared>>) dst(%dma_wait3A_44 : memref<640x64xf32, #tpu.memory_space<hbm>>)
      tpu.yield
    }) : () -> ()
    %barrier3A_38 = arith.constant 0 : index
    tpu.barrier barrier_id(%barrier3A_38)
    return
  }
}

#map = affine_map<(d0, d1) -> (0, 0, 0)>
#map1 = affine_map<(d0, d1) -> (0, 0)>
module attributes {stable_mosaic.version = 14 : i64} {
  func.func @agg_k(%arg0: i32, %arg1: i32, %arg2: memref<32x79x128xi32, #tpu.memory_space<hbm>>, %arg3: memref<32x79x128xi32, #tpu.memory_space<hbm>>, %arg4: memref<10000x64xf32, #tpu.memory_space<hbm>>, %arg5: memref<2x10240x64xf32, #tpu.memory_space<hbm>>, %arg6: memref<79x128xi32, #tpu.memory_space<vmem>>, %arg7: memref<79x128xi32, #tpu.memory_space<vmem>>, %arg8: memref<128x64xf32, #tpu.memory_space<vmem>>, %arg9: memref<10240x64xf32, #tpu.memory_space<vmem_shared>>, %arg10: memref<!tpu.dma_semaphore, #tpu.memory_space<semaphore_mem>>) attributes {dimension_semantics = [#tpu.dimension_semantics<core_parallel>, #tpu.dimension_semantics<subcore_parallel>], iteration_bounds = array<i64: 2, 16>, scalar_prefetch = 0 : i64, scratch_operands = 5 : i64, tpu.core_type = #tpu.core_type<sc_vector_subcore>, window_params = [{transform_indices = #map}, {transform_indices = #map}, {transform_indices = #map1}, {transform_indices = #map}]} {
    %mul3A = arith.constant 2 : i32
    %mul3A_0 = arith.muli %arg1, %mul3A : i32
    %add3A = arith.addi %mul3A_0, %arg0 : i32
    "tpu.region"() ({
      %run_scoped3A = tpu.sem_alloc : memref<!tpu.dma_semaphore, #tpu.memory_space<semaphore_mem>>
      %dma_start3A = arith.constant 0 : i32
      %dma_start3A_39 = arith.constant 0 : i32
      %dma_start3A_40 = tpu.memref_slice %arg2[%add3A, %dma_start3A, %dma_start3A_39] : memref<32x79x128xi32, #tpu.memory_space<hbm>> -> memref<1x79x128xi32, #tpu.memory_space<hbm>>
      %dma_start3A_41 = tpu.memref_squeeze %dma_start3A_40 : memref<1x79x128xi32, #tpu.memory_space<hbm>> -> memref<79x128xi32, #tpu.memory_space<hbm>>
      %dma_start3A_42 = arith.constant 0 : i32
      %dma_start3A_43 = arith.constant 0 : i32
      %dma_start3A_44 = tpu.memref_slice %arg2[%add3A, %dma_start3A_42, %dma_start3A_43] : memref<32x79x128xi32, #tpu.memory_space<hbm>> -> memref<1x79x128xi32, #tpu.memory_space<hbm>>
      %dma_start3A_45 = tpu.memref_squeeze %dma_start3A_44 : memref<1x79x128xi32, #tpu.memory_space<hbm>> -> memref<79x128xi32, #tpu.memory_space<hbm>>
      tpu.enqueue_dma source(%dma_start3A_45 : memref<79x128xi32, #tpu.memory_space<hbm>>) target(%arg6 : memref<79x128xi32, #tpu.memory_space<vmem>>) target_semaphore(%run_scoped3A : memref<!tpu.dma_semaphore, #tpu.memory_space<semaphore_mem>>)
      %dma_wait3A = arith.constant 0 : i32
      %dma_wait3A_46 = arith.constant 0 : i32
      %dma_wait3A_47 = tpu.memref_slice %arg2[%add3A, %dma_wait3A, %dma_wait3A_46] : memref<32x79x128xi32, #tpu.memory_space<hbm>> -> memref<1x79x128xi32, #tpu.memory_space<hbm>>
      %dma_wait3A_48 = tpu.memref_squeeze %dma_wait3A_47 : memref<1x79x128xi32, #tpu.memory_space<hbm>> -> memref<79x128xi32, #tpu.memory_space<hbm>>
      %dma_wait3A_49 = arith.constant 0 : i32
      %dma_wait3A_50 = arith.constant 0 : i32
      %dma_wait3A_51 = tpu.memref_slice %arg2[%add3A, %dma_wait3A_49, %dma_wait3A_50] : memref<32x79x128xi32, #tpu.memory_space<hbm>> -> memref<1x79x128xi32, #tpu.memory_space<hbm>>
      %dma_wait3A_52 = tpu.memref_squeeze %dma_wait3A_51 : memref<1x79x128xi32, #tpu.memory_space<hbm>> -> memref<79x128xi32, #tpu.memory_space<hbm>>
      tpu.wait_dma2 semaphore(%run_scoped3A : memref<!tpu.dma_semaphore, #tpu.memory_space<semaphore_mem>>) src(%dma_wait3A_52 : memref<79x128xi32, #tpu.memory_space<hbm>>) dst(%arg6 : memref<79x128xi32, #tpu.memory_space<vmem>>)
      tpu.yield
    }) : () -> ()
    "tpu.region"() ({
      %run_scoped3A = tpu.sem_alloc : memref<!tpu.dma_semaphore, #tpu.memory_space<semaphore_mem>>
      %dma_start3A = arith.constant 0 : i32
      %dma_start3A_39 = arith.constant 0 : i32
      %dma_start3A_40 = tpu.memref_slice %arg3[%add3A, %dma_start3A, %dma_start3A_39] : memref<32x79x128xi32, #tpu.memory_space<hbm>> -> memref<1x79x128xi32, #tpu.memory_space<hbm>>
      %dma_start3A_41 = tpu.memref_squeeze %dma_start3A_40 : memref<1x79x128xi32, #tpu.memory_space<hbm>> -> memref<79x128xi32, #tpu.memory_space<hbm>>
      %dma_start3A_42 = arith.constant 0 : i32
      %dma_start3A_43 = arith.constant 0 : i32
      %dma_start3A_44 = tpu.memref_slice %arg3[%add3A, %dma_start3A_42, %dma_start3A_43] : memref<32x79x128xi32, #tpu.memory_space<hbm>> -> memref<1x79x128xi32, #tpu.memory_space<hbm>>
      %dma_start3A_45 = tpu.memref_squeeze %dma_start3A_44 : memref<1x79x128xi32, #tpu.memory_space<hbm>> -> memref<79x128xi32, #tpu.memory_space<hbm>>
      tpu.enqueue_dma source(%dma_start3A_45 : memref<79x128xi32, #tpu.memory_space<hbm>>) target(%arg7 : memref<79x128xi32, #tpu.memory_space<vmem>>) target_semaphore(%run_scoped3A : memref<!tpu.dma_semaphore, #tpu.memory_space<semaphore_mem>>)
      %dma_wait3A = arith.constant 0 : i32
      %dma_wait3A_46 = arith.constant 0 : i32
      %dma_wait3A_47 = tpu.memref_slice %arg3[%add3A, %dma_wait3A, %dma_wait3A_46] : memref<32x79x128xi32, #tpu.memory_space<hbm>> -> memref<1x79x128xi32, #tpu.memory_space<hbm>>
      %dma_wait3A_48 = tpu.memref_squeeze %dma_wait3A_47 : memref<1x79x128xi32, #tpu.memory_space<hbm>> -> memref<79x128xi32, #tpu.memory_space<hbm>>
      %dma_wait3A_49 = arith.constant 0 : i32
      %dma_wait3A_50 = arith.constant 0 : i32
      %dma_wait3A_51 = tpu.memref_slice %arg3[%add3A, %dma_wait3A_49, %dma_wait3A_50] : memref<32x79x128xi32, #tpu.memory_space<hbm>> -> memref<1x79x128xi32, #tpu.memory_space<hbm>>
      %dma_wait3A_52 = tpu.memref_squeeze %dma_wait3A_51 : memref<1x79x128xi32, #tpu.memory_space<hbm>> -> memref<79x128xi32, #tpu.memory_space<hbm>>
      tpu.wait_dma2 semaphore(%run_scoped3A : memref<!tpu.dma_semaphore, #tpu.memory_space<semaphore_mem>>) src(%dma_wait3A_52 : memref<79x128xi32, #tpu.memory_space<hbm>>) dst(%arg7 : memref<79x128xi32, #tpu.memory_space<vmem>>)
      tpu.yield
    }) : () -> ()
    %broadcast_in_dim3A = arith.constant 0.000000e+00 : f32
    %broadcast_in_dim3A_1 = vector.broadcast %broadcast_in_dim3A : f32 to vector<16xf32>
    %scan3A = arith.constant 0 : i32
    %scan3A_2 = arith.constant 0 : i32
    %scan3A_3 = arith.constant 128 : i32
    %scan3A_4 = arith.addi %scan3A_2, %scan3A_3 : i32
    %scan3A_5 = arith.constant 1 : i32
    scf.for %scan3A_39 = %scan3A_2 to %scan3A_4 step %scan3A_5  : i32 {
      %swap3A = arith.index_cast %scan3A_39 : i32 to index
      %swap3A_40 = arith.constant 0 : index
      %swap3A_41 = tpu.vector_load %arg8[%swap3A, %swap3A_40] {strides = array<i32>} : memref<128x64xf32, #tpu.memory_space<vmem>>, vector<1x16xf32>,
      %swap3A_42 = vector.shape_cast %swap3A_41 : vector<1x16xf32> to vector<16xf32>
      %swap3A_43 = vector.shape_cast %broadcast_in_dim3A_1 : vector<16xf32> to vector<1x16xf32>
      tpu.vector_store %arg8[%swap3A, %swap3A_40], %swap3A_43 {strides = array<i32>} : memref<128x64xf32, #tpu.memory_space<vmem>>, vector<1x16xf32>,
      %swap3A_44 = arith.index_cast %scan3A_39 : i32 to index
      %swap3A_45 = arith.constant 16 : index
      %swap3A_46 = tpu.vector_load %arg8[%swap3A_44, %swap3A_45] {strides = array<i32>} : memref<128x64xf32, #tpu.memory_space<vmem>>, vector<1x16xf32>,
      %swap3A_47 = vector.shape_cast %swap3A_46 : vector<1x16xf32> to vector<16xf32>
      %swap3A_48 = vector.shape_cast %broadcast_in_dim3A_1 : vector<16xf32> to vector<1x16xf32>
      tpu.vector_store %arg8[%swap3A_44, %swap3A_45], %swap3A_48 {strides = array<i32>} : memref<128x64xf32, #tpu.memory_space<vmem>>, vector<1x16xf32>,
      %swap3A_49 = arith.index_cast %scan3A_39 : i32 to index
      %swap3A_50 = arith.constant 32 : index
      %swap3A_51 = tpu.vector_load %arg8[%swap3A_49, %swap3A_50] {strides = array<i32>} : memref<128x64xf32, #tpu.memory_space<vmem>>, vector<1x16xf32>,
      %swap3A_52 = vector.shape_cast %swap3A_51 : vector<1x16xf32> to vector<16xf32>
      %swap3A_53 = vector.shape_cast %broadcast_in_dim3A_1 : vector<16xf32> to vector<1x16xf32>
      tpu.vector_store %arg8[%swap3A_49, %swap3A_50], %swap3A_53 {strides = array<i32>} : memref<128x64xf32, #tpu.memory_space<vmem>>, vector<1x16xf32>,
      %swap3A_54 = arith.index_cast %scan3A_39 : i32 to index
      %swap3A_55 = arith.constant 48 : index
      %swap3A_56 = tpu.vector_load %arg8[%swap3A_54, %swap3A_55] {strides = array<i32>} : memref<128x64xf32, #tpu.memory_space<vmem>>, vector<1x16xf32>,
      %swap3A_57 = vector.shape_cast %swap3A_56 : vector<1x16xf32> to vector<16xf32>
      %swap3A_58 = vector.shape_cast %broadcast_in_dim3A_1 : vector<16xf32> to vector<1x16xf32>
      tpu.vector_store %arg8[%swap3A_54, %swap3A_55], %swap3A_58 {strides = array<i32>} : memref<128x64xf32, #tpu.memory_space<vmem>>, vector<1x16xf32>,
    }
    %scan3A_6 = arith.constant 128 : i32
    %mul3A_7 = arith.constant 640 : i32
    %mul3A_8 = arith.muli %arg1, %mul3A_7 : i32
    %add3A_9 = arith.constant 0 : i32
    %add3A_10 = arith.addi %mul3A_8, %add3A_9 : i32
    "tpu.region"() ({
      %run_scoped3A = tpu.sem_alloc : memref<!tpu.dma_semaphore, #tpu.memory_space<semaphore_mem>>
      %dma_start3A = arith.constant 0 : i32
      %dma_start3A_39 = tpu.memref_slice %arg9[%add3A_10, %dma_start3A] : memref<10240x64xf32, #tpu.memory_space<vmem_shared>> -> memref<128x64xf32, #tpu.memory_space<vmem_shared>>
      %dma_start3A_40 = arith.constant 0 : i32
      %dma_start3A_41 = tpu.memref_slice %arg9[%add3A_10, %dma_start3A_40] : memref<10240x64xf32, #tpu.memory_space<vmem_shared>> -> memref<128x64xf32, #tpu.memory_space<vmem_shared>>
      tpu.enqueue_dma source(%arg8 : memref<128x64xf32, #tpu.memory_space<vmem>>) target(%dma_start3A_41 : memref<128x64xf32, #tpu.memory_space<vmem_shared>>) target_semaphore(%run_scoped3A : memref<!tpu.dma_semaphore, #tpu.memory_space<semaphore_mem>>)
      %dma_wait3A = arith.constant 0 : i32
      %dma_wait3A_42 = tpu.memref_slice %arg9[%add3A_10, %dma_wait3A] : memref<10240x64xf32, #tpu.memory_space<vmem_shared>> -> memref<128x64xf32, #tpu.memory_space<vmem_shared>>
      %dma_wait3A_43 = arith.constant 0 : i32
      %dma_wait3A_44 = tpu.memref_slice %arg9[%add3A_10, %dma_wait3A_43] : memref<10240x64xf32, #tpu.memory_space<vmem_shared>> -> memref<128x64xf32, #tpu.memory_space<vmem_shared>>
      tpu.wait_dma2 semaphore(%run_scoped3A : memref<!tpu.dma_semaphore, #tpu.memory_space<semaphore_mem>>) src(%arg8 : memref<128x64xf32, #tpu.memory_space<vmem>>) dst(%dma_wait3A_44 : memref<128x64xf32, #tpu.memory_space<vmem_shared>>)
      tpu.yield
    }) : () -> ()
    %mul3A_11 = arith.constant 640 : i32
    %mul3A_12 = arith.muli %arg1, %mul3A_11 : i32
    %add3A_13 = arith.constant 128 : i32
    %add3A_14 = arith.addi %mul3A_12, %add3A_13 : i32
    "tpu.region"() ({
      %run_scoped3A = tpu.sem_alloc : memref<!tpu.dma_semaphore, #tpu.memory_space<semaphore_mem>>
      %dma_start3A = arith.constant 0 : i32
      %dma_start3A_39 = tpu.memref_slice %arg9[%add3A_14, %dma_start3A] : memref<10240x64xf32, #tpu.memory_space<vmem_shared>> -> memref<128x64xf32, #tpu.memory_space<vmem_shared>>
      %dma_start3A_40 = arith.constant 0 : i32
      %dma_start3A_41 = tpu.memref_slice %arg9[%add3A_14, %dma_start3A_40] : memref<10240x64xf32, #tpu.memory_space<vmem_shared>> -> memref<128x64xf32, #tpu.memory_space<vmem_shared>>
      tpu.enqueue_dma source(%arg8 : memref<128x64xf32, #tpu.memory_space<vmem>>) target(%dma_start3A_41 : memref<128x64xf32, #tpu.memory_space<vmem_shared>>) target_semaphore(%run_scoped3A : memref<!tpu.dma_semaphore, #tpu.memory_space<semaphore_mem>>)
      %dma_wait3A = arith.constant 0 : i32
      %dma_wait3A_42 = tpu.memref_slice %arg9[%add3A_14, %dma_wait3A] : memref<10240x64xf32, #tpu.memory_space<vmem_shared>> -> memref<128x64xf32, #tpu.memory_space<vmem_shared>>
      %dma_wait3A_43 = arith.constant 0 : i32
      %dma_wait3A_44 = tpu.memref_slice %arg9[%add3A_14, %dma_wait3A_43] : memref<10240x64xf32, #tpu.memory_space<vmem_shared>> -> memref<128x64xf32, #tpu.memory_space<vmem_shared>>
      tpu.wait_dma2 semaphore(%run_scoped3A : memref<!tpu.dma_semaphore, #tpu.memory_space<semaphore_mem>>) src(%arg8 : memref<128x64xf32, #tpu.memory_space<vmem>>) dst(%dma_wait3A_44 : memref<128x64xf32, #tpu.memory_space<vmem_shared>>)
      tpu.yield
    }) : () -> ()
    %mul3A_15 = arith.constant 640 : i32
    %mul3A_16 = arith.muli %arg1, %mul3A_15 : i32
    %add3A_17 = arith.constant 256 : i32
    %add3A_18 = arith.addi %mul3A_16, %add3A_17 : i32
    "tpu.region"() ({
      %run_scoped3A = tpu.sem_alloc : memref<!tpu.dma_semaphore, #tpu.memory_space<semaphore_mem>>
      %dma_start3A = arith.constant 0 : i32
      %dma_start3A_39 = tpu.memref_slice %arg9[%add3A_18, %dma_start3A] : memref<10240x64xf32, #tpu.memory_space<vmem_shared>> -> memref<128x64xf32, #tpu.memory_space<vmem_shared>>
      %dma_start3A_40 = arith.constant 0 : i32
      %dma_start3A_41 = tpu.memref_slice %arg9[%add3A_18, %dma_start3A_40] : memref<10240x64xf32, #tpu.memory_space<vmem_shared>> -> memref<128x64xf32, #tpu.memory_space<vmem_shared>>
      tpu.enqueue_dma source(%arg8 : memref<128x64xf32, #tpu.memory_space<vmem>>) target(%dma_start3A_41 : memref<128x64xf32, #tpu.memory_space<vmem_shared>>) target_semaphore(%run_scoped3A : memref<!tpu.dma_semaphore, #tpu.memory_space<semaphore_mem>>)
      %dma_wait3A = arith.constant 0 : i32
      %dma_wait3A_42 = tpu.memref_slice %arg9[%add3A_18, %dma_wait3A] : memref<10240x64xf32, #tpu.memory_space<vmem_shared>> -> memref<128x64xf32, #tpu.memory_space<vmem_shared>>
      %dma_wait3A_43 = arith.constant 0 : i32
      %dma_wait3A_44 = tpu.memref_slice %arg9[%add3A_18, %dma_wait3A_43] : memref<10240x64xf32, #tpu.memory_space<vmem_shared>> -> memref<128x64xf32, #tpu.memory_space<vmem_shared>>
      tpu.wait_dma2 semaphore(%run_scoped3A : memref<!tpu.dma_semaphore, #tpu.memory_space<semaphore_mem>>) src(%arg8 : memref<128x64xf32, #tpu.memory_space<vmem>>) dst(%dma_wait3A_44 : memref<128x64xf32, #tpu.memory_space<vmem_shared>>)
      tpu.yield
    }) : () -> ()
    %mul3A_19 = arith.constant 640 : i32
    %mul3A_20 = arith.muli %arg1, %mul3A_19 : i32
    %add3A_21 = arith.constant 384 : i32
    %add3A_22 = arith.addi %mul3A_20, %add3A_21 : i32
    "tpu.region"() ({
      %run_scoped3A = tpu.sem_alloc : memref<!tpu.dma_semaphore, #tpu.memory_space<semaphore_mem>>
      %dma_start3A = arith.constant 0 : i32
      %dma_start3A_39 = tpu.memref_slice %arg9[%add3A_22, %dma_start3A] : memref<10240x64xf32, #tpu.memory_space<vmem_shared>> -> memref<128x64xf32, #tpu.memory_space<vmem_shared>>
      %dma_start3A_40 = arith.constant 0 : i32
      %dma_start3A_41 = tpu.memref_slice %arg9[%add3A_22, %dma_start3A_40] : memref<10240x64xf32, #tpu.memory_space<vmem_shared>> -> memref<128x64xf32, #tpu.memory_space<vmem_shared>>
      tpu.enqueue_dma source(%arg8 : memref<128x64xf32, #tpu.memory_space<vmem>>) target(%dma_start3A_41 : memref<128x64xf32, #tpu.memory_space<vmem_shared>>) target_semaphore(%run_scoped3A : memref<!tpu.dma_semaphore, #tpu.memory_space<semaphore_mem>>)
      %dma_wait3A = arith.constant 0 : i32
      %dma_wait3A_42 = tpu.memref_slice %arg9[%add3A_22, %dma_wait3A] : memref<10240x64xf32, #tpu.memory_space<vmem_shared>> -> memref<128x64xf32, #tpu.memory_space<vmem_shared>>
      %dma_wait3A_43 = arith.constant 0 : i32
      %dma_wait3A_44 = tpu.memref_slice %arg9[%add3A_22, %dma_wait3A_43] : memref<10240x64xf32, #tpu.memory_space<vmem_shared>> -> memref<128x64xf32, #tpu.memory_space<vmem_shared>>
      tpu.wait_dma2 semaphore(%run_scoped3A : memref<!tpu.dma_semaphore, #tpu.memory_space<semaphore_mem>>) src(%arg8 : memref<128x64xf32, #tpu.memory_space<vmem>>) dst(%dma_wait3A_44 : memref<128x64xf32, #tpu.memory_space<vmem_shared>>)
      tpu.yield
    }) : () -> ()
    %mul3A_23 = arith.constant 640 : i32
    %mul3A_24 = arith.muli %arg1, %mul3A_23 : i32
    %add3A_25 = arith.constant 512 : i32
    %add3A_26 = arith.addi %mul3A_24, %add3A_25 : i32
    "tpu.region"() ({
      %run_scoped3A = tpu.sem_alloc : memref<!tpu.dma_semaphore, #tpu.memory_space<semaphore_mem>>
      %dma_start3A = arith.constant 0 : i32
      %dma_start3A_39 = tpu.memref_slice %arg9[%add3A_26, %dma_start3A] : memref<10240x64xf32, #tpu.memory_space<vmem_shared>> -> memref<128x64xf32, #tpu.memory_space<vmem_shared>>
      %dma_start3A_40 = arith.constant 0 : i32
      %dma_start3A_41 = tpu.memref_slice %arg9[%add3A_26, %dma_start3A_40] : memref<10240x64xf32, #tpu.memory_space<vmem_shared>> -> memref<128x64xf32, #tpu.memory_space<vmem_shared>>
      tpu.enqueue_dma source(%arg8 : memref<128x64xf32, #tpu.memory_space<vmem>>) target(%dma_start3A_41 : memref<128x64xf32, #tpu.memory_space<vmem_shared>>) target_semaphore(%run_scoped3A : memref<!tpu.dma_semaphore, #tpu.memory_space<semaphore_mem>>)
      %dma_wait3A = arith.constant 0 : i32
      %dma_wait3A_42 = tpu.memref_slice %arg9[%add3A_26, %dma_wait3A] : memref<10240x64xf32, #tpu.memory_space<vmem_shared>> -> memref<128x64xf32, #tpu.memory_space<vmem_shared>>
      %dma_wait3A_43 = arith.constant 0 : i32
      %dma_wait3A_44 = tpu.memref_slice %arg9[%add3A_26, %dma_wait3A_43] : memref<10240x64xf32, #tpu.memory_space<vmem_shared>> -> memref<128x64xf32, #tpu.memory_space<vmem_shared>>
      tpu.wait_dma2 semaphore(%run_scoped3A : memref<!tpu.dma_semaphore, #tpu.memory_space<semaphore_mem>>) src(%arg8 : memref<128x64xf32, #tpu.memory_space<vmem>>) dst(%dma_wait3A_44 : memref<128x64xf32, #tpu.memory_space<vmem_shared>>)
      tpu.yield
    }) : () -> ()
    %barrier3A = arith.constant 0 : index
    tpu.barrier barrier_id(%barrier3A)
    %scan3A_27 = arith.constant 0 : i32
    %scan3A_28 = arith.constant 0 : i32
    %scan3A_29 = arith.constant 79 : i32
    %scan3A_30 = arith.addi %scan3A_28, %scan3A_29 : i32
    %scan3A_31 = arith.constant 1 : i32
    scf.for %scan3A_39 = %scan3A_28 to %scan3A_30 step %scan3A_31  : i32 {
      %dma_start3A = arith.constant 0 : i32
      %dma_start3A_40 = tpu.memref_slice %arg6[%scan3A_39, %dma_start3A] : memref<79x128xi32, #tpu.memory_space<vmem>> -> memref<1x128xi32, #tpu.memory_space<vmem>>
      %dma_start3A_41 = tpu.memref_squeeze %dma_start3A_40 : memref<1x128xi32, #tpu.memory_space<vmem>> -> memref<128xi32, #tpu.memory_space<vmem>>
      %dma_start3A_42 = arith.constant 0 : i32
      %dma_start3A_43 = arith.constant 0 : i32
      %dma_start3A_44 = tpu.memref_slice %arg4[%dma_start3A_42, %dma_start3A_43] : memref<10000x64xf32, #tpu.memory_space<hbm>> -> memref<10000x64xf32, #tpu.memory_space<hbm>>
      tpu.enqueue_indirect_dma source(%dma_start3A_44 : memref<10000x64xf32, #tpu.memory_space<hbm>>) target(%arg8 : memref<128x64xf32, #tpu.memory_space<vmem>>) offsets(%dma_start3A_41 : memref<128xi32, #tpu.memory_space<vmem>>) semaphore(%arg10 : memref<!tpu.dma_semaphore, #tpu.memory_space<semaphore_mem>>)
      %dma_wait3A = arith.constant 0 : i32
      %dma_wait3A_45 = tpu.memref_slice %arg6[%scan3A_39, %dma_wait3A] : memref<79x128xi32, #tpu.memory_space<vmem>> -> memref<1x128xi32, #tpu.memory_space<vmem>>
      %dma_wait3A_46 = tpu.memref_squeeze %dma_wait3A_45 : memref<1x128xi32, #tpu.memory_space<vmem>> -> memref<128xi32, #tpu.memory_space<vmem>>
      %dma_wait3A_47 = arith.constant 0 : i32
      %dma_wait3A_48 = arith.constant 0 : i32
      %dma_wait3A_49 = tpu.memref_slice %arg4[%dma_wait3A_47, %dma_wait3A_48] : memref<10000x64xf32, #tpu.memory_space<hbm>> -> memref<10000x64xf32, #tpu.memory_space<hbm>>
      tpu.wait_indirect_dma semaphore(%arg10 : memref<!tpu.dma_semaphore, #tpu.memory_space<semaphore_mem>>) src(%dma_wait3A_49 : memref<10000x64xf32, #tpu.memory_space<hbm>>) dst(%arg8 : memref<128x64xf32, #tpu.memory_space<vmem>>)
      "tpu.region"() ({
        %run_scoped3A = tpu.sem_alloc : memref<!tpu.dma_semaphore, #tpu.memory_space<semaphore_mem>>
        %dma_start3A_50 = arith.constant 0 : i32
        %dma_start3A_51 = tpu.memref_slice %arg7[%scan3A_39, %dma_start3A_50] : memref<79x128xi32, #tpu.memory_space<vmem>> -> memref<1x128xi32, #tpu.memory_space<vmem>>
        %dma_start3A_52 = tpu.memref_squeeze %dma_start3A_51 : memref<1x128xi32, #tpu.memory_space<vmem>> -> memref<128xi32, #tpu.memory_space<vmem>>
        %dma_start3A_53 = arith.constant 0 : i32
        %dma_start3A_54 = arith.constant 0 : i32
        %dma_start3A_55 = tpu.memref_slice %arg9[%dma_start3A_53, %dma_start3A_54] : memref<10240x64xf32, #tpu.memory_space<vmem_shared>> -> memref<10240x64xf32, #tpu.memory_space<vmem_shared>>
        tpu.enqueue_indirect_dma source(%arg8 : memref<128x64xf32, #tpu.memory_space<vmem>>) target(%dma_start3A_55 : memref<10240x64xf32, #tpu.memory_space<vmem_shared>>) offsets(%dma_start3A_52 : memref<128xi32, #tpu.memory_space<vmem>>) semaphore(%run_scoped3A : memref<!tpu.dma_semaphore, #tpu.memory_space<semaphore_mem>>) {add = true}
        %dma_wait3A_56 = arith.constant 0 : i32
        %dma_wait3A_57 = tpu.memref_slice %arg7[%scan3A_39, %dma_wait3A_56] : memref<79x128xi32, #tpu.memory_space<vmem>> -> memref<1x128xi32, #tpu.memory_space<vmem>>
        %dma_wait3A_58 = tpu.memref_squeeze %dma_wait3A_57 : memref<1x128xi32, #tpu.memory_space<vmem>> -> memref<128xi32, #tpu.memory_space<vmem>>
        %dma_wait3A_59 = arith.constant 0 : i32
        %dma_wait3A_60 = arith.constant 0 : i32
        %dma_wait3A_61 = tpu.memref_slice %arg9[%dma_wait3A_59, %dma_wait3A_60] : memref<10240x64xf32, #tpu.memory_space<vmem_shared>> -> memref<10240x64xf32, #tpu.memory_space<vmem_shared>>
        tpu.wait_indirect_dma semaphore(%run_scoped3A : memref<!tpu.dma_semaphore, #tpu.memory_space<semaphore_mem>>) src(%arg8 : memref<128x64xf32, #tpu.memory_space<vmem>>) dst(%dma_wait3A_61 : memref<10240x64xf32, #tpu.memory_space<vmem_shared>>)
        tpu.yield
      }) : () -> ()
    }
    %scan3A_32 = arith.constant 79 : i32
    %barrier3A_33 = arith.constant 0 : index
    tpu.barrier barrier_id(%barrier3A_33)
    %mul3A_34 = arith.constant 640 : i32
    %mul3A_35 = arith.muli %arg1, %mul3A_34 : i32
    %mul3A_36 = arith.constant 640 : i32
    %mul3A_37 = arith.muli %arg1, %mul3A_36 : i32
    "tpu.region"() ({
      %run_scoped3A = tpu.sem_alloc : memref<!tpu.dma_semaphore, #tpu.memory_space<semaphore_mem>>
      %dma_start3A = arith.constant 0 : i32
      %dma_start3A_39 = tpu.memref_slice %arg5[%arg0, %mul3A_37, %dma_start3A] : memref<2x10240x64xf32, #tpu.memory_space<hbm>> -> memref<1x640x64xf32, #tpu.memory_space<hbm>>
      %dma_start3A_40 = tpu.memref_squeeze %dma_start3A_39 : memref<1x640x64xf32, #tpu.memory_space<hbm>> -> memref<640x64xf32, #tpu.memory_space<hbm>>
      %dma_start3A_41 = arith.constant 0 : i32
      %dma_start3A_42 = tpu.memref_slice %arg9[%mul3A_35, %dma_start3A_41] : memref<10240x64xf32, #tpu.memory_space<vmem_shared>> -> memref<640x64xf32, #tpu.memory_space<vmem_shared>>
      tpu.enqueue_dma source(%dma_start3A_42 : memref<640x64xf32, #tpu.memory_space<vmem_shared>>) target(%dma_start3A_40 : memref<640x64xf32, #tpu.memory_space<hbm>>) target_semaphore(%run_scoped3A : memref<!tpu.dma_semaphore, #tpu.memory_space<semaphore_mem>>)
      %dma_wait3A = arith.constant 0 : i32
      %dma_wait3A_43 = tpu.memref_slice %arg5[%arg0, %mul3A_37, %dma_wait3A] : memref<2x10240x64xf32, #tpu.memory_space<hbm>> -> memref<1x640x64xf32, #tpu.memory_space<hbm>>
      %dma_wait3A_44 = tpu.memref_squeeze %dma_wait3A_43 : memref<1x640x64xf32, #tpu.memory_space<hbm>> -> memref<640x64xf32, #tpu.memory_space<hbm>>
      %dma_wait3A_45 = arith.constant 0 : i32
      %dma_wait3A_46 = tpu.memref_slice %arg9[%mul3A_35, %dma_wait3A_45] : memref<10240x64xf32, #tpu.memory_space<vmem_shared>> -> memref<640x64xf32, #tpu.memory_space<vmem_shared>>
      tpu.wait_dma2 semaphore(%run_scoped3A : memref<!tpu.dma_semaphore, #tpu.memory_space<semaphore_mem>>) src(%dma_wait3A_46 : memref<640x64xf32, #tpu.memory_space<vmem_shared>>) dst(%dma_wait3A_44 : memref<640x64xf32, #tpu.memory_space<hbm>>)
      tpu.yield
    }) : () -> ()
    %barrier3A_38 = arith.constant 0 : index
    tpu.barrier barrier_id(%barrier3A_38)
    return
  }
}

#map = affine_map<(d0, d1) -> (0, 0, 0)>
#map1 = affine_map<(d0, d1) -> (0, 0)>
module attributes {stable_mosaic.version = 14 : i64} {
  func.func @agg_k(%arg0: i32, %arg1: i32, %arg2: memref<32x79x128xi32, #tpu.memory_space<hbm>>, %arg3: memref<32x79x128xi32, #tpu.memory_space<hbm>>, %arg4: memref<10000x64xf32, #tpu.memory_space<hbm>>, %arg5: memref<2x10240x64xf32, #tpu.memory_space<hbm>>, %arg6: memref<79x128xi32, #tpu.memory_space<vmem>>, %arg7: memref<79x128xi32, #tpu.memory_space<vmem>>, %arg8: memref<128x64xf32, #tpu.memory_space<vmem>>, %arg9: memref<10240x64xf32, #tpu.memory_space<vmem_shared>>, %arg10: memref<!tpu.dma_semaphore, #tpu.memory_space<semaphore_mem>>) attributes {dimension_semantics = [#tpu.dimension_semantics<core_parallel>, #tpu.dimension_semantics<subcore_parallel>], iteration_bounds = array<i64: 2, 16>, scalar_prefetch = 0 : i64, scratch_operands = 5 : i64, tpu.core_type = #tpu.core_type<sc_vector_subcore>, window_params = [{transform_indices = #map}, {transform_indices = #map}, {transform_indices = #map1}, {transform_indices = #map}]} {
    %mul3A = arith.constant 2 : i32
    %mul3A_0 = arith.muli %arg1, %mul3A : i32
    %add3A = arith.addi %mul3A_0, %arg0 : i32
    "tpu.region"() ({
      %run_scoped3A = tpu.sem_alloc : memref<!tpu.dma_semaphore, #tpu.memory_space<semaphore_mem>>
      %dma_start3A = arith.constant 0 : i32
      %dma_start3A_39 = arith.constant 0 : i32
      %dma_start3A_40 = tpu.memref_slice %arg2[%add3A, %dma_start3A, %dma_start3A_39] : memref<32x79x128xi32, #tpu.memory_space<hbm>> -> memref<1x79x128xi32, #tpu.memory_space<hbm>>
      %dma_start3A_41 = tpu.memref_squeeze %dma_start3A_40 : memref<1x79x128xi32, #tpu.memory_space<hbm>> -> memref<79x128xi32, #tpu.memory_space<hbm>>
      %dma_start3A_42 = arith.constant 0 : i32
      %dma_start3A_43 = arith.constant 0 : i32
      %dma_start3A_44 = tpu.memref_slice %arg2[%add3A, %dma_start3A_42, %dma_start3A_43] : memref<32x79x128xi32, #tpu.memory_space<hbm>> -> memref<1x79x128xi32, #tpu.memory_space<hbm>>
      %dma_start3A_45 = tpu.memref_squeeze %dma_start3A_44 : memref<1x79x128xi32, #tpu.memory_space<hbm>> -> memref<79x128xi32, #tpu.memory_space<hbm>>
      tpu.enqueue_dma source(%dma_start3A_45 : memref<79x128xi32, #tpu.memory_space<hbm>>) target(%arg6 : memref<79x128xi32, #tpu.memory_space<vmem>>) target_semaphore(%run_scoped3A : memref<!tpu.dma_semaphore, #tpu.memory_space<semaphore_mem>>)
      %dma_wait3A = arith.constant 0 : i32
      %dma_wait3A_46 = arith.constant 0 : i32
      %dma_wait3A_47 = tpu.memref_slice %arg2[%add3A, %dma_wait3A, %dma_wait3A_46] : memref<32x79x128xi32, #tpu.memory_space<hbm>> -> memref<1x79x128xi32, #tpu.memory_space<hbm>>
      %dma_wait3A_48 = tpu.memref_squeeze %dma_wait3A_47 : memref<1x79x128xi32, #tpu.memory_space<hbm>> -> memref<79x128xi32, #tpu.memory_space<hbm>>
      %dma_wait3A_49 = arith.constant 0 : i32
      %dma_wait3A_50 = arith.constant 0 : i32
      %dma_wait3A_51 = tpu.memref_slice %arg2[%add3A, %dma_wait3A_49, %dma_wait3A_50] : memref<32x79x128xi32, #tpu.memory_space<hbm>> -> memref<1x79x128xi32, #tpu.memory_space<hbm>>
      %dma_wait3A_52 = tpu.memref_squeeze %dma_wait3A_51 : memref<1x79x128xi32, #tpu.memory_space<hbm>> -> memref<79x128xi32, #tpu.memory_space<hbm>>
      tpu.wait_dma2 semaphore(%run_scoped3A : memref<!tpu.dma_semaphore, #tpu.memory_space<semaphore_mem>>) src(%dma_wait3A_52 : memref<79x128xi32, #tpu.memory_space<hbm>>) dst(%arg6 : memref<79x128xi32, #tpu.memory_space<vmem>>)
      tpu.yield
    }) : () -> ()
    "tpu.region"() ({
      %run_scoped3A = tpu.sem_alloc : memref<!tpu.dma_semaphore, #tpu.memory_space<semaphore_mem>>
      %dma_start3A = arith.constant 0 : i32
      %dma_start3A_39 = arith.constant 0 : i32
      %dma_start3A_40 = tpu.memref_slice %arg3[%add3A, %dma_start3A, %dma_start3A_39] : memref<32x79x128xi32, #tpu.memory_space<hbm>> -> memref<1x79x128xi32, #tpu.memory_space<hbm>>
      %dma_start3A_41 = tpu.memref_squeeze %dma_start3A_40 : memref<1x79x128xi32, #tpu.memory_space<hbm>> -> memref<79x128xi32, #tpu.memory_space<hbm>>
      %dma_start3A_42 = arith.constant 0 : i32
      %dma_start3A_43 = arith.constant 0 : i32
      %dma_start3A_44 = tpu.memref_slice %arg3[%add3A, %dma_start3A_42, %dma_start3A_43] : memref<32x79x128xi32, #tpu.memory_space<hbm>> -> memref<1x79x128xi32, #tpu.memory_space<hbm>>
      %dma_start3A_45 = tpu.memref_squeeze %dma_start3A_44 : memref<1x79x128xi32, #tpu.memory_space<hbm>> -> memref<79x128xi32, #tpu.memory_space<hbm>>
      tpu.enqueue_dma source(%dma_start3A_45 : memref<79x128xi32, #tpu.memory_space<hbm>>) target(%arg7 : memref<79x128xi32, #tpu.memory_space<vmem>>) target_semaphore(%run_scoped3A : memref<!tpu.dma_semaphore, #tpu.memory_space<semaphore_mem>>)
      %dma_wait3A = arith.constant 0 : i32
      %dma_wait3A_46 = arith.constant 0 : i32
      %dma_wait3A_47 = tpu.memref_slice %arg3[%add3A, %dma_wait3A, %dma_wait3A_46] : memref<32x79x128xi32, #tpu.memory_space<hbm>> -> memref<1x79x128xi32, #tpu.memory_space<hbm>>
      %dma_wait3A_48 = tpu.memref_squeeze %dma_wait3A_47 : memref<1x79x128xi32, #tpu.memory_space<hbm>> -> memref<79x128xi32, #tpu.memory_space<hbm>>
      %dma_wait3A_49 = arith.constant 0 : i32
      %dma_wait3A_50 = arith.constant 0 : i32
      %dma_wait3A_51 = tpu.memref_slice %arg3[%add3A, %dma_wait3A_49, %dma_wait3A_50] : memref<32x79x128xi32, #tpu.memory_space<hbm>> -> memref<1x79x128xi32, #tpu.memory_space<hbm>>
      %dma_wait3A_52 = tpu.memref_squeeze %dma_wait3A_51 : memref<1x79x128xi32, #tpu.memory_space<hbm>> -> memref<79x128xi32, #tpu.memory_space<hbm>>
      tpu.wait_dma2 semaphore(%run_scoped3A : memref<!tpu.dma_semaphore, #tpu.memory_space<semaphore_mem>>) src(%dma_wait3A_52 : memref<79x128xi32, #tpu.memory_space<hbm>>) dst(%arg7 : memref<79x128xi32, #tpu.memory_space<vmem>>)
      tpu.yield
    }) : () -> ()
    %broadcast_in_dim3A = arith.constant 0.000000e+00 : f32
    %broadcast_in_dim3A_1 = vector.broadcast %broadcast_in_dim3A : f32 to vector<16xf32>
    %scan3A = arith.constant 0 : i32
    %scan3A_2 = arith.constant 0 : i32
    %scan3A_3 = arith.constant 128 : i32
    %scan3A_4 = arith.addi %scan3A_2, %scan3A_3 : i32
    %scan3A_5 = arith.constant 1 : i32
    scf.for %scan3A_39 = %scan3A_2 to %scan3A_4 step %scan3A_5  : i32 {
      %swap3A = arith.index_cast %scan3A_39 : i32 to index
      %swap3A_40 = arith.constant 0 : index
      %swap3A_41 = tpu.vector_load %arg8[%swap3A, %swap3A_40] {strides = array<i32>} : memref<128x64xf32, #tpu.memory_space<vmem>>, vector<1x16xf32>,
      %swap3A_42 = vector.shape_cast %swap3A_41 : vector<1x16xf32> to vector<16xf32>
      %swap3A_43 = vector.shape_cast %broadcast_in_dim3A_1 : vector<16xf32> to vector<1x16xf32>
      tpu.vector_store %arg8[%swap3A, %swap3A_40], %swap3A_43 {strides = array<i32>} : memref<128x64xf32, #tpu.memory_space<vmem>>, vector<1x16xf32>,
      %swap3A_44 = arith.index_cast %scan3A_39 : i32 to index
      %swap3A_45 = arith.constant 16 : index
      %swap3A_46 = tpu.vector_load %arg8[%swap3A_44, %swap3A_45] {strides = array<i32>} : memref<128x64xf32, #tpu.memory_space<vmem>>, vector<1x16xf32>,
      %swap3A_47 = vector.shape_cast %swap3A_46 : vector<1x16xf32> to vector<16xf32>
      %swap3A_48 = vector.shape_cast %broadcast_in_dim3A_1 : vector<16xf32> to vector<1x16xf32>
      tpu.vector_store %arg8[%swap3A_44, %swap3A_45], %swap3A_48 {strides = array<i32>} : memref<128x64xf32, #tpu.memory_space<vmem>>, vector<1x16xf32>,
      %swap3A_49 = arith.index_cast %scan3A_39 : i32 to index
      %swap3A_50 = arith.constant 32 : index
      %swap3A_51 = tpu.vector_load %arg8[%swap3A_49, %swap3A_50] {strides = array<i32>} : memref<128x64xf32, #tpu.memory_space<vmem>>, vector<1x16xf32>,
      %swap3A_52 = vector.shape_cast %swap3A_51 : vector<1x16xf32> to vector<16xf32>
      %swap3A_53 = vector.shape_cast %broadcast_in_dim3A_1 : vector<16xf32> to vector<1x16xf32>
      tpu.vector_store %arg8[%swap3A_49, %swap3A_50], %swap3A_53 {strides = array<i32>} : memref<128x64xf32, #tpu.memory_space<vmem>>, vector<1x16xf32>,
      %swap3A_54 = arith.index_cast %scan3A_39 : i32 to index
      %swap3A_55 = arith.constant 48 : index
      %swap3A_56 = tpu.vector_load %arg8[%swap3A_54, %swap3A_55] {strides = array<i32>} : memref<128x64xf32, #tpu.memory_space<vmem>>, vector<1x16xf32>,
      %swap3A_57 = vector.shape_cast %swap3A_56 : vector<1x16xf32> to vector<16xf32>
      %swap3A_58 = vector.shape_cast %broadcast_in_dim3A_1 : vector<16xf32> to vector<1x16xf32>
      tpu.vector_store %arg8[%swap3A_54, %swap3A_55], %swap3A_58 {strides = array<i32>} : memref<128x64xf32, #tpu.memory_space<vmem>>, vector<1x16xf32>,
    }
    %scan3A_6 = arith.constant 128 : i32
    %mul3A_7 = arith.constant 640 : i32
    %mul3A_8 = arith.muli %arg1, %mul3A_7 : i32
    %add3A_9 = arith.constant 0 : i32
    %add3A_10 = arith.addi %mul3A_8, %add3A_9 : i32
    "tpu.region"() ({
      %run_scoped3A = tpu.sem_alloc : memref<!tpu.dma_semaphore, #tpu.memory_space<semaphore_mem>>
      %dma_start3A = arith.constant 0 : i32
      %dma_start3A_39 = tpu.memref_slice %arg9[%add3A_10, %dma_start3A] : memref<10240x64xf32, #tpu.memory_space<vmem_shared>> -> memref<128x64xf32, #tpu.memory_space<vmem_shared>>
      %dma_start3A_40 = arith.constant 0 : i32
      %dma_start3A_41 = tpu.memref_slice %arg9[%add3A_10, %dma_start3A_40] : memref<10240x64xf32, #tpu.memory_space<vmem_shared>> -> memref<128x64xf32, #tpu.memory_space<vmem_shared>>
      tpu.enqueue_dma source(%arg8 : memref<128x64xf32, #tpu.memory_space<vmem>>) target(%dma_start3A_41 : memref<128x64xf32, #tpu.memory_space<vmem_shared>>) target_semaphore(%run_scoped3A : memref<!tpu.dma_semaphore, #tpu.memory_space<semaphore_mem>>)
      %dma_wait3A = arith.constant 0 : i32
      %dma_wait3A_42 = tpu.memref_slice %arg9[%add3A_10, %dma_wait3A] : memref<10240x64xf32, #tpu.memory_space<vmem_shared>> -> memref<128x64xf32, #tpu.memory_space<vmem_shared>>
      %dma_wait3A_43 = arith.constant 0 : i32
      %dma_wait3A_44 = tpu.memref_slice %arg9[%add3A_10, %dma_wait3A_43] : memref<10240x64xf32, #tpu.memory_space<vmem_shared>> -> memref<128x64xf32, #tpu.memory_space<vmem_shared>>
      tpu.wait_dma2 semaphore(%run_scoped3A : memref<!tpu.dma_semaphore, #tpu.memory_space<semaphore_mem>>) src(%arg8 : memref<128x64xf32, #tpu.memory_space<vmem>>) dst(%dma_wait3A_44 : memref<128x64xf32, #tpu.memory_space<vmem_shared>>)
      tpu.yield
    }) : () -> ()
    %mul3A_11 = arith.constant 640 : i32
    %mul3A_12 = arith.muli %arg1, %mul3A_11 : i32
    %add3A_13 = arith.constant 128 : i32
    %add3A_14 = arith.addi %mul3A_12, %add3A_13 : i32
    "tpu.region"() ({
      %run_scoped3A = tpu.sem_alloc : memref<!tpu.dma_semaphore, #tpu.memory_space<semaphore_mem>>
      %dma_start3A = arith.constant 0 : i32
      %dma_start3A_39 = tpu.memref_slice %arg9[%add3A_14, %dma_start3A] : memref<10240x64xf32, #tpu.memory_space<vmem_shared>> -> memref<128x64xf32, #tpu.memory_space<vmem_shared>>
      %dma_start3A_40 = arith.constant 0 : i32
      %dma_start3A_41 = tpu.memref_slice %arg9[%add3A_14, %dma_start3A_40] : memref<10240x64xf32, #tpu.memory_space<vmem_shared>> -> memref<128x64xf32, #tpu.memory_space<vmem_shared>>
      tpu.enqueue_dma source(%arg8 : memref<128x64xf32, #tpu.memory_space<vmem>>) target(%dma_start3A_41 : memref<128x64xf32, #tpu.memory_space<vmem_shared>>) target_semaphore(%run_scoped3A : memref<!tpu.dma_semaphore, #tpu.memory_space<semaphore_mem>>)
      %dma_wait3A = arith.constant 0 : i32
      %dma_wait3A_42 = tpu.memref_slice %arg9[%add3A_14, %dma_wait3A] : memref<10240x64xf32, #tpu.memory_space<vmem_shared>> -> memref<128x64xf32, #tpu.memory_space<vmem_shared>>
      %dma_wait3A_43 = arith.constant 0 : i32
      %dma_wait3A_44 = tpu.memref_slice %arg9[%add3A_14, %dma_wait3A_43] : memref<10240x64xf32, #tpu.memory_space<vmem_shared>> -> memref<128x64xf32, #tpu.memory_space<vmem_shared>>
      tpu.wait_dma2 semaphore(%run_scoped3A : memref<!tpu.dma_semaphore, #tpu.memory_space<semaphore_mem>>) src(%arg8 : memref<128x64xf32, #tpu.memory_space<vmem>>) dst(%dma_wait3A_44 : memref<128x64xf32, #tpu.memory_space<vmem_shared>>)
      tpu.yield
    }) : () -> ()
    %mul3A_15 = arith.constant 640 : i32
    %mul3A_16 = arith.muli %arg1, %mul3A_15 : i32
    %add3A_17 = arith.constant 256 : i32
    %add3A_18 = arith.addi %mul3A_16, %add3A_17 : i32
    "tpu.region"() ({
      %run_scoped3A = tpu.sem_alloc : memref<!tpu.dma_semaphore, #tpu.memory_space<semaphore_mem>>
      %dma_start3A = arith.constant 0 : i32
      %dma_start3A_39 = tpu.memref_slice %arg9[%add3A_18, %dma_start3A] : memref<10240x64xf32, #tpu.memory_space<vmem_shared>> -> memref<128x64xf32, #tpu.memory_space<vmem_shared>>
      %dma_start3A_40 = arith.constant 0 : i32
      %dma_start3A_41 = tpu.memref_slice %arg9[%add3A_18, %dma_start3A_40] : memref<10240x64xf32, #tpu.memory_space<vmem_shared>> -> memref<128x64xf32, #tpu.memory_space<vmem_shared>>
      tpu.enqueue_dma source(%arg8 : memref<128x64xf32, #tpu.memory_space<vmem>>) target(%dma_start3A_41 : memref<128x64xf32, #tpu.memory_space<vmem_shared>>) target_semaphore(%run_scoped3A : memref<!tpu.dma_semaphore, #tpu.memory_space<semaphore_mem>>)
      %dma_wait3A = arith.constant 0 : i32
      %dma_wait3A_42 = tpu.memref_slice %arg9[%add3A_18, %dma_wait3A] : memref<10240x64xf32, #tpu.memory_space<vmem_shared>> -> memref<128x64xf32, #tpu.memory_space<vmem_shared>>
      %dma_wait3A_43 = arith.constant 0 : i32
      %dma_wait3A_44 = tpu.memref_slice %arg9[%add3A_18, %dma_wait3A_43] : memref<10240x64xf32, #tpu.memory_space<vmem_shared>> -> memref<128x64xf32, #tpu.memory_space<vmem_shared>>
      tpu.wait_dma2 semaphore(%run_scoped3A : memref<!tpu.dma_semaphore, #tpu.memory_space<semaphore_mem>>) src(%arg8 : memref<128x64xf32, #tpu.memory_space<vmem>>) dst(%dma_wait3A_44 : memref<128x64xf32, #tpu.memory_space<vmem_shared>>)
      tpu.yield
    }) : () -> ()
    %mul3A_19 = arith.constant 640 : i32
    %mul3A_20 = arith.muli %arg1, %mul3A_19 : i32
    %add3A_21 = arith.constant 384 : i32
    %add3A_22 = arith.addi %mul3A_20, %add3A_21 : i32
    "tpu.region"() ({
      %run_scoped3A = tpu.sem_alloc : memref<!tpu.dma_semaphore, #tpu.memory_space<semaphore_mem>>
      %dma_start3A = arith.constant 0 : i32
      %dma_start3A_39 = tpu.memref_slice %arg9[%add3A_22, %dma_start3A] : memref<10240x64xf32, #tpu.memory_space<vmem_shared>> -> memref<128x64xf32, #tpu.memory_space<vmem_shared>>
      %dma_start3A_40 = arith.constant 0 : i32
      %dma_start3A_41 = tpu.memref_slice %arg9[%add3A_22, %dma_start3A_40] : memref<10240x64xf32, #tpu.memory_space<vmem_shared>> -> memref<128x64xf32, #tpu.memory_space<vmem_shared>>
      tpu.enqueue_dma source(%arg8 : memref<128x64xf32, #tpu.memory_space<vmem>>) target(%dma_start3A_41 : memref<128x64xf32, #tpu.memory_space<vmem_shared>>) target_semaphore(%run_scoped3A : memref<!tpu.dma_semaphore, #tpu.memory_space<semaphore_mem>>)
      %dma_wait3A = arith.constant 0 : i32
      %dma_wait3A_42 = tpu.memref_slice %arg9[%add3A_22, %dma_wait3A] : memref<10240x64xf32, #tpu.memory_space<vmem_shared>> -> memref<128x64xf32, #tpu.memory_space<vmem_shared>>
      %dma_wait3A_43 = arith.constant 0 : i32
      %dma_wait3A_44 = tpu.memref_slice %arg9[%add3A_22, %dma_wait3A_43] : memref<10240x64xf32, #tpu.memory_space<vmem_shared>> -> memref<128x64xf32, #tpu.memory_space<vmem_shared>>
      tpu.wait_dma2 semaphore(%run_scoped3A : memref<!tpu.dma_semaphore, #tpu.memory_space<semaphore_mem>>) src(%arg8 : memref<128x64xf32, #tpu.memory_space<vmem>>) dst(%dma_wait3A_44 : memref<128x64xf32, #tpu.memory_space<vmem_shared>>)
      tpu.yield
    }) : () -> ()
    %mul3A_23 = arith.constant 640 : i32
    %mul3A_24 = arith.muli %arg1, %mul3A_23 : i32
    %add3A_25 = arith.constant 512 : i32
    %add3A_26 = arith.addi %mul3A_24, %add3A_25 : i32
    "tpu.region"() ({
      %run_scoped3A = tpu.sem_alloc : memref<!tpu.dma_semaphore, #tpu.memory_space<semaphore_mem>>
      %dma_start3A = arith.constant 0 : i32
      %dma_start3A_39 = tpu.memref_slice %arg9[%add3A_26, %dma_start3A] : memref<10240x64xf32, #tpu.memory_space<vmem_shared>> -> memref<128x64xf32, #tpu.memory_space<vmem_shared>>
      %dma_start3A_40 = arith.constant 0 : i32
      %dma_start3A_41 = tpu.memref_slice %arg9[%add3A_26, %dma_start3A_40] : memref<10240x64xf32, #tpu.memory_space<vmem_shared>> -> memref<128x64xf32, #tpu.memory_space<vmem_shared>>
      tpu.enqueue_dma source(%arg8 : memref<128x64xf32, #tpu.memory_space<vmem>>) target(%dma_start3A_41 : memref<128x64xf32, #tpu.memory_space<vmem_shared>>) target_semaphore(%run_scoped3A : memref<!tpu.dma_semaphore, #tpu.memory_space<semaphore_mem>>)
      %dma_wait3A = arith.constant 0 : i32
      %dma_wait3A_42 = tpu.memref_slice %arg9[%add3A_26, %dma_wait3A] : memref<10240x64xf32, #tpu.memory_space<vmem_shared>> -> memref<128x64xf32, #tpu.memory_space<vmem_shared>>
      %dma_wait3A_43 = arith.constant 0 : i32
      %dma_wait3A_44 = tpu.memref_slice %arg9[%add3A_26, %dma_wait3A_43] : memref<10240x64xf32, #tpu.memory_space<vmem_shared>> -> memref<128x64xf32, #tpu.memory_space<vmem_shared>>
      tpu.wait_dma2 semaphore(%run_scoped3A : memref<!tpu.dma_semaphore, #tpu.memory_space<semaphore_mem>>) src(%arg8 : memref<128x64xf32, #tpu.memory_space<vmem>>) dst(%dma_wait3A_44 : memref<128x64xf32, #tpu.memory_space<vmem_shared>>)
      tpu.yield
    }) : () -> ()
    %barrier3A = arith.constant 0 : index
    tpu.barrier barrier_id(%barrier3A)
    %scan3A_27 = arith.constant 0 : i32
    %scan3A_28 = arith.constant 0 : i32
    %scan3A_29 = arith.constant 79 : i32
    %scan3A_30 = arith.addi %scan3A_28, %scan3A_29 : i32
    %scan3A_31 = arith.constant 1 : i32
    scf.for %scan3A_39 = %scan3A_28 to %scan3A_30 step %scan3A_31  : i32 {
      %dma_start3A = arith.constant 0 : i32
      %dma_start3A_40 = tpu.memref_slice %arg6[%scan3A_39, %dma_start3A] : memref<79x128xi32, #tpu.memory_space<vmem>> -> memref<1x128xi32, #tpu.memory_space<vmem>>
      %dma_start3A_41 = tpu.memref_squeeze %dma_start3A_40 : memref<1x128xi32, #tpu.memory_space<vmem>> -> memref<128xi32, #tpu.memory_space<vmem>>
      %dma_start3A_42 = arith.constant 0 : i32
      %dma_start3A_43 = arith.constant 0 : i32
      %dma_start3A_44 = tpu.memref_slice %arg4[%dma_start3A_42, %dma_start3A_43] : memref<10000x64xf32, #tpu.memory_space<hbm>> -> memref<10000x64xf32, #tpu.memory_space<hbm>>
      tpu.enqueue_indirect_dma source(%dma_start3A_44 : memref<10000x64xf32, #tpu.memory_space<hbm>>) target(%arg8 : memref<128x64xf32, #tpu.memory_space<vmem>>) offsets(%dma_start3A_41 : memref<128xi32, #tpu.memory_space<vmem>>) semaphore(%arg10 : memref<!tpu.dma_semaphore, #tpu.memory_space<semaphore_mem>>)
      %dma_wait3A = arith.constant 0 : i32
      %dma_wait3A_45 = tpu.memref_slice %arg6[%scan3A_39, %dma_wait3A] : memref<79x128xi32, #tpu.memory_space<vmem>> -> memref<1x128xi32, #tpu.memory_space<vmem>>
      %dma_wait3A_46 = tpu.memref_squeeze %dma_wait3A_45 : memref<1x128xi32, #tpu.memory_space<vmem>> -> memref<128xi32, #tpu.memory_space<vmem>>
      %dma_wait3A_47 = arith.constant 0 : i32
      %dma_wait3A_48 = arith.constant 0 : i32
      %dma_wait3A_49 = tpu.memref_slice %arg4[%dma_wait3A_47, %dma_wait3A_48] : memref<10000x64xf32, #tpu.memory_space<hbm>> -> memref<10000x64xf32, #tpu.memory_space<hbm>>
      tpu.wait_indirect_dma semaphore(%arg10 : memref<!tpu.dma_semaphore, #tpu.memory_space<semaphore_mem>>) src(%dma_wait3A_49 : memref<10000x64xf32, #tpu.memory_space<hbm>>) dst(%arg8 : memref<128x64xf32, #tpu.memory_space<vmem>>)
      "tpu.region"() ({
        %run_scoped3A = tpu.sem_alloc : memref<!tpu.dma_semaphore, #tpu.memory_space<semaphore_mem>>
        %dma_start3A_50 = arith.constant 0 : i32
        %dma_start3A_51 = tpu.memref_slice %arg7[%scan3A_39, %dma_start3A_50] : memref<79x128xi32, #tpu.memory_space<vmem>> -> memref<1x128xi32, #tpu.memory_space<vmem>>
        %dma_start3A_52 = tpu.memref_squeeze %dma_start3A_51 : memref<1x128xi32, #tpu.memory_space<vmem>> -> memref<128xi32, #tpu.memory_space<vmem>>
        %dma_start3A_53 = arith.constant 0 : i32
        %dma_start3A_54 = arith.constant 0 : i32
        %dma_start3A_55 = tpu.memref_slice %arg9[%dma_start3A_53, %dma_start3A_54] : memref<10240x64xf32, #tpu.memory_space<vmem_shared>> -> memref<10240x64xf32, #tpu.memory_space<vmem_shared>>
        tpu.enqueue_indirect_dma source(%arg8 : memref<128x64xf32, #tpu.memory_space<vmem>>) target(%dma_start3A_55 : memref<10240x64xf32, #tpu.memory_space<vmem_shared>>) offsets(%dma_start3A_52 : memref<128xi32, #tpu.memory_space<vmem>>) semaphore(%run_scoped3A : memref<!tpu.dma_semaphore, #tpu.memory_space<semaphore_mem>>) {add = true}
        %dma_wait3A_56 = arith.constant 0 : i32
        %dma_wait3A_57 = tpu.memref_slice %arg7[%scan3A_39, %dma_wait3A_56] : memref<79x128xi32, #tpu.memory_space<vmem>> -> memref<1x128xi32, #tpu.memory_space<vmem>>
        %dma_wait3A_58 = tpu.memref_squeeze %dma_wait3A_57 : memref<1x128xi32, #tpu.memory_space<vmem>> -> memref<128xi32, #tpu.memory_space<vmem>>
        %dma_wait3A_59 = arith.constant 0 : i32
        %dma_wait3A_60 = arith.constant 0 : i32
        %dma_wait3A_61 = tpu.memref_slice %arg9[%dma_wait3A_59, %dma_wait3A_60] : memref<10240x64xf32, #tpu.memory_space<vmem_shared>> -> memref<10240x64xf32, #tpu.memory_space<vmem_shared>>
        tpu.wait_indirect_dma semaphore(%run_scoped3A : memref<!tpu.dma_semaphore, #tpu.memory_space<semaphore_mem>>) src(%arg8 : memref<128x64xf32, #tpu.memory_space<vmem>>) dst(%dma_wait3A_61 : memref<10240x64xf32, #tpu.memory_space<vmem_shared>>)
        tpu.yield
      }) : () -> ()
    }
    %scan3A_32 = arith.constant 79 : i32
    %barrier3A_33 = arith.constant 0 : index
    tpu.barrier barrier_id(%barrier3A_33)
    %mul3A_34 = arith.constant 640 : i32
    %mul3A_35 = arith.muli %arg1, %mul3A_34 : i32
    %mul3A_36 = arith.constant 640 : i32
    %mul3A_37 = arith.muli %arg1, %mul3A_36 : i32
    "tpu.region"() ({
      %run_scoped3A = tpu.sem_alloc : memref<!tpu.dma_semaphore, #tpu.memory_space<semaphore_mem>>
      %dma_start3A = arith.constant 0 : i32
      %dma_start3A_39 = tpu.memref_slice %arg5[%arg0, %mul3A_37, %dma_start3A] : memref<2x10240x64xf32, #tpu.memory_space<hbm>> -> memref<1x640x64xf32, #tpu.memory_space<hbm>>
      %dma_start3A_40 = tpu.memref_squeeze %dma_start3A_39 : memref<1x640x64xf32, #tpu.memory_space<hbm>> -> memref<640x64xf32, #tpu.memory_space<hbm>>
      %dma_start3A_41 = arith.constant 0 : i32
      %dma_start3A_42 = tpu.memref_slice %arg9[%mul3A_35, %dma_start3A_41] : memref<10240x64xf32, #tpu.memory_space<vmem_shared>> -> memref<640x64xf32, #tpu.memory_space<vmem_shared>>
      tpu.enqueue_dma source(%dma_start3A_42 : memref<640x64xf32, #tpu.memory_space<vmem_shared>>) target(%dma_start3A_40 : memref<640x64xf32, #tpu.memory_space<hbm>>) target_semaphore(%run_scoped3A : memref<!tpu.dma_semaphore, #tpu.memory_space<semaphore_mem>>)
      %dma_wait3A = arith.constant 0 : i32
      %dma_wait3A_43 = tpu.memref_slice %arg5[%arg0, %mul3A_37, %dma_wait3A] : memref<2x10240x64xf32, #tpu.memory_space<hbm>> -> memref<1x640x64xf32, #tpu.memory_space<hbm>>
      %dma_wait3A_44 = tpu.memref_squeeze %dma_wait3A_43 : memref<1x640x64xf32, #tpu.memory_space<hbm>> -> memref<640x64xf32, #tpu.memory_space<hbm>>
      %dma_wait3A_45 = arith.constant 0 : i32
      %dma_wait3A_46 = tpu.memref_slice %arg9[%mul3A_35, %dma_wait3A_45] : memref<10240x64xf32, #tpu.memory_space<vmem_shared>> -> memref<640x64xf32, #tpu.memory_space<vmem_shared>>
      tpu.wait_dma2 semaphore(%run_scoped3A : memref<!tpu.dma_semaphore, #tpu.memory_space<semaphore_mem>>) src(%dma_wait3A_46 : memref<640x64xf32, #tpu.memory_space<vmem_shared>>) dst(%dma_wait3A_44 : memref<640x64xf32, #tpu.memory_space<hbm>>)
      tpu.yield
    }) : () -> ()
    %barrier3A_38 = arith.constant 0 : index
    tpu.barrier barrier_id(%barrier3A_38)
    return
  }
}

#map = affine_map<(d0, d1) -> (0, 0, 0)>
#map1 = affine_map<(d0, d1) -> (0, 0)>
module attributes {stable_mosaic.version = 14 : i64} {
  func.func @agg_k(%arg0: i32, %arg1: i32, %arg2: memref<32x79x128xi32, #tpu.memory_space<hbm>>, %arg3: memref<32x79x128xi32, #tpu.memory_space<hbm>>, %arg4: memref<10000x128xf32, #tpu.memory_space<hbm>>, %arg5: memref<10000x128xf32, #tpu.memory_space<hbm>>, %arg6: memref<2x10240x128xf32, #tpu.memory_space<hbm>>, %arg7: memref<2x10240x128xf32, #tpu.memory_space<hbm>>, %arg8: memref<79x128xi32, #tpu.memory_space<vmem>>, %arg9: memref<79x128xi32, #tpu.memory_space<vmem>>, %arg10: memref<128x128xf32, #tpu.memory_space<vmem>>, %arg11: memref<10240x128xf32, #tpu.memory_space<vmem_shared>>, %arg12: memref<!tpu.dma_semaphore, #tpu.memory_space<semaphore_mem>>) attributes {dimension_semantics = [#tpu.dimension_semantics<core_parallel>, #tpu.dimension_semantics<subcore_parallel>], iteration_bounds = array<i64: 2, 16>, scalar_prefetch = 0 : i64, scratch_operands = 5 : i64, tpu.core_type = #tpu.core_type<sc_vector_subcore>, window_params = [{transform_indices = #map}, {transform_indices = #map}, {transform_indices = #map1}, {transform_indices = #map1}, {transform_indices = #map}, {transform_indices = #map}]} {
    %mul3A = arith.constant 2 : i32
    %mul3A_0 = arith.muli %arg1, %mul3A : i32
    %add3A = arith.addi %mul3A_0, %arg0 : i32
    "tpu.region"() ({
      %run_scoped3A = tpu.sem_alloc : memref<!tpu.dma_semaphore, #tpu.memory_space<semaphore_mem>>
      %dma_start3A = arith.constant 0 : i32
      %dma_start3A_78 = arith.constant 0 : i32
      %dma_start3A_79 = tpu.memref_slice %arg2[%add3A, %dma_start3A, %dma_start3A_78] : memref<32x79x128xi32, #tpu.memory_space<hbm>> -> memref<1x79x128xi32, #tpu.memory_space<hbm>>
      %dma_start3A_80 = tpu.memref_squeeze %dma_start3A_79 : memref<1x79x128xi32, #tpu.memory_space<hbm>> -> memref<79x128xi32, #tpu.memory_space<hbm>>
      %dma_start3A_81 = arith.constant 0 : i32
      %dma_start3A_82 = arith.constant 0 : i32
      %dma_start3A_83 = tpu.memref_slice %arg2[%add3A, %dma_start3A_81, %dma_start3A_82] : memref<32x79x128xi32, #tpu.memory_space<hbm>> -> memref<1x79x128xi32, #tpu.memory_space<hbm>>
      %dma_start3A_84 = tpu.memref_squeeze %dma_start3A_83 : memref<1x79x128xi32, #tpu.memory_space<hbm>> -> memref<79x128xi32, #tpu.memory_space<hbm>>
      tpu.enqueue_dma source(%dma_start3A_84 : memref<79x128xi32, #tpu.memory_space<hbm>>) target(%arg8 : memref<79x128xi32, #tpu.memory_space<vmem>>) target_semaphore(%run_scoped3A : memref<!tpu.dma_semaphore, #tpu.memory_space<semaphore_mem>>)
      %dma_wait3A = arith.constant 0 : i32
      %dma_wait3A_85 = arith.constant 0 : i32
      %dma_wait3A_86 = tpu.memref_slice %arg2[%add3A, %dma_wait3A, %dma_wait3A_85] : memref<32x79x128xi32, #tpu.memory_space<hbm>> -> memref<1x79x128xi32, #tpu.memory_space<hbm>>
      %dma_wait3A_87 = tpu.memref_squeeze %dma_wait3A_86 : memref<1x79x128xi32, #tpu.memory_space<hbm>> -> memref<79x128xi32, #tpu.memory_space<hbm>>
      %dma_wait3A_88 = arith.constant 0 : i32
      %dma_wait3A_89 = arith.constant 0 : i32
      %dma_wait3A_90 = tpu.memref_slice %arg2[%add3A, %dma_wait3A_88, %dma_wait3A_89] : memref<32x79x128xi32, #tpu.memory_space<hbm>> -> memref<1x79x128xi32, #tpu.memory_space<hbm>>
      %dma_wait3A_91 = tpu.memref_squeeze %dma_wait3A_90 : memref<1x79x128xi32, #tpu.memory_space<hbm>> -> memref<79x128xi32, #tpu.memory_space<hbm>>
      tpu.wait_dma2 semaphore(%run_scoped3A : memref<!tpu.dma_semaphore, #tpu.memory_space<semaphore_mem>>) src(%dma_wait3A_91 : memref<79x128xi32, #tpu.memory_space<hbm>>) dst(%arg8 : memref<79x128xi32, #tpu.memory_space<vmem>>)
      tpu.yield
    }) : () -> ()
    "tpu.region"() ({
      %run_scoped3A = tpu.sem_alloc : memref<!tpu.dma_semaphore, #tpu.memory_space<semaphore_mem>>
      %dma_start3A = arith.constant 0 : i32
      %dma_start3A_78 = arith.constant 0 : i32
      %dma_start3A_79 = tpu.memref_slice %arg3[%add3A, %dma_start3A, %dma_start3A_78] : memref<32x79x128xi32, #tpu.memory_space<hbm>> -> memref<1x79x128xi32, #tpu.memory_space<hbm>>
      %dma_start3A_80 = tpu.memref_squeeze %dma_start3A_79 : memref<1x79x128xi32, #tpu.memory_space<hbm>> -> memref<79x128xi32, #tpu.memory_space<hbm>>
      %dma_start3A_81 = arith.constant 0 : i32
      %dma_start3A_82 = arith.constant 0 : i32
      %dma_start3A_83 = tpu.memref_slice %arg3[%add3A, %dma_start3A_81, %dma_start3A_82] : memref<32x79x128xi32, #tpu.memory_space<hbm>> -> memref<1x79x128xi32, #tpu.memory_space<hbm>>
      %dma_start3A_84 = tpu.memref_squeeze %dma_start3A_83 : memref<1x79x128xi32, #tpu.memory_space<hbm>> -> memref<79x128xi32, #tpu.memory_space<hbm>>
      tpu.enqueue_dma source(%dma_start3A_84 : memref<79x128xi32, #tpu.memory_space<hbm>>) target(%arg9 : memref<79x128xi32, #tpu.memory_space<vmem>>) target_semaphore(%run_scoped3A : memref<!tpu.dma_semaphore, #tpu.memory_space<semaphore_mem>>)
      %dma_wait3A = arith.constant 0 : i32
      %dma_wait3A_85 = arith.constant 0 : i32
      %dma_wait3A_86 = tpu.memref_slice %arg3[%add3A, %dma_wait3A, %dma_wait3A_85] : memref<32x79x128xi32, #tpu.memory_space<hbm>> -> memref<1x79x128xi32, #tpu.memory_space<hbm>>
      %dma_wait3A_87 = tpu.memref_squeeze %dma_wait3A_86 : memref<1x79x128xi32, #tpu.memory_space<hbm>> -> memref<79x128xi32, #tpu.memory_space<hbm>>
      %dma_wait3A_88 = arith.constant 0 : i32
      %dma_wait3A_89 = arith.constant 0 : i32
      %dma_wait3A_90 = tpu.memref_slice %arg3[%add3A, %dma_wait3A_88, %dma_wait3A_89] : memref<32x79x128xi32, #tpu.memory_space<hbm>> -> memref<1x79x128xi32, #tpu.memory_space<hbm>>
      %dma_wait3A_91 = tpu.memref_squeeze %dma_wait3A_90 : memref<1x79x128xi32, #tpu.memory_space<hbm>> -> memref<79x128xi32, #tpu.memory_space<hbm>>
      tpu.wait_dma2 semaphore(%run_scoped3A : memref<!tpu.dma_semaphore, #tpu.memory_space<semaphore_mem>>) src(%dma_wait3A_91 : memref<79x128xi32, #tpu.memory_space<hbm>>) dst(%arg9 : memref<79x128xi32, #tpu.memory_space<vmem>>)
      tpu.yield
    }) : () -> ()
    %broadcast_in_dim3A = arith.constant 0.000000e+00 : f32
    %broadcast_in_dim3A_1 = vector.broadcast %broadcast_in_dim3A : f32 to vector<16xf32>
    %scan3A = arith.constant 0 : i32
    %scan3A_2 = arith.constant 0 : i32
    %scan3A_3 = arith.constant 128 : i32
    %scan3A_4 = arith.addi %scan3A_2, %scan3A_3 : i32
    %scan3A_5 = arith.constant 1 : i32
    scf.for %scan3A_78 = %scan3A_2 to %scan3A_4 step %scan3A_5  : i32 {
      %swap3A = arith.index_cast %scan3A_78 : i32 to index
      %swap3A_79 = arith.constant 0 : index
      %swap3A_80 = tpu.vector_load %arg10[%swap3A, %swap3A_79] {strides = array<i32>} : memref<128x128xf32, #tpu.memory_space<vmem>>, vector<1x16xf32>,
      %swap3A_81 = vector.shape_cast %swap3A_80 : vector<1x16xf32> to vector<16xf32>
      %swap3A_82 = vector.shape_cast %broadcast_in_dim3A_1 : vector<16xf32> to vector<1x16xf32>
      tpu.vector_store %arg10[%swap3A, %swap3A_79], %swap3A_82 {strides = array<i32>} : memref<128x128xf32, #tpu.memory_space<vmem>>, vector<1x16xf32>,
      %swap3A_83 = arith.index_cast %scan3A_78 : i32 to index
      %swap3A_84 = arith.constant 16 : index
      %swap3A_85 = tpu.vector_load %arg10[%swap3A_83, %swap3A_84] {strides = array<i32>} : memref<128x128xf32, #tpu.memory_space<vmem>>, vector<1x16xf32>,
      %swap3A_86 = vector.shape_cast %swap3A_85 : vector<1x16xf32> to vector<16xf32>
      %swap3A_87 = vector.shape_cast %broadcast_in_dim3A_1 : vector<16xf32> to vector<1x16xf32>
      tpu.vector_store %arg10[%swap3A_83, %swap3A_84], %swap3A_87 {strides = array<i32>} : memref<128x128xf32, #tpu.memory_space<vmem>>, vector<1x16xf32>,
      %swap3A_88 = arith.index_cast %scan3A_78 : i32 to index
      %swap3A_89 = arith.constant 32 : index
      %swap3A_90 = tpu.vector_load %arg10[%swap3A_88, %swap3A_89] {strides = array<i32>} : memref<128x128xf32, #tpu.memory_space<vmem>>, vector<1x16xf32>,
      %swap3A_91 = vector.shape_cast %swap3A_90 : vector<1x16xf32> to vector<16xf32>
      %swap3A_92 = vector.shape_cast %broadcast_in_dim3A_1 : vector<16xf32> to vector<1x16xf32>
      tpu.vector_store %arg10[%swap3A_88, %swap3A_89], %swap3A_92 {strides = array<i32>} : memref<128x128xf32, #tpu.memory_space<vmem>>, vector<1x16xf32>,
      %swap3A_93 = arith.index_cast %scan3A_78 : i32 to index
      %swap3A_94 = arith.constant 48 : index
      %swap3A_95 = tpu.vector_load %arg10[%swap3A_93, %swap3A_94] {strides = array<i32>} : memref<128x128xf32, #tpu.memory_space<vmem>>, vector<1x16xf32>,
      %swap3A_96 = vector.shape_cast %swap3A_95 : vector<1x16xf32> to vector<16xf32>
      %swap3A_97 = vector.shape_cast %broadcast_in_dim3A_1 : vector<16xf32> to vector<1x16xf32>
      tpu.vector_store %arg10[%swap3A_93, %swap3A_94], %swap3A_97 {strides = array<i32>} : memref<128x128xf32, #tpu.memory_space<vmem>>, vector<1x16xf32>,
      %swap3A_98 = arith.index_cast %scan3A_78 : i32 to index
      %swap3A_99 = arith.constant 64 : index
      %swap3A_100 = tpu.vector_load %arg10[%swap3A_98, %swap3A_99] {strides = array<i32>} : memref<128x128xf32, #tpu.memory_space<vmem>>, vector<1x16xf32>,
      %swap3A_101 = vector.shape_cast %swap3A_100 : vector<1x16xf32> to vector<16xf32>
      %swap3A_102 = vector.shape_cast %broadcast_in_dim3A_1 : vector<16xf32> to vector<1x16xf32>
      tpu.vector_store %arg10[%swap3A_98, %swap3A_99], %swap3A_102 {strides = array<i32>} : memref<128x128xf32, #tpu.memory_space<vmem>>, vector<1x16xf32>,
      %swap3A_103 = arith.index_cast %scan3A_78 : i32 to index
      %swap3A_104 = arith.constant 80 : index
      %swap3A_105 = tpu.vector_load %arg10[%swap3A_103, %swap3A_104] {strides = array<i32>} : memref<128x128xf32, #tpu.memory_space<vmem>>, vector<1x16xf32>,
      %swap3A_106 = vector.shape_cast %swap3A_105 : vector<1x16xf32> to vector<16xf32>
      %swap3A_107 = vector.shape_cast %broadcast_in_dim3A_1 : vector<16xf32> to vector<1x16xf32>
      tpu.vector_store %arg10[%swap3A_103, %swap3A_104], %swap3A_107 {strides = array<i32>} : memref<128x128xf32, #tpu.memory_space<vmem>>, vector<1x16xf32>,
      %swap3A_108 = arith.index_cast %scan3A_78 : i32 to index
      %swap3A_109 = arith.constant 96 : index
      %swap3A_110 = tpu.vector_load %arg10[%swap3A_108, %swap3A_109] {strides = array<i32>} : memref<128x128xf32, #tpu.memory_space<vmem>>, vector<1x16xf32>,
      %swap3A_111 = vector.shape_cast %swap3A_110 : vector<1x16xf32> to vector<16xf32>
      %swap3A_112 = vector.shape_cast %broadcast_in_dim3A_1 : vector<16xf32> to vector<1x16xf32>
      tpu.vector_store %arg10[%swap3A_108, %swap3A_109], %swap3A_112 {strides = array<i32>} : memref<128x128xf32, #tpu.memory_space<vmem>>, vector<1x16xf32>,
      %swap3A_113 = arith.index_cast %scan3A_78 : i32 to index
      %swap3A_114 = arith.constant 112 : index
      %swap3A_115 = tpu.vector_load %arg10[%swap3A_113, %swap3A_114] {strides = array<i32>} : memref<128x128xf32, #tpu.memory_space<vmem>>, vector<1x16xf32>,
      %swap3A_116 = vector.shape_cast %swap3A_115 : vector<1x16xf32> to vector<16xf32>
      %swap3A_117 = vector.shape_cast %broadcast_in_dim3A_1 : vector<16xf32> to vector<1x16xf32>
      tpu.vector_store %arg10[%swap3A_113, %swap3A_114], %swap3A_117 {strides = array<i32>} : memref<128x128xf32, #tpu.memory_space<vmem>>, vector<1x16xf32>,
    }
    %scan3A_6 = arith.constant 128 : i32
    %mul3A_7 = arith.constant 640 : i32
    %mul3A_8 = arith.muli %arg1, %mul3A_7 : i32
    %add3A_9 = arith.constant 0 : i32
    %add3A_10 = arith.addi %mul3A_8, %add3A_9 : i32
    "tpu.region"() ({
      %run_scoped3A = tpu.sem_alloc : memref<!tpu.dma_semaphore, #tpu.memory_space<semaphore_mem>>
      %dma_start3A = arith.constant 0 : i32
      %dma_start3A_78 = tpu.memref_slice %arg11[%add3A_10, %dma_start3A] : memref<10240x128xf32, #tpu.memory_space<vmem_shared>> -> memref<128x128xf32, #tpu.memory_space<vmem_shared>>
      %dma_start3A_79 = arith.constant 0 : i32
      %dma_start3A_80 = tpu.memref_slice %arg11[%add3A_10, %dma_start3A_79] : memref<10240x128xf32, #tpu.memory_space<vmem_shared>> -> memref<128x128xf32, #tpu.memory_space<vmem_shared>>
      tpu.enqueue_dma source(%arg10 : memref<128x128xf32, #tpu.memory_space<vmem>>) target(%dma_start3A_80 : memref<128x128xf32, #tpu.memory_space<vmem_shared>>) target_semaphore(%run_scoped3A : memref<!tpu.dma_semaphore, #tpu.memory_space<semaphore_mem>>)
      %dma_wait3A = arith.constant 0 : i32
      %dma_wait3A_81 = tpu.memref_slice %arg11[%add3A_10, %dma_wait3A] : memref<10240x128xf32, #tpu.memory_space<vmem_shared>> -> memref<128x128xf32, #tpu.memory_space<vmem_shared>>
      %dma_wait3A_82 = arith.constant 0 : i32
      %dma_wait3A_83 = tpu.memref_slice %arg11[%add3A_10, %dma_wait3A_82] : memref<10240x128xf32, #tpu.memory_space<vmem_shared>> -> memref<128x128xf32, #tpu.memory_space<vmem_shared>>
      tpu.wait_dma2 semaphore(%run_scoped3A : memref<!tpu.dma_semaphore, #tpu.memory_space<semaphore_mem>>) src(%arg10 : memref<128x128xf32, #tpu.memory_space<vmem>>) dst(%dma_wait3A_83 : memref<128x128xf32, #tpu.memory_space<vmem_shared>>)
      tpu.yield
    }) : () -> ()
    %mul3A_11 = arith.constant 640 : i32
    %mul3A_12 = arith.muli %arg1, %mul3A_11 : i32
    %add3A_13 = arith.constant 128 : i32
    %add3A_14 = arith.addi %mul3A_12, %add3A_13 : i32
    "tpu.region"() ({
      %run_scoped3A = tpu.sem_alloc : memref<!tpu.dma_semaphore, #tpu.memory_space<semaphore_mem>>
      %dma_start3A = arith.constant 0 : i32
      %dma_start3A_78 = tpu.memref_slice %arg11[%add3A_14, %dma_start3A] : memref<10240x128xf32, #tpu.memory_space<vmem_shared>> -> memref<128x128xf32, #tpu.memory_space<vmem_shared>>
      %dma_start3A_79 = arith.constant 0 : i32
      %dma_start3A_80 = tpu.memref_slice %arg11[%add3A_14, %dma_start3A_79] : memref<10240x128xf32, #tpu.memory_space<vmem_shared>> -> memref<128x128xf32, #tpu.memory_space<vmem_shared>>
      tpu.enqueue_dma source(%arg10 : memref<128x128xf32, #tpu.memory_space<vmem>>) target(%dma_start3A_80 : memref<128x128xf32, #tpu.memory_space<vmem_shared>>) target_semaphore(%run_scoped3A : memref<!tpu.dma_semaphore, #tpu.memory_space<semaphore_mem>>)
      %dma_wait3A = arith.constant 0 : i32
      %dma_wait3A_81 = tpu.memref_slice %arg11[%add3A_14, %dma_wait3A] : memref<10240x128xf32, #tpu.memory_space<vmem_shared>> -> memref<128x128xf32, #tpu.memory_space<vmem_shared>>
      %dma_wait3A_82 = arith.constant 0 : i32
      %dma_wait3A_83 = tpu.memref_slice %arg11[%add3A_14, %dma_wait3A_82] : memref<10240x128xf32, #tpu.memory_space<vmem_shared>> -> memref<128x128xf32, #tpu.memory_space<vmem_shared>>
      tpu.wait_dma2 semaphore(%run_scoped3A : memref<!tpu.dma_semaphore, #tpu.memory_space<semaphore_mem>>) src(%arg10 : memref<128x128xf32, #tpu.memory_space<vmem>>) dst(%dma_wait3A_83 : memref<128x128xf32, #tpu.memory_space<vmem_shared>>)
      tpu.yield
    }) : () -> ()
    %mul3A_15 = arith.constant 640 : i32
    %mul3A_16 = arith.muli %arg1, %mul3A_15 : i32
    %add3A_17 = arith.constant 256 : i32
    %add3A_18 = arith.addi %mul3A_16, %add3A_17 : i32
    "tpu.region"() ({
      %run_scoped3A = tpu.sem_alloc : memref<!tpu.dma_semaphore, #tpu.memory_space<semaphore_mem>>
      %dma_start3A = arith.constant 0 : i32
      %dma_start3A_78 = tpu.memref_slice %arg11[%add3A_18, %dma_start3A] : memref<10240x128xf32, #tpu.memory_space<vmem_shared>> -> memref<128x128xf32, #tpu.memory_space<vmem_shared>>
      %dma_start3A_79 = arith.constant 0 : i32
      %dma_start3A_80 = tpu.memref_slice %arg11[%add3A_18, %dma_start3A_79] : memref<10240x128xf32, #tpu.memory_space<vmem_shared>> -> memref<128x128xf32, #tpu.memory_space<vmem_shared>>
      tpu.enqueue_dma source(%arg10 : memref<128x128xf32, #tpu.memory_space<vmem>>) target(%dma_start3A_80 : memref<128x128xf32, #tpu.memory_space<vmem_shared>>) target_semaphore(%run_scoped3A : memref<!tpu.dma_semaphore, #tpu.memory_space<semaphore_mem>>)
      %dma_wait3A = arith.constant 0 : i32
      %dma_wait3A_81 = tpu.memref_slice %arg11[%add3A_18, %dma_wait3A] : memref<10240x128xf32, #tpu.memory_space<vmem_shared>> -> memref<128x128xf32, #tpu.memory_space<vmem_shared>>
      %dma_wait3A_82 = arith.constant 0 : i32
      %dma_wait3A_83 = tpu.memref_slice %arg11[%add3A_18, %dma_wait3A_82] : memref<10240x128xf32, #tpu.memory_space<vmem_shared>> -> memref<128x128xf32, #tpu.memory_space<vmem_shared>>
      tpu.wait_dma2 semaphore(%run_scoped3A : memref<!tpu.dma_semaphore, #tpu.memory_space<semaphore_mem>>) src(%arg10 : memref<128x128xf32, #tpu.memory_space<vmem>>) dst(%dma_wait3A_83 : memref<128x128xf32, #tpu.memory_space<vmem_shared>>)
      tpu.yield
    }) : () -> ()
    %mul3A_19 = arith.constant 640 : i32
    %mul3A_20 = arith.muli %arg1, %mul3A_19 : i32
    %add3A_21 = arith.constant 384 : i32
    %add3A_22 = arith.addi %mul3A_20, %add3A_21 : i32
    "tpu.region"() ({
      %run_scoped3A = tpu.sem_alloc : memref<!tpu.dma_semaphore, #tpu.memory_space<semaphore_mem>>
      %dma_start3A = arith.constant 0 : i32
      %dma_start3A_78 = tpu.memref_slice %arg11[%add3A_22, %dma_start3A] : memref<10240x128xf32, #tpu.memory_space<vmem_shared>> -> memref<128x128xf32, #tpu.memory_space<vmem_shared>>
      %dma_start3A_79 = arith.constant 0 : i32
      %dma_start3A_80 = tpu.memref_slice %arg11[%add3A_22, %dma_start3A_79] : memref<10240x128xf32, #tpu.memory_space<vmem_shared>> -> memref<128x128xf32, #tpu.memory_space<vmem_shared>>
      tpu.enqueue_dma source(%arg10 : memref<128x128xf32, #tpu.memory_space<vmem>>) target(%dma_start3A_80 : memref<128x128xf32, #tpu.memory_space<vmem_shared>>) target_semaphore(%run_scoped3A : memref<!tpu.dma_semaphore, #tpu.memory_space<semaphore_mem>>)
      %dma_wait3A = arith.constant 0 : i32
      %dma_wait3A_81 = tpu.memref_slice %arg11[%add3A_22, %dma_wait3A] : memref<10240x128xf32, #tpu.memory_space<vmem_shared>> -> memref<128x128xf32, #tpu.memory_space<vmem_shared>>
      %dma_wait3A_82 = arith.constant 0 : i32
      %dma_wait3A_83 = tpu.memref_slice %arg11[%add3A_22, %dma_wait3A_82] : memref<10240x128xf32, #tpu.memory_space<vmem_shared>> -> memref<128x128xf32, #tpu.memory_space<vmem_shared>>
      tpu.wait_dma2 semaphore(%run_scoped3A : memref<!tpu.dma_semaphore, #tpu.memory_space<semaphore_mem>>) src(%arg10 : memref<128x128xf32, #tpu.memory_space<vmem>>) dst(%dma_wait3A_83 : memref<128x128xf32, #tpu.memory_space<vmem_shared>>)
      tpu.yield
    }) : () -> ()
    %mul3A_23 = arith.constant 640 : i32
    %mul3A_24 = arith.muli %arg1, %mul3A_23 : i32
    %add3A_25 = arith.constant 512 : i32
    %add3A_26 = arith.addi %mul3A_24, %add3A_25 : i32
    "tpu.region"() ({
      %run_scoped3A = tpu.sem_alloc : memref<!tpu.dma_semaphore, #tpu.memory_space<semaphore_mem>>
      %dma_start3A = arith.constant 0 : i32
      %dma_start3A_78 = tpu.memref_slice %arg11[%add3A_26, %dma_start3A] : memref<10240x128xf32, #tpu.memory_space<vmem_shared>> -> memref<128x128xf32, #tpu.memory_space<vmem_shared>>
      %dma_start3A_79 = arith.constant 0 : i32
      %dma_start3A_80 = tpu.memref_slice %arg11[%add3A_26, %dma_start3A_79] : memref<10240x128xf32, #tpu.memory_space<vmem_shared>> -> memref<128x128xf32, #tpu.memory_space<vmem_shared>>
      tpu.enqueue_dma source(%arg10 : memref<128x128xf32, #tpu.memory_space<vmem>>) target(%dma_start3A_80 : memref<128x128xf32, #tpu.memory_space<vmem_shared>>) target_semaphore(%run_scoped3A : memref<!tpu.dma_semaphore, #tpu.memory_space<semaphore_mem>>)
      %dma_wait3A = arith.constant 0 : i32
      %dma_wait3A_81 = tpu.memref_slice %arg11[%add3A_26, %dma_wait3A] : memref<10240x128xf32, #tpu.memory_space<vmem_shared>> -> memref<128x128xf32, #tpu.memory_space<vmem_shared>>
      %dma_wait3A_82 = arith.constant 0 : i32
      %dma_wait3A_83 = tpu.memref_slice %arg11[%add3A_26, %dma_wait3A_82] : memref<10240x128xf32, #tpu.memory_space<vmem_shared>> -> memref<128x128xf32, #tpu.memory_space<vmem_shared>>
      tpu.wait_dma2 semaphore(%run_scoped3A : memref<!tpu.dma_semaphore, #tpu.memory_space<semaphore_mem>>) src(%arg10 : memref<128x128xf32, #tpu.memory_space<vmem>>) dst(%dma_wait3A_83 : memref<128x128xf32, #tpu.memory_space<vmem_shared>>)
      tpu.yield
    }) : () -> ()
    %barrier3A = arith.constant 0 : index
    tpu.barrier barrier_id(%barrier3A)
    %scan3A_27 = arith.constant 0 : i32
    %scan3A_28 = arith.constant 0 : i32
    %scan3A_29 = arith.constant 79 : i32
    %scan3A_30 = arith.addi %scan3A_28, %scan3A_29 : i32
    %scan3A_31 = arith.constant 1 : i32
    scf.for %scan3A_78 = %scan3A_28 to %scan3A_30 step %scan3A_31  : i32 {
      %dma_start3A = arith.constant 0 : i32
      %dma_start3A_79 = tpu.memref_slice %arg8[%scan3A_78, %dma_start3A] : memref<79x128xi32, #tpu.memory_space<vmem>> -> memref<1x128xi32, #tpu.memory_space<vmem>>
      %dma_start3A_80 = tpu.memref_squeeze %dma_start3A_79 : memref<1x128xi32, #tpu.memory_space<vmem>> -> memref<128xi32, #tpu.memory_space<vmem>>
      %dma_start3A_81 = arith.constant 0 : i32
      %dma_start3A_82 = arith.constant 0 : i32
      %dma_start3A_83 = tpu.memref_slice %arg4[%dma_start3A_81, %dma_start3A_82] : memref<10000x128xf32, #tpu.memory_space<hbm>> -> memref<10000x128xf32, #tpu.memory_space<hbm>>
      tpu.enqueue_indirect_dma source(%dma_start3A_83 : memref<10000x128xf32, #tpu.memory_space<hbm>>) target(%arg10 : memref<128x128xf32, #tpu.memory_space<vmem>>) offsets(%dma_start3A_80 : memref<128xi32, #tpu.memory_space<vmem>>) semaphore(%arg12 : memref<!tpu.dma_semaphore, #tpu.memory_space<semaphore_mem>>)
      %dma_wait3A = arith.constant 0 : i32
      %dma_wait3A_84 = tpu.memref_slice %arg8[%scan3A_78, %dma_wait3A] : memref<79x128xi32, #tpu.memory_space<vmem>> -> memref<1x128xi32, #tpu.memory_space<vmem>>
      %dma_wait3A_85 = tpu.memref_squeeze %dma_wait3A_84 : memref<1x128xi32, #tpu.memory_space<vmem>> -> memref<128xi32, #tpu.memory_space<vmem>>
      %dma_wait3A_86 = arith.constant 0 : i32
      %dma_wait3A_87 = arith.constant 0 : i32
      %dma_wait3A_88 = tpu.memref_slice %arg4[%dma_wait3A_86, %dma_wait3A_87] : memref<10000x128xf32, #tpu.memory_space<hbm>> -> memref<10000x128xf32, #tpu.memory_space<hbm>>
      tpu.wait_indirect_dma semaphore(%arg12 : memref<!tpu.dma_semaphore, #tpu.memory_space<semaphore_mem>>) src(%dma_wait3A_88 : memref<10000x128xf32, #tpu.memory_space<hbm>>) dst(%arg10 : memref<128x128xf32, #tpu.memory_space<vmem>>)
      "tpu.region"() ({
        %run_scoped3A = tpu.sem_alloc : memref<!tpu.dma_semaphore, #tpu.memory_space<semaphore_mem>>
        %dma_start3A_89 = arith.constant 0 : i32
        %dma_start3A_90 = tpu.memref_slice %arg9[%scan3A_78, %dma_start3A_89] : memref<79x128xi32, #tpu.memory_space<vmem>> -> memref<1x128xi32, #tpu.memory_space<vmem>>
        %dma_start3A_91 = tpu.memref_squeeze %dma_start3A_90 : memref<1x128xi32, #tpu.memory_space<vmem>> -> memref<128xi32, #tpu.memory_space<vmem>>
        %dma_start3A_92 = arith.constant 0 : i32
        %dma_start3A_93 = arith.constant 0 : i32
        %dma_start3A_94 = tpu.memref_slice %arg11[%dma_start3A_92, %dma_start3A_93] : memref<10240x128xf32, #tpu.memory_space<vmem_shared>> -> memref<10240x128xf32, #tpu.memory_space<vmem_shared>>
        tpu.enqueue_indirect_dma source(%arg10 : memref<128x128xf32, #tpu.memory_space<vmem>>) target(%dma_start3A_94 : memref<10240x128xf32, #tpu.memory_space<vmem_shared>>) offsets(%dma_start3A_91 : memref<128xi32, #tpu.memory_space<vmem>>) semaphore(%run_scoped3A : memref<!tpu.dma_semaphore, #tpu.memory_space<semaphore_mem>>) {add = true}
        %dma_wait3A_95 = arith.constant 0 : i32
        %dma_wait3A_96 = tpu.memref_slice %arg9[%scan3A_78, %dma_wait3A_95] : memref<79x128xi32, #tpu.memory_space<vmem>> -> memref<1x128xi32, #tpu.memory_space<vmem>>
        %dma_wait3A_97 = tpu.memref_squeeze %dma_wait3A_96 : memref<1x128xi32, #tpu.memory_space<vmem>> -> memref<128xi32, #tpu.memory_space<vmem>>
        %dma_wait3A_98 = arith.constant 0 : i32
        %dma_wait3A_99 = arith.constant 0 : i32
        %dma_wait3A_100 = tpu.memref_slice %arg11[%dma_wait3A_98, %dma_wait3A_99] : memref<10240x128xf32, #tpu.memory_space<vmem_shared>> -> memref<10240x128xf32, #tpu.memory_space<vmem_shared>>
        tpu.wait_indirect_dma semaphore(%run_scoped3A : memref<!tpu.dma_semaphore, #tpu.memory_space<semaphore_mem>>) src(%arg10 : memref<128x128xf32, #tpu.memory_space<vmem>>) dst(%dma_wait3A_100 : memref<10240x128xf32, #tpu.memory_space<vmem_shared>>)
        tpu.yield
      }) : () -> ()
    }
    %scan3A_32 = arith.constant 79 : i32
    %barrier3A_33 = arith.constant 0 : index
    tpu.barrier barrier_id(%barrier3A_33)
    %mul3A_34 = arith.constant 640 : i32
    %mul3A_35 = arith.muli %arg1, %mul3A_34 : i32
    %mul3A_36 = arith.constant 640 : i32
    %mul3A_37 = arith.muli %arg1, %mul3A_36 : i32
    "tpu.region"() ({
      %run_scoped3A = tpu.sem_alloc : memref<!tpu.dma_semaphore, #tpu.memory_space<semaphore_mem>>
      %dma_start3A = arith.constant 0 : i32
      %dma_start3A_78 = tpu.memref_slice %arg6[%arg0, %mul3A_37, %dma_start3A] : memref<2x10240x128xf32, #tpu.memory_space<hbm>> -> memref<1x640x128xf32, #tpu.memory_space<hbm>>
      %dma_start3A_79 = tpu.memref_squeeze %dma_start3A_78 : memref<1x640x128xf32, #tpu.memory_space<hbm>> -> memref<640x128xf32, #tpu.memory_space<hbm>>
      %dma_start3A_80 = arith.constant 0 : i32
      %dma_start3A_81 = tpu.memref_slice %arg11[%mul3A_35, %dma_start3A_80] : memref<10240x128xf32, #tpu.memory_space<vmem_shared>> -> memref<640x128xf32, #tpu.memory_space<vmem_shared>>
      tpu.enqueue_dma source(%dma_start3A_81 : memref<640x128xf32, #tpu.memory_space<vmem_shared>>) target(%dma_start3A_79 : memref<640x128xf32, #tpu.memory_space<hbm>>) target_semaphore(%run_scoped3A : memref<!tpu.dma_semaphore, #tpu.memory_space<semaphore_mem>>)
      %dma_wait3A = arith.constant 0 : i32
      %dma_wait3A_82 = tpu.memref_slice %arg6[%arg0, %mul3A_37, %dma_wait3A] : memref<2x10240x128xf32, #tpu.memory_space<hbm>> -> memref<1x640x128xf32, #tpu.memory_space<hbm>>
      %dma_wait3A_83 = tpu.memref_squeeze %dma_wait3A_82 : memref<1x640x128xf32, #tpu.memory_space<hbm>> -> memref<640x128xf32, #tpu.memory_space<hbm>>
      %dma_wait3A_84 = arith.constant 0 : i32
      %dma_wait3A_85 = tpu.memref_slice %arg11[%mul3A_35, %dma_wait3A_84] : memref<10240x128xf32, #tpu.memory_space<vmem_shared>> -> memref<640x128xf32, #tpu.memory_space<vmem_shared>>
      tpu.wait_dma2 semaphore(%run_scoped3A : memref<!tpu.dma_semaphore, #tpu.memory_space<semaphore_mem>>) src(%dma_wait3A_85 : memref<640x128xf32, #tpu.memory_space<vmem_shared>>) dst(%dma_wait3A_83 : memref<640x128xf32, #tpu.memory_space<hbm>>)
      tpu.yield
    }) : () -> ()
    %barrier3A_38 = arith.constant 0 : index
    tpu.barrier barrier_id(%barrier3A_38)
    %scan3A_39 = arith.constant 0 : i32
    %scan3A_40 = arith.constant 0 : i32
    %scan3A_41 = arith.constant 128 : i32
    %scan3A_42 = arith.addi %scan3A_40, %scan3A_41 : i32
    %scan3A_43 = arith.constant 1 : i32
    scf.for %scan3A_78 = %scan3A_40 to %scan3A_42 step %scan3A_43  : i32 {
      %swap3A = arith.index_cast %scan3A_78 : i32 to index
      %swap3A_79 = arith.constant 0 : index
      %swap3A_80 = tpu.vector_load %arg10[%swap3A, %swap3A_79] {strides = array<i32>} : memref<128x128xf32, #tpu.memory_space<vmem>>, vector<1x16xf32>,
      %swap3A_81 = vector.shape_cast %swap3A_80 : vector<1x16xf32> to vector<16xf32>
      %swap3A_82 = vector.shape_cast %broadcast_in_dim3A_1 : vector<16xf32> to vector<1x16xf32>
      tpu.vector_store %arg10[%swap3A, %swap3A_79], %swap3A_82 {strides = array<i32>} : memref<128x128xf32, #tpu.memory_space<vmem>>, vector<1x16xf32>,
      %swap3A_83 = arith.index_cast %scan3A_78 : i32 to index
      %swap3A_84 = arith.constant 16 : index
      %swap3A_85 = tpu.vector_load %arg10[%swap3A_83, %swap3A_84] {strides = array<i32>} : memref<128x128xf32, #tpu.memory_space<vmem>>, vector<1x16xf32>,
      %swap3A_86 = vector.shape_cast %swap3A_85 : vector<1x16xf32> to vector<16xf32>
      %swap3A_87 = vector.shape_cast %broadcast_in_dim3A_1 : vector<16xf32> to vector<1x16xf32>
      tpu.vector_store %arg10[%swap3A_83, %swap3A_84], %swap3A_87 {strides = array<i32>} : memref<128x128xf32, #tpu.memory_space<vmem>>, vector<1x16xf32>,
      %swap3A_88 = arith.index_cast %scan3A_78 : i32 to index
      %swap3A_89 = arith.constant 32 : index
      %swap3A_90 = tpu.vector_load %arg10[%swap3A_88, %swap3A_89] {strides = array<i32>} : memref<128x128xf32, #tpu.memory_space<vmem>>, vector<1x16xf32>,
      %swap3A_91 = vector.shape_cast %swap3A_90 : vector<1x16xf32> to vector<16xf32>
      %swap3A_92 = vector.shape_cast %broadcast_in_dim3A_1 : vector<16xf32> to vector<1x16xf32>
      tpu.vector_store %arg10[%swap3A_88, %swap3A_89], %swap3A_92 {strides = array<i32>} : memref<128x128xf32, #tpu.memory_space<vmem>>, vector<1x16xf32>,
      %swap3A_93 = arith.index_cast %scan3A_78 : i32 to index
      %swap3A_94 = arith.constant 48 : index
      %swap3A_95 = tpu.vector_load %arg10[%swap3A_93, %swap3A_94] {strides = array<i32>} : memref<128x128xf32, #tpu.memory_space<vmem>>, vector<1x16xf32>,
      %swap3A_96 = vector.shape_cast %swap3A_95 : vector<1x16xf32> to vector<16xf32>
      %swap3A_97 = vector.shape_cast %broadcast_in_dim3A_1 : vector<16xf32> to vector<1x16xf32>
      tpu.vector_store %arg10[%swap3A_93, %swap3A_94], %swap3A_97 {strides = array<i32>} : memref<128x128xf32, #tpu.memory_space<vmem>>, vector<1x16xf32>,
      %swap3A_98 = arith.index_cast %scan3A_78 : i32 to index
      %swap3A_99 = arith.constant 64 : index
      %swap3A_100 = tpu.vector_load %arg10[%swap3A_98, %swap3A_99] {strides = array<i32>} : memref<128x128xf32, #tpu.memory_space<vmem>>, vector<1x16xf32>,
      %swap3A_101 = vector.shape_cast %swap3A_100 : vector<1x16xf32> to vector<16xf32>
      %swap3A_102 = vector.shape_cast %broadcast_in_dim3A_1 : vector<16xf32> to vector<1x16xf32>
      tpu.vector_store %arg10[%swap3A_98, %swap3A_99], %swap3A_102 {strides = array<i32>} : memref<128x128xf32, #tpu.memory_space<vmem>>, vector<1x16xf32>,
      %swap3A_103 = arith.index_cast %scan3A_78 : i32 to index
      %swap3A_104 = arith.constant 80 : index
      %swap3A_105 = tpu.vector_load %arg10[%swap3A_103, %swap3A_104] {strides = array<i32>} : memref<128x128xf32, #tpu.memory_space<vmem>>, vector<1x16xf32>,
      %swap3A_106 = vector.shape_cast %swap3A_105 : vector<1x16xf32> to vector<16xf32>
      %swap3A_107 = vector.shape_cast %broadcast_in_dim3A_1 : vector<16xf32> to vector<1x16xf32>
      tpu.vector_store %arg10[%swap3A_103, %swap3A_104], %swap3A_107 {strides = array<i32>} : memref<128x128xf32, #tpu.memory_space<vmem>>, vector<1x16xf32>,
      %swap3A_108 = arith.index_cast %scan3A_78 : i32 to index
      %swap3A_109 = arith.constant 96 : index
      %swap3A_110 = tpu.vector_load %arg10[%swap3A_108, %swap3A_109] {strides = array<i32>} : memref<128x128xf32, #tpu.memory_space<vmem>>, vector<1x16xf32>,
      %swap3A_111 = vector.shape_cast %swap3A_110 : vector<1x16xf32> to vector<16xf32>
      %swap3A_112 = vector.shape_cast %broadcast_in_dim3A_1 : vector<16xf32> to vector<1x16xf32>
      tpu.vector_store %arg10[%swap3A_108, %swap3A_109], %swap3A_112 {strides = array<i32>} : memref<128x128xf32, #tpu.memory_space<vmem>>, vector<1x16xf32>,
      %swap3A_113 = arith.index_cast %scan3A_78 : i32 to index
      %swap3A_114 = arith.constant 112 : index
      %swap3A_115 = tpu.vector_load %arg10[%swap3A_113, %swap3A_114] {strides = array<i32>} : memref<128x128xf32, #tpu.memory_space<vmem>>, vector<1x16xf32>,
      %swap3A_116 = vector.shape_cast %swap3A_115 : vector<1x16xf32> to vector<16xf32>
      %swap3A_117 = vector.shape_cast %broadcast_in_dim3A_1 : vector<16xf32> to vector<1x16xf32>
      tpu.vector_store %arg10[%swap3A_113, %swap3A_114], %swap3A_117 {strides = array<i32>} : memref<128x128xf32, #tpu.memory_space<vmem>>, vector<1x16xf32>,
    }
    %scan3A_44 = arith.constant 128 : i32
    %mul3A_45 = arith.constant 640 : i32
    %mul3A_46 = arith.muli %arg1, %mul3A_45 : i32
    %add3A_47 = arith.constant 0 : i32
    %add3A_48 = arith.addi %mul3A_46, %add3A_47 : i32
    "tpu.region"() ({
      %run_scoped3A = tpu.sem_alloc : memref<!tpu.dma_semaphore, #tpu.memory_space<semaphore_mem>>
      %dma_start3A = arith.constant 0 : i32
      %dma_start3A_78 = tpu.memref_slice %arg11[%add3A_48, %dma_start3A] : memref<10240x128xf32, #tpu.memory_space<vmem_shared>> -> memref<128x128xf32, #tpu.memory_space<vmem_shared>>
      %dma_start3A_79 = arith.constant 0 : i32
      %dma_start3A_80 = tpu.memref_slice %arg11[%add3A_48, %dma_start3A_79] : memref<10240x128xf32, #tpu.memory_space<vmem_shared>> -> memref<128x128xf32, #tpu.memory_space<vmem_shared>>
      tpu.enqueue_dma source(%arg10 : memref<128x128xf32, #tpu.memory_space<vmem>>) target(%dma_start3A_80 : memref<128x128xf32, #tpu.memory_space<vmem_shared>>) target_semaphore(%run_scoped3A : memref<!tpu.dma_semaphore, #tpu.memory_space<semaphore_mem>>)
      %dma_wait3A = arith.constant 0 : i32
      %dma_wait3A_81 = tpu.memref_slice %arg11[%add3A_48, %dma_wait3A] : memref<10240x128xf32, #tpu.memory_space<vmem_shared>> -> memref<128x128xf32, #tpu.memory_space<vmem_shared>>
      %dma_wait3A_82 = arith.constant 0 : i32
      %dma_wait3A_83 = tpu.memref_slice %arg11[%add3A_48, %dma_wait3A_82] : memref<10240x128xf32, #tpu.memory_space<vmem_shared>> -> memref<128x128xf32, #tpu.memory_space<vmem_shared>>
      tpu.wait_dma2 semaphore(%run_scoped3A : memref<!tpu.dma_semaphore, #tpu.memory_space<semaphore_mem>>) src(%arg10 : memref<128x128xf32, #tpu.memory_space<vmem>>) dst(%dma_wait3A_83 : memref<128x128xf32, #tpu.memory_space<vmem_shared>>)
      tpu.yield
    }) : () -> ()
    %mul3A_49 = arith.constant 640 : i32
    %mul3A_50 = arith.muli %arg1, %mul3A_49 : i32
    %add3A_51 = arith.constant 128 : i32
    %add3A_52 = arith.addi %mul3A_50, %add3A_51 : i32
    "tpu.region"() ({
      %run_scoped3A = tpu.sem_alloc : memref<!tpu.dma_semaphore, #tpu.memory_space<semaphore_mem>>
      %dma_start3A = arith.constant 0 : i32
      %dma_start3A_78 = tpu.memref_slice %arg11[%add3A_52, %dma_start3A] : memref<10240x128xf32, #tpu.memory_space<vmem_shared>> -> memref<128x128xf32, #tpu.memory_space<vmem_shared>>
      %dma_start3A_79 = arith.constant 0 : i32
      %dma_start3A_80 = tpu.memref_slice %arg11[%add3A_52, %dma_start3A_79] : memref<10240x128xf32, #tpu.memory_space<vmem_shared>> -> memref<128x128xf32, #tpu.memory_space<vmem_shared>>
      tpu.enqueue_dma source(%arg10 : memref<128x128xf32, #tpu.memory_space<vmem>>) target(%dma_start3A_80 : memref<128x128xf32, #tpu.memory_space<vmem_shared>>) target_semaphore(%run_scoped3A : memref<!tpu.dma_semaphore, #tpu.memory_space<semaphore_mem>>)
      %dma_wait3A = arith.constant 0 : i32
      %dma_wait3A_81 = tpu.memref_slice %arg11[%add3A_52, %dma_wait3A] : memref<10240x128xf32, #tpu.memory_space<vmem_shared>> -> memref<128x128xf32, #tpu.memory_space<vmem_shared>>
      %dma_wait3A_82 = arith.constant 0 : i32
      %dma_wait3A_83 = tpu.memref_slice %arg11[%add3A_52, %dma_wait3A_82] : memref<10240x128xf32, #tpu.memory_space<vmem_shared>> -> memref<128x128xf32, #tpu.memory_space<vmem_shared>>
      tpu.wait_dma2 semaphore(%run_scoped3A : memref<!tpu.dma_semaphore, #tpu.memory_space<semaphore_mem>>) src(%arg10 : memref<128x128xf32, #tpu.memory_space<vmem>>) dst(%dma_wait3A_83 : memref<128x128xf32, #tpu.memory_space<vmem_shared>>)
      tpu.yield
    }) : () -> ()
    %mul3A_53 = arith.constant 640 : i32
    %mul3A_54 = arith.muli %arg1, %mul3A_53 : i32
    %add3A_55 = arith.constant 256 : i32
    %add3A_56 = arith.addi %mul3A_54, %add3A_55 : i32
    "tpu.region"() ({
      %run_scoped3A = tpu.sem_alloc : memref<!tpu.dma_semaphore, #tpu.memory_space<semaphore_mem>>
      %dma_start3A = arith.constant 0 : i32
      %dma_start3A_78 = tpu.memref_slice %arg11[%add3A_56, %dma_start3A] : memref<10240x128xf32, #tpu.memory_space<vmem_shared>> -> memref<128x128xf32, #tpu.memory_space<vmem_shared>>
      %dma_start3A_79 = arith.constant 0 : i32
      %dma_start3A_80 = tpu.memref_slice %arg11[%add3A_56, %dma_start3A_79] : memref<10240x128xf32, #tpu.memory_space<vmem_shared>> -> memref<128x128xf32, #tpu.memory_space<vmem_shared>>
      tpu.enqueue_dma source(%arg10 : memref<128x128xf32, #tpu.memory_space<vmem>>) target(%dma_start3A_80 : memref<128x128xf32, #tpu.memory_space<vmem_shared>>) target_semaphore(%run_scoped3A : memref<!tpu.dma_semaphore, #tpu.memory_space<semaphore_mem>>)
      %dma_wait3A = arith.constant 0 : i32
      %dma_wait3A_81 = tpu.memref_slice %arg11[%add3A_56, %dma_wait3A] : memref<10240x128xf32, #tpu.memory_space<vmem_shared>> -> memref<128x128xf32, #tpu.memory_space<vmem_shared>>
      %dma_wait3A_82 = arith.constant 0 : i32
      %dma_wait3A_83 = tpu.memref_slice %arg11[%add3A_56, %dma_wait3A_82] : memref<10240x128xf32, #tpu.memory_space<vmem_shared>> -> memref<128x128xf32, #tpu.memory_space<vmem_shared>>
      tpu.wait_dma2 semaphore(%run_scoped3A : memref<!tpu.dma_semaphore, #tpu.memory_space<semaphore_mem>>) src(%arg10 : memref<128x128xf32, #tpu.memory_space<vmem>>) dst(%dma_wait3A_83 : memref<128x128xf32, #tpu.memory_space<vmem_shared>>)
      tpu.yield
    }) : () -> ()
    %mul3A_57 = arith.constant 640 : i32
    %mul3A_58 = arith.muli %arg1, %mul3A_57 : i32
    %add3A_59 = arith.constant 384 : i32
    %add3A_60 = arith.addi %mul3A_58, %add3A_59 : i32
    "tpu.region"() ({
      %run_scoped3A = tpu.sem_alloc : memref<!tpu.dma_semaphore, #tpu.memory_space<semaphore_mem>>
      %dma_start3A = arith.constant 0 : i32
      %dma_start3A_78 = tpu.memref_slice %arg11[%add3A_60, %dma_start3A] : memref<10240x128xf32, #tpu.memory_space<vmem_shared>> -> memref<128x128xf32, #tpu.memory_space<vmem_shared>>
      %dma_start3A_79 = arith.constant 0 : i32
      %dma_start3A_80 = tpu.memref_slice %arg11[%add3A_60, %dma_start3A_79] : memref<10240x128xf32, #tpu.memory_space<vmem_shared>> -> memref<128x128xf32, #tpu.memory_space<vmem_shared>>
      tpu.enqueue_dma source(%arg10 : memref<128x128xf32, #tpu.memory_space<vmem>>) target(%dma_start3A_80 : memref<128x128xf32, #tpu.memory_space<vmem_shared>>) target_semaphore(%run_scoped3A : memref<!tpu.dma_semaphore, #tpu.memory_space<semaphore_mem>>)
      %dma_wait3A = arith.constant 0 : i32
      %dma_wait3A_81 = tpu.memref_slice %arg11[%add3A_60, %dma_wait3A] : memref<10240x128xf32, #tpu.memory_space<vmem_shared>> -> memref<128x128xf32, #tpu.memory_space<vmem_shared>>
      %dma_wait3A_82 = arith.constant 0 : i32
      %dma_wait3A_83 = tpu.memref_slice %arg11[%add3A_60, %dma_wait3A_82] : memref<10240x128xf32, #tpu.memory_space<vmem_shared>> -> memref<128x128xf32, #tpu.memory_space<vmem_shared>>
      tpu.wait_dma2 semaphore(%run_scoped3A : memref<!tpu.dma_semaphore, #tpu.memory_space<semaphore_mem>>) src(%arg10 : memref<128x128xf32, #tpu.memory_space<vmem>>) dst(%dma_wait3A_83 : memref<128x128xf32, #tpu.memory_space<vmem_shared>>)
      tpu.yield
    }) : () -> ()
    %mul3A_61 = arith.constant 640 : i32
    %mul3A_62 = arith.muli %arg1, %mul3A_61 : i32
    %add3A_63 = arith.constant 512 : i32
    %add3A_64 = arith.addi %mul3A_62, %add3A_63 : i32
    "tpu.region"() ({
      %run_scoped3A = tpu.sem_alloc : memref<!tpu.dma_semaphore, #tpu.memory_space<semaphore_mem>>
      %dma_start3A = arith.constant 0 : i32
      %dma_start3A_78 = tpu.memref_slice %arg11[%add3A_64, %dma_start3A] : memref<10240x128xf32, #tpu.memory_space<vmem_shared>> -> memref<128x128xf32, #tpu.memory_space<vmem_shared>>
      %dma_start3A_79 = arith.constant 0 : i32
      %dma_start3A_80 = tpu.memref_slice %arg11[%add3A_64, %dma_start3A_79] : memref<10240x128xf32, #tpu.memory_space<vmem_shared>> -> memref<128x128xf32, #tpu.memory_space<vmem_shared>>
      tpu.enqueue_dma source(%arg10 : memref<128x128xf32, #tpu.memory_space<vmem>>) target(%dma_start3A_80 : memref<128x128xf32, #tpu.memory_space<vmem_shared>>) target_semaphore(%run_scoped3A : memref<!tpu.dma_semaphore, #tpu.memory_space<semaphore_mem>>)
      %dma_wait3A = arith.constant 0 : i32
      %dma_wait3A_81 = tpu.memref_slice %arg11[%add3A_64, %dma_wait3A] : memref<10240x128xf32, #tpu.memory_space<vmem_shared>> -> memref<128x128xf32, #tpu.memory_space<vmem_shared>>
      %dma_wait3A_82 = arith.constant 0 : i32
      %dma_wait3A_83 = tpu.memref_slice %arg11[%add3A_64, %dma_wait3A_82] : memref<10240x128xf32, #tpu.memory_space<vmem_shared>> -> memref<128x128xf32, #tpu.memory_space<vmem_shared>>
      tpu.wait_dma2 semaphore(%run_scoped3A : memref<!tpu.dma_semaphore, #tpu.memory_space<semaphore_mem>>) src(%arg10 : memref<128x128xf32, #tpu.memory_space<vmem>>) dst(%dma_wait3A_83 : memref<128x128xf32, #tpu.memory_space<vmem_shared>>)
      tpu.yield
    }) : () -> ()
    %barrier3A_65 = arith.constant 0 : index
    tpu.barrier barrier_id(%barrier3A_65)
    %scan3A_66 = arith.constant 0 : i32
    %scan3A_67 = arith.constant 0 : i32
    %scan3A_68 = arith.constant 79 : i32
    %scan3A_69 = arith.addi %scan3A_67, %scan3A_68 : i32
    %scan3A_70 = arith.constant 1 : i32
    scf.for %scan3A_78 = %scan3A_67 to %scan3A_69 step %scan3A_70  : i32 {
      %dma_start3A = arith.constant 0 : i32
      %dma_start3A_79 = tpu.memref_slice %arg8[%scan3A_78, %dma_start3A] : memref<79x128xi32, #tpu.memory_space<vmem>> -> memref<1x128xi32, #tpu.memory_space<vmem>>
      %dma_start3A_80 = tpu.memref_squeeze %dma_start3A_79 : memref<1x128xi32, #tpu.memory_space<vmem>> -> memref<128xi32, #tpu.memory_space<vmem>>
      %dma_start3A_81 = arith.constant 0 : i32
      %dma_start3A_82 = arith.constant 0 : i32
      %dma_start3A_83 = tpu.memref_slice %arg5[%dma_start3A_81, %dma_start3A_82] : memref<10000x128xf32, #tpu.memory_space<hbm>> -> memref<10000x128xf32, #tpu.memory_space<hbm>>
      tpu.enqueue_indirect_dma source(%dma_start3A_83 : memref<10000x128xf32, #tpu.memory_space<hbm>>) target(%arg10 : memref<128x128xf32, #tpu.memory_space<vmem>>) offsets(%dma_start3A_80 : memref<128xi32, #tpu.memory_space<vmem>>) semaphore(%arg12 : memref<!tpu.dma_semaphore, #tpu.memory_space<semaphore_mem>>)
      %dma_wait3A = arith.constant 0 : i32
      %dma_wait3A_84 = tpu.memref_slice %arg8[%scan3A_78, %dma_wait3A] : memref<79x128xi32, #tpu.memory_space<vmem>> -> memref<1x128xi32, #tpu.memory_space<vmem>>
      %dma_wait3A_85 = tpu.memref_squeeze %dma_wait3A_84 : memref<1x128xi32, #tpu.memory_space<vmem>> -> memref<128xi32, #tpu.memory_space<vmem>>
      %dma_wait3A_86 = arith.constant 0 : i32
      %dma_wait3A_87 = arith.constant 0 : i32
      %dma_wait3A_88 = tpu.memref_slice %arg5[%dma_wait3A_86, %dma_wait3A_87] : memref<10000x128xf32, #tpu.memory_space<hbm>> -> memref<10000x128xf32, #tpu.memory_space<hbm>>
      tpu.wait_indirect_dma semaphore(%arg12 : memref<!tpu.dma_semaphore, #tpu.memory_space<semaphore_mem>>) src(%dma_wait3A_88 : memref<10000x128xf32, #tpu.memory_space<hbm>>) dst(%arg10 : memref<128x128xf32, #tpu.memory_space<vmem>>)
      "tpu.region"() ({
        %run_scoped3A = tpu.sem_alloc : memref<!tpu.dma_semaphore, #tpu.memory_space<semaphore_mem>>
        %dma_start3A_89 = arith.constant 0 : i32
        %dma_start3A_90 = tpu.memref_slice %arg9[%scan3A_78, %dma_start3A_89] : memref<79x128xi32, #tpu.memory_space<vmem>> -> memref<1x128xi32, #tpu.memory_space<vmem>>
        %dma_start3A_91 = tpu.memref_squeeze %dma_start3A_90 : memref<1x128xi32, #tpu.memory_space<vmem>> -> memref<128xi32, #tpu.memory_space<vmem>>
        %dma_start3A_92 = arith.constant 0 : i32
        %dma_start3A_93 = arith.constant 0 : i32
        %dma_start3A_94 = tpu.memref_slice %arg11[%dma_start3A_92, %dma_start3A_93] : memref<10240x128xf32, #tpu.memory_space<vmem_shared>> -> memref<10240x128xf32, #tpu.memory_space<vmem_shared>>
        tpu.enqueue_indirect_dma source(%arg10 : memref<128x128xf32, #tpu.memory_space<vmem>>) target(%dma_start3A_94 : memref<10240x128xf32, #tpu.memory_space<vmem_shared>>) offsets(%dma_start3A_91 : memref<128xi32, #tpu.memory_space<vmem>>) semaphore(%run_scoped3A : memref<!tpu.dma_semaphore, #tpu.memory_space<semaphore_mem>>) {add = true}
        %dma_wait3A_95 = arith.constant 0 : i32
        %dma_wait3A_96 = tpu.memref_slice %arg9[%scan3A_78, %dma_wait3A_95] : memref<79x128xi32, #tpu.memory_space<vmem>> -> memref<1x128xi32, #tpu.memory_space<vmem>>
        %dma_wait3A_97 = tpu.memref_squeeze %dma_wait3A_96 : memref<1x128xi32, #tpu.memory_space<vmem>> -> memref<128xi32, #tpu.memory_space<vmem>>
        %dma_wait3A_98 = arith.constant 0 : i32
        %dma_wait3A_99 = arith.constant 0 : i32
        %dma_wait3A_100 = tpu.memref_slice %arg11[%dma_wait3A_98, %dma_wait3A_99] : memref<10240x128xf32, #tpu.memory_space<vmem_shared>> -> memref<10240x128xf32, #tpu.memory_space<vmem_shared>>
        tpu.wait_indirect_dma semaphore(%run_scoped3A : memref<!tpu.dma_semaphore, #tpu.memory_space<semaphore_mem>>) src(%arg10 : memref<128x128xf32, #tpu.memory_space<vmem>>) dst(%dma_wait3A_100 : memref<10240x128xf32, #tpu.memory_space<vmem_shared>>)
        tpu.yield
      }) : () -> ()
    }
    %scan3A_71 = arith.constant 79 : i32
    %barrier3A_72 = arith.constant 0 : index
    tpu.barrier barrier_id(%barrier3A_72)
    %mul3A_73 = arith.constant 640 : i32
    %mul3A_74 = arith.muli %arg1, %mul3A_73 : i32
    %mul3A_75 = arith.constant 640 : i32
    %mul3A_76 = arith.muli %arg1, %mul3A_75 : i32
    "tpu.region"() ({
      %run_scoped3A = tpu.sem_alloc : memref<!tpu.dma_semaphore, #tpu.memory_space<semaphore_mem>>
      %dma_start3A = arith.constant 0 : i32
      %dma_start3A_78 = tpu.memref_slice %arg7[%arg0, %mul3A_76, %dma_start3A] : memref<2x10240x128xf32, #tpu.memory_space<hbm>> -> memref<1x640x128xf32, #tpu.memory_space<hbm>>
      %dma_start3A_79 = tpu.memref_squeeze %dma_start3A_78 : memref<1x640x128xf32, #tpu.memory_space<hbm>> -> memref<640x128xf32, #tpu.memory_space<hbm>>
      %dma_start3A_80 = arith.constant 0 : i32
      %dma_start3A_81 = tpu.memref_slice %arg11[%mul3A_74, %dma_start3A_80] : memref<10240x128xf32, #tpu.memory_space<vmem_shared>> -> memref<640x128xf32, #tpu.memory_space<vmem_shared>>
      tpu.enqueue_dma source(%dma_start3A_81 : memref<640x128xf32, #tpu.memory_space<vmem_shared>>) target(%dma_start3A_79 : memref<640x128xf32, #tpu.memory_space<hbm>>) target_semaphore(%run_scoped3A : memref<!tpu.dma_semaphore, #tpu.memory_space<semaphore_mem>>)
      %dma_wait3A = arith.constant 0 : i32
      %dma_wait3A_82 = tpu.memref_slice %arg7[%arg0, %mul3A_76, %dma_wait3A] : memref<2x10240x128xf32, #tpu.memory_space<hbm>> -> memref<1x640x128xf32, #tpu.memory_space<hbm>>
      %dma_wait3A_83 = tpu.memref_squeeze %dma_wait3A_82 : memref<1x640x128xf32, #tpu.memory_space<hbm>> -> memref<640x128xf32, #tpu.memory_space<hbm>>
      %dma_wait3A_84 = arith.constant 0 : i32
      %dma_wait3A_85 = tpu.memref_slice %arg11[%mul3A_74, %dma_wait3A_84] : memref<10240x128xf32, #tpu.memory_space<vmem_shared>> -> memref<640x128xf32, #tpu.memory_space<vmem_shared>>
      tpu.wait_dma2 semaphore(%run_scoped3A : memref<!tpu.dma_semaphore, #tpu.memory_space<semaphore_mem>>) src(%dma_wait3A_85 : memref<640x128xf32, #tpu.memory_space<vmem_shared>>) dst(%dma_wait3A_83 : memref<640x128xf32, #tpu.memory_space<hbm>>)
      tpu.yield
    }) : () -> ()
    %barrier3A_77 = arith.constant 0 : index
    tpu.barrier barrier_id(%barrier3A_77)
    return
  }
}

#map = affine_map<(d0, d1) -> (0, 0, 0)>
#map1 = affine_map<(d0, d1) -> (0, 0)>
module attributes {stable_mosaic.version = 14 : i64} {
  func.func @agg_k(%arg0: i32, %arg1: i32, %arg2: memref<32x79x128xi32, #tpu.memory_space<hbm>>, %arg3: memref<32x79x128xi32, #tpu.memory_space<hbm>>, %arg4: memref<10000x64xf32, #tpu.memory_space<hbm>>, %arg5: memref<2x10240x64xf32, #tpu.memory_space<hbm>>, %arg6: memref<79x128xi32, #tpu.memory_space<vmem>>, %arg7: memref<79x128xi32, #tpu.memory_space<vmem>>, %arg8: memref<128x64xf32, #tpu.memory_space<vmem>>, %arg9: memref<10240x64xf32, #tpu.memory_space<vmem_shared>>, %arg10: memref<!tpu.dma_semaphore, #tpu.memory_space<semaphore_mem>>) attributes {dimension_semantics = [#tpu.dimension_semantics<core_parallel>, #tpu.dimension_semantics<subcore_parallel>], iteration_bounds = array<i64: 2, 16>, scalar_prefetch = 0 : i64, scratch_operands = 5 : i64, tpu.core_type = #tpu.core_type<sc_vector_subcore>, window_params = [{transform_indices = #map}, {transform_indices = #map}, {transform_indices = #map1}, {transform_indices = #map}]} {
    %mul3A = arith.constant 2 : i32
    %mul3A_0 = arith.muli %arg1, %mul3A : i32
    %add3A = arith.addi %mul3A_0, %arg0 : i32
    "tpu.region"() ({
      %run_scoped3A = tpu.sem_alloc : memref<!tpu.dma_semaphore, #tpu.memory_space<semaphore_mem>>
      %dma_start3A = arith.constant 0 : i32
      %dma_start3A_39 = arith.constant 0 : i32
      %dma_start3A_40 = tpu.memref_slice %arg2[%add3A, %dma_start3A, %dma_start3A_39] : memref<32x79x128xi32, #tpu.memory_space<hbm>> -> memref<1x79x128xi32, #tpu.memory_space<hbm>>
      %dma_start3A_41 = tpu.memref_squeeze %dma_start3A_40 : memref<1x79x128xi32, #tpu.memory_space<hbm>> -> memref<79x128xi32, #tpu.memory_space<hbm>>
      %dma_start3A_42 = arith.constant 0 : i32
      %dma_start3A_43 = arith.constant 0 : i32
      %dma_start3A_44 = tpu.memref_slice %arg2[%add3A, %dma_start3A_42, %dma_start3A_43] : memref<32x79x128xi32, #tpu.memory_space<hbm>> -> memref<1x79x128xi32, #tpu.memory_space<hbm>>
      %dma_start3A_45 = tpu.memref_squeeze %dma_start3A_44 : memref<1x79x128xi32, #tpu.memory_space<hbm>> -> memref<79x128xi32, #tpu.memory_space<hbm>>
      tpu.enqueue_dma source(%dma_start3A_45 : memref<79x128xi32, #tpu.memory_space<hbm>>) target(%arg6 : memref<79x128xi32, #tpu.memory_space<vmem>>) target_semaphore(%run_scoped3A : memref<!tpu.dma_semaphore, #tpu.memory_space<semaphore_mem>>)
      %dma_wait3A = arith.constant 0 : i32
      %dma_wait3A_46 = arith.constant 0 : i32
      %dma_wait3A_47 = tpu.memref_slice %arg2[%add3A, %dma_wait3A, %dma_wait3A_46] : memref<32x79x128xi32, #tpu.memory_space<hbm>> -> memref<1x79x128xi32, #tpu.memory_space<hbm>>
      %dma_wait3A_48 = tpu.memref_squeeze %dma_wait3A_47 : memref<1x79x128xi32, #tpu.memory_space<hbm>> -> memref<79x128xi32, #tpu.memory_space<hbm>>
      %dma_wait3A_49 = arith.constant 0 : i32
      %dma_wait3A_50 = arith.constant 0 : i32
      %dma_wait3A_51 = tpu.memref_slice %arg2[%add3A, %dma_wait3A_49, %dma_wait3A_50] : memref<32x79x128xi32, #tpu.memory_space<hbm>> -> memref<1x79x128xi32, #tpu.memory_space<hbm>>
      %dma_wait3A_52 = tpu.memref_squeeze %dma_wait3A_51 : memref<1x79x128xi32, #tpu.memory_space<hbm>> -> memref<79x128xi32, #tpu.memory_space<hbm>>
      tpu.wait_dma2 semaphore(%run_scoped3A : memref<!tpu.dma_semaphore, #tpu.memory_space<semaphore_mem>>) src(%dma_wait3A_52 : memref<79x128xi32, #tpu.memory_space<hbm>>) dst(%arg6 : memref<79x128xi32, #tpu.memory_space<vmem>>)
      tpu.yield
    }) : () -> ()
    "tpu.region"() ({
      %run_scoped3A = tpu.sem_alloc : memref<!tpu.dma_semaphore, #tpu.memory_space<semaphore_mem>>
      %dma_start3A = arith.constant 0 : i32
      %dma_start3A_39 = arith.constant 0 : i32
      %dma_start3A_40 = tpu.memref_slice %arg3[%add3A, %dma_start3A, %dma_start3A_39] : memref<32x79x128xi32, #tpu.memory_space<hbm>> -> memref<1x79x128xi32, #tpu.memory_space<hbm>>
      %dma_start3A_41 = tpu.memref_squeeze %dma_start3A_40 : memref<1x79x128xi32, #tpu.memory_space<hbm>> -> memref<79x128xi32, #tpu.memory_space<hbm>>
      %dma_start3A_42 = arith.constant 0 : i32
      %dma_start3A_43 = arith.constant 0 : i32
      %dma_start3A_44 = tpu.memref_slice %arg3[%add3A, %dma_start3A_42, %dma_start3A_43] : memref<32x79x128xi32, #tpu.memory_space<hbm>> -> memref<1x79x128xi32, #tpu.memory_space<hbm>>
      %dma_start3A_45 = tpu.memref_squeeze %dma_start3A_44 : memref<1x79x128xi32, #tpu.memory_space<hbm>> -> memref<79x128xi32, #tpu.memory_space<hbm>>
      tpu.enqueue_dma source(%dma_start3A_45 : memref<79x128xi32, #tpu.memory_space<hbm>>) target(%arg7 : memref<79x128xi32, #tpu.memory_space<vmem>>) target_semaphore(%run_scoped3A : memref<!tpu.dma_semaphore, #tpu.memory_space<semaphore_mem>>)
      %dma_wait3A = arith.constant 0 : i32
      %dma_wait3A_46 = arith.constant 0 : i32
      %dma_wait3A_47 = tpu.memref_slice %arg3[%add3A, %dma_wait3A, %dma_wait3A_46] : memref<32x79x128xi32, #tpu.memory_space<hbm>> -> memref<1x79x128xi32, #tpu.memory_space<hbm>>
      %dma_wait3A_48 = tpu.memref_squeeze %dma_wait3A_47 : memref<1x79x128xi32, #tpu.memory_space<hbm>> -> memref<79x128xi32, #tpu.memory_space<hbm>>
      %dma_wait3A_49 = arith.constant 0 : i32
      %dma_wait3A_50 = arith.constant 0 : i32
      %dma_wait3A_51 = tpu.memref_slice %arg3[%add3A, %dma_wait3A_49, %dma_wait3A_50] : memref<32x79x128xi32, #tpu.memory_space<hbm>> -> memref<1x79x128xi32, #tpu.memory_space<hbm>>
      %dma_wait3A_52 = tpu.memref_squeeze %dma_wait3A_51 : memref<1x79x128xi32, #tpu.memory_space<hbm>> -> memref<79x128xi32, #tpu.memory_space<hbm>>
      tpu.wait_dma2 semaphore(%run_scoped3A : memref<!tpu.dma_semaphore, #tpu.memory_space<semaphore_mem>>) src(%dma_wait3A_52 : memref<79x128xi32, #tpu.memory_space<hbm>>) dst(%arg7 : memref<79x128xi32, #tpu.memory_space<vmem>>)
      tpu.yield
    }) : () -> ()
    %broadcast_in_dim3A = arith.constant 0.000000e+00 : f32
    %broadcast_in_dim3A_1 = vector.broadcast %broadcast_in_dim3A : f32 to vector<16xf32>
    %scan3A = arith.constant 0 : i32
    %scan3A_2 = arith.constant 0 : i32
    %scan3A_3 = arith.constant 128 : i32
    %scan3A_4 = arith.addi %scan3A_2, %scan3A_3 : i32
    %scan3A_5 = arith.constant 1 : i32
    scf.for %scan3A_39 = %scan3A_2 to %scan3A_4 step %scan3A_5  : i32 {
      %swap3A = arith.index_cast %scan3A_39 : i32 to index
      %swap3A_40 = arith.constant 0 : index
      %swap3A_41 = tpu.vector_load %arg8[%swap3A, %swap3A_40] {strides = array<i32>} : memref<128x64xf32, #tpu.memory_space<vmem>>, vector<1x16xf32>,
      %swap3A_42 = vector.shape_cast %swap3A_41 : vector<1x16xf32> to vector<16xf32>
      %swap3A_43 = vector.shape_cast %broadcast_in_dim3A_1 : vector<16xf32> to vector<1x16xf32>
      tpu.vector_store %arg8[%swap3A, %swap3A_40], %swap3A_43 {strides = array<i32>} : memref<128x64xf32, #tpu.memory_space<vmem>>, vector<1x16xf32>,
      %swap3A_44 = arith.index_cast %scan3A_39 : i32 to index
      %swap3A_45 = arith.constant 16 : index
      %swap3A_46 = tpu.vector_load %arg8[%swap3A_44, %swap3A_45] {strides = array<i32>} : memref<128x64xf32, #tpu.memory_space<vmem>>, vector<1x16xf32>,
      %swap3A_47 = vector.shape_cast %swap3A_46 : vector<1x16xf32> to vector<16xf32>
      %swap3A_48 = vector.shape_cast %broadcast_in_dim3A_1 : vector<16xf32> to vector<1x16xf32>
      tpu.vector_store %arg8[%swap3A_44, %swap3A_45], %swap3A_48 {strides = array<i32>} : memref<128x64xf32, #tpu.memory_space<vmem>>, vector<1x16xf32>,
      %swap3A_49 = arith.index_cast %scan3A_39 : i32 to index
      %swap3A_50 = arith.constant 32 : index
      %swap3A_51 = tpu.vector_load %arg8[%swap3A_49, %swap3A_50] {strides = array<i32>} : memref<128x64xf32, #tpu.memory_space<vmem>>, vector<1x16xf32>,
      %swap3A_52 = vector.shape_cast %swap3A_51 : vector<1x16xf32> to vector<16xf32>
      %swap3A_53 = vector.shape_cast %broadcast_in_dim3A_1 : vector<16xf32> to vector<1x16xf32>
      tpu.vector_store %arg8[%swap3A_49, %swap3A_50], %swap3A_53 {strides = array<i32>} : memref<128x64xf32, #tpu.memory_space<vmem>>, vector<1x16xf32>,
      %swap3A_54 = arith.index_cast %scan3A_39 : i32 to index
      %swap3A_55 = arith.constant 48 : index
      %swap3A_56 = tpu.vector_load %arg8[%swap3A_54, %swap3A_55] {strides = array<i32>} : memref<128x64xf32, #tpu.memory_space<vmem>>, vector<1x16xf32>,
      %swap3A_57 = vector.shape_cast %swap3A_56 : vector<1x16xf32> to vector<16xf32>
      %swap3A_58 = vector.shape_cast %broadcast_in_dim3A_1 : vector<16xf32> to vector<1x16xf32>
      tpu.vector_store %arg8[%swap3A_54, %swap3A_55], %swap3A_58 {strides = array<i32>} : memref<128x64xf32, #tpu.memory_space<vmem>>, vector<1x16xf32>,
    }
    %scan3A_6 = arith.constant 128 : i32
    %mul3A_7 = arith.constant 640 : i32
    %mul3A_8 = arith.muli %arg1, %mul3A_7 : i32
    %add3A_9 = arith.constant 0 : i32
    %add3A_10 = arith.addi %mul3A_8, %add3A_9 : i32
    "tpu.region"() ({
      %run_scoped3A = tpu.sem_alloc : memref<!tpu.dma_semaphore, #tpu.memory_space<semaphore_mem>>
      %dma_start3A = arith.constant 0 : i32
      %dma_start3A_39 = tpu.memref_slice %arg9[%add3A_10, %dma_start3A] : memref<10240x64xf32, #tpu.memory_space<vmem_shared>> -> memref<128x64xf32, #tpu.memory_space<vmem_shared>>
      %dma_start3A_40 = arith.constant 0 : i32
      %dma_start3A_41 = tpu.memref_slice %arg9[%add3A_10, %dma_start3A_40] : memref<10240x64xf32, #tpu.memory_space<vmem_shared>> -> memref<128x64xf32, #tpu.memory_space<vmem_shared>>
      tpu.enqueue_dma source(%arg8 : memref<128x64xf32, #tpu.memory_space<vmem>>) target(%dma_start3A_41 : memref<128x64xf32, #tpu.memory_space<vmem_shared>>) target_semaphore(%run_scoped3A : memref<!tpu.dma_semaphore, #tpu.memory_space<semaphore_mem>>)
      %dma_wait3A = arith.constant 0 : i32
      %dma_wait3A_42 = tpu.memref_slice %arg9[%add3A_10, %dma_wait3A] : memref<10240x64xf32, #tpu.memory_space<vmem_shared>> -> memref<128x64xf32, #tpu.memory_space<vmem_shared>>
      %dma_wait3A_43 = arith.constant 0 : i32
      %dma_wait3A_44 = tpu.memref_slice %arg9[%add3A_10, %dma_wait3A_43] : memref<10240x64xf32, #tpu.memory_space<vmem_shared>> -> memref<128x64xf32, #tpu.memory_space<vmem_shared>>
      tpu.wait_dma2 semaphore(%run_scoped3A : memref<!tpu.dma_semaphore, #tpu.memory_space<semaphore_mem>>) src(%arg8 : memref<128x64xf32, #tpu.memory_space<vmem>>) dst(%dma_wait3A_44 : memref<128x64xf32, #tpu.memory_space<vmem_shared>>)
      tpu.yield
    }) : () -> ()
    %mul3A_11 = arith.constant 640 : i32
    %mul3A_12 = arith.muli %arg1, %mul3A_11 : i32
    %add3A_13 = arith.constant 128 : i32
    %add3A_14 = arith.addi %mul3A_12, %add3A_13 : i32
    "tpu.region"() ({
      %run_scoped3A = tpu.sem_alloc : memref<!tpu.dma_semaphore, #tpu.memory_space<semaphore_mem>>
      %dma_start3A = arith.constant 0 : i32
      %dma_start3A_39 = tpu.memref_slice %arg9[%add3A_14, %dma_start3A] : memref<10240x64xf32, #tpu.memory_space<vmem_shared>> -> memref<128x64xf32, #tpu.memory_space<vmem_shared>>
      %dma_start3A_40 = arith.constant 0 : i32
      %dma_start3A_41 = tpu.memref_slice %arg9[%add3A_14, %dma_start3A_40] : memref<10240x64xf32, #tpu.memory_space<vmem_shared>> -> memref<128x64xf32, #tpu.memory_space<vmem_shared>>
      tpu.enqueue_dma source(%arg8 : memref<128x64xf32, #tpu.memory_space<vmem>>) target(%dma_start3A_41 : memref<128x64xf32, #tpu.memory_space<vmem_shared>>) target_semaphore(%run_scoped3A : memref<!tpu.dma_semaphore, #tpu.memory_space<semaphore_mem>>)
      %dma_wait3A = arith.constant 0 : i32
      %dma_wait3A_42 = tpu.memref_slice %arg9[%add3A_14, %dma_wait3A] : memref<10240x64xf32, #tpu.memory_space<vmem_shared>> -> memref<128x64xf32, #tpu.memory_space<vmem_shared>>
      %dma_wait3A_43 = arith.constant 0 : i32
      %dma_wait3A_44 = tpu.memref_slice %arg9[%add3A_14, %dma_wait3A_43] : memref<10240x64xf32, #tpu.memory_space<vmem_shared>> -> memref<128x64xf32, #tpu.memory_space<vmem_shared>>
      tpu.wait_dma2 semaphore(%run_scoped3A : memref<!tpu.dma_semaphore, #tpu.memory_space<semaphore_mem>>) src(%arg8 : memref<128x64xf32, #tpu.memory_space<vmem>>) dst(%dma_wait3A_44 : memref<128x64xf32, #tpu.memory_space<vmem_shared>>)
      tpu.yield
    }) : () -> ()
    %mul3A_15 = arith.constant 640 : i32
    %mul3A_16 = arith.muli %arg1, %mul3A_15 : i32
    %add3A_17 = arith.constant 256 : i32
    %add3A_18 = arith.addi %mul3A_16, %add3A_17 : i32
    "tpu.region"() ({
      %run_scoped3A = tpu.sem_alloc : memref<!tpu.dma_semaphore, #tpu.memory_space<semaphore_mem>>
      %dma_start3A = arith.constant 0 : i32
      %dma_start3A_39 = tpu.memref_slice %arg9[%add3A_18, %dma_start3A] : memref<10240x64xf32, #tpu.memory_space<vmem_shared>> -> memref<128x64xf32, #tpu.memory_space<vmem_shared>>
      %dma_start3A_40 = arith.constant 0 : i32
      %dma_start3A_41 = tpu.memref_slice %arg9[%add3A_18, %dma_start3A_40] : memref<10240x64xf32, #tpu.memory_space<vmem_shared>> -> memref<128x64xf32, #tpu.memory_space<vmem_shared>>
      tpu.enqueue_dma source(%arg8 : memref<128x64xf32, #tpu.memory_space<vmem>>) target(%dma_start3A_41 : memref<128x64xf32, #tpu.memory_space<vmem_shared>>) target_semaphore(%run_scoped3A : memref<!tpu.dma_semaphore, #tpu.memory_space<semaphore_mem>>)
      %dma_wait3A = arith.constant 0 : i32
      %dma_wait3A_42 = tpu.memref_slice %arg9[%add3A_18, %dma_wait3A] : memref<10240x64xf32, #tpu.memory_space<vmem_shared>> -> memref<128x64xf32, #tpu.memory_space<vmem_shared>>
      %dma_wait3A_43 = arith.constant 0 : i32
      %dma_wait3A_44 = tpu.memref_slice %arg9[%add3A_18, %dma_wait3A_43] : memref<10240x64xf32, #tpu.memory_space<vmem_shared>> -> memref<128x64xf32, #tpu.memory_space<vmem_shared>>
      tpu.wait_dma2 semaphore(%run_scoped3A : memref<!tpu.dma_semaphore, #tpu.memory_space<semaphore_mem>>) src(%arg8 : memref<128x64xf32, #tpu.memory_space<vmem>>) dst(%dma_wait3A_44 : memref<128x64xf32, #tpu.memory_space<vmem_shared>>)
      tpu.yield
    }) : () -> ()
    %mul3A_19 = arith.constant 640 : i32
    %mul3A_20 = arith.muli %arg1, %mul3A_19 : i32
    %add3A_21 = arith.constant 384 : i32
    %add3A_22 = arith.addi %mul3A_20, %add3A_21 : i32
    "tpu.region"() ({
      %run_scoped3A = tpu.sem_alloc : memref<!tpu.dma_semaphore, #tpu.memory_space<semaphore_mem>>
      %dma_start3A = arith.constant 0 : i32
      %dma_start3A_39 = tpu.memref_slice %arg9[%add3A_22, %dma_start3A] : memref<10240x64xf32, #tpu.memory_space<vmem_shared>> -> memref<128x64xf32, #tpu.memory_space<vmem_shared>>
      %dma_start3A_40 = arith.constant 0 : i32
      %dma_start3A_41 = tpu.memref_slice %arg9[%add3A_22, %dma_start3A_40] : memref<10240x64xf32, #tpu.memory_space<vmem_shared>> -> memref<128x64xf32, #tpu.memory_space<vmem_shared>>
      tpu.enqueue_dma source(%arg8 : memref<128x64xf32, #tpu.memory_space<vmem>>) target(%dma_start3A_41 : memref<128x64xf32, #tpu.memory_space<vmem_shared>>) target_semaphore(%run_scoped3A : memref<!tpu.dma_semaphore, #tpu.memory_space<semaphore_mem>>)
      %dma_wait3A = arith.constant 0 : i32
      %dma_wait3A_42 = tpu.memref_slice %arg9[%add3A_22, %dma_wait3A] : memref<10240x64xf32, #tpu.memory_space<vmem_shared>> -> memref<128x64xf32, #tpu.memory_space<vmem_shared>>
      %dma_wait3A_43 = arith.constant 0 : i32
      %dma_wait3A_44 = tpu.memref_slice %arg9[%add3A_22, %dma_wait3A_43] : memref<10240x64xf32, #tpu.memory_space<vmem_shared>> -> memref<128x64xf32, #tpu.memory_space<vmem_shared>>
      tpu.wait_dma2 semaphore(%run_scoped3A : memref<!tpu.dma_semaphore, #tpu.memory_space<semaphore_mem>>) src(%arg8 : memref<128x64xf32, #tpu.memory_space<vmem>>) dst(%dma_wait3A_44 : memref<128x64xf32, #tpu.memory_space<vmem_shared>>)
      tpu.yield
    }) : () -> ()
    %mul3A_23 = arith.constant 640 : i32
    %mul3A_24 = arith.muli %arg1, %mul3A_23 : i32
    %add3A_25 = arith.constant 512 : i32
    %add3A_26 = arith.addi %mul3A_24, %add3A_25 : i32
    "tpu.region"() ({
      %run_scoped3A = tpu.sem_alloc : memref<!tpu.dma_semaphore, #tpu.memory_space<semaphore_mem>>
      %dma_start3A = arith.constant 0 : i32
      %dma_start3A_39 = tpu.memref_slice %arg9[%add3A_26, %dma_start3A] : memref<10240x64xf32, #tpu.memory_space<vmem_shared>> -> memref<128x64xf32, #tpu.memory_space<vmem_shared>>
      %dma_start3A_40 = arith.constant 0 : i32
      %dma_start3A_41 = tpu.memref_slice %arg9[%add3A_26, %dma_start3A_40] : memref<10240x64xf32, #tpu.memory_space<vmem_shared>> -> memref<128x64xf32, #tpu.memory_space<vmem_shared>>
      tpu.enqueue_dma source(%arg8 : memref<128x64xf32, #tpu.memory_space<vmem>>) target(%dma_start3A_41 : memref<128x64xf32, #tpu.memory_space<vmem_shared>>) target_semaphore(%run_scoped3A : memref<!tpu.dma_semaphore, #tpu.memory_space<semaphore_mem>>)
      %dma_wait3A = arith.constant 0 : i32
      %dma_wait3A_42 = tpu.memref_slice %arg9[%add3A_26, %dma_wait3A] : memref<10240x64xf32, #tpu.memory_space<vmem_shared>> -> memref<128x64xf32, #tpu.memory_space<vmem_shared>>
      %dma_wait3A_43 = arith.constant 0 : i32
      %dma_wait3A_44 = tpu.memref_slice %arg9[%add3A_26, %dma_wait3A_43] : memref<10240x64xf32, #tpu.memory_space<vmem_shared>> -> memref<128x64xf32, #tpu.memory_space<vmem_shared>>
      tpu.wait_dma2 semaphore(%run_scoped3A : memref<!tpu.dma_semaphore, #tpu.memory_space<semaphore_mem>>) src(%arg8 : memref<128x64xf32, #tpu.memory_space<vmem>>) dst(%dma_wait3A_44 : memref<128x64xf32, #tpu.memory_space<vmem_shared>>)
      tpu.yield
    }) : () -> ()
    %barrier3A = arith.constant 0 : index
    tpu.barrier barrier_id(%barrier3A)
    %scan3A_27 = arith.constant 0 : i32
    %scan3A_28 = arith.constant 0 : i32
    %scan3A_29 = arith.constant 79 : i32
    %scan3A_30 = arith.addi %scan3A_28, %scan3A_29 : i32
    %scan3A_31 = arith.constant 1 : i32
    scf.for %scan3A_39 = %scan3A_28 to %scan3A_30 step %scan3A_31  : i32 {
      %dma_start3A = arith.constant 0 : i32
      %dma_start3A_40 = tpu.memref_slice %arg6[%scan3A_39, %dma_start3A] : memref<79x128xi32, #tpu.memory_space<vmem>> -> memref<1x128xi32, #tpu.memory_space<vmem>>
      %dma_start3A_41 = tpu.memref_squeeze %dma_start3A_40 : memref<1x128xi32, #tpu.memory_space<vmem>> -> memref<128xi32, #tpu.memory_space<vmem>>
      %dma_start3A_42 = arith.constant 0 : i32
      %dma_start3A_43 = arith.constant 0 : i32
      %dma_start3A_44 = tpu.memref_slice %arg4[%dma_start3A_42, %dma_start3A_43] : memref<10000x64xf32, #tpu.memory_space<hbm>> -> memref<10000x64xf32, #tpu.memory_space<hbm>>
      tpu.enqueue_indirect_dma source(%dma_start3A_44 : memref<10000x64xf32, #tpu.memory_space<hbm>>) target(%arg8 : memref<128x64xf32, #tpu.memory_space<vmem>>) offsets(%dma_start3A_41 : memref<128xi32, #tpu.memory_space<vmem>>) semaphore(%arg10 : memref<!tpu.dma_semaphore, #tpu.memory_space<semaphore_mem>>)
      %dma_wait3A = arith.constant 0 : i32
      %dma_wait3A_45 = tpu.memref_slice %arg6[%scan3A_39, %dma_wait3A] : memref<79x128xi32, #tpu.memory_space<vmem>> -> memref<1x128xi32, #tpu.memory_space<vmem>>
      %dma_wait3A_46 = tpu.memref_squeeze %dma_wait3A_45 : memref<1x128xi32, #tpu.memory_space<vmem>> -> memref<128xi32, #tpu.memory_space<vmem>>
      %dma_wait3A_47 = arith.constant 0 : i32
      %dma_wait3A_48 = arith.constant 0 : i32
      %dma_wait3A_49 = tpu.memref_slice %arg4[%dma_wait3A_47, %dma_wait3A_48] : memref<10000x64xf32, #tpu.memory_space<hbm>> -> memref<10000x64xf32, #tpu.memory_space<hbm>>
      tpu.wait_indirect_dma semaphore(%arg10 : memref<!tpu.dma_semaphore, #tpu.memory_space<semaphore_mem>>) src(%dma_wait3A_49 : memref<10000x64xf32, #tpu.memory_space<hbm>>) dst(%arg8 : memref<128x64xf32, #tpu.memory_space<vmem>>)
      "tpu.region"() ({
        %run_scoped3A = tpu.sem_alloc : memref<!tpu.dma_semaphore, #tpu.memory_space<semaphore_mem>>
        %dma_start3A_50 = arith.constant 0 : i32
        %dma_start3A_51 = tpu.memref_slice %arg7[%scan3A_39, %dma_start3A_50] : memref<79x128xi32, #tpu.memory_space<vmem>> -> memref<1x128xi32, #tpu.memory_space<vmem>>
        %dma_start3A_52 = tpu.memref_squeeze %dma_start3A_51 : memref<1x128xi32, #tpu.memory_space<vmem>> -> memref<128xi32, #tpu.memory_space<vmem>>
        %dma_start3A_53 = arith.constant 0 : i32
        %dma_start3A_54 = arith.constant 0 : i32
        %dma_start3A_55 = tpu.memref_slice %arg9[%dma_start3A_53, %dma_start3A_54] : memref<10240x64xf32, #tpu.memory_space<vmem_shared>> -> memref<10240x64xf32, #tpu.memory_space<vmem_shared>>
        tpu.enqueue_indirect_dma source(%arg8 : memref<128x64xf32, #tpu.memory_space<vmem>>) target(%dma_start3A_55 : memref<10240x64xf32, #tpu.memory_space<vmem_shared>>) offsets(%dma_start3A_52 : memref<128xi32, #tpu.memory_space<vmem>>) semaphore(%run_scoped3A : memref<!tpu.dma_semaphore, #tpu.memory_space<semaphore_mem>>) {add = true}
        %dma_wait3A_56 = arith.constant 0 : i32
        %dma_wait3A_57 = tpu.memref_slice %arg7[%scan3A_39, %dma_wait3A_56] : memref<79x128xi32, #tpu.memory_space<vmem>> -> memref<1x128xi32, #tpu.memory_space<vmem>>
        %dma_wait3A_58 = tpu.memref_squeeze %dma_wait3A_57 : memref<1x128xi32, #tpu.memory_space<vmem>> -> memref<128xi32, #tpu.memory_space<vmem>>
        %dma_wait3A_59 = arith.constant 0 : i32
        %dma_wait3A_60 = arith.constant 0 : i32
        %dma_wait3A_61 = tpu.memref_slice %arg9[%dma_wait3A_59, %dma_wait3A_60] : memref<10240x64xf32, #tpu.memory_space<vmem_shared>> -> memref<10240x64xf32, #tpu.memory_space<vmem_shared>>
        tpu.wait_indirect_dma semaphore(%run_scoped3A : memref<!tpu.dma_semaphore, #tpu.memory_space<semaphore_mem>>) src(%arg8 : memref<128x64xf32, #tpu.memory_space<vmem>>) dst(%dma_wait3A_61 : memref<10240x64xf32, #tpu.memory_space<vmem_shared>>)
        tpu.yield
      }) : () -> ()
    }
    %scan3A_32 = arith.constant 79 : i32
    %barrier3A_33 = arith.constant 0 : index
    tpu.barrier barrier_id(%barrier3A_33)
    %mul3A_34 = arith.constant 640 : i32
    %mul3A_35 = arith.muli %arg1, %mul3A_34 : i32
    %mul3A_36 = arith.constant 640 : i32
    %mul3A_37 = arith.muli %arg1, %mul3A_36 : i32
    "tpu.region"() ({
      %run_scoped3A = tpu.sem_alloc : memref<!tpu.dma_semaphore, #tpu.memory_space<semaphore_mem>>
      %dma_start3A = arith.constant 0 : i32
      %dma_start3A_39 = tpu.memref_slice %arg5[%arg0, %mul3A_37, %dma_start3A] : memref<2x10240x64xf32, #tpu.memory_space<hbm>> -> memref<1x640x64xf32, #tpu.memory_space<hbm>>
      %dma_start3A_40 = tpu.memref_squeeze %dma_start3A_39 : memref<1x640x64xf32, #tpu.memory_space<hbm>> -> memref<640x64xf32, #tpu.memory_space<hbm>>
      %dma_start3A_41 = arith.constant 0 : i32
      %dma_start3A_42 = tpu.memref_slice %arg9[%mul3A_35, %dma_start3A_41] : memref<10240x64xf32, #tpu.memory_space<vmem_shared>> -> memref<640x64xf32, #tpu.memory_space<vmem_shared>>
      tpu.enqueue_dma source(%dma_start3A_42 : memref<640x64xf32, #tpu.memory_space<vmem_shared>>) target(%dma_start3A_40 : memref<640x64xf32, #tpu.memory_space<hbm>>) target_semaphore(%run_scoped3A : memref<!tpu.dma_semaphore, #tpu.memory_space<semaphore_mem>>)
      %dma_wait3A = arith.constant 0 : i32
      %dma_wait3A_43 = tpu.memref_slice %arg5[%arg0, %mul3A_37, %dma_wait3A] : memref<2x10240x64xf32, #tpu.memory_space<hbm>> -> memref<1x640x64xf32, #tpu.memory_space<hbm>>
      %dma_wait3A_44 = tpu.memref_squeeze %dma_wait3A_43 : memref<1x640x64xf32, #tpu.memory_space<hbm>> -> memref<640x64xf32, #tpu.memory_space<hbm>>
      %dma_wait3A_45 = arith.constant 0 : i32
      %dma_wait3A_46 = tpu.memref_slice %arg9[%mul3A_35, %dma_wait3A_45] : memref<10240x64xf32, #tpu.memory_space<vmem_shared>> -> memref<640x64xf32, #tpu.memory_space<vmem_shared>>
      tpu.wait_dma2 semaphore(%run_scoped3A : memref<!tpu.dma_semaphore, #tpu.memory_space<semaphore_mem>>) src(%dma_wait3A_46 : memref<640x64xf32, #tpu.memory_space<vmem_shared>>) dst(%dma_wait3A_44 : memref<640x64xf32, #tpu.memory_space<hbm>>)
      tpu.yield
    }) : () -> ()
    %barrier3A_38 = arith.constant 0 : index
    tpu.barrier barrier_id(%barrier3A_38)
    return
  }
}

#map = affine_map<(d0, d1) -> (0, 0, 0)>
#map1 = affine_map<(d0, d1) -> (0, 0)>
module attributes {stable_mosaic.version = 14 : i64} {
  func.func @agg_k(%arg0: i32, %arg1: i32, %arg2: memref<32x79x128xi32, #tpu.memory_space<hbm>>, %arg3: memref<32x79x128xi32, #tpu.memory_space<hbm>>, %arg4: memref<10000x64xf32, #tpu.memory_space<hbm>>, %arg5: memref<2x10240x64xf32, #tpu.memory_space<hbm>>, %arg6: memref<79x128xi32, #tpu.memory_space<vmem>>, %arg7: memref<79x128xi32, #tpu.memory_space<vmem>>, %arg8: memref<128x64xf32, #tpu.memory_space<vmem>>, %arg9: memref<10240x64xf32, #tpu.memory_space<vmem_shared>>, %arg10: memref<!tpu.dma_semaphore, #tpu.memory_space<semaphore_mem>>) attributes {dimension_semantics = [#tpu.dimension_semantics<core_parallel>, #tpu.dimension_semantics<subcore_parallel>], iteration_bounds = array<i64: 2, 16>, scalar_prefetch = 0 : i64, scratch_operands = 5 : i64, tpu.core_type = #tpu.core_type<sc_vector_subcore>, window_params = [{transform_indices = #map}, {transform_indices = #map}, {transform_indices = #map1}, {transform_indices = #map}]} {
    %mul3A = arith.constant 2 : i32
    %mul3A_0 = arith.muli %arg1, %mul3A : i32
    %add3A = arith.addi %mul3A_0, %arg0 : i32
    "tpu.region"() ({
      %run_scoped3A = tpu.sem_alloc : memref<!tpu.dma_semaphore, #tpu.memory_space<semaphore_mem>>
      %dma_start3A = arith.constant 0 : i32
      %dma_start3A_39 = arith.constant 0 : i32
      %dma_start3A_40 = tpu.memref_slice %arg2[%add3A, %dma_start3A, %dma_start3A_39] : memref<32x79x128xi32, #tpu.memory_space<hbm>> -> memref<1x79x128xi32, #tpu.memory_space<hbm>>
      %dma_start3A_41 = tpu.memref_squeeze %dma_start3A_40 : memref<1x79x128xi32, #tpu.memory_space<hbm>> -> memref<79x128xi32, #tpu.memory_space<hbm>>
      %dma_start3A_42 = arith.constant 0 : i32
      %dma_start3A_43 = arith.constant 0 : i32
      %dma_start3A_44 = tpu.memref_slice %arg2[%add3A, %dma_start3A_42, %dma_start3A_43] : memref<32x79x128xi32, #tpu.memory_space<hbm>> -> memref<1x79x128xi32, #tpu.memory_space<hbm>>
      %dma_start3A_45 = tpu.memref_squeeze %dma_start3A_44 : memref<1x79x128xi32, #tpu.memory_space<hbm>> -> memref<79x128xi32, #tpu.memory_space<hbm>>
      tpu.enqueue_dma source(%dma_start3A_45 : memref<79x128xi32, #tpu.memory_space<hbm>>) target(%arg6 : memref<79x128xi32, #tpu.memory_space<vmem>>) target_semaphore(%run_scoped3A : memref<!tpu.dma_semaphore, #tpu.memory_space<semaphore_mem>>)
      %dma_wait3A = arith.constant 0 : i32
      %dma_wait3A_46 = arith.constant 0 : i32
      %dma_wait3A_47 = tpu.memref_slice %arg2[%add3A, %dma_wait3A, %dma_wait3A_46] : memref<32x79x128xi32, #tpu.memory_space<hbm>> -> memref<1x79x128xi32, #tpu.memory_space<hbm>>
      %dma_wait3A_48 = tpu.memref_squeeze %dma_wait3A_47 : memref<1x79x128xi32, #tpu.memory_space<hbm>> -> memref<79x128xi32, #tpu.memory_space<hbm>>
      %dma_wait3A_49 = arith.constant 0 : i32
      %dma_wait3A_50 = arith.constant 0 : i32
      %dma_wait3A_51 = tpu.memref_slice %arg2[%add3A, %dma_wait3A_49, %dma_wait3A_50] : memref<32x79x128xi32, #tpu.memory_space<hbm>> -> memref<1x79x128xi32, #tpu.memory_space<hbm>>
      %dma_wait3A_52 = tpu.memref_squeeze %dma_wait3A_51 : memref<1x79x128xi32, #tpu.memory_space<hbm>> -> memref<79x128xi32, #tpu.memory_space<hbm>>
      tpu.wait_dma2 semaphore(%run_scoped3A : memref<!tpu.dma_semaphore, #tpu.memory_space<semaphore_mem>>) src(%dma_wait3A_52 : memref<79x128xi32, #tpu.memory_space<hbm>>) dst(%arg6 : memref<79x128xi32, #tpu.memory_space<vmem>>)
      tpu.yield
    }) : () -> ()
    "tpu.region"() ({
      %run_scoped3A = tpu.sem_alloc : memref<!tpu.dma_semaphore, #tpu.memory_space<semaphore_mem>>
      %dma_start3A = arith.constant 0 : i32
      %dma_start3A_39 = arith.constant 0 : i32
      %dma_start3A_40 = tpu.memref_slice %arg3[%add3A, %dma_start3A, %dma_start3A_39] : memref<32x79x128xi32, #tpu.memory_space<hbm>> -> memref<1x79x128xi32, #tpu.memory_space<hbm>>
      %dma_start3A_41 = tpu.memref_squeeze %dma_start3A_40 : memref<1x79x128xi32, #tpu.memory_space<hbm>> -> memref<79x128xi32, #tpu.memory_space<hbm>>
      %dma_start3A_42 = arith.constant 0 : i32
      %dma_start3A_43 = arith.constant 0 : i32
      %dma_start3A_44 = tpu.memref_slice %arg3[%add3A, %dma_start3A_42, %dma_start3A_43] : memref<32x79x128xi32, #tpu.memory_space<hbm>> -> memref<1x79x128xi32, #tpu.memory_space<hbm>>
      %dma_start3A_45 = tpu.memref_squeeze %dma_start3A_44 : memref<1x79x128xi32, #tpu.memory_space<hbm>> -> memref<79x128xi32, #tpu.memory_space<hbm>>
      tpu.enqueue_dma source(%dma_start3A_45 : memref<79x128xi32, #tpu.memory_space<hbm>>) target(%arg7 : memref<79x128xi32, #tpu.memory_space<vmem>>) target_semaphore(%run_scoped3A : memref<!tpu.dma_semaphore, #tpu.memory_space<semaphore_mem>>)
      %dma_wait3A = arith.constant 0 : i32
      %dma_wait3A_46 = arith.constant 0 : i32
      %dma_wait3A_47 = tpu.memref_slice %arg3[%add3A, %dma_wait3A, %dma_wait3A_46] : memref<32x79x128xi32, #tpu.memory_space<hbm>> -> memref<1x79x128xi32, #tpu.memory_space<hbm>>
      %dma_wait3A_48 = tpu.memref_squeeze %dma_wait3A_47 : memref<1x79x128xi32, #tpu.memory_space<hbm>> -> memref<79x128xi32, #tpu.memory_space<hbm>>
      %dma_wait3A_49 = arith.constant 0 : i32
      %dma_wait3A_50 = arith.constant 0 : i32
      %dma_wait3A_51 = tpu.memref_slice %arg3[%add3A, %dma_wait3A_49, %dma_wait3A_50] : memref<32x79x128xi32, #tpu.memory_space<hbm>> -> memref<1x79x128xi32, #tpu.memory_space<hbm>>
      %dma_wait3A_52 = tpu.memref_squeeze %dma_wait3A_51 : memref<1x79x128xi32, #tpu.memory_space<hbm>> -> memref<79x128xi32, #tpu.memory_space<hbm>>
      tpu.wait_dma2 semaphore(%run_scoped3A : memref<!tpu.dma_semaphore, #tpu.memory_space<semaphore_mem>>) src(%dma_wait3A_52 : memref<79x128xi32, #tpu.memory_space<hbm>>) dst(%arg7 : memref<79x128xi32, #tpu.memory_space<vmem>>)
      tpu.yield
    }) : () -> ()
    %broadcast_in_dim3A = arith.constant 0.000000e+00 : f32
    %broadcast_in_dim3A_1 = vector.broadcast %broadcast_in_dim3A : f32 to vector<16xf32>
    %scan3A = arith.constant 0 : i32
    %scan3A_2 = arith.constant 0 : i32
    %scan3A_3 = arith.constant 128 : i32
    %scan3A_4 = arith.addi %scan3A_2, %scan3A_3 : i32
    %scan3A_5 = arith.constant 1 : i32
    scf.for %scan3A_39 = %scan3A_2 to %scan3A_4 step %scan3A_5  : i32 {
      %swap3A = arith.index_cast %scan3A_39 : i32 to index
      %swap3A_40 = arith.constant 0 : index
      %swap3A_41 = tpu.vector_load %arg8[%swap3A, %swap3A_40] {strides = array<i32>} : memref<128x64xf32, #tpu.memory_space<vmem>>, vector<1x16xf32>,
      %swap3A_42 = vector.shape_cast %swap3A_41 : vector<1x16xf32> to vector<16xf32>
      %swap3A_43 = vector.shape_cast %broadcast_in_dim3A_1 : vector<16xf32> to vector<1x16xf32>
      tpu.vector_store %arg8[%swap3A, %swap3A_40], %swap3A_43 {strides = array<i32>} : memref<128x64xf32, #tpu.memory_space<vmem>>, vector<1x16xf32>,
      %swap3A_44 = arith.index_cast %scan3A_39 : i32 to index
      %swap3A_45 = arith.constant 16 : index
      %swap3A_46 = tpu.vector_load %arg8[%swap3A_44, %swap3A_45] {strides = array<i32>} : memref<128x64xf32, #tpu.memory_space<vmem>>, vector<1x16xf32>,
      %swap3A_47 = vector.shape_cast %swap3A_46 : vector<1x16xf32> to vector<16xf32>
      %swap3A_48 = vector.shape_cast %broadcast_in_dim3A_1 : vector<16xf32> to vector<1x16xf32>
      tpu.vector_store %arg8[%swap3A_44, %swap3A_45], %swap3A_48 {strides = array<i32>} : memref<128x64xf32, #tpu.memory_space<vmem>>, vector<1x16xf32>,
      %swap3A_49 = arith.index_cast %scan3A_39 : i32 to index
      %swap3A_50 = arith.constant 32 : index
      %swap3A_51 = tpu.vector_load %arg8[%swap3A_49, %swap3A_50] {strides = array<i32>} : memref<128x64xf32, #tpu.memory_space<vmem>>, vector<1x16xf32>,
      %swap3A_52 = vector.shape_cast %swap3A_51 : vector<1x16xf32> to vector<16xf32>
      %swap3A_53 = vector.shape_cast %broadcast_in_dim3A_1 : vector<16xf32> to vector<1x16xf32>
      tpu.vector_store %arg8[%swap3A_49, %swap3A_50], %swap3A_53 {strides = array<i32>} : memref<128x64xf32, #tpu.memory_space<vmem>>, vector<1x16xf32>,
      %swap3A_54 = arith.index_cast %scan3A_39 : i32 to index
      %swap3A_55 = arith.constant 48 : index
      %swap3A_56 = tpu.vector_load %arg8[%swap3A_54, %swap3A_55] {strides = array<i32>} : memref<128x64xf32, #tpu.memory_space<vmem>>, vector<1x16xf32>,
      %swap3A_57 = vector.shape_cast %swap3A_56 : vector<1x16xf32> to vector<16xf32>
      %swap3A_58 = vector.shape_cast %broadcast_in_dim3A_1 : vector<16xf32> to vector<1x16xf32>
      tpu.vector_store %arg8[%swap3A_54, %swap3A_55], %swap3A_58 {strides = array<i32>} : memref<128x64xf32, #tpu.memory_space<vmem>>, vector<1x16xf32>,
    }
    %scan3A_6 = arith.constant 128 : i32
    %mul3A_7 = arith.constant 640 : i32
    %mul3A_8 = arith.muli %arg1, %mul3A_7 : i32
    %add3A_9 = arith.constant 0 : i32
    %add3A_10 = arith.addi %mul3A_8, %add3A_9 : i32
    "tpu.region"() ({
      %run_scoped3A = tpu.sem_alloc : memref<!tpu.dma_semaphore, #tpu.memory_space<semaphore_mem>>
      %dma_start3A = arith.constant 0 : i32
      %dma_start3A_39 = tpu.memref_slice %arg9[%add3A_10, %dma_start3A] : memref<10240x64xf32, #tpu.memory_space<vmem_shared>> -> memref<128x64xf32, #tpu.memory_space<vmem_shared>>
      %dma_start3A_40 = arith.constant 0 : i32
      %dma_start3A_41 = tpu.memref_slice %arg9[%add3A_10, %dma_start3A_40] : memref<10240x64xf32, #tpu.memory_space<vmem_shared>> -> memref<128x64xf32, #tpu.memory_space<vmem_shared>>
      tpu.enqueue_dma source(%arg8 : memref<128x64xf32, #tpu.memory_space<vmem>>) target(%dma_start3A_41 : memref<128x64xf32, #tpu.memory_space<vmem_shared>>) target_semaphore(%run_scoped3A : memref<!tpu.dma_semaphore, #tpu.memory_space<semaphore_mem>>)
      %dma_wait3A = arith.constant 0 : i32
      %dma_wait3A_42 = tpu.memref_slice %arg9[%add3A_10, %dma_wait3A] : memref<10240x64xf32, #tpu.memory_space<vmem_shared>> -> memref<128x64xf32, #tpu.memory_space<vmem_shared>>
      %dma_wait3A_43 = arith.constant 0 : i32
      %dma_wait3A_44 = tpu.memref_slice %arg9[%add3A_10, %dma_wait3A_43] : memref<10240x64xf32, #tpu.memory_space<vmem_shared>> -> memref<128x64xf32, #tpu.memory_space<vmem_shared>>
      tpu.wait_dma2 semaphore(%run_scoped3A : memref<!tpu.dma_semaphore, #tpu.memory_space<semaphore_mem>>) src(%arg8 : memref<128x64xf32, #tpu.memory_space<vmem>>) dst(%dma_wait3A_44 : memref<128x64xf32, #tpu.memory_space<vmem_shared>>)
      tpu.yield
    }) : () -> ()
    %mul3A_11 = arith.constant 640 : i32
    %mul3A_12 = arith.muli %arg1, %mul3A_11 : i32
    %add3A_13 = arith.constant 128 : i32
    %add3A_14 = arith.addi %mul3A_12, %add3A_13 : i32
    "tpu.region"() ({
      %run_scoped3A = tpu.sem_alloc : memref<!tpu.dma_semaphore, #tpu.memory_space<semaphore_mem>>
      %dma_start3A = arith.constant 0 : i32
      %dma_start3A_39 = tpu.memref_slice %arg9[%add3A_14, %dma_start3A] : memref<10240x64xf32, #tpu.memory_space<vmem_shared>> -> memref<128x64xf32, #tpu.memory_space<vmem_shared>>
      %dma_start3A_40 = arith.constant 0 : i32
      %dma_start3A_41 = tpu.memref_slice %arg9[%add3A_14, %dma_start3A_40] : memref<10240x64xf32, #tpu.memory_space<vmem_shared>> -> memref<128x64xf32, #tpu.memory_space<vmem_shared>>
      tpu.enqueue_dma source(%arg8 : memref<128x64xf32, #tpu.memory_space<vmem>>) target(%dma_start3A_41 : memref<128x64xf32, #tpu.memory_space<vmem_shared>>) target_semaphore(%run_scoped3A : memref<!tpu.dma_semaphore, #tpu.memory_space<semaphore_mem>>)
      %dma_wait3A = arith.constant 0 : i32
      %dma_wait3A_42 = tpu.memref_slice %arg9[%add3A_14, %dma_wait3A] : memref<10240x64xf32, #tpu.memory_space<vmem_shared>> -> memref<128x64xf32, #tpu.memory_space<vmem_shared>>
      %dma_wait3A_43 = arith.constant 0 : i32
      %dma_wait3A_44 = tpu.memref_slice %arg9[%add3A_14, %dma_wait3A_43] : memref<10240x64xf32, #tpu.memory_space<vmem_shared>> -> memref<128x64xf32, #tpu.memory_space<vmem_shared>>
      tpu.wait_dma2 semaphore(%run_scoped3A : memref<!tpu.dma_semaphore, #tpu.memory_space<semaphore_mem>>) src(%arg8 : memref<128x64xf32, #tpu.memory_space<vmem>>) dst(%dma_wait3A_44 : memref<128x64xf32, #tpu.memory_space<vmem_shared>>)
      tpu.yield
    }) : () -> ()
    %mul3A_15 = arith.constant 640 : i32
    %mul3A_16 = arith.muli %arg1, %mul3A_15 : i32
    %add3A_17 = arith.constant 256 : i32
    %add3A_18 = arith.addi %mul3A_16, %add3A_17 : i32
    "tpu.region"() ({
      %run_scoped3A = tpu.sem_alloc : memref<!tpu.dma_semaphore, #tpu.memory_space<semaphore_mem>>
      %dma_start3A = arith.constant 0 : i32
      %dma_start3A_39 = tpu.memref_slice %arg9[%add3A_18, %dma_start3A] : memref<10240x64xf32, #tpu.memory_space<vmem_shared>> -> memref<128x64xf32, #tpu.memory_space<vmem_shared>>
      %dma_start3A_40 = arith.constant 0 : i32
      %dma_start3A_41 = tpu.memref_slice %arg9[%add3A_18, %dma_start3A_40] : memref<10240x64xf32, #tpu.memory_space<vmem_shared>> -> memref<128x64xf32, #tpu.memory_space<vmem_shared>>
      tpu.enqueue_dma source(%arg8 : memref<128x64xf32, #tpu.memory_space<vmem>>) target(%dma_start3A_41 : memref<128x64xf32, #tpu.memory_space<vmem_shared>>) target_semaphore(%run_scoped3A : memref<!tpu.dma_semaphore, #tpu.memory_space<semaphore_mem>>)
      %dma_wait3A = arith.constant 0 : i32
      %dma_wait3A_42 = tpu.memref_slice %arg9[%add3A_18, %dma_wait3A] : memref<10240x64xf32, #tpu.memory_space<vmem_shared>> -> memref<128x64xf32, #tpu.memory_space<vmem_shared>>
      %dma_wait3A_43 = arith.constant 0 : i32
      %dma_wait3A_44 = tpu.memref_slice %arg9[%add3A_18, %dma_wait3A_43] : memref<10240x64xf32, #tpu.memory_space<vmem_shared>> -> memref<128x64xf32, #tpu.memory_space<vmem_shared>>
      tpu.wait_dma2 semaphore(%run_scoped3A : memref<!tpu.dma_semaphore, #tpu.memory_space<semaphore_mem>>) src(%arg8 : memref<128x64xf32, #tpu.memory_space<vmem>>) dst(%dma_wait3A_44 : memref<128x64xf32, #tpu.memory_space<vmem_shared>>)
      tpu.yield
    }) : () -> ()
    %mul3A_19 = arith.constant 640 : i32
    %mul3A_20 = arith.muli %arg1, %mul3A_19 : i32
    %add3A_21 = arith.constant 384 : i32
    %add3A_22 = arith.addi %mul3A_20, %add3A_21 : i32
    "tpu.region"() ({
      %run_scoped3A = tpu.sem_alloc : memref<!tpu.dma_semaphore, #tpu.memory_space<semaphore_mem>>
      %dma_start3A = arith.constant 0 : i32
      %dma_start3A_39 = tpu.memref_slice %arg9[%add3A_22, %dma_start3A] : memref<10240x64xf32, #tpu.memory_space<vmem_shared>> -> memref<128x64xf32, #tpu.memory_space<vmem_shared>>
      %dma_start3A_40 = arith.constant 0 : i32
      %dma_start3A_41 = tpu.memref_slice %arg9[%add3A_22, %dma_start3A_40] : memref<10240x64xf32, #tpu.memory_space<vmem_shared>> -> memref<128x64xf32, #tpu.memory_space<vmem_shared>>
      tpu.enqueue_dma source(%arg8 : memref<128x64xf32, #tpu.memory_space<vmem>>) target(%dma_start3A_41 : memref<128x64xf32, #tpu.memory_space<vmem_shared>>) target_semaphore(%run_scoped3A : memref<!tpu.dma_semaphore, #tpu.memory_space<semaphore_mem>>)
      %dma_wait3A = arith.constant 0 : i32
      %dma_wait3A_42 = tpu.memref_slice %arg9[%add3A_22, %dma_wait3A] : memref<10240x64xf32, #tpu.memory_space<vmem_shared>> -> memref<128x64xf32, #tpu.memory_space<vmem_shared>>
      %dma_wait3A_43 = arith.constant 0 : i32
      %dma_wait3A_44 = tpu.memref_slice %arg9[%add3A_22, %dma_wait3A_43] : memref<10240x64xf32, #tpu.memory_space<vmem_shared>> -> memref<128x64xf32, #tpu.memory_space<vmem_shared>>
      tpu.wait_dma2 semaphore(%run_scoped3A : memref<!tpu.dma_semaphore, #tpu.memory_space<semaphore_mem>>) src(%arg8 : memref<128x64xf32, #tpu.memory_space<vmem>>) dst(%dma_wait3A_44 : memref<128x64xf32, #tpu.memory_space<vmem_shared>>)
      tpu.yield
    }) : () -> ()
    %mul3A_23 = arith.constant 640 : i32
    %mul3A_24 = arith.muli %arg1, %mul3A_23 : i32
    %add3A_25 = arith.constant 512 : i32
    %add3A_26 = arith.addi %mul3A_24, %add3A_25 : i32
    "tpu.region"() ({
      %run_scoped3A = tpu.sem_alloc : memref<!tpu.dma_semaphore, #tpu.memory_space<semaphore_mem>>
      %dma_start3A = arith.constant 0 : i32
      %dma_start3A_39 = tpu.memref_slice %arg9[%add3A_26, %dma_start3A] : memref<10240x64xf32, #tpu.memory_space<vmem_shared>> -> memref<128x64xf32, #tpu.memory_space<vmem_shared>>
      %dma_start3A_40 = arith.constant 0 : i32
      %dma_start3A_41 = tpu.memref_slice %arg9[%add3A_26, %dma_start3A_40] : memref<10240x64xf32, #tpu.memory_space<vmem_shared>> -> memref<128x64xf32, #tpu.memory_space<vmem_shared>>
      tpu.enqueue_dma source(%arg8 : memref<128x64xf32, #tpu.memory_space<vmem>>) target(%dma_start3A_41 : memref<128x64xf32, #tpu.memory_space<vmem_shared>>) target_semaphore(%run_scoped3A : memref<!tpu.dma_semaphore, #tpu.memory_space<semaphore_mem>>)
      %dma_wait3A = arith.constant 0 : i32
      %dma_wait3A_42 = tpu.memref_slice %arg9[%add3A_26, %dma_wait3A] : memref<10240x64xf32, #tpu.memory_space<vmem_shared>> -> memref<128x64xf32, #tpu.memory_space<vmem_shared>>
      %dma_wait3A_43 = arith.constant 0 : i32
      %dma_wait3A_44 = tpu.memref_slice %arg9[%add3A_26, %dma_wait3A_43] : memref<10240x64xf32, #tpu.memory_space<vmem_shared>> -> memref<128x64xf32, #tpu.memory_space<vmem_shared>>
      tpu.wait_dma2 semaphore(%run_scoped3A : memref<!tpu.dma_semaphore, #tpu.memory_space<semaphore_mem>>) src(%arg8 : memref<128x64xf32, #tpu.memory_space<vmem>>) dst(%dma_wait3A_44 : memref<128x64xf32, #tpu.memory_space<vmem_shared>>)
      tpu.yield
    }) : () -> ()
    %barrier3A = arith.constant 0 : index
    tpu.barrier barrier_id(%barrier3A)
    %scan3A_27 = arith.constant 0 : i32
    %scan3A_28 = arith.constant 0 : i32
    %scan3A_29 = arith.constant 79 : i32
    %scan3A_30 = arith.addi %scan3A_28, %scan3A_29 : i32
    %scan3A_31 = arith.constant 1 : i32
    scf.for %scan3A_39 = %scan3A_28 to %scan3A_30 step %scan3A_31  : i32 {
      %dma_start3A = arith.constant 0 : i32
      %dma_start3A_40 = tpu.memref_slice %arg6[%scan3A_39, %dma_start3A] : memref<79x128xi32, #tpu.memory_space<vmem>> -> memref<1x128xi32, #tpu.memory_space<vmem>>
      %dma_start3A_41 = tpu.memref_squeeze %dma_start3A_40 : memref<1x128xi32, #tpu.memory_space<vmem>> -> memref<128xi32, #tpu.memory_space<vmem>>
      %dma_start3A_42 = arith.constant 0 : i32
      %dma_start3A_43 = arith.constant 0 : i32
      %dma_start3A_44 = tpu.memref_slice %arg4[%dma_start3A_42, %dma_start3A_43] : memref<10000x64xf32, #tpu.memory_space<hbm>> -> memref<10000x64xf32, #tpu.memory_space<hbm>>
      tpu.enqueue_indirect_dma source(%dma_start3A_44 : memref<10000x64xf32, #tpu.memory_space<hbm>>) target(%arg8 : memref<128x64xf32, #tpu.memory_space<vmem>>) offsets(%dma_start3A_41 : memref<128xi32, #tpu.memory_space<vmem>>) semaphore(%arg10 : memref<!tpu.dma_semaphore, #tpu.memory_space<semaphore_mem>>)
      %dma_wait3A = arith.constant 0 : i32
      %dma_wait3A_45 = tpu.memref_slice %arg6[%scan3A_39, %dma_wait3A] : memref<79x128xi32, #tpu.memory_space<vmem>> -> memref<1x128xi32, #tpu.memory_space<vmem>>
      %dma_wait3A_46 = tpu.memref_squeeze %dma_wait3A_45 : memref<1x128xi32, #tpu.memory_space<vmem>> -> memref<128xi32, #tpu.memory_space<vmem>>
      %dma_wait3A_47 = arith.constant 0 : i32
      %dma_wait3A_48 = arith.constant 0 : i32
      %dma_wait3A_49 = tpu.memref_slice %arg4[%dma_wait3A_47, %dma_wait3A_48] : memref<10000x64xf32, #tpu.memory_space<hbm>> -> memref<10000x64xf32, #tpu.memory_space<hbm>>
      tpu.wait_indirect_dma semaphore(%arg10 : memref<!tpu.dma_semaphore, #tpu.memory_space<semaphore_mem>>) src(%dma_wait3A_49 : memref<10000x64xf32, #tpu.memory_space<hbm>>) dst(%arg8 : memref<128x64xf32, #tpu.memory_space<vmem>>)
      "tpu.region"() ({
        %run_scoped3A = tpu.sem_alloc : memref<!tpu.dma_semaphore, #tpu.memory_space<semaphore_mem>>
        %dma_start3A_50 = arith.constant 0 : i32
        %dma_start3A_51 = tpu.memref_slice %arg7[%scan3A_39, %dma_start3A_50] : memref<79x128xi32, #tpu.memory_space<vmem>> -> memref<1x128xi32, #tpu.memory_space<vmem>>
        %dma_start3A_52 = tpu.memref_squeeze %dma_start3A_51 : memref<1x128xi32, #tpu.memory_space<vmem>> -> memref<128xi32, #tpu.memory_space<vmem>>
        %dma_start3A_53 = arith.constant 0 : i32
        %dma_start3A_54 = arith.constant 0 : i32
        %dma_start3A_55 = tpu.memref_slice %arg9[%dma_start3A_53, %dma_start3A_54] : memref<10240x64xf32, #tpu.memory_space<vmem_shared>> -> memref<10240x64xf32, #tpu.memory_space<vmem_shared>>
        tpu.enqueue_indirect_dma source(%arg8 : memref<128x64xf32, #tpu.memory_space<vmem>>) target(%dma_start3A_55 : memref<10240x64xf32, #tpu.memory_space<vmem_shared>>) offsets(%dma_start3A_52 : memref<128xi32, #tpu.memory_space<vmem>>) semaphore(%run_scoped3A : memref<!tpu.dma_semaphore, #tpu.memory_space<semaphore_mem>>) {add = true}
        %dma_wait3A_56 = arith.constant 0 : i32
        %dma_wait3A_57 = tpu.memref_slice %arg7[%scan3A_39, %dma_wait3A_56] : memref<79x128xi32, #tpu.memory_space<vmem>> -> memref<1x128xi32, #tpu.memory_space<vmem>>
        %dma_wait3A_58 = tpu.memref_squeeze %dma_wait3A_57 : memref<1x128xi32, #tpu.memory_space<vmem>> -> memref<128xi32, #tpu.memory_space<vmem>>
        %dma_wait3A_59 = arith.constant 0 : i32
        %dma_wait3A_60 = arith.constant 0 : i32
        %dma_wait3A_61 = tpu.memref_slice %arg9[%dma_wait3A_59, %dma_wait3A_60] : memref<10240x64xf32, #tpu.memory_space<vmem_shared>> -> memref<10240x64xf32, #tpu.memory_space<vmem_shared>>
        tpu.wait_indirect_dma semaphore(%run_scoped3A : memref<!tpu.dma_semaphore, #tpu.memory_space<semaphore_mem>>) src(%arg8 : memref<128x64xf32, #tpu.memory_space<vmem>>) dst(%dma_wait3A_61 : memref<10240x64xf32, #tpu.memory_space<vmem_shared>>)
        tpu.yield
      }) : () -> ()
    }
    %scan3A_32 = arith.constant 79 : i32
    %barrier3A_33 = arith.constant 0 : index
    tpu.barrier barrier_id(%barrier3A_33)
    %mul3A_34 = arith.constant 640 : i32
    %mul3A_35 = arith.muli %arg1, %mul3A_34 : i32
    %mul3A_36 = arith.constant 640 : i32
    %mul3A_37 = arith.muli %arg1, %mul3A_36 : i32
    "tpu.region"() ({
      %run_scoped3A = tpu.sem_alloc : memref<!tpu.dma_semaphore, #tpu.memory_space<semaphore_mem>>
      %dma_start3A = arith.constant 0 : i32
      %dma_start3A_39 = tpu.memref_slice %arg5[%arg0, %mul3A_37, %dma_start3A] : memref<2x10240x64xf32, #tpu.memory_space<hbm>> -> memref<1x640x64xf32, #tpu.memory_space<hbm>>
      %dma_start3A_40 = tpu.memref_squeeze %dma_start3A_39 : memref<1x640x64xf32, #tpu.memory_space<hbm>> -> memref<640x64xf32, #tpu.memory_space<hbm>>
      %dma_start3A_41 = arith.constant 0 : i32
      %dma_start3A_42 = tpu.memref_slice %arg9[%mul3A_35, %dma_start3A_41] : memref<10240x64xf32, #tpu.memory_space<vmem_shared>> -> memref<640x64xf32, #tpu.memory_space<vmem_shared>>
      tpu.enqueue_dma source(%dma_start3A_42 : memref<640x64xf32, #tpu.memory_space<vmem_shared>>) target(%dma_start3A_40 : memref<640x64xf32, #tpu.memory_space<hbm>>) target_semaphore(%run_scoped3A : memref<!tpu.dma_semaphore, #tpu.memory_space<semaphore_mem>>)
      %dma_wait3A = arith.constant 0 : i32
      %dma_wait3A_43 = tpu.memref_slice %arg5[%arg0, %mul3A_37, %dma_wait3A] : memref<2x10240x64xf32, #tpu.memory_space<hbm>> -> memref<1x640x64xf32, #tpu.memory_space<hbm>>
      %dma_wait3A_44 = tpu.memref_squeeze %dma_wait3A_43 : memref<1x640x64xf32, #tpu.memory_space<hbm>> -> memref<640x64xf32, #tpu.memory_space<hbm>>
      %dma_wait3A_45 = arith.constant 0 : i32
      %dma_wait3A_46 = tpu.memref_slice %arg9[%mul3A_35, %dma_wait3A_45] : memref<10240x64xf32, #tpu.memory_space<vmem_shared>> -> memref<640x64xf32, #tpu.memory_space<vmem_shared>>
      tpu.wait_dma2 semaphore(%run_scoped3A : memref<!tpu.dma_semaphore, #tpu.memory_space<semaphore_mem>>) src(%dma_wait3A_46 : memref<640x64xf32, #tpu.memory_space<vmem_shared>>) dst(%dma_wait3A_44 : memref<640x64xf32, #tpu.memory_space<hbm>>)
      tpu.yield
    }) : () -> ()
    %barrier3A_38 = arith.constant 0 : index
    tpu.barrier barrier_id(%barrier3A_38)
    return
  }
}

module attributes {stable_mosaic.version = 14 : i64} {
  func.func @_t0(%arg0: i32, %arg1: memref<1000x128xf32, #tpu.memory_space<vmem>>, %arg2: memref<1000x64xf32, #tpu.memory_space<vmem>>, %arg3: memref<128x64xf32, #tpu.memory_space<vmem>>, %arg4: memref<1x64xf32, #tpu.memory_space<vmem>>, %arg5: memref<128x64xf32, #tpu.memory_space<vmem>>, %arg6: memref<1000x64xf32, #tpu.memory_space<vmem>>, %arg7: memref<1000x64xf32, #tpu.memory_space<vmem>>) attributes {dimension_semantics = [#tpu.dimension_semantics<arbitrary>], iteration_bounds = array<i64: 10>, scalar_prefetch = 0 : i64, scratch_operands = 0 : i64, tpu.core_type = #tpu.core_type<tc>, window_params = [{transform_indices = @transform_0, window_bounds = array<i64: 1000, 128>}, {transform_indices = @transform_1, window_bounds = array<i64: 1000, 64>}, {pipeline_mode = #tpu.pipeline_mode<synchronous>, transform_indices = @transform_2, window_bounds = array<i64: 128, 64>}, {pipeline_mode = #tpu.pipeline_mode<synchronous>, transform_indices = @transform_3, window_bounds = array<i64: 1, 64>}, {pipeline_mode = #tpu.pipeline_mode<synchronous>, transform_indices = @transform_4, window_bounds = array<i64: 128, 64>}, {transform_indices = @transform_5, window_bounds = array<i64: 1000, 64>}, {transform_indices = @transform_6, window_bounds = array<i64: 1000, 64>}]} {
    %get3A = arith.constant 0 : index
    %get3A_0 = arith.constant 0 : index
    %get3A_1 = vector.load %arg1[%get3A, %get3A_0] : memref<1000x128xf32, #tpu.memory_space<vmem>>, vector<1000x128xf32>
    %get3A_2 = arith.constant 0 : index
    %get3A_3 = arith.constant 0 : index
    %get3A_4 = vector.load %arg3[%get3A_2, %get3A_3] : memref<128x64xf32, #tpu.memory_space<vmem>>, vector<128x64xf32>
    %dot_general3A = arith.constant dense<0.000000e+00> : vector<1000x64xf32>
    %dot_general3A_5 = tpu.matmul %get3A_1, %get3A_4, %dot_general3A {dimension_numbers = #tpu.dot_dimension_numbers<[1], [0], [0], [1], [0, 0, 1, 1], [], []>, precision = #tpu.contract_precision<fp32>, transpose_lhs_hint = false} : vector<1000x128xf32>, vector<128x64xf32>, vector<1000x64xf32> -> vector<1000x64xf32>
    %get3A_6 = arith.constant 0 : index
    %get3A_7 = arith.constant 0 : index
    %get3A_8 = vector.load %arg4[%get3A_6, %get3A_7] : memref<1x64xf32, #tpu.memory_space<vmem>>, vector<1x64xf32>
    %add3A = vector.broadcast %get3A_8 : vector<1x64xf32> to vector<1000x64xf32>
    %add3A_9 = arith.addf %dot_general3A_5, %add3A : vector<1000x64xf32>
    %max3A = arith.constant 0.000000e+00 : f32
    %max3A_10 = vector.broadcast %max3A : f32 to vector<1000x64xf32>
    %max3A_11 = arith.maximumf %add3A_9, %max3A_10 : vector<1000x64xf32>
    %swap3A = arith.constant 0 : index
    %swap3A_12 = arith.constant 0 : index
    %swap3A_13 = vector.load %arg6[%swap3A, %swap3A_12] : memref<1000x64xf32, #tpu.memory_space<vmem>>, vector<1000x64xf32>
    tpu.vector_store %arg6[%swap3A, %swap3A_12], %max3A_11 {strides = array<i32>} : memref<1000x64xf32, #tpu.memory_space<vmem>>, vector<1000x64xf32>,
    %get3A_14 = arith.constant 0 : index
    %get3A_15 = arith.constant 0 : index
    %get3A_16 = vector.load %arg2[%get3A_14, %get3A_15] : memref<1000x64xf32, #tpu.memory_space<vmem>>, vector<1000x64xf32>
    %concatenate3A = tpu.concatenate %max3A_11, %get3A_16 in 1 : vector<1000x64xf32>, vector<1000x64xf32> -> vector<1000x128xf32>
    %get3A_17 = arith.constant 0 : index
    %get3A_18 = arith.constant 0 : index
    %get3A_19 = vector.load %arg5[%get3A_17, %get3A_18] : memref<128x64xf32, #tpu.memory_space<vmem>>, vector<128x64xf32>
    %dot_general3A_20 = arith.constant dense<0.000000e+00> : vector<1000x64xf32>
    %dot_general3A_21 = tpu.matmul %concatenate3A, %get3A_19, %dot_general3A_20 {dimension_numbers = #tpu.dot_dimension_numbers<[1], [0], [0], [1], [0, 0, 1, 1], [], []>, precision = #tpu.contract_precision<fp32>, transpose_lhs_hint = false} : vector<1000x128xf32>, vector<128x64xf32>, vector<1000x64xf32> -> vector<1000x64xf32>
    %swap3A_22 = arith.constant 0 : index
    %swap3A_23 = arith.constant 0 : index
    %swap3A_24 = vector.load %arg7[%swap3A_22, %swap3A_23] : memref<1000x64xf32, #tpu.memory_space<vmem>>, vector<1000x64xf32>
    tpu.vector_store %arg7[%swap3A_22, %swap3A_23], %dot_general3A_21 {strides = array<i32>} : memref<1000x64xf32, #tpu.memory_space<vmem>>, vector<1000x64xf32>,
    return
  }
  func.func @transform_0(%arg0: i32) -> (i32, i32) {
    %c0_i32 = arith.constant 0 : i32
    %c0_i32_0 = arith.constant 0 : i32
    return %arg0, %c0_i32 : i32, i32
  }
  func.func @transform_1(%arg0: i32) -> (i32, i32) {
    %c0_i32 = arith.constant 0 : i32
    %c0_i32_0 = arith.constant 0 : i32
    return %arg0, %c0_i32 : i32, i32
  }
  func.func @transform_2(%arg0: i32) -> (i32, i32) {
    %c0_i32 = arith.constant 0 : i32
    %c0_i32_0 = arith.constant 0 : i32
    %c0_i32_1 = arith.constant 0 : i32
    return %c0_i32, %c0_i32_0 : i32, i32
  }
  func.func @transform_3(%arg0: i32) -> (i32, i32) {
    %c0_i32 = arith.constant 0 : i32
    %c0_i32_0 = arith.constant 0 : i32
    %c0_i32_1 = arith.constant 0 : i32
    return %c0_i32, %c0_i32_0 : i32, i32
  }
  func.func @transform_4(%arg0: i32) -> (i32, i32) {
    %c0_i32 = arith.constant 0 : i32
    %c0_i32_0 = arith.constant 0 : i32
    %c0_i32_1 = arith.constant 0 : i32
    return %c0_i32, %c0_i32_0 : i32, i32
  }
  func.func @transform_5(%arg0: i32) -> (i32, i32) {
    %c0_i32 = arith.constant 0 : i32
    %c0_i32_0 = arith.constant 0 : i32
    return %arg0, %c0_i32 : i32, i32
  }
  func.func @transform_6(%arg0: i32) -> (i32, i32) {
    %c0_i32 = arith.constant 0 : i32
    %c0_i32_0 = arith.constant 0 : i32
    return %arg0, %c0_i32 : i32, i32
  }
}

module attributes {stable_mosaic.version = 14 : i64} {
  func.func @_t1(%arg0: i32, %arg1: memref<1000x16xf32, #tpu.memory_space<vmem>>, %arg2: memref<1000x16xf32, #tpu.memory_space<vmem>>, %arg3: memref<1000x64xf32, #tpu.memory_space<vmem>>, %arg4: memref<1000x64xf32, #tpu.memory_space<vmem>>, %arg5: memref<1000x1xf32, #tpu.memory_space<vmem>>, %arg6: memref<64x64xf32, #tpu.memory_space<vmem>>, %arg7: memref<1x64xf32, #tpu.memory_space<vmem>>, %arg8: memref<1x64xf32, #tpu.memory_space<vmem>>, %arg9: memref<64x64xf32, #tpu.memory_space<vmem>>, %arg10: memref<1x64xf32, #tpu.memory_space<vmem>>, %arg11: memref<64x64xf32, #tpu.memory_space<vmem>>, %arg12: memref<1x64xf32, #tpu.memory_space<vmem>>, %arg13: memref<1000x64xf32, #tpu.memory_space<vmem>>, %arg14: memref<1000x1xf32, #tpu.memory_space<vmem>>, %arg15: memref<1000x64xf32, #tpu.memory_space<vmem>>, %arg16: memref<1000x64xf32, #tpu.memory_space<vmem>>) attributes {dimension_semantics = [#tpu.dimension_semantics<arbitrary>], iteration_bounds = array<i64: 10>, scalar_prefetch = 0 : i64, scratch_operands = 0 : i64, tpu.core_type = #tpu.core_type<tc>, window_params = [{transform_indices = @transform_0, window_bounds = array<i64: 1000, 16>}, {transform_indices = @transform_1, window_bounds = array<i64: 1000, 16>}, {transform_indices = @transform_2, window_bounds = array<i64: 1000, 64>}, {transform_indices = @transform_3, window_bounds = array<i64: 1000, 64>}, {transform_indices = @transform_4, window_bounds = array<i64: 1000, 1>}, {pipeline_mode = #tpu.pipeline_mode<synchronous>, transform_indices = @transform_5, window_bounds = array<i64: 64, 64>}, {pipeline_mode = #tpu.pipeline_mode<synchronous>, transform_indices = @transform_6, window_bounds = array<i64: 1, 64>}, {pipeline_mode = #tpu.pipeline_mode<synchronous>, transform_indices = @transform_7, window_bounds = array<i64: 1, 64>}, {pipeline_mode = #tpu.pipeline_mode<synchronous>, transform_indices = @transform_8, window_bounds = array<i64: 64, 64>}, {pipeline_mode = #tpu.pipeline_mode<synchronous>, transform_indices = @transform_9, window_bounds = array<i64: 1, 64>}, {pipeline_mode = #tpu.pipeline_mode<synchronous>, transform_indices = @transform_10, window_bounds = array<i64: 64, 64>}, {pipeline_mode = #tpu.pipeline_mode<synchronous>, transform_indices = @transform_11, window_bounds = array<i64: 1, 64>}, {transform_indices = @transform_12, window_bounds = array<i64: 1000, 64>}, {transform_indices = @transform_13, window_bounds = array<i64: 1000, 1>}, {transform_indices = @transform_14, window_bounds = array<i64: 1000, 64>}, {transform_indices = @transform_15, window_bounds = array<i64: 1000, 64>}]} {
    %get3A = arith.constant 0 : index
    %get3A_0 = arith.constant 0 : index
    %get3A_1 = vector.load %arg1[%get3A, %get3A_0] : memref<1000x16xf32, #tpu.memory_space<vmem>>, vector<1000x1xf32>
    %get3A_2 = arith.constant 0 : index
    %get3A_3 = arith.constant 0 : index
    %get3A_4 = vector.load %arg2[%get3A_2, %get3A_3] : memref<1000x16xf32, #tpu.memory_space<vmem>>, vector<1000x1xf32>
    %add3A = arith.addf %get3A_1, %get3A_4 : vector<1000x1xf32>
    %add3A_5 = arith.constant 1.000000e+00 : f32
    %add3A_6 = vector.broadcast %add3A_5 : f32 to vector<1000x1xf32>
    %add3A_7 = arith.addf %add3A, %add3A_6 : vector<1000x1xf32>
    %max3A = arith.constant 1.000000e+00 : f32
    %max3A_8 = vector.broadcast %max3A : f32 to vector<1000x1xf32>
    %max3A_9 = arith.maximumf %add3A_7, %max3A_8 : vector<1000x1xf32>
    %sqrt3A = math.sqrt %max3A_9 : vector<1000x1xf32>
    %div3A = arith.constant 1.000000e+00 : f32
    %div3A_10 = vector.broadcast %div3A : f32 to vector<1000x1xf32>
    %div3A_11 = arith.divf %div3A_10, %sqrt3A : vector<1000x1xf32>
    %swap3A = arith.constant 0 : index
    %swap3A_12 = arith.constant 0 : index
    %swap3A_13 = vector.load %arg14[%swap3A, %swap3A_12] : memref<1000x1xf32, #tpu.memory_space<vmem>>, vector<1000x1xf32>
    tpu.vector_store %arg14[%swap3A, %swap3A_12], %div3A_11 {strides = array<i32>} : memref<1000x1xf32, #tpu.memory_space<vmem>>, vector<1000x1xf32>,
    %get3A_14 = arith.constant 0 : index
    %get3A_15 = arith.constant 0 : index
    %get3A_16 = vector.load %arg3[%get3A_14, %get3A_15] : memref<1000x64xf32, #tpu.memory_space<vmem>>, vector<1000x64xf32>
    %mul3A = vector.broadcast %div3A_11 : vector<1000x1xf32> to vector<1000x64xf32>
    %mul3A_17 = arith.mulf %get3A_16, %mul3A : vector<1000x64xf32>
    %swap3A_18 = arith.constant 0 : index
    %swap3A_19 = arith.constant 0 : index
    %swap3A_20 = vector.load %arg13[%swap3A_18, %swap3A_19] : memref<1000x64xf32, #tpu.memory_space<vmem>>, vector<1000x64xf32>
    tpu.vector_store %arg13[%swap3A_18, %swap3A_19], %mul3A_17 {strides = array<i32>} : memref<1000x64xf32, #tpu.memory_space<vmem>>, vector<1000x64xf32>,
    %get3A_21 = arith.constant 0 : index
    %get3A_22 = arith.constant 0 : index
    %get3A_23 = vector.load %arg4[%get3A_21, %get3A_22] : memref<1000x64xf32, #tpu.memory_space<vmem>>, vector<1000x64xf32>
    %get3A_24 = arith.constant 0 : index
    %get3A_25 = arith.constant 0 : index
    %get3A_26 = vector.load %arg6[%get3A_24, %get3A_25] : memref<64x64xf32, #tpu.memory_space<vmem>>, vector<64x64xf32>
    %dot_general3A = arith.constant dense<0.000000e+00> : vector<1000x64xf32>
    %dot_general3A_27 = tpu.matmul %get3A_23, %get3A_26, %dot_general3A {dimension_numbers = #tpu.dot_dimension_numbers<[1], [0], [0], [1], [0, 0, 1, 1], [], []>, precision = #tpu.contract_precision<fp32>, transpose_lhs_hint = false} : vector<1000x64xf32>, vector<64x64xf32>, vector<1000x64xf32> -> vector<1000x64xf32>
    %get3A_28 = arith.constant 0 : index
    %get3A_29 = arith.constant 0 : index
    %get3A_30 = vector.load %arg5[%get3A_28, %get3A_29] : memref<1000x1xf32, #tpu.memory_space<vmem>>, vector<1000x1xf32>
    %get3A_31 = arith.constant 0 : index
    %get3A_32 = arith.constant 0 : index
    %get3A_33 = vector.load %arg7[%get3A_31, %get3A_32] : memref<1x64xf32, #tpu.memory_space<vmem>>, vector<1x64xf32>
    %mul3A_34 = vector.broadcast %get3A_30 : vector<1000x1xf32> to vector<1000x64xf32>
    %mul3A_35 = vector.broadcast %get3A_33 : vector<1x64xf32> to vector<1000x64xf32>
    %mul3A_36 = arith.mulf %mul3A_34, %mul3A_35 : vector<1000x64xf32>
    %add3A_37 = arith.addf %dot_general3A_27, %mul3A_36 : vector<1000x64xf32>
    %get3A_38 = arith.constant 0 : index
    %get3A_39 = arith.constant 0 : index
    %get3A_40 = vector.load %arg8[%get3A_38, %get3A_39] : memref<1x64xf32, #tpu.memory_space<vmem>>, vector<1x64xf32>
    %add3A_41 = vector.broadcast %get3A_40 : vector<1x64xf32> to vector<1000x64xf32>
    %add3A_42 = arith.addf %add3A_37, %add3A_41 : vector<1000x64xf32>
    %max3A_43 = arith.constant 0.000000e+00 : f32
    %max3A_44 = vector.broadcast %max3A_43 : f32 to vector<1000x64xf32>
    %max3A_45 = arith.maximumf %add3A_42, %max3A_44 : vector<1000x64xf32>
    %get3A_46 = arith.constant 0 : index
    %get3A_47 = arith.constant 0 : index
    %get3A_48 = vector.load %arg9[%get3A_46, %get3A_47] : memref<64x64xf32, #tpu.memory_space<vmem>>, vector<64x64xf32>
    %dot_general3A_49 = arith.constant dense<0.000000e+00> : vector<1000x64xf32>
    %dot_general3A_50 = tpu.matmul %max3A_45, %get3A_48, %dot_general3A_49 {dimension_numbers = #tpu.dot_dimension_numbers<[1], [0], [0], [1], [0, 0, 1, 1], [], []>, precision = #tpu.contract_precision<fp32>, transpose_lhs_hint = false} : vector<1000x64xf32>, vector<64x64xf32>, vector<1000x64xf32> -> vector<1000x64xf32>
    %get3A_51 = arith.constant 0 : index
    %get3A_52 = arith.constant 0 : index
    %get3A_53 = vector.load %arg10[%get3A_51, %get3A_52] : memref<1x64xf32, #tpu.memory_space<vmem>>, vector<1x64xf32>
    %add3A_54 = vector.broadcast %get3A_53 : vector<1x64xf32> to vector<1000x64xf32>
    %add3A_55 = arith.addf %dot_general3A_50, %add3A_54 : vector<1000x64xf32>
    %swap3A_56 = arith.constant 0 : index
    %swap3A_57 = arith.constant 0 : index
    %swap3A_58 = vector.load %arg15[%swap3A_56, %swap3A_57] : memref<1000x64xf32, #tpu.memory_space<vmem>>, vector<1000x64xf32>
    tpu.vector_store %arg15[%swap3A_56, %swap3A_57], %add3A_55 {strides = array<i32>} : memref<1000x64xf32, #tpu.memory_space<vmem>>, vector<1000x64xf32>,
    %get3A_59 = arith.constant 0 : index
    %get3A_60 = arith.constant 0 : index
    %get3A_61 = vector.load %arg11[%get3A_59, %get3A_60] : memref<64x64xf32, #tpu.memory_space<vmem>>, vector<64x64xf32>
    %dot_general3A_62 = arith.constant dense<0.000000e+00> : vector<1000x64xf32>
    %dot_general3A_63 = tpu.matmul %max3A_45, %get3A_61, %dot_general3A_62 {dimension_numbers = #tpu.dot_dimension_numbers<[1], [0], [0], [1], [0, 0, 1, 1], [], []>, precision = #tpu.contract_precision<fp32>, transpose_lhs_hint = false} : vector<1000x64xf32>, vector<64x64xf32>, vector<1000x64xf32> -> vector<1000x64xf32>
    %get3A_64 = arith.constant 0 : index
    %get3A_65 = arith.constant 0 : index
    %get3A_66 = vector.load %arg12[%get3A_64, %get3A_65] : memref<1x64xf32, #tpu.memory_space<vmem>>, vector<1x64xf32>
    %add3A_67 = vector.broadcast %get3A_66 : vector<1x64xf32> to vector<1000x64xf32>
    %add3A_68 = arith.addf %dot_general3A_63, %add3A_67 : vector<1000x64xf32>
    %custom_jvp_call3A = arith.constant 0.000000e+00 : f32
    %max3A_69 = vector.broadcast %custom_jvp_call3A : f32 to vector<1000x64xf32>
    %max3A_70 = arith.maximumf %add3A_68, %max3A_69 : vector<1000x64xf32>
    %sub3A = vector.broadcast %custom_jvp_call3A : f32 to vector<1000x64xf32>
    %sub3A_71 = arith.subf %add3A_68, %sub3A : vector<1000x64xf32>
    %ne3A = arith.cmpf one, %sub3A_71, %sub3A_71 : vector<1000x64xf32>
    %add3A_72 = vector.broadcast %custom_jvp_call3A : f32 to vector<1000x64xf32>
    %add3A_73 = arith.addf %add3A_68, %add3A_72 : vector<1000x64xf32>
    %abs3A = math.absf %sub3A_71 : vector<1000x64xf32>
    %neg3A = arith.constant 0.000000e+00 : f32
    %neg3A_74 = vector.broadcast %neg3A : f32 to vector<1000x64xf32>
    %neg3A_75 = arith.subf %neg3A_74, %abs3A : vector<1000x64xf32>
    %exp3A = math.exp %neg3A_75 : vector<1000x64xf32>
    %log1p3A = math.log1p %exp3A : vector<1000x64xf32>
    %add3A_76 = arith.addf %max3A_70, %log1p3A : vector<1000x64xf32>
    %select_n3A = arith.select %ne3A, %add3A_73, %add3A_76 : vector<1000x64xi1>, vector<1000x64xf32>
    %swap3A_77 = arith.constant 0 : index
    %swap3A_78 = arith.constant 0 : index
    %swap3A_79 = vector.load %arg16[%swap3A_77, %swap3A_78] : memref<1000x64xf32, #tpu.memory_space<vmem>>, vector<1000x64xf32>
    tpu.vector_store %arg16[%swap3A_77, %swap3A_78], %select_n3A {strides = array<i32>} : memref<1000x64xf32, #tpu.memory_space<vmem>>, vector<1000x64xf32>,
    return
  }
  func.func @transform_0(%arg0: i32) -> (i32, i32) {
    %c0_i32 = arith.constant 0 : i32
    %c0_i32_0 = arith.constant 0 : i32
    return %arg0, %c0_i32 : i32, i32
  }
  func.func @transform_1(%arg0: i32) -> (i32, i32) {
    %c0_i32 = arith.constant 0 : i32
    %c0_i32_0 = arith.constant 0 : i32
    return %arg0, %c0_i32 : i32, i32
  }
  func.func @transform_2(%arg0: i32) -> (i32, i32) {
    %c0_i32 = arith.constant 0 : i32
    %c0_i32_0 = arith.constant 0 : i32
    return %arg0, %c0_i32 : i32, i32
  }
  func.func @transform_3(%arg0: i32) -> (i32, i32) {
    %c0_i32 = arith.constant 0 : i32
    %c0_i32_0 = arith.constant 0 : i32
    return %arg0, %c0_i32 : i32, i32
  }
  func.func @transform_4(%arg0: i32) -> (i32, i32) {
    %c0_i32 = arith.constant 0 : i32
    %c0_i32_0 = arith.constant 0 : i32
    return %arg0, %c0_i32 : i32, i32
  }
  func.func @transform_5(%arg0: i32) -> (i32, i32) {
    %c0_i32 = arith.constant 0 : i32
    %c0_i32_0 = arith.constant 0 : i32
    %c0_i32_1 = arith.constant 0 : i32
    return %c0_i32, %c0_i32_0 : i32, i32
  }
  func.func @transform_6(%arg0: i32) -> (i32, i32) {
    %c0_i32 = arith.constant 0 : i32
    %c0_i32_0 = arith.constant 0 : i32
    %c0_i32_1 = arith.constant 0 : i32
    return %c0_i32, %c0_i32_0 : i32, i32
  }
  func.func @transform_7(%arg0: i32) -> (i32, i32) {
    %c0_i32 = arith.constant 0 : i32
    %c0_i32_0 = arith.constant 0 : i32
    %c0_i32_1 = arith.constant 0 : i32
    return %c0_i32, %c0_i32_0 : i32, i32
  }
  func.func @transform_8(%arg0: i32) -> (i32, i32) {
    %c0_i32 = arith.constant 0 : i32
    %c0_i32_0 = arith.constant 0 : i32
    %c0_i32_1 = arith.constant 0 : i32
    return %c0_i32, %c0_i32_0 : i32, i32
  }
  func.func @transform_9(%arg0: i32) -> (i32, i32) {
    %c0_i32 = arith.constant 0 : i32
    %c0_i32_0 = arith.constant 0 : i32
    %c0_i32_1 = arith.constant 0 : i32
    return %c0_i32, %c0_i32_0 : i32, i32
  }
  func.func @transform_10(%arg0: i32) -> (i32, i32) {
    %c0_i32 = arith.constant 0 : i32
    %c0_i32_0 = arith.constant 0 : i32
    %c0_i32_1 = arith.constant 0 : i32
    return %c0_i32, %c0_i32_0 : i32, i32
  }
  func.func @transform_11(%arg0: i32) -> (i32, i32) {
    %c0_i32 = arith.constant 0 : i32
    %c0_i32_0 = arith.constant 0 : i32
    %c0_i32_1 = arith.constant 0 : i32
    return %c0_i32, %c0_i32_0 : i32, i32
  }
  func.func @transform_12(%arg0: i32) -> (i32, i32) {
    %c0_i32 = arith.constant 0 : i32
    %c0_i32_0 = arith.constant 0 : i32
    return %arg0, %c0_i32 : i32, i32
  }
  func.func @transform_13(%arg0: i32) -> (i32, i32) {
    %c0_i32 = arith.constant 0 : i32
    %c0_i32_0 = arith.constant 0 : i32
    return %arg0, %c0_i32 : i32, i32
  }
  func.func @transform_14(%arg0: i32) -> (i32, i32) {
    %c0_i32 = arith.constant 0 : i32
    %c0_i32_0 = arith.constant 0 : i32
    return %arg0, %c0_i32 : i32, i32
  }
  func.func @transform_15(%arg0: i32) -> (i32, i32) {
    %c0_i32 = arith.constant 0 : i32
    %c0_i32_0 = arith.constant 0 : i32
    return %arg0, %c0_i32 : i32, i32
  }
}

module attributes {stable_mosaic.version = 14 : i64} {
  func.func @_t2(%arg0: i32, %arg1: memref<1000x64xf32, #tpu.memory_space<vmem>>, %arg2: memref<1000x64xf32, #tpu.memory_space<vmem>>, %arg3: memref<1000x64xf32, #tpu.memory_space<vmem>>, %arg4: memref<1000x1xf32, #tpu.memory_space<vmem>>, %arg5: memref<1x64xf32, #tpu.memory_space<vmem>>, %arg6: memref<64x128xf32, #tpu.memory_space<vmem>>, %arg7: memref<1000x128xf32, #tpu.memory_space<vmem>>) attributes {dimension_semantics = [#tpu.dimension_semantics<arbitrary>], iteration_bounds = array<i64: 10>, scalar_prefetch = 0 : i64, scratch_operands = 0 : i64, tpu.core_type = #tpu.core_type<tc>, window_params = [{transform_indices = @transform_0, window_bounds = array<i64: 1000, 64>}, {transform_indices = @transform_1, window_bounds = array<i64: 1000, 64>}, {transform_indices = @transform_2, window_bounds = array<i64: 1000, 64>}, {transform_indices = @transform_3, window_bounds = array<i64: 1000, 1>}, {pipeline_mode = #tpu.pipeline_mode<synchronous>, transform_indices = @transform_4, window_bounds = array<i64: 1, 64>}, {pipeline_mode = #tpu.pipeline_mode<synchronous>, transform_indices = @transform_5, window_bounds = array<i64: 64, 128>}, {transform_indices = @transform_6, window_bounds = array<i64: 1000, 128>}]} {
    %get3A = arith.constant 0 : index
    %get3A_0 = arith.constant 0 : index
    %get3A_1 = vector.load %arg4[%get3A, %get3A_0] : memref<1000x1xf32, #tpu.memory_space<vmem>>, vector<1000x1xf32>
    %get3A_2 = arith.constant 0 : index
    %get3A_3 = arith.constant 0 : index
    %get3A_4 = vector.load %arg1[%get3A_2, %get3A_3] : memref<1000x64xf32, #tpu.memory_space<vmem>>, vector<1000x64xf32>
    %get3A_5 = arith.constant 0 : index
    %get3A_6 = arith.constant 0 : index
    %get3A_7 = vector.load %arg2[%get3A_5, %get3A_6] : memref<1000x64xf32, #tpu.memory_space<vmem>>, vector<1000x64xf32>
    %add3A = arith.addf %get3A_4, %get3A_7 : vector<1000x64xf32>
    %get3A_8 = arith.constant 0 : index
    %get3A_9 = arith.constant 0 : index
    %get3A_10 = vector.load %arg3[%get3A_8, %get3A_9] : memref<1000x64xf32, #tpu.memory_space<vmem>>, vector<1000x64xf32>
    %add3A_11 = arith.addf %add3A, %get3A_10 : vector<1000x64xf32>
    %mul3A = vector.broadcast %get3A_1 : vector<1000x1xf32> to vector<1000x64xf32>
    %mul3A_12 = arith.mulf %mul3A, %add3A_11 : vector<1000x64xf32>
    %get3A_13 = arith.constant 0 : index
    %get3A_14 = arith.constant 0 : index
    %get3A_15 = vector.load %arg5[%get3A_13, %get3A_14] : memref<1x64xf32, #tpu.memory_space<vmem>>, vector<1x64xf32>
    %add3A_16 = vector.broadcast %get3A_15 : vector<1x64xf32> to vector<1000x64xf32>
    %add3A_17 = arith.addf %mul3A_12, %add3A_16 : vector<1000x64xf32>
    %max3A = arith.constant 0.000000e+00 : f32
    %max3A_18 = vector.broadcast %max3A : f32 to vector<1000x64xf32>
    %max3A_19 = arith.maximumf %add3A_17, %max3A_18 : vector<1000x64xf32>
    %get3A_20 = arith.constant 0 : index
    %get3A_21 = arith.constant 0 : index
    %get3A_22 = vector.load %arg6[%get3A_20, %get3A_21] : memref<64x128xf32, #tpu.memory_space<vmem>>, vector<64x128xf32>
    %dot_general3A = arith.constant dense<0.000000e+00> : vector<1000x128xf32>
    %dot_general3A_23 = tpu.matmul %max3A_19, %get3A_22, %dot_general3A {dimension_numbers = #tpu.dot_dimension_numbers<[1], [0], [0], [1], [0, 0, 1, 1], [], []>, precision = #tpu.contract_precision<fp32>, transpose_lhs_hint = false} : vector<1000x64xf32>, vector<64x128xf32>, vector<1000x128xf32> -> vector<1000x128xf32>
    %get3A_24 = arith.constant 0 : index
    %get3A_25 = arith.constant 0 : index
    %get3A_26 = vector.load %arg4[%get3A_24, %get3A_25] : memref<1000x1xf32, #tpu.memory_space<vmem>>, vector<1000x1xf32>
    %mul3A_27 = vector.broadcast %get3A_26 : vector<1000x1xf32> to vector<1000x128xf32>
    %mul3A_28 = arith.mulf %dot_general3A_23, %mul3A_27 : vector<1000x128xf32>
    %swap3A = arith.constant 0 : index
    %swap3A_29 = arith.constant 0 : index
    %swap3A_30 = vector.load %arg7[%swap3A, %swap3A_29] : memref<1000x128xf32, #tpu.memory_space<vmem>>, vector<1000x128xf32>
    tpu.vector_store %arg7[%swap3A, %swap3A_29], %mul3A_28 {strides = array<i32>} : memref<1000x128xf32, #tpu.memory_space<vmem>>, vector<1000x128xf32>,
    return
  }
  func.func @transform_0(%arg0: i32) -> (i32, i32) {
    %c0_i32 = arith.constant 0 : i32
    %c0_i32_0 = arith.constant 0 : i32
    return %arg0, %c0_i32 : i32, i32
  }
  func.func @transform_1(%arg0: i32) -> (i32, i32) {
    %c0_i32 = arith.constant 0 : i32
    %c0_i32_0 = arith.constant 0 : i32
    return %arg0, %c0_i32 : i32, i32
  }
  func.func @transform_2(%arg0: i32) -> (i32, i32) {
    %c0_i32 = arith.constant 0 : i32
    %c0_i32_0 = arith.constant 0 : i32
    return %arg0, %c0_i32 : i32, i32
  }
  func.func @transform_3(%arg0: i32) -> (i32, i32) {
    %c0_i32 = arith.constant 0 : i32
    %c0_i32_0 = arith.constant 0 : i32
    return %arg0, %c0_i32 : i32, i32
  }
  func.func @transform_4(%arg0: i32) -> (i32, i32) {
    %c0_i32 = arith.constant 0 : i32
    %c0_i32_0 = arith.constant 0 : i32
    %c0_i32_1 = arith.constant 0 : i32
    return %c0_i32, %c0_i32_0 : i32, i32
  }
  func.func @transform_5(%arg0: i32) -> (i32, i32) {
    %c0_i32 = arith.constant 0 : i32
    %c0_i32_0 = arith.constant 0 : i32
    %c0_i32_1 = arith.constant 0 : i32
    return %c0_i32, %c0_i32_0 : i32, i32
  }
  func.func @transform_6(%arg0: i32) -> (i32, i32) {
    %c0_i32 = arith.constant 0 : i32
    %c0_i32_0 = arith.constant 0 : i32
    return %arg0, %c0_i32 : i32, i32
  }
}

module attributes {stable_mosaic.version = 14 : i64} {
  func.func @_t3(%arg0: i32, %arg1: memref<1000x128xf32, #tpu.memory_space<vmem>>, %arg2: memref<1000x128xf32, #tpu.memory_space<vmem>>, %arg3: memref<1000x128xf32, #tpu.memory_space<vmem>>, %arg4: memref<1000x1xf32, #tpu.memory_space<vmem>>, %arg5: memref<1x128xf32, #tpu.memory_space<vmem>>, %arg6: memref<1000x64xf32, #tpu.memory_space<vmem>>, %arg7: memref<64x64xf32, #tpu.memory_space<vmem>>, %arg8: memref<1x64xf32, #tpu.memory_space<vmem>>, %arg9: memref<1000x64xf32, #tpu.memory_space<vmem>>, %arg10: memref<1000x64xf32, #tpu.memory_space<vmem>>, %arg11: memref<128x192xf32, #tpu.memory_space<vmem>>, %arg12: memref<64x128xf32, #tpu.memory_space<vmem>>, %arg13: memref<1000x64xf32, #tpu.memory_space<vmem>>, %arg14: memref<1000x64xf32, #tpu.memory_space<vmem>>, %arg15: memref<1000x64xf32, #tpu.memory_space<vmem>>, %arg16: memref<1000x128xf32, #tpu.memory_space<vmem>>, %arg17: memref<1000x128xf32, #tpu.memory_space<vmem>>, %arg18: memref<1000x64xf32, #tpu.memory_space<vmem>>) attributes {dimension_semantics = [#tpu.dimension_semantics<arbitrary>], iteration_bounds = array<i64: 10>, scalar_prefetch = 0 : i64, scratch_operands = 0 : i64, tpu.core_type = #tpu.core_type<tc>, window_params = [{transform_indices = @transform_0, window_bounds = array<i64: 1000, 128>}, {transform_indices = @transform_1, window_bounds = array<i64: 1000, 128>}, {transform_indices = @transform_2, window_bounds = array<i64: 1000, 128>}, {transform_indices = @transform_3, window_bounds = array<i64: 1000, 1>}, {pipeline_mode = #tpu.pipeline_mode<synchronous>, transform_indices = @transform_4, window_bounds = array<i64: 1, 128>}, {transform_indices = @transform_5, window_bounds = array<i64: 1000, 64>}, {pipeline_mode = #tpu.pipeline_mode<synchronous>, transform_indices = @transform_6, window_bounds = array<i64: 64, 64>}, {pipeline_mode = #tpu.pipeline_mode<synchronous>, transform_indices = @transform_7, window_bounds = array<i64: 1, 64>}, {transform_indices = @transform_8, window_bounds = array<i64: 1000, 64>}, {transform_indices = @transform_9, window_bounds = array<i64: 1000, 64>}, {pipeline_mode = #tpu.pipeline_mode<synchronous>, transform_indices = @transform_10, window_bounds = array<i64: 128, 192>}, {pipeline_mode = #tpu.pipeline_mode<synchronous>, transform_indices = @transform_11, window_bounds = array<i64: 64, 128>}, {transform_indices = @transform_12, window_bounds = array<i64: 1000, 64>}, {transform_indices = @transform_13, window_bounds = array<i64: 1000, 64>}, {transform_indices = @transform_14, window_bounds = array<i64: 1000, 64>}, {transform_indices = @transform_15, window_bounds = array<i64: 1000, 128>}, {transform_indices = @transform_16, window_bounds = array<i64: 1000, 128>}, {transform_indices = @transform_17, window_bounds = array<i64: 1000, 64>}]} {
    %get3A = arith.constant 0 : index
    %get3A_0 = arith.constant 0 : index
    %get3A_1 = vector.load %arg4[%get3A, %get3A_0] : memref<1000x1xf32, #tpu.memory_space<vmem>>, vector<1000x1xf32>
    %get3A_2 = arith.constant 0 : index
    %get3A_3 = arith.constant 0 : index
    %get3A_4 = vector.load %arg1[%get3A_2, %get3A_3] : memref<1000x128xf32, #tpu.memory_space<vmem>>, vector<1000x128xf32>
    %get3A_5 = arith.constant 0 : index
    %get3A_6 = arith.constant 0 : index
    %get3A_7 = vector.load %arg2[%get3A_5, %get3A_6] : memref<1000x128xf32, #tpu.memory_space<vmem>>, vector<1000x128xf32>
    %add3A = arith.addf %get3A_4, %get3A_7 : vector<1000x128xf32>
    %get3A_8 = arith.constant 0 : index
    %get3A_9 = arith.constant 0 : index
    %get3A_10 = vector.load %arg3[%get3A_8, %get3A_9] : memref<1000x128xf32, #tpu.memory_space<vmem>>, vector<1000x128xf32>
    %add3A_11 = arith.addf %add3A, %get3A_10 : vector<1000x128xf32>
    %mul3A = vector.broadcast %get3A_1 : vector<1000x1xf32> to vector<1000x128xf32>
    %mul3A_12 = arith.mulf %mul3A, %add3A_11 : vector<1000x128xf32>
    %get3A_13 = arith.constant 0 : index
    %get3A_14 = arith.constant 0 : index
    %get3A_15 = vector.load %arg5[%get3A_13, %get3A_14] : memref<1x128xf32, #tpu.memory_space<vmem>>, vector<1x128xf32>
    %add3A_16 = vector.broadcast %get3A_15 : vector<1x128xf32> to vector<1000x128xf32>
    %add3A_17 = arith.addf %mul3A_12, %add3A_16 : vector<1000x128xf32>
    %slice3A = vector.extract_strided_slice %add3A_17 {offsets = [0, 0], sizes = [1000, 64], strides = [1, 1]} : vector<1000x128xf32> to vector<1000x64xf32>
    %slice3A_18 = vector.extract_strided_slice %add3A_17 {offsets = [0, 64], sizes = [1000, 64], strides = [1, 1]} : vector<1000x128xf32> to vector<1000x64xf32>
    %custom_jvp_call3A = arith.constant 0.000000e+00 : f32
    %max3A = vector.broadcast %custom_jvp_call3A : f32 to vector<1000x64xf32>
    %max3A_19 = arith.maximumf %slice3A_18, %max3A : vector<1000x64xf32>
    %sub3A = vector.broadcast %custom_jvp_call3A : f32 to vector<1000x64xf32>
    %sub3A_20 = arith.subf %slice3A_18, %sub3A : vector<1000x64xf32>
    %ne3A = arith.cmpf one, %sub3A_20, %sub3A_20 : vector<1000x64xf32>
    %add3A_21 = vector.broadcast %custom_jvp_call3A : f32 to vector<1000x64xf32>
    %add3A_22 = arith.addf %slice3A_18, %add3A_21 : vector<1000x64xf32>
    %abs3A = math.absf %sub3A_20 : vector<1000x64xf32>
    %neg3A = arith.constant 0.000000e+00 : f32
    %neg3A_23 = vector.broadcast %neg3A : f32 to vector<1000x64xf32>
    %neg3A_24 = arith.subf %neg3A_23, %abs3A : vector<1000x64xf32>
    %exp3A = math.exp %neg3A_24 : vector<1000x64xf32>
    %log1p3A = math.log1p %exp3A : vector<1000x64xf32>
    %add3A_25 = arith.addf %max3A_19, %log1p3A : vector<1000x64xf32>
    %select_n3A = arith.select %ne3A, %add3A_22, %add3A_25 : vector<1000x64xi1>, vector<1000x64xf32>
    %swap3A = arith.constant 0 : index
    %swap3A_26 = arith.constant 0 : index
    %swap3A_27 = vector.load %arg13[%swap3A, %swap3A_26] : memref<1000x64xf32, #tpu.memory_space<vmem>>, vector<1000x64xf32>
    tpu.vector_store %arg13[%swap3A, %swap3A_26], %slice3A {strides = array<i32>} : memref<1000x64xf32, #tpu.memory_space<vmem>>, vector<1000x64xf32>,
    %swap3A_28 = arith.constant 0 : index
    %swap3A_29 = arith.constant 0 : index
    %swap3A_30 = vector.load %arg14[%swap3A_28, %swap3A_29] : memref<1000x64xf32, #tpu.memory_space<vmem>>, vector<1000x64xf32>
    tpu.vector_store %arg14[%swap3A_28, %swap3A_29], %select_n3A {strides = array<i32>} : memref<1000x64xf32, #tpu.memory_space<vmem>>, vector<1000x64xf32>,
    %get3A_31 = arith.constant 0 : index
    %get3A_32 = arith.constant 0 : index
    %get3A_33 = vector.load %arg6[%get3A_31, %get3A_32] : memref<1000x64xf32, #tpu.memory_space<vmem>>, vector<1000x64xf32>
    %mul3A_34 = arith.mulf %get3A_33, %select_n3A : vector<1000x64xf32>
    %add3A_35 = arith.addf %mul3A_34, %slice3A : vector<1000x64xf32>
    %swap3A_36 = arith.constant 0 : index
    %swap3A_37 = arith.constant 0 : index
    %swap3A_38 = vector.load %arg15[%swap3A_36, %swap3A_37] : memref<1000x64xf32, #tpu.memory_space<vmem>>, vector<1000x64xf32>
    tpu.vector_store %arg15[%swap3A_36, %swap3A_37], %add3A_35 {strides = array<i32>} : memref<1000x64xf32, #tpu.memory_space<vmem>>, vector<1000x64xf32>,
    %get3A_39 = arith.constant 0 : index
    %get3A_40 = arith.constant 0 : index
    %get3A_41 = vector.load %arg7[%get3A_39, %get3A_40] : memref<64x64xf32, #tpu.memory_space<vmem>>, vector<64x64xf32>
    %dot_general3A = arith.constant dense<0.000000e+00> : vector<1000x64xf32>
    %dot_general3A_42 = tpu.matmul %add3A_35, %get3A_41, %dot_general3A {dimension_numbers = #tpu.dot_dimension_numbers<[1], [0], [0], [1], [0, 0, 1, 1], [], []>, precision = #tpu.contract_precision<fp32>, transpose_lhs_hint = false} : vector<1000x64xf32>, vector<64x64xf32>, vector<1000x64xf32> -> vector<1000x64xf32>
    %get3A_43 = arith.constant 0 : index
    %get3A_44 = arith.constant 0 : index
    %get3A_45 = vector.load %arg8[%get3A_43, %get3A_44] : memref<1x64xf32, #tpu.memory_space<vmem>>, vector<1x64xf32>
    %add3A_46 = vector.broadcast %get3A_45 : vector<1x64xf32> to vector<1000x64xf32>
    %add3A_47 = arith.addf %dot_general3A_42, %add3A_46 : vector<1000x64xf32>
    %max3A_48 = arith.constant 0.000000e+00 : f32
    %max3A_49 = vector.broadcast %max3A_48 : f32 to vector<1000x64xf32>
    %max3A_50 = arith.maximumf %add3A_47, %max3A_49 : vector<1000x64xf32>
    %get3A_51 = arith.constant 0 : index
    %get3A_52 = arith.constant 0 : index
    %get3A_53 = vector.load %arg9[%get3A_51, %get3A_52] : memref<1000x64xf32, #tpu.memory_space<vmem>>, vector<1000x64xf32>
    %concatenate3A = tpu.concatenate %get3A_53, %max3A_50 in 1 : vector<1000x64xf32>, vector<1000x64xf32> -> vector<1000x128xf32>
    %get3A_54 = arith.constant 0 : index
    %get3A_55 = arith.constant 0 : index
    %get3A_56 = vector.load %arg11[%get3A_54, %get3A_55] : memref<128x192xf32, #tpu.memory_space<vmem>>, vector<128x192xf32>
    %dot_general3A_57 = arith.constant dense<0.000000e+00> : vector<1000x192xf32>
    %dot_general3A_58 = tpu.matmul %concatenate3A, %get3A_56, %dot_general3A_57 {dimension_numbers = #tpu.dot_dimension_numbers<[1], [0], [0], [1], [0, 0, 1, 1], [], []>, precision = #tpu.contract_precision<fp32>, transpose_lhs_hint = false} : vector<1000x128xf32>, vector<128x192xf32>, vector<1000x192xf32> -> vector<1000x192xf32>
    %get3A_59 = arith.constant 0 : index
    %get3A_60 = arith.constant 0 : index
    %get3A_61 = vector.load %arg10[%get3A_59, %get3A_60] : memref<1000x64xf32, #tpu.memory_space<vmem>>, vector<1000x64xf32>
    %get3A_62 = arith.constant 0 : index
    %get3A_63 = arith.constant 0 : index
    %get3A_64 = vector.load %arg12[%get3A_62, %get3A_63] : memref<64x128xf32, #tpu.memory_space<vmem>>, vector<64x128xf32>
    %dot_general3A_65 = arith.constant dense<0.000000e+00> : vector<1000x128xf32>
    %dot_general3A_66 = tpu.matmul %get3A_61, %get3A_64, %dot_general3A_65 {dimension_numbers = #tpu.dot_dimension_numbers<[1], [0], [0], [1], [0, 0, 1, 1], [], []>, precision = #tpu.contract_precision<fp32>, transpose_lhs_hint = false} : vector<1000x64xf32>, vector<64x128xf32>, vector<1000x128xf32> -> vector<1000x128xf32>
    %concatenate3A_67 = tpu.concatenate %dot_general3A_58, %dot_general3A_66 in 1 : vector<1000x192xf32>, vector<1000x128xf32> -> vector<1000x320xf32>
    %get3A_68 = arith.constant 0 : index
    %get3A_69 = arith.constant 0 : index
    %get3A_70 = vector.load %arg4[%get3A_68, %get3A_69] : memref<1000x1xf32, #tpu.memory_space<vmem>>, vector<1000x1xf32>
    %mul3A_71 = vector.broadcast %get3A_70 : vector<1000x1xf32> to vector<1000x320xf32>
    %mul3A_72 = arith.mulf %concatenate3A_67, %mul3A_71 : vector<1000x320xf32>
    %slice3A_73 = vector.extract_strided_slice %mul3A_72 {offsets = [0, 0], sizes = [1000, 128], strides = [1, 1]} : vector<1000x320xf32> to vector<1000x128xf32>
    %swap3A_74 = arith.constant 0 : index
    %swap3A_75 = arith.constant 0 : index
    %swap3A_76 = vector.load %arg16[%swap3A_74, %swap3A_75] : memref<1000x128xf32, #tpu.memory_space<vmem>>, vector<1000x128xf32>
    tpu.vector_store %arg16[%swap3A_74, %swap3A_75], %slice3A_73 {strides = array<i32>} : memref<1000x128xf32, #tpu.memory_space<vmem>>, vector<1000x128xf32>,
    %slice3A_77 = vector.extract_strided_slice %mul3A_72 {offsets = [0, 128], sizes = [1000, 128], strides = [1, 1]} : vector<1000x320xf32> to vector<1000x128xf32>
    %swap3A_78 = arith.constant 0 : index
    %swap3A_79 = arith.constant 0 : index
    %swap3A_80 = vector.load %arg17[%swap3A_78, %swap3A_79] : memref<1000x128xf32, #tpu.memory_space<vmem>>, vector<1000x128xf32>
    tpu.vector_store %arg17[%swap3A_78, %swap3A_79], %slice3A_77 {strides = array<i32>} : memref<1000x128xf32, #tpu.memory_space<vmem>>, vector<1000x128xf32>,
    %slice3A_81 = vector.extract_strided_slice %mul3A_72 {offsets = [0, 256], sizes = [1000, 64], strides = [1, 1]} : vector<1000x320xf32> to vector<1000x64xf32>
    %swap3A_82 = arith.constant 0 : index
    %swap3A_83 = arith.constant 0 : index
    %swap3A_84 = vector.load %arg18[%swap3A_82, %swap3A_83] : memref<1000x64xf32, #tpu.memory_space<vmem>>, vector<1000x64xf32>
    tpu.vector_store %arg18[%swap3A_82, %swap3A_83], %slice3A_81 {strides = array<i32>} : memref<1000x64xf32, #tpu.memory_space<vmem>>, vector<1000x64xf32>,
    return
  }
  func.func @transform_0(%arg0: i32) -> (i32, i32) {
    %c0_i32 = arith.constant 0 : i32
    %c0_i32_0 = arith.constant 0 : i32
    return %arg0, %c0_i32 : i32, i32
  }
  func.func @transform_1(%arg0: i32) -> (i32, i32) {
    %c0_i32 = arith.constant 0 : i32
    %c0_i32_0 = arith.constant 0 : i32
    return %arg0, %c0_i32 : i32, i32
  }
  func.func @transform_2(%arg0: i32) -> (i32, i32) {
    %c0_i32 = arith.constant 0 : i32
    %c0_i32_0 = arith.constant 0 : i32
    return %arg0, %c0_i32 : i32, i32
  }
  func.func @transform_3(%arg0: i32) -> (i32, i32) {
    %c0_i32 = arith.constant 0 : i32
    %c0_i32_0 = arith.constant 0 : i32
    return %arg0, %c0_i32 : i32, i32
  }
  func.func @transform_4(%arg0: i32) -> (i32, i32) {
    %c0_i32 = arith.constant 0 : i32
    %c0_i32_0 = arith.constant 0 : i32
    %c0_i32_1 = arith.constant 0 : i32
    return %c0_i32, %c0_i32_0 : i32, i32
  }
  func.func @transform_5(%arg0: i32) -> (i32, i32) {
    %c0_i32 = arith.constant 0 : i32
    %c0_i32_0 = arith.constant 0 : i32
    return %arg0, %c0_i32 : i32, i32
  }
  func.func @transform_6(%arg0: i32) -> (i32, i32) {
    %c0_i32 = arith.constant 0 : i32
    %c0_i32_0 = arith.constant 0 : i32
    %c0_i32_1 = arith.constant 0 : i32
    return %c0_i32, %c0_i32_0 : i32, i32
  }
  func.func @transform_7(%arg0: i32) -> (i32, i32) {
    %c0_i32 = arith.constant 0 : i32
    %c0_i32_0 = arith.constant 0 : i32
    %c0_i32_1 = arith.constant 0 : i32
    return %c0_i32, %c0_i32_0 : i32, i32
  }
  func.func @transform_8(%arg0: i32) -> (i32, i32) {
    %c0_i32 = arith.constant 0 : i32
    %c0_i32_0 = arith.constant 0 : i32
    return %arg0, %c0_i32 : i32, i32
  }
  func.func @transform_9(%arg0: i32) -> (i32, i32) {
    %c0_i32 = arith.constant 0 : i32
    %c0_i32_0 = arith.constant 0 : i32
    return %arg0, %c0_i32 : i32, i32
  }
  func.func @transform_10(%arg0: i32) -> (i32, i32) {
    %c0_i32 = arith.constant 0 : i32
    %c0_i32_0 = arith.constant 0 : i32
    %c0_i32_1 = arith.constant 0 : i32
    return %c0_i32, %c0_i32_0 : i32, i32
  }
  func.func @transform_11(%arg0: i32) -> (i32, i32) {
    %c0_i32 = arith.constant 0 : i32
    %c0_i32_0 = arith.constant 0 : i32
    %c0_i32_1 = arith.constant 0 : i32
    return %c0_i32, %c0_i32_0 : i32, i32
  }
  func.func @transform_12(%arg0: i32) -> (i32, i32) {
    %c0_i32 = arith.constant 0 : i32
    %c0_i32_0 = arith.constant 0 : i32
    return %arg0, %c0_i32 : i32, i32
  }
  func.func @transform_13(%arg0: i32) -> (i32, i32) {
    %c0_i32 = arith.constant 0 : i32
    %c0_i32_0 = arith.constant 0 : i32
    return %arg0, %c0_i32 : i32, i32
  }
  func.func @transform_14(%arg0: i32) -> (i32, i32) {
    %c0_i32 = arith.constant 0 : i32
    %c0_i32_0 = arith.constant 0 : i32
    return %arg0, %c0_i32 : i32, i32
  }
  func.func @transform_15(%arg0: i32) -> (i32, i32) {
    %c0_i32 = arith.constant 0 : i32
    %c0_i32_0 = arith.constant 0 : i32
    return %arg0, %c0_i32 : i32, i32
  }
  func.func @transform_16(%arg0: i32) -> (i32, i32) {
    %c0_i32 = arith.constant 0 : i32
    %c0_i32_0 = arith.constant 0 : i32
    return %arg0, %c0_i32 : i32, i32
  }
  func.func @transform_17(%arg0: i32) -> (i32, i32) {
    %c0_i32 = arith.constant 0 : i32
    %c0_i32_0 = arith.constant 0 : i32
    return %arg0, %c0_i32 : i32, i32
  }
}

module attributes {stable_mosaic.version = 14 : i64} {
  func.func @_t4(%arg0: i32, %arg1: memref<1000x128xf32, #tpu.memory_space<vmem>>, %arg2: memref<1000x128xf32, #tpu.memory_space<vmem>>, %arg3: memref<1000x128xf32, #tpu.memory_space<vmem>>, %arg4: memref<1000x128xf32, #tpu.memory_space<vmem>>, %arg5: memref<1000x64xf32, #tpu.memory_space<vmem>>, %arg6: memref<1000x64xf32, #tpu.memory_space<vmem>>, %arg7: memref<1000x128xf32, #tpu.memory_space<vmem>>, %arg8: memref<1000x128xf32, #tpu.memory_space<vmem>>, %arg9: memref<1000x64xf32, #tpu.memory_space<vmem>>, %arg10: memref<1000x1xf32, #tpu.memory_space<vmem>>, %arg11: memref<1000x64xf32, #tpu.memory_space<vmem>>, %arg12: memref<64x64xf32, #tpu.memory_space<vmem>>, %arg13: memref<1x64xf32, #tpu.memory_space<vmem>>, %arg14: memref<1x64xf32, #tpu.memory_space<vmem>>, %arg15: memref<1x64xf32, #tpu.memory_space<vmem>>, %arg16: memref<1000x64xf32, #tpu.memory_space<vmem>>, %arg17: memref<1000x64xf32, #tpu.memory_space<vmem>>, %arg18: memref<1000x64xf32, #tpu.memory_space<vmem>>) attributes {dimension_semantics = [#tpu.dimension_semantics<arbitrary>], iteration_bounds = array<i64: 10>, scalar_prefetch = 0 : i64, scratch_operands = 0 : i64, tpu.core_type = #tpu.core_type<tc>, window_params = [{transform_indices = @transform_0, window_bounds = array<i64: 1000, 128>}, {transform_indices = @transform_1, window_bounds = array<i64: 1000, 128>}, {transform_indices = @transform_2, window_bounds = array<i64: 1000, 128>}, {transform_indices = @transform_3, window_bounds = array<i64: 1000, 128>}, {transform_indices = @transform_4, window_bounds = array<i64: 1000, 64>}, {transform_indices = @transform_5, window_bounds = array<i64: 1000, 64>}, {transform_indices = @transform_6, window_bounds = array<i64: 1000, 128>}, {transform_indices = @transform_7, window_bounds = array<i64: 1000, 128>}, {transform_indices = @transform_8, window_bounds = array<i64: 1000, 64>}, {transform_indices = @transform_9, window_bounds = array<i64: 1000, 1>}, {transform_indices = @transform_10, window_bounds = array<i64: 1000, 64>}, {pipeline_mode = #tpu.pipeline_mode<synchronous>, transform_indices = @transform_11, window_bounds = array<i64: 64, 64>}, {pipeline_mode = #tpu.pipeline_mode<synchronous>, transform_indices = @transform_12, window_bounds = array<i64: 1, 64>}, {pipeline_mode = #tpu.pipeline_mode<synchronous>, transform_indices = @transform_13, window_bounds = array<i64: 1, 64>}, {pipeline_mode = #tpu.pipeline_mode<synchronous>, transform_indices = @transform_14, window_bounds = array<i64: 1, 64>}, {transform_indices = @transform_15, window_bounds = array<i64: 1000, 64>}, {transform_indices = @transform_16, window_bounds = array<i64: 1000, 64>}, {transform_indices = @transform_17, window_bounds = array<i64: 1000, 64>}]} {
    %get3A = arith.constant 0 : index
    %get3A_0 = arith.constant 0 : index
    %get3A_1 = vector.load %arg10[%get3A, %get3A_0] : memref<1000x1xf32, #tpu.memory_space<vmem>>, vector<1000x1xf32>
    %get3A_2 = arith.constant 0 : index
    %get3A_3 = arith.constant 0 : index
    %get3A_4 = vector.load %arg1[%get3A_2, %get3A_3] : memref<1000x128xf32, #tpu.memory_space<vmem>>, vector<1000x128xf32>
    %get3A_5 = arith.constant 0 : index
    %get3A_6 = arith.constant 0 : index
    %get3A_7 = vector.load %arg2[%get3A_5, %get3A_6] : memref<1000x128xf32, #tpu.memory_space<vmem>>, vector<1000x128xf32>
    %add3A = arith.addf %get3A_4, %get3A_7 : vector<1000x128xf32>
    %get3A_8 = arith.constant 0 : index
    %get3A_9 = arith.constant 0 : index
    %get3A_10 = vector.load %arg7[%get3A_8, %get3A_9] : memref<1000x128xf32, #tpu.memory_space<vmem>>, vector<1000x128xf32>
    %add3A_11 = arith.addf %add3A, %get3A_10 : vector<1000x128xf32>
    %mul3A = vector.broadcast %get3A_1 : vector<1000x1xf32> to vector<1000x128xf32>
    %mul3A_12 = arith.mulf %mul3A, %add3A_11 : vector<1000x128xf32>
    %get3A_13 = arith.constant 0 : index
    %get3A_14 = arith.constant 0 : index
    %get3A_15 = vector.load %arg10[%get3A_13, %get3A_14] : memref<1000x1xf32, #tpu.memory_space<vmem>>, vector<1000x1xf32>
    %get3A_16 = arith.constant 0 : index
    %get3A_17 = arith.constant 0 : index
    %get3A_18 = vector.load %arg3[%get3A_16, %get3A_17] : memref<1000x128xf32, #tpu.memory_space<vmem>>, vector<1000x128xf32>
    %get3A_19 = arith.constant 0 : index
    %get3A_20 = arith.constant 0 : index
    %get3A_21 = vector.load %arg4[%get3A_19, %get3A_20] : memref<1000x128xf32, #tpu.memory_space<vmem>>, vector<1000x128xf32>
    %add3A_22 = arith.addf %get3A_18, %get3A_21 : vector<1000x128xf32>
    %get3A_23 = arith.constant 0 : index
    %get3A_24 = arith.constant 0 : index
    %get3A_25 = vector.load %arg8[%get3A_23, %get3A_24] : memref<1000x128xf32, #tpu.memory_space<vmem>>, vector<1000x128xf32>
    %add3A_26 = arith.addf %add3A_22, %get3A_25 : vector<1000x128xf32>
    %mul3A_27 = vector.broadcast %get3A_15 : vector<1000x1xf32> to vector<1000x128xf32>
    %mul3A_28 = arith.mulf %mul3A_27, %add3A_26 : vector<1000x128xf32>
    %get3A_29 = arith.constant 0 : index
    %get3A_30 = arith.constant 0 : index
    %get3A_31 = vector.load %arg10[%get3A_29, %get3A_30] : memref<1000x1xf32, #tpu.memory_space<vmem>>, vector<1000x1xf32>
    %get3A_32 = arith.constant 0 : index
    %get3A_33 = arith.constant 0 : index
    %get3A_34 = vector.load %arg5[%get3A_32, %get3A_33] : memref<1000x64xf32, #tpu.memory_space<vmem>>, vector<1000x64xf32>
    %get3A_35 = arith.constant 0 : index
    %get3A_36 = arith.constant 0 : index
    %get3A_37 = vector.load %arg6[%get3A_35, %get3A_36] : memref<1000x64xf32, #tpu.memory_space<vmem>>, vector<1000x64xf32>
    %add3A_38 = arith.addf %get3A_34, %get3A_37 : vector<1000x64xf32>
    %get3A_39 = arith.constant 0 : index
    %get3A_40 = arith.constant 0 : index
    %get3A_41 = vector.load %arg9[%get3A_39, %get3A_40] : memref<1000x64xf32, #tpu.memory_space<vmem>>, vector<1000x64xf32>
    %add3A_42 = arith.addf %add3A_38, %get3A_41 : vector<1000x64xf32>
    %mul3A_43 = vector.broadcast %get3A_31 : vector<1000x1xf32> to vector<1000x64xf32>
    %mul3A_44 = arith.mulf %mul3A_43, %add3A_42 : vector<1000x64xf32>
    %slice3A = vector.extract_strided_slice %mul3A_12 {offsets = [0, 0], sizes = [1000, 64], strides = [1, 1]} : vector<1000x128xf32> to vector<1000x64xf32>
    %slice3A_45 = vector.extract_strided_slice %mul3A_12 {offsets = [0, 64], sizes = [1000, 64], strides = [1, 1]} : vector<1000x128xf32> to vector<1000x64xf32>
    %slice3A_46 = vector.extract_strided_slice %mul3A_28 {offsets = [0, 0], sizes = [1000, 64], strides = [1, 1]} : vector<1000x128xf32> to vector<1000x64xf32>
    %slice3A_47 = vector.extract_strided_slice %mul3A_28 {offsets = [0, 64], sizes = [1000, 64], strides = [1, 1]} : vector<1000x128xf32> to vector<1000x64xf32>
    %add3A_48 = arith.addf %slice3A, %slice3A_47 : vector<1000x64xf32>
    %get3A_49 = arith.constant 0 : index
    %get3A_50 = arith.constant 0 : index
    %get3A_51 = vector.load %arg13[%get3A_49, %get3A_50] : memref<1x64xf32, #tpu.memory_space<vmem>>, vector<1x64xf32>
    %add3A_52 = vector.broadcast %get3A_51 : vector<1x64xf32> to vector<1000x64xf32>
    %add3A_53 = arith.addf %add3A_48, %add3A_52 : vector<1000x64xf32>
    %logistic3A = arith.negf %add3A_53 : vector<1000x64xf32>
    %logistic3A_54 = math.exp %logistic3A : vector<1000x64xf32>
    %logistic3A_55 = arith.constant 1.000000e+00 : f32
    %logistic3A_56 = vector.broadcast %logistic3A_55 : f32 to vector<1000x64xf32>
    %logistic3A_57 = arith.addf %logistic3A_56, %logistic3A_54 : vector<1000x64xf32>
    %logistic3A_58 = arith.divf %logistic3A_56, %logistic3A_57 : vector<1000x64xf32>
    %add3A_59 = arith.addf %slice3A_45, %mul3A_44 : vector<1000x64xf32>
    %get3A_60 = arith.constant 0 : index
    %get3A_61 = arith.constant 0 : index
    %get3A_62 = vector.load %arg14[%get3A_60, %get3A_61] : memref<1x64xf32, #tpu.memory_space<vmem>>, vector<1x64xf32>
    %add3A_63 = vector.broadcast %get3A_62 : vector<1x64xf32> to vector<1000x64xf32>
    %add3A_64 = arith.addf %add3A_59, %add3A_63 : vector<1000x64xf32>
    %logistic3A_65 = arith.negf %add3A_64 : vector<1000x64xf32>
    %logistic3A_66 = math.exp %logistic3A_65 : vector<1000x64xf32>
    %logistic3A_67 = arith.constant 1.000000e+00 : f32
    %logistic3A_68 = vector.broadcast %logistic3A_67 : f32 to vector<1000x64xf32>
    %logistic3A_69 = arith.addf %logistic3A_68, %logistic3A_66 : vector<1000x64xf32>
    %logistic3A_70 = arith.divf %logistic3A_68, %logistic3A_69 : vector<1000x64xf32>
    %swap3A = arith.constant 0 : index
    %swap3A_71 = arith.constant 0 : index
    %swap3A_72 = vector.load %arg16[%swap3A, %swap3A_71] : memref<1000x64xf32, #tpu.memory_space<vmem>>, vector<1000x64xf32>
    tpu.vector_store %arg16[%swap3A, %swap3A_71], %logistic3A_58 {strides = array<i32>} : memref<1000x64xf32, #tpu.memory_space<vmem>>, vector<1000x64xf32>,
    %get3A_73 = arith.constant 0 : index
    %get3A_74 = arith.constant 0 : index
    %get3A_75 = vector.load %arg15[%get3A_73, %get3A_74] : memref<1x64xf32, #tpu.memory_space<vmem>>, vector<1x64xf32>
    %add3A_76 = vector.broadcast %get3A_75 : vector<1x64xf32> to vector<1000x64xf32>
    %add3A_77 = arith.addf %slice3A_46, %add3A_76 : vector<1000x64xf32>
    %swap3A_78 = arith.constant 0 : index
    %swap3A_79 = arith.constant 0 : index
    %swap3A_80 = vector.load %arg17[%swap3A_78, %swap3A_79] : memref<1000x64xf32, #tpu.memory_space<vmem>>, vector<1000x64xf32>
    tpu.vector_store %arg17[%swap3A_78, %swap3A_79], %add3A_77 {strides = array<i32>} : memref<1000x64xf32, #tpu.memory_space<vmem>>, vector<1000x64xf32>,
    %get3A_81 = arith.constant 0 : index
    %get3A_82 = arith.constant 0 : index
    %get3A_83 = vector.load %arg11[%get3A_81, %get3A_82] : memref<1000x64xf32, #tpu.memory_space<vmem>>, vector<1000x64xf32>
    %mul3A_84 = arith.mulf %logistic3A_70, %get3A_83 : vector<1000x64xf32>
    %get3A_85 = arith.constant 0 : index
    %get3A_86 = arith.constant 0 : index
    %get3A_87 = vector.load %arg12[%get3A_85, %get3A_86] : memref<64x64xf32, #tpu.memory_space<vmem>>, vector<64x64xf32>
    %dot_general3A = arith.constant dense<0.000000e+00> : vector<1000x64xf32>
    %dot_general3A_88 = tpu.matmul %mul3A_84, %get3A_87, %dot_general3A {dimension_numbers = #tpu.dot_dimension_numbers<[1], [0], [0], [1], [0, 0, 1, 1], [], []>, precision = #tpu.contract_precision<fp32>, transpose_lhs_hint = false} : vector<1000x64xf32>, vector<64x64xf32>, vector<1000x64xf32> -> vector<1000x64xf32>
    %get3A_89 = arith.constant 0 : index
    %get3A_90 = arith.constant 0 : index
    %get3A_91 = vector.load %arg10[%get3A_89, %get3A_90] : memref<1000x1xf32, #tpu.memory_space<vmem>>, vector<1000x1xf32>
    %mul3A_92 = vector.broadcast %get3A_91 : vector<1000x1xf32> to vector<1000x64xf32>
    %mul3A_93 = arith.mulf %dot_general3A_88, %mul3A_92 : vector<1000x64xf32>
    %swap3A_94 = arith.constant 0 : index
    %swap3A_95 = arith.constant 0 : index
    %swap3A_96 = vector.load %arg18[%swap3A_94, %swap3A_95] : memref<1000x64xf32, #tpu.memory_space<vmem>>, vector<1000x64xf32>
    tpu.vector_store %arg18[%swap3A_94, %swap3A_95], %mul3A_93 {strides = array<i32>} : memref<1000x64xf32, #tpu.memory_space<vmem>>, vector<1000x64xf32>,
    return
  }
  func.func @transform_0(%arg0: i32) -> (i32, i32) {
    %c0_i32 = arith.constant 0 : i32
    %c0_i32_0 = arith.constant 0 : i32
    return %arg0, %c0_i32 : i32, i32
  }
  func.func @transform_1(%arg0: i32) -> (i32, i32) {
    %c0_i32 = arith.constant 0 : i32
    %c0_i32_0 = arith.constant 0 : i32
    return %arg0, %c0_i32 : i32, i32
  }
  func.func @transform_2(%arg0: i32) -> (i32, i32) {
    %c0_i32 = arith.constant 0 : i32
    %c0_i32_0 = arith.constant 0 : i32
    return %arg0, %c0_i32 : i32, i32
  }
  func.func @transform_3(%arg0: i32) -> (i32, i32) {
    %c0_i32 = arith.constant 0 : i32
    %c0_i32_0 = arith.constant 0 : i32
    return %arg0, %c0_i32 : i32, i32
  }
  func.func @transform_4(%arg0: i32) -> (i32, i32) {
    %c0_i32 = arith.constant 0 : i32
    %c0_i32_0 = arith.constant 0 : i32
    return %arg0, %c0_i32 : i32, i32
  }
  func.func @transform_5(%arg0: i32) -> (i32, i32) {
    %c0_i32 = arith.constant 0 : i32
    %c0_i32_0 = arith.constant 0 : i32
    return %arg0, %c0_i32 : i32, i32
  }
  func.func @transform_6(%arg0: i32) -> (i32, i32) {
    %c0_i32 = arith.constant 0 : i32
    %c0_i32_0 = arith.constant 0 : i32
    return %arg0, %c0_i32 : i32, i32
  }
  func.func @transform_7(%arg0: i32) -> (i32, i32) {
    %c0_i32 = arith.constant 0 : i32
    %c0_i32_0 = arith.constant 0 : i32
    return %arg0, %c0_i32 : i32, i32
  }
  func.func @transform_8(%arg0: i32) -> (i32, i32) {
    %c0_i32 = arith.constant 0 : i32
    %c0_i32_0 = arith.constant 0 : i32
    return %arg0, %c0_i32 : i32, i32
  }
  func.func @transform_9(%arg0: i32) -> (i32, i32) {
    %c0_i32 = arith.constant 0 : i32
    %c0_i32_0 = arith.constant 0 : i32
    return %arg0, %c0_i32 : i32, i32
  }
  func.func @transform_10(%arg0: i32) -> (i32, i32) {
    %c0_i32 = arith.constant 0 : i32
    %c0_i32_0 = arith.constant 0 : i32
    return %arg0, %c0_i32 : i32, i32
  }
  func.func @transform_11(%arg0: i32) -> (i32, i32) {
    %c0_i32 = arith.constant 0 : i32
    %c0_i32_0 = arith.constant 0 : i32
    %c0_i32_1 = arith.constant 0 : i32
    return %c0_i32, %c0_i32_0 : i32, i32
  }
  func.func @transform_12(%arg0: i32) -> (i32, i32) {
    %c0_i32 = arith.constant 0 : i32
    %c0_i32_0 = arith.constant 0 : i32
    %c0_i32_1 = arith.constant 0 : i32
    return %c0_i32, %c0_i32_0 : i32, i32
  }
  func.func @transform_13(%arg0: i32) -> (i32, i32) {
    %c0_i32 = arith.constant 0 : i32
    %c0_i32_0 = arith.constant 0 : i32
    %c0_i32_1 = arith.constant 0 : i32
    return %c0_i32, %c0_i32_0 : i32, i32
  }
  func.func @transform_14(%arg0: i32) -> (i32, i32) {
    %c0_i32 = arith.constant 0 : i32
    %c0_i32_0 = arith.constant 0 : i32
    %c0_i32_1 = arith.constant 0 : i32
    return %c0_i32, %c0_i32_0 : i32, i32
  }
  func.func @transform_15(%arg0: i32) -> (i32, i32) {
    %c0_i32 = arith.constant 0 : i32
    %c0_i32_0 = arith.constant 0 : i32
    return %arg0, %c0_i32 : i32, i32
  }
  func.func @transform_16(%arg0: i32) -> (i32, i32) {
    %c0_i32 = arith.constant 0 : i32
    %c0_i32_0 = arith.constant 0 : i32
    return %arg0, %c0_i32 : i32, i32
  }
  func.func @transform_17(%arg0: i32) -> (i32, i32) {
    %c0_i32 = arith.constant 0 : i32
    %c0_i32_0 = arith.constant 0 : i32
    return %arg0, %c0_i32 : i32, i32
  }
}

module attributes {stable_mosaic.version = 14 : i64} {
  func.func @_t5(%arg0: i32, %arg1: memref<1000x64xf32, #tpu.memory_space<vmem>>, %arg2: memref<1000x64xf32, #tpu.memory_space<vmem>>, %arg3: memref<1000x64xf32, #tpu.memory_space<vmem>>, %arg4: memref<1000x1xf32, #tpu.memory_space<vmem>>, %arg5: memref<1000x64xf32, #tpu.memory_space<vmem>>, %arg6: memref<1000x64xf32, #tpu.memory_space<vmem>>, %arg7: memref<1000x64xf32, #tpu.memory_space<vmem>>, %arg8: memref<1000x64xf32, #tpu.memory_space<vmem>>, %arg9: memref<64x192xf32, #tpu.memory_space<vmem>>, %arg10: memref<64x128xf32, #tpu.memory_space<vmem>>, %arg11: memref<1000x64xf32, #tpu.memory_space<vmem>>, %arg12: memref<1000x128xf32, #tpu.memory_space<vmem>>, %arg13: memref<1000x128xf32, #tpu.memory_space<vmem>>, %arg14: memref<1000x64xf32, #tpu.memory_space<vmem>>) attributes {dimension_semantics = [#tpu.dimension_semantics<arbitrary>], iteration_bounds = array<i64: 10>, scalar_prefetch = 0 : i64, scratch_operands = 0 : i64, tpu.core_type = #tpu.core_type<tc>, window_params = [{transform_indices = @transform_0, window_bounds = array<i64: 1000, 64>}, {transform_indices = @transform_1, window_bounds = array<i64: 1000, 64>}, {transform_indices = @transform_2, window_bounds = array<i64: 1000, 64>}, {transform_indices = @transform_3, window_bounds = array<i64: 1000, 1>}, {transform_indices = @transform_4, window_bounds = array<i64: 1000, 64>}, {transform_indices = @transform_5, window_bounds = array<i64: 1000, 64>}, {transform_indices = @transform_6, window_bounds = array<i64: 1000, 64>}, {transform_indices = @transform_7, window_bounds = array<i64: 1000, 64>}, {pipeline_mode = #tpu.pipeline_mode<synchronous>, transform_indices = @transform_8, window_bounds = array<i64: 64, 192>}, {pipeline_mode = #tpu.pipeline_mode<synchronous>, transform_indices = @transform_9, window_bounds = array<i64: 64, 128>}, {transform_indices = @transform_10, window_bounds = array<i64: 1000, 64>}, {transform_indices = @transform_11, window_bounds = array<i64: 1000, 128>}, {transform_indices = @transform_12, window_bounds = array<i64: 1000, 128>}, {transform_indices = @transform_13, window_bounds = array<i64: 1000, 64>}]} {
    %get3A = arith.constant 0 : index
    %get3A_0 = arith.constant 0 : index
    %get3A_1 = vector.load %arg6[%get3A, %get3A_0] : memref<1000x64xf32, #tpu.memory_space<vmem>>, vector<1000x64xf32>
    %get3A_2 = arith.constant 0 : index
    %get3A_3 = arith.constant 0 : index
    %get3A_4 = vector.load %arg4[%get3A_2, %get3A_3] : memref<1000x1xf32, #tpu.memory_space<vmem>>, vector<1000x1xf32>
    %get3A_5 = arith.constant 0 : index
    %get3A_6 = arith.constant 0 : index
    %get3A_7 = vector.load %arg1[%get3A_5, %get3A_6] : memref<1000x64xf32, #tpu.memory_space<vmem>>, vector<1000x64xf32>
    %get3A_8 = arith.constant 0 : index
    %get3A_9 = arith.constant 0 : index
    %get3A_10 = vector.load %arg2[%get3A_8, %get3A_9] : memref<1000x64xf32, #tpu.memory_space<vmem>>, vector<1000x64xf32>
    %add3A = arith.addf %get3A_7, %get3A_10 : vector<1000x64xf32>
    %get3A_11 = arith.constant 0 : index
    %get3A_12 = arith.constant 0 : index
    %get3A_13 = vector.load %arg3[%get3A_11, %get3A_12] : memref<1000x64xf32, #tpu.memory_space<vmem>>, vector<1000x64xf32>
    %add3A_14 = arith.addf %add3A, %get3A_13 : vector<1000x64xf32>
    %mul3A = vector.broadcast %get3A_4 : vector<1000x1xf32> to vector<1000x64xf32>
    %mul3A_15 = arith.mulf %mul3A, %add3A_14 : vector<1000x64xf32>
    %add3A_16 = arith.addf %get3A_1, %mul3A_15 : vector<1000x64xf32>
    %tanh3A = math.tanh %add3A_16 : vector<1000x64xf32>
    %get3A_17 = arith.constant 0 : index
    %get3A_18 = arith.constant 0 : index
    %get3A_19 = vector.load %arg5[%get3A_17, %get3A_18] : memref<1000x64xf32, #tpu.memory_space<vmem>>, vector<1000x64xf32>
    %get3A_20 = arith.constant 0 : index
    %get3A_21 = arith.constant 0 : index
    %get3A_22 = vector.load %arg7[%get3A_20, %get3A_21] : memref<1000x64xf32, #tpu.memory_space<vmem>>, vector<1000x64xf32>
    %mul3A_23 = arith.mulf %get3A_19, %get3A_22 : vector<1000x64xf32>
    %get3A_24 = arith.constant 0 : index
    %get3A_25 = arith.constant 0 : index
    %get3A_26 = vector.load %arg5[%get3A_24, %get3A_25] : memref<1000x64xf32, #tpu.memory_space<vmem>>, vector<1000x64xf32>
    %sub3A = arith.constant 1.000000e+00 : f32
    %sub3A_27 = vector.broadcast %sub3A : f32 to vector<1000x64xf32>
    %sub3A_28 = arith.subf %sub3A_27, %get3A_26 : vector<1000x64xf32>
    %mul3A_29 = arith.mulf %sub3A_28, %tanh3A : vector<1000x64xf32>
    %add3A_30 = arith.addf %mul3A_23, %mul3A_29 : vector<1000x64xf32>
    %swap3A = arith.constant 0 : index
    %swap3A_31 = arith.constant 0 : index
    %swap3A_32 = vector.load %arg11[%swap3A, %swap3A_31] : memref<1000x64xf32, #tpu.memory_space<vmem>>, vector<1000x64xf32>
    tpu.vector_store %arg11[%swap3A, %swap3A_31], %add3A_30 {strides = array<i32>} : memref<1000x64xf32, #tpu.memory_space<vmem>>, vector<1000x64xf32>,
    %get3A_33 = arith.constant 0 : index
    %get3A_34 = arith.constant 0 : index
    %get3A_35 = vector.load %arg9[%get3A_33, %get3A_34] : memref<64x192xf32, #tpu.memory_space<vmem>>, vector<64x192xf32>
    %dot_general3A = arith.constant dense<0.000000e+00> : vector<1000x192xf32>
    %dot_general3A_36 = tpu.matmul %add3A_30, %get3A_35, %dot_general3A {dimension_numbers = #tpu.dot_dimension_numbers<[1], [0], [0], [1], [0, 0, 1, 1], [], []>, precision = #tpu.contract_precision<fp32>, transpose_lhs_hint = false} : vector<1000x64xf32>, vector<64x192xf32>, vector<1000x192xf32> -> vector<1000x192xf32>
    %get3A_37 = arith.constant 0 : index
    %get3A_38 = arith.constant 0 : index
    %get3A_39 = vector.load %arg8[%get3A_37, %get3A_38] : memref<1000x64xf32, #tpu.memory_space<vmem>>, vector<1000x64xf32>
    %get3A_40 = arith.constant 0 : index
    %get3A_41 = arith.constant 0 : index
    %get3A_42 = vector.load %arg10[%get3A_40, %get3A_41] : memref<64x128xf32, #tpu.memory_space<vmem>>, vector<64x128xf32>
    %dot_general3A_43 = arith.constant dense<0.000000e+00> : vector<1000x128xf32>
    %dot_general3A_44 = tpu.matmul %get3A_39, %get3A_42, %dot_general3A_43 {dimension_numbers = #tpu.dot_dimension_numbers<[1], [0], [0], [1], [0, 0, 1, 1], [], []>, precision = #tpu.contract_precision<fp32>, transpose_lhs_hint = false} : vector<1000x64xf32>, vector<64x128xf32>, vector<1000x128xf32> -> vector<1000x128xf32>
    %concatenate3A = tpu.concatenate %dot_general3A_36, %dot_general3A_44 in 1 : vector<1000x192xf32>, vector<1000x128xf32> -> vector<1000x320xf32>
    %get3A_45 = arith.constant 0 : index
    %get3A_46 = arith.constant 0 : index
    %get3A_47 = vector.load %arg4[%get3A_45, %get3A_46] : memref<1000x1xf32, #tpu.memory_space<vmem>>, vector<1000x1xf32>
    %mul3A_48 = vector.broadcast %get3A_47 : vector<1000x1xf32> to vector<1000x320xf32>
    %mul3A_49 = arith.mulf %concatenate3A, %mul3A_48 : vector<1000x320xf32>
    %slice3A = vector.extract_strided_slice %mul3A_49 {offsets = [0, 0], sizes = [1000, 128], strides = [1, 1]} : vector<1000x320xf32> to vector<1000x128xf32>
    %swap3A_50 = arith.constant 0 : index
    %swap3A_51 = arith.constant 0 : index
    %swap3A_52 = vector.load %arg12[%swap3A_50, %swap3A_51] : memref<1000x128xf32, #tpu.memory_space<vmem>>, vector<1000x128xf32>
    tpu.vector_store %arg12[%swap3A_50, %swap3A_51], %slice3A {strides = array<i32>} : memref<1000x128xf32, #tpu.memory_space<vmem>>, vector<1000x128xf32>,
    %slice3A_53 = vector.extract_strided_slice %mul3A_49 {offsets = [0, 128], sizes = [1000, 128], strides = [1, 1]} : vector<1000x320xf32> to vector<1000x128xf32>
    %swap3A_54 = arith.constant 0 : index
    %swap3A_55 = arith.constant 0 : index
    %swap3A_56 = vector.load %arg13[%swap3A_54, %swap3A_55] : memref<1000x128xf32, #tpu.memory_space<vmem>>, vector<1000x128xf32>
    tpu.vector_store %arg13[%swap3A_54, %swap3A_55], %slice3A_53 {strides = array<i32>} : memref<1000x128xf32, #tpu.memory_space<vmem>>, vector<1000x128xf32>,
    %slice3A_57 = vector.extract_strided_slice %mul3A_49 {offsets = [0, 256], sizes = [1000, 64], strides = [1, 1]} : vector<1000x320xf32> to vector<1000x64xf32>
    %swap3A_58 = arith.constant 0 : index
    %swap3A_59 = arith.constant 0 : index
    %swap3A_60 = vector.load %arg14[%swap3A_58, %swap3A_59] : memref<1000x64xf32, #tpu.memory_space<vmem>>, vector<1000x64xf32>
    tpu.vector_store %arg14[%swap3A_58, %swap3A_59], %slice3A_57 {strides = array<i32>} : memref<1000x64xf32, #tpu.memory_space<vmem>>, vector<1000x64xf32>,
    return
  }
  func.func @transform_0(%arg0: i32) -> (i32, i32) {
    %c0_i32 = arith.constant 0 : i32
    %c0_i32_0 = arith.constant 0 : i32
    return %arg0, %c0_i32 : i32, i32
  }
  func.func @transform_1(%arg0: i32) -> (i32, i32) {
    %c0_i32 = arith.constant 0 : i32
    %c0_i32_0 = arith.constant 0 : i32
    return %arg0, %c0_i32 : i32, i32
  }
  func.func @transform_2(%arg0: i32) -> (i32, i32) {
    %c0_i32 = arith.constant 0 : i32
    %c0_i32_0 = arith.constant 0 : i32
    return %arg0, %c0_i32 : i32, i32
  }
  func.func @transform_3(%arg0: i32) -> (i32, i32) {
    %c0_i32 = arith.constant 0 : i32
    %c0_i32_0 = arith.constant 0 : i32
    return %arg0, %c0_i32 : i32, i32
  }
  func.func @transform_4(%arg0: i32) -> (i32, i32) {
    %c0_i32 = arith.constant 0 : i32
    %c0_i32_0 = arith.constant 0 : i32
    return %arg0, %c0_i32 : i32, i32
  }
  func.func @transform_5(%arg0: i32) -> (i32, i32) {
    %c0_i32 = arith.constant 0 : i32
    %c0_i32_0 = arith.constant 0 : i32
    return %arg0, %c0_i32 : i32, i32
  }
  func.func @transform_6(%arg0: i32) -> (i32, i32) {
    %c0_i32 = arith.constant 0 : i32
    %c0_i32_0 = arith.constant 0 : i32
    return %arg0, %c0_i32 : i32, i32
  }
  func.func @transform_7(%arg0: i32) -> (i32, i32) {
    %c0_i32 = arith.constant 0 : i32
    %c0_i32_0 = arith.constant 0 : i32
    return %arg0, %c0_i32 : i32, i32
  }
  func.func @transform_8(%arg0: i32) -> (i32, i32) {
    %c0_i32 = arith.constant 0 : i32
    %c0_i32_0 = arith.constant 0 : i32
    %c0_i32_1 = arith.constant 0 : i32
    return %c0_i32, %c0_i32_0 : i32, i32
  }
  func.func @transform_9(%arg0: i32) -> (i32, i32) {
    %c0_i32 = arith.constant 0 : i32
    %c0_i32_0 = arith.constant 0 : i32
    %c0_i32_1 = arith.constant 0 : i32
    return %c0_i32, %c0_i32_0 : i32, i32
  }
  func.func @transform_10(%arg0: i32) -> (i32, i32) {
    %c0_i32 = arith.constant 0 : i32
    %c0_i32_0 = arith.constant 0 : i32
    return %arg0, %c0_i32 : i32, i32
  }
  func.func @transform_11(%arg0: i32) -> (i32, i32) {
    %c0_i32 = arith.constant 0 : i32
    %c0_i32_0 = arith.constant 0 : i32
    return %arg0, %c0_i32 : i32, i32
  }
  func.func @transform_12(%arg0: i32) -> (i32, i32) {
    %c0_i32 = arith.constant 0 : i32
    %c0_i32_0 = arith.constant 0 : i32
    return %arg0, %c0_i32 : i32, i32
  }
  func.func @transform_13(%arg0: i32) -> (i32, i32) {
    %c0_i32 = arith.constant 0 : i32
    %c0_i32_0 = arith.constant 0 : i32
    return %arg0, %c0_i32 : i32, i32
  }
}

module attributes {stable_mosaic.version = 14 : i64} {
  func.func @_t7(%arg0: i32, %arg1: memref<1000x64xf32, #tpu.memory_space<vmem>>, %arg2: memref<1000x64xf32, #tpu.memory_space<vmem>>, %arg3: memref<1000x64xf32, #tpu.memory_space<vmem>>, %arg4: memref<1000x1xf32, #tpu.memory_space<vmem>>, %arg5: memref<1000x64xf32, #tpu.memory_space<vmem>>, %arg6: memref<1000x64xf32, #tpu.memory_space<vmem>>, %arg7: memref<1000x64xf32, #tpu.memory_space<vmem>>, %arg8: memref<1000x64xf32, #tpu.memory_space<vmem>>) attributes {dimension_semantics = [#tpu.dimension_semantics<arbitrary>], iteration_bounds = array<i64: 10>, scalar_prefetch = 0 : i64, scratch_operands = 0 : i64, tpu.core_type = #tpu.core_type<tc>, window_params = [{transform_indices = @transform_0, window_bounds = array<i64: 1000, 64>}, {transform_indices = @transform_1, window_bounds = array<i64: 1000, 64>}, {transform_indices = @transform_2, window_bounds = array<i64: 1000, 64>}, {transform_indices = @transform_3, window_bounds = array<i64: 1000, 1>}, {transform_indices = @transform_4, window_bounds = array<i64: 1000, 64>}, {transform_indices = @transform_5, window_bounds = array<i64: 1000, 64>}, {transform_indices = @transform_6, window_bounds = array<i64: 1000, 64>}, {transform_indices = @transform_7, window_bounds = array<i64: 1000, 64>}]} {
    %get3A = arith.constant 0 : index
    %get3A_0 = arith.constant 0 : index
    %get3A_1 = vector.load %arg6[%get3A, %get3A_0] : memref<1000x64xf32, #tpu.memory_space<vmem>>, vector<1000x64xf32>
    %get3A_2 = arith.constant 0 : index
    %get3A_3 = arith.constant 0 : index
    %get3A_4 = vector.load %arg4[%get3A_2, %get3A_3] : memref<1000x1xf32, #tpu.memory_space<vmem>>, vector<1000x1xf32>
    %get3A_5 = arith.constant 0 : index
    %get3A_6 = arith.constant 0 : index
    %get3A_7 = vector.load %arg1[%get3A_5, %get3A_6] : memref<1000x64xf32, #tpu.memory_space<vmem>>, vector<1000x64xf32>
    %get3A_8 = arith.constant 0 : index
    %get3A_9 = arith.constant 0 : index
    %get3A_10 = vector.load %arg2[%get3A_8, %get3A_9] : memref<1000x64xf32, #tpu.memory_space<vmem>>, vector<1000x64xf32>
    %add3A = arith.addf %get3A_7, %get3A_10 : vector<1000x64xf32>
    %get3A_11 = arith.constant 0 : index
    %get3A_12 = arith.constant 0 : index
    %get3A_13 = vector.load %arg3[%get3A_11, %get3A_12] : memref<1000x64xf32, #tpu.memory_space<vmem>>, vector<1000x64xf32>
    %add3A_14 = arith.addf %add3A, %get3A_13 : vector<1000x64xf32>
    %mul3A = vector.broadcast %get3A_4 : vector<1000x1xf32> to vector<1000x64xf32>
    %mul3A_15 = arith.mulf %mul3A, %add3A_14 : vector<1000x64xf32>
    %add3A_16 = arith.addf %get3A_1, %mul3A_15 : vector<1000x64xf32>
    %tanh3A = math.tanh %add3A_16 : vector<1000x64xf32>
    %get3A_17 = arith.constant 0 : index
    %get3A_18 = arith.constant 0 : index
    %get3A_19 = vector.load %arg5[%get3A_17, %get3A_18] : memref<1000x64xf32, #tpu.memory_space<vmem>>, vector<1000x64xf32>
    %get3A_20 = arith.constant 0 : index
    %get3A_21 = arith.constant 0 : index
    %get3A_22 = vector.load %arg7[%get3A_20, %get3A_21] : memref<1000x64xf32, #tpu.memory_space<vmem>>, vector<1000x64xf32>
    %mul3A_23 = arith.mulf %get3A_19, %get3A_22 : vector<1000x64xf32>
    %get3A_24 = arith.constant 0 : index
    %get3A_25 = arith.constant 0 : index
    %get3A_26 = vector.load %arg5[%get3A_24, %get3A_25] : memref<1000x64xf32, #tpu.memory_space<vmem>>, vector<1000x64xf32>
    %sub3A = arith.constant 1.000000e+00 : f32
    %sub3A_27 = vector.broadcast %sub3A : f32 to vector<1000x64xf32>
    %sub3A_28 = arith.subf %sub3A_27, %get3A_26 : vector<1000x64xf32>
    %mul3A_29 = arith.mulf %sub3A_28, %tanh3A : vector<1000x64xf32>
    %add3A_30 = arith.addf %mul3A_23, %mul3A_29 : vector<1000x64xf32>
    %swap3A = arith.constant 0 : index
    %swap3A_31 = arith.constant 0 : index
    %swap3A_32 = vector.load %arg8[%swap3A, %swap3A_31] : memref<1000x64xf32, #tpu.memory_space<vmem>>, vector<1000x64xf32>
    tpu.vector_store %arg8[%swap3A, %swap3A_31], %add3A_30 {strides = array<i32>} : memref<1000x64xf32, #tpu.memory_space<vmem>>, vector<1000x64xf32>,
    return
  }
  func.func @transform_0(%arg0: i32) -> (i32, i32) {
    %c0_i32 = arith.constant 0 : i32
    %c0_i32_0 = arith.constant 0 : i32
    return %arg0, %c0_i32 : i32, i32
  }
  func.func @transform_1(%arg0: i32) -> (i32, i32) {
    %c0_i32 = arith.constant 0 : i32
    %c0_i32_0 = arith.constant 0 : i32
    return %arg0, %c0_i32 : i32, i32
  }
  func.func @transform_2(%arg0: i32) -> (i32, i32) {
    %c0_i32 = arith.constant 0 : i32
    %c0_i32_0 = arith.constant 0 : i32
    return %arg0, %c0_i32 : i32, i32
  }
  func.func @transform_3(%arg0: i32) -> (i32, i32) {
    %c0_i32 = arith.constant 0 : i32
    %c0_i32_0 = arith.constant 0 : i32
    return %arg0, %c0_i32 : i32, i32
  }
  func.func @transform_4(%arg0: i32) -> (i32, i32) {
    %c0_i32 = arith.constant 0 : i32
    %c0_i32_0 = arith.constant 0 : i32
    return %arg0, %c0_i32 : i32, i32
  }
  func.func @transform_5(%arg0: i32) -> (i32, i32) {
    %c0_i32 = arith.constant 0 : i32
    %c0_i32_0 = arith.constant 0 : i32
    return %arg0, %c0_i32 : i32, i32
  }
  func.func @transform_6(%arg0: i32) -> (i32, i32) {
    %c0_i32 = arith.constant 0 : i32
    %c0_i32_0 = arith.constant 0 : i32
    return %arg0, %c0_i32 : i32, i32
  }
  func.func @transform_7(%arg0: i32) -> (i32, i32) {
    %c0_i32 = arith.constant 0 : i32
    %c0_i32_0 = arith.constant 0 : i32
    return %arg0, %c0_i32 : i32, i32
  }
}

</mosaic_0001>

<sc_bundles>
// kernel: kernel.19.cloned.1.call-start
scs
__scs_entry_jumppad:
0x0: {  	(pc) =	sbr.rel $0x88, $3  }
0x1: {  	(tag) =	ssettag $0x0;
	lr =	simm.s32 $0x1  }
0x2: {  	[smem:$0x3F75] =	sst lr;
	_ =	strace $0xD0000000  }
0x3: {  	_ = 	snop  }
0x4: {  	_ = 	snop  }
0x5: {  	_ = 	snop  }
0x6: {  	_ = 	snop  }
0x7: {  	_ = 	snop  }
__scs_overlays_trampoline_lowered:
0x8: {  	[smem:$0x3F84] =	sst s0  }
0x9: {  	[smem:$0x3F85] =	sst s1  }
0xa: {  	[smem:$0x3F86] =	sst s2  }
0xb: {  	[smem:$0x3F87] =	sst s3  }
0xc: {  	[smem:$0x3F88] =	sst s4  }
0xd: {  	[smem:$0x3F89] =	sst s5  }
0xe: {  	[smem:$0x3F8A] =	sst s6  }
0xf: {  	[smem:$0x3F8B] =	sst s7  }
0x10: {  	[smem:$0x3F8C] =	sst s8  }
0x11: {  	[smem:$0x3F8D] =	sst s9;
	s0 =	simm.s32 @!p0 $0x0  }
0x12: {  	s1 =	sld [smem:$0x3F73];
	s0 =	simm.s32 @p0 $0x1  }
0x13: {  	[smem:$0x3F8E] =	sst s0;
	s0 =	simm.s32 @!p1 $0x0  }
0x14: {  	s2 =	sld [smem:$0x3F72];
	s0 =	simm.s32 @p1 $0x1  }
0x15: {  	[smem:$0x3F8F] =	sst s0;
	s0 =	simm.s32 @!p2 $0x0  }
0x16: {  	s3 =	sld [smem:$0x3FDB];
	s0 =	simm.s32 @p2 $0x1  }
0x17: {  	s4 =	simm.s32 $0x1BF5;
	[smem:$0x3F91] =	sst s0  }
0x18: {  	s0 =	sld [smem:$0x3F74];
	_ =	swait.ge [sflag:s4], $0x0  }
0x19: {  	s7 =	sld [smem:$0x3F75]  }
0x1a: {  	s8 =	sadd.s32 $0xFFFFE003, lr  }
0x1b: {  	s9 =	sadd.s32 $0xFFFFFEF7, lr;
	s5 =	simm.s32 $0xFFFFFFFF;
	p2 =	slt.u32 s8, $0xFFFFF086  }
0x1c: {  	p1 =	slt.u32 s9, $0xF7A;
	s5 =	simm.s32 @!p2 $0x0  }
0x1d: {  	s5 =	simm.s32 @p1 $0x1;
	p0 =	seq.s32 s7, s2  }
0x1e: {  	s7 =	smul.u32 @!p0 $0xF7A, s2;
	p2 =	seq.s32 @!p0 s5, $0x0  }
0x1f: {  	s9 =	smul.u32 $0xF7A, s1;
	s8 =	simm.s32 @!p0 $0x1BF5;
	p2 =	por !p2, p0  }
0x20: {  	[sflag:s8] =	ssyncset.s32 @!p0 $0xFFFFF086;
	s6 =	sadd.s32 @!p0 s3, s7;
	s7 =	simm.s32 @!p0 $0x108  }
0x21: {  	s3 =	sadd.s32 s3, s9;
	s6 =	sadd.s32 @!p0 $0x88, s6;
	s7 =	simm.s32 @p2 $0x1082  }
0x22: {  	[simem:s7], [sflag:s8] =	dma.local @!p0 [hbm:s6], $0xF7A  }
0x23: {  	s9 =	sor.u32 $0xD0000000, s2;
	s6 =	simm.s32 $0x108;
	_ =	swait.ge @!p0 [sflag:s8], $0x0  }
0x24: {  	s3 =	sadd.s32 $0x88, s3;
	s6 =	simm.s32 @!p1 $0x1082;
	[sflag:s4] =	ssyncset.s32 $0xFFFFF086  }
0x25: {  	[simem:s6], [sflag:s4] =	dma.local [hbm:s3], $0xF7A  }
0x26: {  	[smem:$0x3F75] =	sst s1;
	(tag) =	ssettag s2;
	_ =	strace s9  }
0x27: {  	s1 =	sld [smem:$0x3F85]  }
0x28: {  	s2 =	sld [smem:$0x3F86]  }
0x29: {  	s4 =	sld [smem:$0x3F88]  }
0x2a: {  	p0 =	seq.s32 s5, $0x0;
	s5 =	sld [smem:$0x3F89]  }
0x2b: {  	s6 =	sld [smem:$0x3F8A]  }
0x2c: {  	s7 =	sld [smem:$0x3F8B]  }
0x2d: {  	s3 =	simm.s32 $0x108;
	s8 =	sld [smem:$0x3F8C]  }
0x2e: {  	s3 =	simm.s32 @!p0 $0x1082;
	s9 =	sld [smem:$0x3F8D]  }
0x2f: {  	lr =	sadd.s32 s0, s3;
	s0 =	sld [smem:$0x3F84]  }
0x30: {  	s3 =	sld [smem:$0x3F87]  }
0x31: {  	[smem:$0x3F90] =	sst s10  }
0x32: {  	s10 =	sld [smem:$0x3F8E];
	_ =	sdelay $0x3  }
0x33: {  	p0 =	seq.s32 s10, $0x1;
	s10 =	sld [smem:$0x3F90];
	_ =	sdelay $0x3  }
0x34: {  	[smem:$0x3F90] =	sst s10  }
0x35: {  	s10 =	sld [smem:$0x3F8F];
	_ =	sdelay $0x3  }
0x36: {  	p1 =	seq.s32 s10, $0x1;
	s10 =	sld [smem:$0x3F90];
	_ =	sdelay $0x3  }
0x37: {  	[smem:$0x3F90] =	sst s10  }
0x38: {  	s10 =	sld [smem:$0x3F91]  }
0x39: {  	_ = 	snop;
	(pc) =	sbr.ind lr, $3  }
0x3a: {  	_ = 	snop  }
0x3b: {  	_ = 	snop  }
0x3c: {  	p2 =	seq.s32 s10, $0x1;
	s10 =	sld [smem:$0x3F90]  }
0x3d: {  	_ =	shalt  }
0x3e: {  	_ =	shalt  }
0x3f: {  	_ =	shalt  }
0x40: {  	_ =	shalt  }
0x41: {  	_ =	shalt  }
0x42: {  	_ =	shalt  }
0x43: {  	_ =	shalt  }
0x44: {  	_ =	shalt  }
0x45: {  	_ =	shalt  }
0x46: {  	_ =	shalt  }
0x47: {  	_ =	shalt  }
0x48: {  	_ =	shalt  }
0x49: {  	_ =	shalt  }
0x4a: {  	_ =	shalt  }
0x4b: {  	_ =	shalt  }
0x4c: {  	_ =	shalt  }
0x4d: {  	_ =	shalt  }
0x4e: {  	_ =	shalt  }
0x4f: {  	_ =	shalt  }
0x50: {  	_ =	shalt  }
0x51: {  	_ =	shalt  }
0x52: {  	_ =	shalt  }
0x53: {  	_ =	shalt  }
0x54: {  	_ =	shalt  }
0x55: {  	_ =	shalt  }
0x56: {  	_ =	shalt  }
0x57: {  	_ =	shalt  }
0x58: {  	_ =	shalt  }
0x59: {  	_ =	shalt  }
0x5a: {  	_ =	shalt  }
0x5b: {  	_ =	shalt  }
0x5c: {  	_ =	shalt  }
0x5d: {  	_ =	shalt  }
0x5e: {  	_ =	shalt  }
0x5f: {  	_ =	shalt  }
0x60: {  	_ =	shalt  }
0x61: {  	_ =	shalt  }
0x62: {  	_ =	shalt  }
0x63: {  	_ =	shalt  }
0x64: {  	_ =	shalt  }
0x65: {  	_ =	shalt  }
0x66: {  	_ =	shalt  }
0x67: {  	_ =	shalt  }
0x68: {  	_ =	shalt  }
0x69: {  	_ =	shalt  }
0x6a: {  	_ =	shalt  }
0x6b: {  	_ =	shalt  }
0x6c: {  	_ =	shalt  }
0x6d: {  	_ =	shalt  }
0x6e: {  	_ =	shalt  }
0x6f: {  	_ =	shalt  }
0x70: {  	_ =	shalt  }
0x71: {  	_ =	shalt  }
0x72: {  	_ =	shalt  }
0x73: {  	_ =	shalt  }
0x74: {  	_ =	shalt  }
0x75: {  	_ =	shalt  }
0x76: {  	_ =	shalt  }
0x77: {  	_ =	shalt  }
0x78: {  	_ =	shalt  }
0x79: {  	_ =	shalt  }
0x7a: {  	_ =	shalt  }
0x7b: {  	_ =	shalt  }
0x7c: {  	_ =	shalt  }
0x7d: {  	_ =	shalt  }
0x7e: {  	_ =	shalt  }
0x7f: {  	_ =	shalt  }
0x80: {  	_ =	shalt  }
0x81: {  	_ =	shalt  }
0x82: {  	_ =	shalt  }
0x83: {  	_ =	shalt  }
0x84: {  	_ =	shalt  }
0x85: {  	_ =	shalt  }
0x86: {  	_ =	shalt  }
0x87: {  	_ =	shalt  }
.Lfunc_end0:
.L_simem_size_0:
called_computation_lowered:
.L_overlay_start_0:
0x88: {  	s2 =	sld [smem:$0x3FD9]  }
0x89: {  	s3 =	sld [smem:$0x3FFE];
	_ =	sdelay $0x1  }
0x8a: {  	s1 =	srdreg.scid  }
0x8b: {  	s0 =	sand.u32 $0x1, s1  }
0x8c: {  	s14 =	sshll.u32 s0, $0xA;
	s2 =	sadd.s32 s3, s2  }
0x8d: {  	s2 =	sadd.s32 s2, s14  }
0x8e: {  	[smem:$0x3F9C] =	sst s2  }
0x8f: {  	_ = 	snop  }
0x90: {  	s2 =	sld [smem:$0x3FD0];
	_ =	sdelay $0x2  }
0x91: {  	s15 =	simm.s32 $0xB;
	s4 =	simm.s32 $0x10  }
0x92: {  	[smem:s4], [sflag:s15] =	dma.local [hbm:s2], $0x1  }
0x93: {  	_ =	swait.eq [sflag:s15], $0x1  }
0x94: {  	[sflag:s15] =	ssyncset.done $0x0  }
0x95: {  	[sflag:s15] =	ssyncadd.s32 $0xFFFFFFFF  }
0x96: {  	s16 =	sld [smem:$0x13];
	(tm) =	ssettm $0x1  }
0x97: {  	s17 =	sld [smem:$0x3FFB];
	_ =	sdelay $0x3  }
0x98: {  	_ =	strace s17  }
0x99: {  	s3 =	sld [smem:$0x3FFC];
	_ =	sdelay $0x3  }
0x9a: {  	_ =	strace s3  }
0x9b: {  	s3 =	sld [smem:$0x3FFD];
	_ =	sdelay $0x3  }
0x9c: {  	_ =	strace s3  }
0x9d: {  	_ =	strace $0x8FFFFFFF  }
0x9e: {  	s18 =	sld [smem:$0x3FDB];
	_ =	sdelay $0x1  }
0x9f: {  	s19 =	simm.s32 $_scs_section_size  }
0xa0: {  	s5 =	simm.s32 $_size__tile_overlayer_lowered;
	s6 =	simm.s32 $_tile_overlayer_lowered  }
0xa1: {  	s22 =	simm.s32 $0x1BFF;
	s21 =	sshll.u32 s6, $0x1;
	s3 =	sadd.s32 s19, s18  }
0xa2: {  	s7 =	simm.s32 $0x0;
	s20 =	sshll.u32 s5, $0x1;
	s5 =	sadd.s32 s21, s3  }
0xa3: {  	[timem:s7], [sflag:s22] =	dma.local [hbm:s5], s20  }
0xa4: {  	_ =	swait.ge [sflag:s22], s20  }
0xa5: {  	s4 =	ssub.s32 $0x0, s20;
	[sflag:s22] =	ssyncset.done $0x0  }
0xa6: {  	[sflag:s22] =	ssyncadd.s32 s4;
	_ =	sdelay $0x1  }
0xa7: {  	s23 =	simm.s32 $0x1B8B  }
0xa8: {  	_ =	swait.ge [sflag:s23], $0x1  }
0xa9: {  	[sflag:s23] =	ssyncset.done $0x0  }
0xaa: {  	s25 =	simm.s32 $0x1B8E;
	s24 =	sld [smem:$0x3FFE];
	[sflag:s23] =	ssyncadd.s32 $0xFFFFFFFF  }
0xab: {  	s26 =	simm.s32 $execute0_lowered;
	[smem:$0x3FD2] =	sst s25  }
0xac: {  	s5 =	sshll.u32 s26, $0x1;
	_ =	strace $0x80000046;
	[dreg:$0x1] =	wrdreg $0xFFFFFFFF  }
0xad: {  	s28 =	simm.s32 $_size_execute0_lowered;
	s3 =	sadd.s32 s3, s5;
	[dreg:$0x0] =	wrdreg $0x0  }
0xae: {  	s5 =	sshll.u32 s28, $0x1;
	[dreg:$0x2] =	wrdreg s3  }
0xaf: {  	[dreg:$0x3] =	wrdreg s5  }
0xb0: {  	[dreg:$0x4] =	wrdreg $0xC0  }
0xb1: {  	_ =	task [dreg:s7], $0x5FFFF  }
0xb2: {  	[dreg:$0x1] =	wrdreg $0xFFFFFFFF  }
0xb3: {  	[dreg:$0x0] =	wrdreg $0x60  }
0xb4: {  	[dreg:$0x2] =	wrdreg s24  }
0xb5: {  	[dreg:$0x3] =	wrdreg s16  }
0xb6: {  	[dreg:$0x4] =	wrdreg $0x2F800  }
0xb7: {  	[dreg:$0x5] =	wrdreg $0x9  }
0xb8: {  	_ =	task.clear_ibuf [dreg:s7], $0x6FFFF;
	_ =	strace $0x90000046  }
0xb9: {  	s29 =	simm.s32 $0x9;
	_ =	strace $0x80000048  }
0xba: {  	_ =	swait.ge [sflag:s29], $0x1  }
0xbb: {  	[sflag:s29] =	ssyncadd.s32 $0xFFFFFFFF  }
0xbc: {  	_ =	strace $0x90000048  }
0xbd: {  	_ =	sfence  }
0xbe: {  	s30 =	sld [smem:$0x0];
	_ =	sdelay $0x2  }
0xbf: {  	s31 =	sshll.u32 s1, $0xD;
	s1 =	sshrl.u32 s1, $0x2  }
0xc0: {  	s3 =	sand.u32 $0x4000, s31;
	s1 =	sadd.s32 s1, s30  }
0xc1: {  	s0 =	sor.u32 s3, s0;
	s1 =	sshll.u32 s1, $0x11  }
0xc2: {  	s0 =	sor.u32 s1, s0  }
0xc3: {  	s0 =	sadd.s32 $0x8F2B, s0  }
0xc4: {  	[sflag:s0] =	ssyncadd.remote.s32 $0x1  }
0xc5: {  	_ =	sfence.sel $0xFFFF  }
0xc6: {  	[dreg:$0x0] =	wrdreg $0xFFFFFFFF;
	(pc) =	sbr.abs _section_cstart, $3  }
0xc7: {  	[dreg:$0x1] =	wrdreg $0xFFFFFFFF  }
0xc8: {  	_ =	task.clear_ibuf [dreg:s7], $0x2FFFF;
	_ =	strace $0x9FFFFFFF  }
0xc9: {  	(tm) =	ssettm $0x7FFFFFFF  }
tec
execute0_lowered:
.L_overlay_start_1:
0x0: {  	(tag) =	ssettag $0x1  }
0x1: {  	s4 =	rddreg [dreg:$0x0]  }
0x2: {  	s10 =	rddreg [dreg:$0x1];
	s1 =	srdreg.scid  }
0x3: {  	s0 =	stileid.u32;
	s2 =	rddreg [dreg:$0x2];
	s3 =	simm.s32 $0x0  }
0x4: {  	s14 =	simm.s32 $0x80;
	s17 =	simm.s32 $0x0;
	s5 =	sand.u32 $0x1, s1  }
0x5: {  	s6 =	sshll.u32 s0, $0x1;
	s1 =	rddreg [dreg:$0x3];
	s8 =	smul.u32 $0xA000, s0  }
0x6: {  	[smem:$0x7FF] =	sst s3;
	s9 =	smul.u32 $0x2800, s0;
	s15 =	sshll.u32 s0, $0x6  }
0x7: {  	s6 =	sor.u32 s5, s6;
	_ =	strace $0x80000047;
	s30 =	smul.u32 $0x28000, s5  }
0x8: {  	s7 =	ssub.s32 $0x2, s5;
	s15 =	sor.u32 $0x1C01, s15;
	s6 =	smul.u32 $0x4F0, s6  }
0x9: {  	s28 =	sshrl.u32 s7, $0x1;
	s29 =	sshrl.u32 s8, $0x2;
	s5 =	sadd.s32 s9, s2  }
0xa: {  	s11 =	ssub.s32 s7, s28;
	s12 =	sadd.s32 s29, s2;
	s13 =	sadd.s32 s9, s30  }
0xb: {  	s16 =	sshrl.u32 s5, $0x3;
	s4 =	sadd.s32 s6, s4;
	s6 =	sadd.s32 $0x800, s12  }
0xc: {  	s7 =	sadd.s32 $0x1000, s12;
	s8 =	sadd.s32 $0x1800, s12;
	s9 =	sadd.s32 $0x2000, s12  }
0xd: {  	s31 =	sshrl.u32 s13, $0x3;
	s11 =	smax.u32 s11, $0x1;
	s12 =	simm.s32 $0x1  }
0xe: {  	v0 =	vimm.f32 $0.0e+00;
	v1 =	vimm.f32 $1.000000000e+00;
	s13 =	simm.s32 $0x2780;
	s4 =	sadd.s32 $0x11400, s4;
	s10 =	sadd.s32 s10, s31  }
.LBB2_1:
0xf: {  	[tilespmem:s3], [sflag:$0x1] =	stream.linear.gather [hbm4b:s4+s3], $0x2780, $0x38;
	[tilespmem:$0x5780] =	vst v63  }
0x10: {  	_ =	swait.ge [sflag:s12], $0x2780  }
0x11: {  	[sflag:s12] =	ssyncset.done $0x0  }
0x12: {  	s18 =	simm.s32 $0x40;
	s19 =	simm.s32 $0x0;
	[sflag:s12] =	ssyncadd.s32 $0xFFFFD880  }
.LBB2_2:
0x13: {  	p0 =	sne.s32 s18, $0x1FC0;
	[tilespmem:s19+$0x2780] =	vst v0;
	s19 =	smov.u32 s18;
	s18 =	sadd.s32 $0x40, s18  }
.Ltmp0:
0x14: {  	(pc) =	sbr.rel @p0 .LBB2_2-.Ltmp0, $2  }
0x15: {  	_ =	sdelay $0x2  }
0x16: {  	s19 =	sshra.s32 s19, $0x2  }
0x17: {  	[tilespmem:s19+$0x2780] =	vst v0  }
0x18: {  	[spmem:s5] =	stream.linear.scatter [tilespmem:s13], [sflag:$0x1], $0x800, $0x38;
	[tilespmem:$0x5780] =	vst v63  }
0x19: {  	_ =	swait.ge [sflag:s12], $0x800  }
0x1a: {  	[sflag:s12] =	ssyncset.done $0x0  }
0x1b: {  	[sflag:s12] =	ssyncadd.s32 $0xFFFFF800  }
0x1c: {  	[spmem:s6] =	stream.linear.scatter [tilespmem:s13], [sflag:$0x1], $0x800, $0x38;
	[tilespmem:$0x5780] =	vst v63  }
0x1d: {  	_ =	swait.ge [sflag:s12], $0x800  }
0x1e: {  	[sflag:s12] =	ssyncset.done $0x0  }
0x1f: {  	[sflag:s12] =	ssyncadd.s32 $0xFFFFF800  }
0x20: {  	[spmem:s7] =	stream.linear.scatter [tilespmem:s13], [sflag:$0x1], $0x800, $0x38;
	[tilespmem:$0x5780] =	vst v63  }
0x21: {  	_ =	swait.ge [sflag:s12], $0x800  }
0x22: {  	[sflag:s12] =	ssyncset.done $0x0  }
0x23: {  	[sflag:s12] =	ssyncadd.s32 $0xFFFFF800  }
0x24: {  	[spmem:s8] =	stream.linear.scatter [tilespmem:s13], [sflag:$0x1], $0x800, $0x38;
	[tilespmem:$0x5780] =	vst v63  }
0x25: {  	_ =	swait.ge [sflag:s12], $0x800  }
0x26: {  	[sflag:s12] =	ssyncset.done $0x0  }
0x27: {  	[sflag:s12] =	ssyncadd.s32 $0xFFFFF800  }
0x28: {  	[spmem:s9] =	stream.linear.scatter [tilespmem:s13], [sflag:$0x1], $0x800, $0x38;
	[tilespmem:$0x5780] =	vst v63  }
0x29: {  	_ =	swait.ge [sflag:s12], $0x800  }
0x2a: {  	[sflag:s12] =	ssyncset.done $0x0  }
0x2b: {  	s18 =	simm.s32 $0x40;
	s19 =	simm.s32 $0x0;
	[sflag:s12] =	ssyncadd.s32 $0xFFFFF800  }
.LBB2_4:
0x2c: {  	p0 =	sne.s32 s18, $0x1FC0;
	[tilespmem:s19+$0x2780] =	vst v1;
	s19 =	smov.u32 s18;
	s18 =	sadd.s32 $0x40, s18  }
.Ltmp1:
0x2d: {  	(pc) =	sbr.rel @p0 .LBB2_4-.Ltmp1, $2  }
0x2e: {  	_ =	sdelay $0x2  }
0x2f: {  	s19 =	sshra.s32 s19, $0x2  }
0x30: {  	[tilespmem:s19+$0x2780] =	vst v1  }
0x31: {  	s18 =	simm.s32 $0x0;
	[bflag:$0x0] =	sbarrier.arrive $0xFFFF  }
0x32: {  	[spmem:s2] =	stream.indirect.scatter.add.f32 [tilespmem:s13], [sflag:$0x1], $0x10, s18, s14, $0xb8;
	[tilespmem:$0x5780] =	vst v63  }
0x33: {  	_ =	swait.ge [sflag:s12], $0x800  }
0x34: {  	s18 =	simm.s32 $0x200;
	[sflag:s12] =	ssyncset.done $0x0  }
.LBB2_6:
0x35: {  	s19 =	sshra.s32 s18, $0x2;
	[sflag:s12] =	ssyncadd.s32 $0xFFFFF800;
	p0 =	sne.s32 s18, $0x9C00  }
0x36: {  	[spmem:s2] =	stream.indirect.scatter.add.f32 [tilespmem:s13], [sflag:$0x1], $0x10, s19, s14, $0xb8;
	[tilespmem:$0x5780] =	vst v63  }
.Ltmp2:
0x37: {  	_ = 	snop;
	(pc) =	sbr.rel @p0 .LBB2_6-.Ltmp2, $4  }
0x38: {  	_ = 	snop  }
0x39: {  	s18 =	sadd.s32 $0x200, s18  }
0x3a: {  	_ =	swait.ge [sflag:s12], $0x800  }
0x3b: {  	[sflag:s12] =	ssyncset.done $0x0  }
0x3c: {  	s17 =	sadd.s32 $0x1, s17  }
0x3d: {  	[sflag:s12] =	ssyncadd.s32 $0xFFFFF800;
	p0 =	sne.s32 s17, s11  }
.Ltmp3:
0x3e: {  	[bflag:$0x0] =	sbarrier.arrive $0xFFFF;
	(pc) =	sbr.rel @p0 .LBB2_1-.Ltmp3, $4  }
0x3f: {  	[hbm:s10], [sflag:s15] =	dma.local [spmem:s16], $0x500  }
0x40: {  	_ =	swait.ge [sflag:s12], $0x500  }
0x41: {  	[sflag:s12] =	ssyncset.done $0x0  }
0x42: {  	[sflag:s12] =	ssyncadd.s32 $0xFFFFFB00  }
0x43: {  	_ =	sfence.sel $0x180000  }
0x44: {  	[bflag:$0x0] =	sbarrier.arrive $0xFFFF  }
0x45: {  	p0 =	sne.s32 s0, $0x0;
	_ =	strace $0x90000047  }
0x46: {  	s0 =	sadd.s32 @!p0 $0x100000, s1;
	[bflag:$0x2] =	sbarrier.arrive $0xFFFF  }
0x47: {  	[sflag:s0] =	ssyncadd.tile.s32 @!p0 $0x1;
	_ =	shalt  }
.Lfunc_end2:
_tile_overlayer_lowered:
.L_overlay_start_2:
0x48: {  	(tag) =	ssettag $0x2  }
0x49: {  	s0 =	rddreg [dreg:$0x0];
	s2 =	stileid.u32  }
0x4a: {  	s1 =	rddreg [dreg:$0x1];
	p0 =	sne.s32 s2, $0x0  }
0x4b: {  	s3 =	rddreg [dreg:$0x2];
	[bflag:$0x3] =	sbarrier.arrive $0xFFFF;
	s2 =	simm.s32 @!p0 $0x1C01  }
0x4c: {  	[timem:s3], [sflag:s2] =	dma.local @!p0 [hbm:s0], s1  }
0x4d: {  	s0 =	simm.s32 @!p0 $0x1  }
0x4e: {  	_ =	swait.ge @!p0 [sflag:s0], s1  }
0x4f: {  	s1 =	ssub.s32 @!p0 $0x0, s1;
	[sflag:s0] =	ssyncset.done @!p0 $0x0  }
0x50: {  	[sflag:s0] =	ssyncadd.s32 @!p0 s1  }
0x51: {  	[bflag:$0x3] =	sbarrier.arrive $0xFFFF  }
0x52: {  	_ =	shalt  }

// kernel: kernel.22.cloned.1.call-start
scs
__scs_entry_jumppad:
0x0: {  	(pc) =	sbr.rel $0x88, $3  }
0x1: {  	(tag) =	ssettag $0x0;
	lr =	simm.s32 $0x1  }
0x2: {  	[smem:$0x3F75] =	sst lr;
	_ =	strace $0xD0000000  }
0x3: {  	_ = 	snop  }
0x4: {  	_ = 	snop  }
0x5: {  	_ = 	snop  }
0x6: {  	_ = 	snop  }
0x7: {  	_ = 	snop  }
__scs_overlays_trampoline_lowered:
0x8: {  	[smem:$0x3F84] =	sst s0  }
0x9: {  	[smem:$0x3F85] =	sst s1  }
0xa: {  	[smem:$0x3F86] =	sst s2  }
0xb: {  	[smem:$0x3F87] =	sst s3  }
0xc: {  	[smem:$0x3F88] =	sst s4  }
0xd: {  	[smem:$0x3F89] =	sst s5  }
0xe: {  	[smem:$0x3F8A] =	sst s6  }
0xf: {  	[smem:$0x3F8B] =	sst s7  }
0x10: {  	[smem:$0x3F8C] =	sst s8  }
0x11: {  	[smem:$0x3F8D] =	sst s9;
	s0 =	simm.s32 @!p0 $0x0  }
0x12: {  	s1 =	sld [smem:$0x3F73];
	s0 =	simm.s32 @p0 $0x1  }
0x13: {  	[smem:$0x3F8E] =	sst s0;
	s0 =	simm.s32 @!p1 $0x0  }
0x14: {  	s2 =	sld [smem:$0x3F72];
	s0 =	simm.s32 @p1 $0x1  }
0x15: {  	[smem:$0x3F8F] =	sst s0;
	s0 =	simm.s32 @!p2 $0x0  }
0x16: {  	s3 =	sld [smem:$0x3FDB];
	s0 =	simm.s32 @p2 $0x1  }
0x17: {  	s4 =	simm.s32 $0x1BF5;
	[smem:$0x3F91] =	sst s0  }
0x18: {  	s0 =	sld [smem:$0x3F74];
	_ =	swait.ge [sflag:s4], $0x0  }
0x19: {  	s7 =	sld [smem:$0x3F75]  }
0x1a: {  	s8 =	sadd.s32 $0xFFFFE003, lr  }
0x1b: {  	s9 =	sadd.s32 $0xFFFFFEF7, lr;
	s5 =	simm.s32 $0xFFFFFFFF;
	p2 =	slt.u32 s8, $0xFFFFF086  }
0x1c: {  	p1 =	slt.u32 s9, $0xF7A;
	s5 =	simm.s32 @!p2 $0x0  }
0x1d: {  	s5 =	simm.s32 @p1 $0x1;
	p0 =	seq.s32 s7, s2  }
0x1e: {  	s7 =	smul.u32 @!p0 $0xF7A, s2;
	p2 =	seq.s32 @!p0 s5, $0x0  }
0x1f: {  	s9 =	smul.u32 $0xF7A, s1;
	s8 =	simm.s32 @!p0 $0x1BF5;
	p2 =	por !p2, p0  }
0x20: {  	[sflag:s8] =	ssyncset.s32 @!p0 $0xFFFFF086;
	s6 =	sadd.s32 @!p0 s3, s7;
	s7 =	simm.s32 @!p0 $0x108  }
0x21: {  	s3 =	sadd.s32 s3, s9;
	s6 =	sadd.s32 @!p0 $0x88, s6;
	s7 =	simm.s32 @p2 $0x1082  }
0x22: {  	[simem:s7], [sflag:s8] =	dma.local @!p0 [hbm:s6], $0xF7A  }
0x23: {  	s9 =	sor.u32 $0xD0000000, s2;
	s6 =	simm.s32 $0x108;
	_ =	swait.ge @!p0 [sflag:s8], $0x0  }
0x24: {  	s3 =	sadd.s32 $0x88, s3;
	s6 =	simm.s32 @!p1 $0x1082;
	[sflag:s4] =	ssyncset.s32 $0xFFFFF086  }
0x25: {  	[simem:s6], [sflag:s4] =	dma.local [hbm:s3], $0xF7A  }
0x26: {  	[smem:$0x3F75] =	sst s1;
	(tag) =	ssettag s2;
	_ =	strace s9  }
0x27: {  	s1 =	sld [smem:$0x3F85]  }
0x28: {  	s2 =	sld [smem:$0x3F86]  }
0x29: {  	s4 =	sld [smem:$0x3F88]  }
0x2a: {  	p0 =	seq.s32 s5, $0x0;
	s5 =	sld [smem:$0x3F89]  }
0x2b: {  	s6 =	sld [smem:$0x3F8A]  }
0x2c: {  	s7 =	sld [smem:$0x3F8B]  }
0x2d: {  	s3 =	simm.s32 $0x108;
	s8 =	sld [smem:$0x3F8C]  }
0x2e: {  	s3 =	simm.s32 @!p0 $0x1082;
	s9 =	sld [smem:$0x3F8D]  }
0x2f: {  	lr =	sadd.s32 s0, s3;
	s0 =	sld [smem:$0x3F84]  }
0x30: {  	s3 =	sld [smem:$0x3F87]  }
0x31: {  	[smem:$0x3F90] =	sst s10  }
0x32: {  	s10 =	sld [smem:$0x3F8E];
	_ =	sdelay $0x3  }
0x33: {  	p0 =	seq.s32 s10, $0x1;
	s10 =	sld [smem:$0x3F90];
	_ =	sdelay $0x3  }
0x34: {  	[smem:$0x3F90] =	sst s10  }
0x35: {  	s10 =	sld [smem:$0x3F8F];
	_ =	sdelay $0x3  }
0x36: {  	p1 =	seq.s32 s10, $0x1;
	s10 =	sld [smem:$0x3F90];
	_ =	sdelay $0x3  }
0x37: {  	[smem:$0x3F90] =	sst s10  }
0x38: {  	s10 =	sld [smem:$0x3F91]  }
0x39: {  	_ = 	snop;
	(pc) =	sbr.ind lr, $3  }
0x3a: {  	_ = 	snop  }
0x3b: {  	_ = 	snop  }
0x3c: {  	p2 =	seq.s32 s10, $0x1;
	s10 =	sld [smem:$0x3F90]  }
0x3d: {  	_ =	shalt  }
0x3e: {  	_ =	shalt  }
0x3f: {  	_ =	shalt  }
0x40: {  	_ =	shalt  }
0x41: {  	_ =	shalt  }
0x42: {  	_ =	shalt  }
0x43: {  	_ =	shalt  }
0x44: {  	_ =	shalt  }
0x45: {  	_ =	shalt  }
0x46: {  	_ =	shalt  }
0x47: {  	_ =	shalt  }
0x48: {  	_ =	shalt  }
0x49: {  	_ =	shalt  }
0x4a: {  	_ =	shalt  }
0x4b: {  	_ =	shalt  }
0x4c: {  	_ =	shalt  }
0x4d: {  	_ =	shalt  }
0x4e: {  	_ =	shalt  }
0x4f: {  	_ =	shalt  }
0x50: {  	_ =	shalt  }
0x51: {  	_ =	shalt  }
0x52: {  	_ =	shalt  }
0x53: {  	_ =	shalt  }
0x54: {  	_ =	shalt  }
0x55: {  	_ =	shalt  }
0x56: {  	_ =	shalt  }
0x57: {  	_ =	shalt  }
0x58: {  	_ =	shalt  }
0x59: {  	_ =	shalt  }
0x5a: {  	_ =	shalt  }
0x5b: {  	_ =	shalt  }
0x5c: {  	_ =	shalt  }
0x5d: {  	_ =	shalt  }
0x5e: {  	_ =	shalt  }
0x5f: {  	_ =	shalt  }
0x60: {  	_ =	shalt  }
0x61: {  	_ =	shalt  }
0x62: {  	_ =	shalt  }
0x63: {  	_ =	shalt  }
0x64: {  	_ =	shalt  }
0x65: {  	_ =	shalt  }
0x66: {  	_ =	shalt  }
0x67: {  	_ =	shalt  }
0x68: {  	_ =	shalt  }
0x69: {  	_ =	shalt  }
0x6a: {  	_ =	shalt  }
0x6b: {  	_ =	shalt  }
0x6c: {  	_ =	shalt  }
0x6d: {  	_ =	shalt  }
0x6e: {  	_ =	shalt  }
0x6f: {  	_ =	shalt  }
0x70: {  	_ =	shalt  }
0x71: {  	_ =	shalt  }
0x72: {  	_ =	shalt  }
0x73: {  	_ =	shalt  }
0x74: {  	_ =	shalt  }
0x75: {  	_ =	shalt  }
0x76: {  	_ =	shalt  }
0x77: {  	_ =	shalt  }
0x78: {  	_ =	shalt  }
0x79: {  	_ =	shalt  }
0x7a: {  	_ =	shalt  }
0x7b: {  	_ =	shalt  }
0x7c: {  	_ =	shalt  }
0x7d: {  	_ =	shalt  }
0x7e: {  	_ =	shalt  }
0x7f: {  	_ =	shalt  }
0x80: {  	_ =	shalt  }
0x81: {  	_ =	shalt  }
0x82: {  	_ =	shalt  }
0x83: {  	_ =	shalt  }
0x84: {  	_ =	shalt  }
0x85: {  	_ =	shalt  }
0x86: {  	_ =	shalt  }
0x87: {  	_ =	shalt  }
.Lfunc_end0:
.L_simem_size_0:
called_computation.1_lowered:
.L_overlay_start_0:
0x88: {  	s2 =	sld [smem:$0x3FD9]  }
0x89: {  	s3 =	sld [smem:$0x3FFE];
	_ =	sdelay $0x1  }
0x8a: {  	s1 =	srdreg.scid  }
0x8b: {  	s0 =	sand.u32 $0x1, s1  }
0x8c: {  	s14 =	sshll.u32 s0, $0xA;
	s2 =	sadd.s32 s3, s2  }
0x8d: {  	s2 =	sadd.s32 s2, s14  }
0x8e: {  	[smem:$0x3F9C] =	sst s2  }
0x8f: {  	_ = 	snop  }
0x90: {  	s2 =	sld [smem:$0x3FD0];
	_ =	sdelay $0x2  }
0x91: {  	s15 =	simm.s32 $0xB;
	s4 =	simm.s32 $0x10  }
0x92: {  	[smem:s4], [sflag:s15] =	dma.local [hbm:s2], $0x1  }
0x93: {  	_ =	swait.eq [sflag:s15], $0x1  }
0x94: {  	[sflag:s15] =	ssyncset.done $0x0  }
0x95: {  	[sflag:s15] =	ssyncadd.s32 $0xFFFFFFFF  }
0x96: {  	s16 =	sld [smem:$0x13];
	(tm) =	ssettm $0x1  }
0x97: {  	s17 =	sld [smem:$0x3FFB];
	_ =	sdelay $0x3  }
0x98: {  	_ =	strace s17  }
0x99: {  	s3 =	sld [smem:$0x3FFC];
	_ =	sdelay $0x3  }
0x9a: {  	_ =	strace s3  }
0x9b: {  	s3 =	sld [smem:$0x3FFD];
	_ =	sdelay $0x3  }
0x9c: {  	_ =	strace s3  }
0x9d: {  	_ =	strace $0x8FFFFFFF  }
0x9e: {  	s18 =	sld [smem:$0x3FDB];
	_ =	sdelay $0x1  }
0x9f: {  	s19 =	simm.s32 $_scs_section_size  }
0xa0: {  	s5 =	simm.s32 $_size__tile_overlayer_lowered;
	s6 =	simm.s32 $_tile_overlayer_lowered  }
0xa1: {  	s22 =	simm.s32 $0x1BFF;
	s21 =	sshll.u32 s6, $0x1;
	s3 =	sadd.s32 s19, s18  }
0xa2: {  	s7 =	simm.s32 $0x0;
	s20 =	sshll.u32 s5, $0x1;
	s5 =	sadd.s32 s21, s3  }
0xa3: {  	[timem:s7], [sflag:s22] =	dma.local [hbm:s5], s20  }
0xa4: {  	_ =	swait.ge [sflag:s22], s20  }
0xa5: {  	s4 =	ssub.s32 $0x0, s20;
	[sflag:s22] =	ssyncset.done $0x0  }
0xa6: {  	[sflag:s22] =	ssyncadd.s32 s4;
	_ =	sdelay $0x1  }
0xa7: {  	s23 =	simm.s32 $0x1B8B  }
0xa8: {  	_ =	swait.ge [sflag:s23], $0x1  }
0xa9: {  	[sflag:s23] =	ssyncset.done $0x0  }
0xaa: {  	s25 =	simm.s32 $0x1B8E;
	s24 =	sld [smem:$0x3FFE];
	[sflag:s23] =	ssyncadd.s32 $0xFFFFFFFF  }
0xab: {  	s26 =	simm.s32 $execute0_lowered;
	[smem:$0x3FD2] =	sst s25  }
0xac: {  	s5 =	sshll.u32 s26, $0x1;
	_ =	strace $0x80000049;
	[dreg:$0x1] =	wrdreg $0xFFFFFFFF  }
0xad: {  	s28 =	simm.s32 $_size_execute0_lowered;
	s3 =	sadd.s32 s3, s5;
	[dreg:$0x0] =	wrdreg $0x0  }
0xae: {  	s5 =	sshll.u32 s28, $0x1;
	[dreg:$0x2] =	wrdreg s3  }
0xaf: {  	[dreg:$0x3] =	wrdreg s5  }
0xb0: {  	[dreg:$0x4] =	wrdreg $0xC0  }
0xb1: {  	_ =	task [dreg:s7], $0x5FFFF  }
0xb2: {  	[dreg:$0x1] =	wrdreg $0xFFFFFFFF  }
0xb3: {  	[dreg:$0x0] =	wrdreg $0x60  }
0xb4: {  	[dreg:$0x2] =	wrdreg s24  }
0xb5: {  	[dreg:$0x3] =	wrdreg s16  }
0xb6: {  	[dreg:$0x4] =	wrdreg $0x6F000  }
0xb7: {  	[dreg:$0x5] =	wrdreg $0x9  }
0xb8: {  	_ =	task.clear_ibuf [dreg:s7], $0x6FFFF;
	_ =	strace $0x90000049  }
0xb9: {  	s29 =	simm.s32 $0x9;
	_ =	strace $0x8000004B  }
0xba: {  	_ =	swait.ge [sflag:s29], $0x1  }
0xbb: {  	[sflag:s29] =	ssyncadd.s32 $0xFFFFFFFF  }
0xbc: {  	_ =	strace $0x9000004B  }
0xbd: {  	_ =	sfence  }
0xbe: {  	s30 =	sld [smem:$0x0];
	_ =	sdelay $0x2  }
0xbf: {  	s31 =	sshll.u32 s1, $0xD;
	s1 =	sshrl.u32 s1, $0x2  }
0xc0: {  	s3 =	sand.u32 $0x4000, s31;
	s1 =	sadd.s32 s1, s30  }
0xc1: {  	s0 =	sor.u32 s3, s0;
	s1 =	sshll.u32 s1, $0x11  }
0xc2: {  	s0 =	sor.u32 s1, s0  }
0xc3: {  	s0 =	sadd.s32 $0x8F2B, s0  }
0xc4: {  	[sflag:s0] =	ssyncadd.remote.s32 $0x1  }
0xc5: {  	_ =	sfence.sel $0xFFFF  }
0xc6: {  	[dreg:$0x0] =	wrdreg $0xFFFFFFFF;
	(pc) =	sbr.abs _section_cstart, $3  }
0xc7: {  	[dreg:$0x1] =	wrdreg $0xFFFFFFFF  }
0xc8: {  	_ =	task.clear_ibuf [dreg:s7], $0x2FFFF;
	_ =	strace $0x9FFFFFFF  }
0xc9: {  	(tm) =	ssettm $0x7FFFFFFF  }
tec
execute0_lowered:
.L_overlay_start_1:
0x0: {  	(tag) =	ssettag $0x1  }
0x1: {  	s5 =	rddreg [dreg:$0x0]  }
0x2: {  	s2 =	rddreg [dreg:$0x1]  }
0x3: {  	s3 =	rddreg [dreg:$0x2];
	s4 =	srdreg.scid  }
0x4: {  	s1 =	stileid.u32;
	s0 =	rddreg [dreg:$0x3];
	s14 =	simm.s32 $0x2  }
0x5: {  	s15 =	simm.s32 $0x2780;
	s16 =	simm.s32 $0x4F00;
	s17 =	simm.s32 $0x80  }
0x6: {  	s18 =	simm.s32 $0x1;
	s21 =	simm.s32 $0x0;
	s7 =	smul.u32 $0xA000, s1  }
0x7: {  	s6 =	sand.u32 $0x1, s4;
	s4 =	simm.s32 $0x0;
	s10 =	smul.u32 $0x28000, s1  }
0x8: {  	s8 =	sshll.u32 s1, $0x1;
	s19 =	sshll.u32 s1, $0x6;
	s9 =	smul.u32 $0xA0000, s6  }
0x9: {  	[smem:$0x7FF] =	sst s4;
	s8 =	sor.u32 s6, s8;
	s6 =	ssub.s32 $0x2, s6  }
0xa: {  	s19 =	sor.u32 $0x1C02, s19;
	_ =	strace $0x8000004A;
	s8 =	smul.u32 $0x4F0, s8  }
0xb: {  	s30 =	sshrl.u32 s6, $0x1;
	s31 =	sshrl.u32 s10, $0x2;
	s9 =	sadd.s32 s7, s9  }
0xc: {  	s13 =	ssub.s32 s6, s30;
	s7 =	sadd.s32 s7, s3;
	s11 =	sadd.s32 s31, s3  }
0xd: {  	s9 =	sshrl.u32 s9, $0x3;
	s8 =	sadd.s32 s8, s5;
	s10 =	sadd.s32 $0x6000, s11  }
0xe: {  	s13 =	smax.u32 s13, $0x1;
	s20 =	sshrl.u32 s7, $0x3;
	s12 =	sadd.s32 s9, s5  }
0xf: {  	s5 =	sadd.s32 $0x69600, s8;
	s6 =	sadd.s32 $0x11400, s8;
	s8 =	sadd.s32 $0x2000, s11  }
0x10: {  	v0 =	vimm.f32 $0.0e+00;
	s9 =	sadd.s32 $0x4000, s11;
	s11 =	sadd.s32 $0x8000, s11;
	s12 =	sadd.s32 $0xC1800, s12  }
.LBB2_1:
0x11: {  	[tilespmem:s4], [sflag:$0x2] =	stream.linear.gather [hbm4b:s5+s4], $0x2780, $0x38;
	[tilespmem:$0x10F00] =	vst v63  }
0x12: {  	_ =	swait.ge [sflag:s14], $0x2780  }
0x13: {  	[sflag:s14] =	ssyncset.done $0x0  }
0x14: {  	[sflag:s14] =	ssyncadd.s32 $0xFFFFD880  }
0x15: {  	[tilespmem:s15], [sflag:$0x2] =	stream.linear.gather [hbm4b:s6+s4], $0x2780, $0x38;
	[tilespmem:$0x10F00] =	vst v63  }
0x16: {  	_ =	swait.ge [sflag:s14], $0x2780  }
0x17: {  	[sflag:s14] =	ssyncset.done $0x0  }
0x18: {  	s23 =	simm.s32 $0x100;
	s22 =	simm.s32 $0x0;
	[sflag:s14] =	ssyncadd.s32 $0xFFFFD880  }
.LBB2_2:
0x19: {  	p0 =	sne.s32 s23, $0x7F00;
	[tilespmem:s22+$0x4F30] =	vst v0;
	s24 =	smov.u32 s23;
	s23 =	sadd.s32 $0x100, s23  }
.Ltmp0:
0x1a: {  	[tilespmem:s22+$0x4F20] =	vst v0;
	(pc) =	sbr.rel @p0 .LBB2_2-.Ltmp0, $3  }
0x1b: {  	[tilespmem:s22+$0x4F00] =	vst v0  }
0x1c: {  	[tilespmem:s22+$0x4F10] =	vst v0;
	_ =	sdelay $0x1  }
0x1d: {  	s22 =	sshra.s32 s24, $0x2  }
0x1e: {  	[tilespmem:s22+$0x4F30] =	vst v0  }
0x1f: {  	[tilespmem:s22+$0x4F20] =	vst v0  }
0x20: {  	[tilespmem:s22+$0x4F00] =	vst v0  }
0x21: {  	[tilespmem:s22+$0x4F10] =	vst v0  }
0x22: {  	[spmem:s7] =	stream.linear.scatter [tilespmem:s16], [sflag:$0x2], $0x2000, $0x38;
	[tilespmem:$0x10F00] =	vst v63  }
0x23: {  	_ =	swait.ge [sflag:s14], $0x2000  }
0x24: {  	[sflag:s14] =	ssyncset.done $0x0  }
0x25: {  	[sflag:s14] =	ssyncadd.s32 $0xFFFFE000  }
0x26: {  	[spmem:s8] =	stream.linear.scatter [tilespmem:s16], [sflag:$0x2], $0x2000, $0x38;
	[tilespmem:$0x10F00] =	vst v63  }
0x27: {  	_ =	swait.ge [sflag:s14], $0x2000  }
0x28: {  	[sflag:s14] =	ssyncset.done $0x0  }
0x29: {  	[sflag:s14] =	ssyncadd.s32 $0xFFFFE000  }
0x2a: {  	[spmem:s9] =	stream.linear.scatter [tilespmem:s16], [sflag:$0x2], $0x2000, $0x38;
	[tilespmem:$0x10F00] =	vst v63  }
0x2b: {  	_ =	swait.ge [sflag:s14], $0x2000  }
0x2c: {  	[sflag:s14] =	ssyncset.done $0x0  }
0x2d: {  	[sflag:s14] =	ssyncadd.s32 $0xFFFFE000  }
0x2e: {  	[spmem:s10] =	stream.linear.scatter [tilespmem:s16], [sflag:$0x2], $0x2000, $0x38;
	[tilespmem:$0x10F00] =	vst v63  }
0x2f: {  	_ =	swait.ge [sflag:s14], $0x2000  }
0x30: {  	[sflag:s14] =	ssyncset.done $0x0  }
0x31: {  	[sflag:s14] =	ssyncadd.s32 $0xFFFFE000  }
0x32: {  	[spmem:s11] =	stream.linear.scatter [tilespmem:s16], [sflag:$0x2], $0x2000, $0x38;
	[tilespmem:$0x10F00] =	vst v63  }
0x33: {  	_ =	swait.ge [sflag:s14], $0x2000  }
0x34: {  	[sflag:s14] =	ssyncset.done $0x0  }
0x35: {  	[sflag:s14] =	ssyncadd.s32 $0xFFFFE000  }
0x36: {  	s30 =	simm.s32 $0x0;
	[bflag:$0x0] =	sbarrier.arrive $0xFFFF  }
0x37: {  	[tilespmem:s16], [sflag:$0x1] =	stream.indirect.gather [hbm4b:s2+s17], $0x40, s30, s17, $0xb8;
	[tilespmem:$0x10F00] =	vst v63  }
0x38: {  	_ =	swait.ge [sflag:s18], $0x2000  }
0x39: {  	[sflag:s18] =	ssyncset.done $0x0  }
0x3a: {  	s31 =	simm.s32 $0x2780;
	[sflag:s18] =	ssyncadd.s32 $0xFFFFE000  }
0x3b: {  	[spmem:s3] =	stream.indirect.scatter.add.f32 [tilespmem:s16], [sflag:$0x2], $0x40, s31, s17, $0xb8;
	[tilespmem:$0x10F00] =	vst v63  }
0x3c: {  	_ =	swait.ge [sflag:s14], $0x2000  }
0x3d: {  	s22 =	simm.s32 $0x200;
	s23 =	simm.s32 $0x400;
	[sflag:s14] =	ssyncset.done $0x0  }
.LBB2_4:
0x3e: {  	s24 =	sshra.s32 s22, $0x2  }
0x3f: {  	[sflag:s14] =	ssyncadd.s32 $0xFFFFE000;
	s22 =	smov.u32 s23;
	s25 =	sadd.s32 $0x200, s23  }
0x40: {  	[tilespmem:s16], [sflag:$0x1] =	stream.indirect.gather [hbm4b:s2+s17], $0x40, s24, s17, $0xb8;
	[tilespmem:$0x10F00] =	vst v63  }
0x41: {  	p0 =	sne.s32 s23, $0x9C00;
	_ =	swait.ge [sflag:s18], $0x2000  }
.Ltmp1:
0x42: {  	[sflag:s18] =	ssyncset.done $0x0;
	(pc) =	sbr.rel @p0 .LBB2_4-.Ltmp1, $4  }
0x43: {  	s23 =	sadd.s32 $0x2780, s24;
	[sflag:s18] =	ssyncadd.s32 $0xFFFFE000  }
0x44: {  	[spmem:s3] =	stream.indirect.scatter.add.f32 [tilespmem:s16], [sflag:$0x2], $0x40, s23, s17, $0xb8;
	[tilespmem:$0x10F00] =	vst v63  }
0x45: {  	_ =	swait.ge [sflag:s14], $0x2000  }
0x46: {  	s23 =	smov.u32 s25;
	[sflag:s14] =	ssyncset.done $0x0  }
0x47: {  	s22 =	sshra.s32 s22, $0x2;
	[sflag:s14] =	ssyncadd.s32 $0xFFFFE000  }
0x48: {  	[tilespmem:s16], [sflag:$0x1] =	stream.indirect.gather [hbm4b:s2+s17], $0x40, s22, s17, $0xb8;
	[tilespmem:$0x10F00] =	vst v63  }
0x49: {  	_ =	swait.ge [sflag:s18], $0x2000  }
0x4a: {  	[sflag:s18] =	ssyncset.done $0x0  }
0x4b: {  	s22 =	sadd.s32 $0x2780, s22;
	[sflag:s18] =	ssyncadd.s32 $0xFFFFE000  }
0x4c: {  	[spmem:s3] =	stream.indirect.scatter.add.f32 [tilespmem:s16], [sflag:$0x2], $0x40, s22, s17, $0xb8;
	[tilespmem:$0x10F00] =	vst v63  }
0x4d: {  	_ =	swait.ge [sflag:s14], $0x2000  }
0x4e: {  	[sflag:s14] =	ssyncset.done $0x0  }
0x4f: {  	s21 =	sadd.s32 $0x1, s21;
	[sflag:s14] =	ssyncadd.s32 $0xFFFFE000  }
0x50: {  	p0 =	sne.s32 s21, s13;
	[bflag:$0x0] =	sbarrier.arrive $0xFFFF  }
0x51: {  	[hbm:s12], [sflag:s19] =	dma.local [spmem:s20], $0x1400  }
.Ltmp2:
0x52: {  	_ =	swait.ge [sflag:s14], $0x1400;
	(pc) =	sbr.rel @p0 .LBB2_1-.Ltmp2, $3  }
0x53: {  	[sflag:s14] =	ssyncset.done $0x0  }
0x54: {  	[sflag:s14] =	ssyncadd.s32 $0xFFFFEC00  }
0x55: {  	[bflag:$0x0] =	sbarrier.arrive $0xFFFF;
	_ =	sdelay $0x1  }
0x56: {  	_ =	sfence.sel $0x180000  }
0x57: {  	[bflag:$0x0] =	sbarrier.arrive $0xFFFF  }
0x58: {  	p0 =	sne.s32 s1, $0x0;
	_ =	strace $0x9000004A  }
0x59: {  	s0 =	sadd.s32 @!p0 $0x100000, s0;
	[bflag:$0x2] =	sbarrier.arrive $0xFFFF  }
0x5a: {  	[sflag:s0] =	ssyncadd.tile.s32 @!p0 $0x1;
	_ =	shalt  }
.Lfunc_end2:
_tile_overlayer_lowered:
.L_overlay_start_2:
0x5b: {  	(tag) =	ssettag $0x2  }
0x5c: {  	s0 =	rddreg [dreg:$0x0];
	s2 =	stileid.u32  }
0x5d: {  	s1 =	rddreg [dreg:$0x1];
	p0 =	sne.s32 s2, $0x0  }
0x5e: {  	s3 =	rddreg [dreg:$0x2];
	[bflag:$0x3] =	sbarrier.arrive $0xFFFF;
	s2 =	simm.s32 @!p0 $0x1C02  }
0x5f: {  	[timem:s3], [sflag:s2] =	dma.local @!p0 [hbm:s0], s1  }
0x60: {  	s0 =	simm.s32 @!p0 $0x2  }
0x61: {  	_ =	swait.ge @!p0 [sflag:s0], s1  }
0x62: {  	s1 =	ssub.s32 @!p0 $0x0, s1;
	[sflag:s0] =	ssyncset.done @!p0 $0x0  }
0x63: {  	[sflag:s0] =	ssyncadd.s32 @!p0 s1  }
0x64: {  	[bflag:$0x3] =	sbarrier.arrive $0xFFFF  }
0x65: {  	_ =	shalt  }

// kernel: kernel.25.cloned.1.call-start
scs
__scs_entry_jumppad:
0x0: {  	(pc) =	sbr.rel $0x88, $3  }
0x1: {  	(tag) =	ssettag $0x0;
	lr =	simm.s32 $0x1  }
0x2: {  	[smem:$0x3F75] =	sst lr;
	_ =	strace $0xD0000000  }
0x3: {  	_ = 	snop  }
0x4: {  	_ = 	snop  }
0x5: {  	_ = 	snop  }
0x6: {  	_ = 	snop  }
0x7: {  	_ = 	snop  }
__scs_overlays_trampoline_lowered:
0x8: {  	[smem:$0x3F84] =	sst s0  }
0x9: {  	[smem:$0x3F85] =	sst s1  }
0xa: {  	[smem:$0x3F86] =	sst s2  }
0xb: {  	[smem:$0x3F87] =	sst s3  }
0xc: {  	[smem:$0x3F88] =	sst s4  }
0xd: {  	[smem:$0x3F89] =	sst s5  }
0xe: {  	[smem:$0x3F8A] =	sst s6  }
0xf: {  	[smem:$0x3F8B] =	sst s7  }
0x10: {  	[smem:$0x3F8C] =	sst s8  }
0x11: {  	[smem:$0x3F8D] =	sst s9;
	s0 =	simm.s32 @!p0 $0x0  }
0x12: {  	s1 =	sld [smem:$0x3F73];
	s0 =	simm.s32 @p0 $0x1  }
0x13: {  	[smem:$0x3F8E] =	sst s0;
	s0 =	simm.s32 @!p1 $0x0  }
0x14: {  	s2 =	sld [smem:$0x3F72];
	s0 =	simm.s32 @p1 $0x1  }
0x15: {  	[smem:$0x3F8F] =	sst s0;
	s0 =	simm.s32 @!p2 $0x0  }
0x16: {  	s3 =	sld [smem:$0x3FDB];
	s0 =	simm.s32 @p2 $0x1  }
0x17: {  	s4 =	simm.s32 $0x1BF5;
	[smem:$0x3F91] =	sst s0  }
0x18: {  	s0 =	sld [smem:$0x3F74];
	_ =	swait.ge [sflag:s4], $0x0  }
0x19: {  	s7 =	sld [smem:$0x3F75]  }
0x1a: {  	s8 =	sadd.s32 $0xFFFFE003, lr  }
0x1b: {  	s9 =	sadd.s32 $0xFFFFFEF7, lr;
	s5 =	simm.s32 $0xFFFFFFFF;
	p2 =	slt.u32 s8, $0xFFFFF086  }
0x1c: {  	p1 =	slt.u32 s9, $0xF7A;
	s5 =	simm.s32 @!p2 $0x0  }
0x1d: {  	s5 =	simm.s32 @p1 $0x1;
	p0 =	seq.s32 s7, s2  }
0x1e: {  	s7 =	smul.u32 @!p0 $0xF7A, s2;
	p2 =	seq.s32 @!p0 s5, $0x0  }
0x1f: {  	s9 =	smul.u32 $0xF7A, s1;
	s8 =	simm.s32 @!p0 $0x1BF5;
	p2 =	por !p2, p0  }
0x20: {  	[sflag:s8] =	ssyncset.s32 @!p0 $0xFFFFF086;
	s6 =	sadd.s32 @!p0 s3, s7;
	s7 =	simm.s32 @!p0 $0x108  }
0x21: {  	s3 =	sadd.s32 s3, s9;
	s6 =	sadd.s32 @!p0 $0x88, s6;
	s7 =	simm.s32 @p2 $0x1082  }
0x22: {  	[simem:s7], [sflag:s8] =	dma.local @!p0 [hbm:s6], $0xF7A  }
0x23: {  	s9 =	sor.u32 $0xD0000000, s2;
	s6 =	simm.s32 $0x108;
	_ =	swait.ge @!p0 [sflag:s8], $0x0  }
0x24: {  	s3 =	sadd.s32 $0x88, s3;
	s6 =	simm.s32 @!p1 $0x1082;
	[sflag:s4] =	ssyncset.s32 $0xFFFFF086  }
0x25: {  	[simem:s6], [sflag:s4] =	dma.local [hbm:s3], $0xF7A  }
0x26: {  	[smem:$0x3F75] =	sst s1;
	(tag) =	ssettag s2;
	_ =	strace s9  }
0x27: {  	s1 =	sld [smem:$0x3F85]  }
0x28: {  	s2 =	sld [smem:$0x3F86]  }
0x29: {  	s4 =	sld [smem:$0x3F88]  }
0x2a: {  	p0 =	seq.s32 s5, $0x0;
	s5 =	sld [smem:$0x3F89]  }
0x2b: {  	s6 =	sld [smem:$0x3F8A]  }
0x2c: {  	s7 =	sld [smem:$0x3F8B]  }
0x2d: {  	s3 =	simm.s32 $0x108;
	s8 =	sld [smem:$0x3F8C]  }
0x2e: {  	s3 =	simm.s32 @!p0 $0x1082;
	s9 =	sld [smem:$0x3F8D]  }
0x2f: {  	lr =	sadd.s32 s0, s3;
	s0 =	sld [smem:$0x3F84]  }
0x30: {  	s3 =	sld [smem:$0x3F87]  }
0x31: {  	[smem:$0x3F90] =	sst s10  }
0x32: {  	s10 =	sld [smem:$0x3F8E];
	_ =	sdelay $0x3  }
0x33: {  	p0 =	seq.s32 s10, $0x1;
	s10 =	sld [smem:$0x3F90];
	_ =	sdelay $0x3  }
0x34: {  	[smem:$0x3F90] =	sst s10  }
0x35: {  	s10 =	sld [smem:$0x3F8F];
	_ =	sdelay $0x3  }
0x36: {  	p1 =	seq.s32 s10, $0x1;
	s10 =	sld [smem:$0x3F90];
	_ =	sdelay $0x3  }
0x37: {  	[smem:$0x3F90] =	sst s10  }
0x38: {  	s10 =	sld [smem:$0x3F91]  }
0x39: {  	_ = 	snop;
	(pc) =	sbr.ind lr, $3  }
0x3a: {  	_ = 	snop  }
0x3b: {  	_ = 	snop  }
0x3c: {  	p2 =	seq.s32 s10, $0x1;
	s10 =	sld [smem:$0x3F90]  }
0x3d: {  	_ =	shalt  }
0x3e: {  	_ =	shalt  }
0x3f: {  	_ =	shalt  }
0x40: {  	_ =	shalt  }
0x41: {  	_ =	shalt  }
0x42: {  	_ =	shalt  }
0x43: {  	_ =	shalt  }
0x44: {  	_ =	shalt  }
0x45: {  	_ =	shalt  }
0x46: {  	_ =	shalt  }
0x47: {  	_ =	shalt  }
0x48: {  	_ =	shalt  }
0x49: {  	_ =	shalt  }
0x4a: {  	_ =	shalt  }
0x4b: {  	_ =	shalt  }
0x4c: {  	_ =	shalt  }
0x4d: {  	_ =	shalt  }
0x4e: {  	_ =	shalt  }
0x4f: {  	_ =	shalt  }
0x50: {  	_ =	shalt  }
0x51: {  	_ =	shalt  }
0x52: {  	_ =	shalt  }
0x53: {  	_ =	shalt  }
0x54: {  	_ =	shalt  }
0x55: {  	_ =	shalt  }
0x56: {  	_ =	shalt  }
0x57: {  	_ =	shalt  }
0x58: {  	_ =	shalt  }
0x59: {  	_ =	shalt  }
0x5a: {  	_ =	shalt  }
0x5b: {  	_ =	shalt  }
0x5c: {  	_ =	shalt  }
0x5d: {  	_ =	shalt  }
0x5e: {  	_ =	shalt  }
0x5f: {  	_ =	shalt  }
0x60: {  	_ =	shalt  }
0x61: {  	_ =	shalt  }
0x62: {  	_ =	shalt  }
0x63: {  	_ =	shalt  }
0x64: {  	_ =	shalt  }
0x65: {  	_ =	shalt  }
0x66: {  	_ =	shalt  }
0x67: {  	_ =	shalt  }
0x68: {  	_ =	shalt  }
0x69: {  	_ =	shalt  }
0x6a: {  	_ =	shalt  }
0x6b: {  	_ =	shalt  }
0x6c: {  	_ =	shalt  }
0x6d: {  	_ =	shalt  }
0x6e: {  	_ =	shalt  }
0x6f: {  	_ =	shalt  }
0x70: {  	_ =	shalt  }
0x71: {  	_ =	shalt  }
0x72: {  	_ =	shalt  }
0x73: {  	_ =	shalt  }
0x74: {  	_ =	shalt  }
0x75: {  	_ =	shalt  }
0x76: {  	_ =	shalt  }
0x77: {  	_ =	shalt  }
0x78: {  	_ =	shalt  }
0x79: {  	_ =	shalt  }
0x7a: {  	_ =	shalt  }
0x7b: {  	_ =	shalt  }
0x7c: {  	_ =	shalt  }
0x7d: {  	_ =	shalt  }
0x7e: {  	_ =	shalt  }
0x7f: {  	_ =	shalt  }
0x80: {  	_ =	shalt  }
0x81: {  	_ =	shalt  }
0x82: {  	_ =	shalt  }
0x83: {  	_ =	shalt  }
0x84: {  	_ =	shalt  }
0x85: {  	_ =	shalt  }
0x86: {  	_ =	shalt  }
0x87: {  	_ =	shalt  }
.Lfunc_end0:
.L_simem_size_0:
called_computation.2_lowered:
.L_overlay_start_0:
0x88: {  	s2 =	sld [smem:$0x3FD9]  }
0x89: {  	s3 =	sld [smem:$0x3FFE];
	_ =	sdelay $0x1  }
0x8a: {  	s1 =	srdreg.scid  }
0x8b: {  	s0 =	sand.u32 $0x1, s1  }
0x8c: {  	s16 =	sshll.u32 s0, $0xA;
	s2 =	sadd.s32 s3, s2  }
0x8d: {  	s2 =	sadd.s32 s2, s16  }
0x8e: {  	[smem:$0x3F9C] =	sst s2  }
0x8f: {  	_ = 	snop  }
0x90: {  	(tm) =	ssettm $0x1  }
0x91: {  	s17 =	sld [smem:$0x3FFB];
	_ =	sdelay $0x3  }
0x92: {  	_ =	strace s17  }
0x93: {  	s2 =	sld [smem:$0x3FFC];
	_ =	sdelay $0x3  }
0x94: {  	_ =	strace s2  }
0x95: {  	s2 =	sld [smem:$0x3FFD];
	_ =	sdelay $0x3  }
0x96: {  	_ =	strace s2  }
0x97: {  	_ =	strace $0x8FFFFFFF  }
0x98: {  	s18 =	sld [smem:$0x3FDB];
	_ =	sdelay $0x1  }
0x99: {  	s19 =	simm.s32 $_scs_section_size  }
0x9a: {  	s4 =	simm.s32 $_size__tile_overlayer_lowered;
	s5 =	simm.s32 $_tile_overlayer_lowered  }
0x9b: {  	s22 =	simm.s32 $0x1BFF;
	s21 =	sshll.u32 s5, $0x1;
	s2 =	sadd.s32 s19, s18  }
0x9c: {  	s6 =	simm.s32 $0x0;
	s20 =	sshll.u32 s4, $0x1;
	s4 =	sadd.s32 s21, s2  }
0x9d: {  	[timem:s6], [sflag:s22] =	dma.local [hbm:s4], s20  }
0x9e: {  	_ =	swait.ge [sflag:s22], s20  }
0x9f: {  	s3 =	ssub.s32 $0x0, s20;
	[sflag:s22] =	ssyncset.done $0x0  }
0xa0: {  	[sflag:s22] =	ssyncadd.s32 s3;
	_ =	sdelay $0x1  }
0xa1: {  	s23 =	simm.s32 $0x1B8B  }
0xa2: {  	_ =	swait.ge [sflag:s23], $0x1  }
0xa3: {  	[sflag:s23] =	ssyncset.done $0x0  }
0xa4: {  	s25 =	simm.s32 $0x1B8E;
	s24 =	sld [smem:$0x3FFE];
	[sflag:s23] =	ssyncadd.s32 $0xFFFFFFFF  }
0xa5: {  	s26 =	simm.s32 $execute0_lowered;
	[smem:$0x3FD2] =	sst s25  }
0xa6: {  	s4 =	sshll.u32 s26, $0x1;
	_ =	strace $0x8000004C;
	[dreg:$0x1] =	wrdreg $0xFFFFFFFF  }
0xa7: {  	s28 =	simm.s32 $_size_execute0_lowered;
	s2 =	sadd.s32 s2, s4;
	[dreg:$0x0] =	wrdreg $0x0  }
0xa8: {  	s4 =	sshll.u32 s28, $0x1;
	[dreg:$0x2] =	wrdreg s2  }
0xa9: {  	[dreg:$0x3] =	wrdreg s4  }
0xaa: {  	[dreg:$0x4] =	wrdreg $0xC0  }
0xab: {  	_ =	task [dreg:s6], $0x5FFFF  }
0xac: {  	[dreg:$0x1] =	wrdreg $0xFFFFFFFF  }
0xad: {  	[dreg:$0x0] =	wrdreg $0x60  }
0xae: {  	[dreg:$0x2] =	wrdreg s24  }
0xaf: {  	[dreg:$0x3] =	wrdreg $0x8F000  }
0xb0: {  	[dreg:$0x4] =	wrdreg $0x9  }
0xb1: {  	_ =	task.clear_ibuf [dreg:s6], $0x5FFFF;
	_ =	strace $0x9000004C  }
0xb2: {  	s29 =	simm.s32 $0x9;
	_ =	strace $0x8000004E  }
0xb3: {  	_ =	swait.ge [sflag:s29], $0x1  }
0xb4: {  	[sflag:s29] =	ssyncadd.s32 $0xFFFFFFFF  }
0xb5: {  	_ =	strace $0x9000004E  }
0xb6: {  	_ =	sfence  }
0xb7: {  	s30 =	sld [smem:$0x0];
	_ =	sdelay $0x2  }
0xb8: {  	s31 =	sshll.u32 s1, $0xD;
	s1 =	sshrl.u32 s1, $0x2  }
0xb9: {  	s3 =	sand.u32 $0x4000, s31;
	s1 =	sadd.s32 s1, s30  }
0xba: {  	s0 =	sor.u32 s3, s0;
	s1 =	sshll.u32 s1, $0x11  }
0xbb: {  	s0 =	sor.u32 s1, s0  }
0xbc: {  	s0 =	sadd.s32 $0x8F2B, s0  }
0xbd: {  	[sflag:s0] =	ssyncadd.remote.s32 $0x1  }
0xbe: {  	_ =	sfence.sel $0xFFFF  }
0xbf: {  	[dreg:$0x0] =	wrdreg $0xFFFFFFFF;
	(pc) =	sbr.abs _section_cstart, $3  }
0xc0: {  	[dreg:$0x1] =	wrdreg $0xFFFFFFFF  }
0xc1: {  	_ =	task.clear_ibuf [dreg:s6], $0x2FFFF;
	_ =	strace $0x9FFFFFFF  }
0xc2: {  	(tm) =	ssettm $0x7FFFFFFF  }
0xc3: {  	_ =	shalt  }
tec
execute0_lowered:
.L_overlay_start_1:
0x0: {  	(tag) =	ssettag $0x1  }
0x1: {  	s1 =	srdreg.scid;
	s5 =	rddreg [dreg:$0x0]  }
0x2: {  	s0 =	stileid.u32;
	s2 =	rddreg [dreg:$0x1]  }
0x3: {  	s3 =	simm.s32 $0x0;
	s14 =	simm.s32 $0x2;
	s15 =	simm.s32 $0x2780  }
0x4: {  	s16 =	simm.s32 $0x4F00;
	s17 =	simm.s32 $0x80;
	s18 =	simm.s32 $0x1  }
0x5: {  	s21 =	simm.s32 $0x0;
	s4 =	sand.u32 $0x1, s1;
	s7 =	smul.u32 $0x14000, s0  }
0x6: {  	s29 =	sshll.u32 s0, $0x1;
	[smem:$0x7FF] =	sst s3;
	s10 =	smul.u32 $0x50000, s0  }
0x7: {  	s19 =	sshll.u32 s0, $0x6;
	s1 =	sor.u32 s4, s29;
	s8 =	smul.u32 $0x140000, s4  }
0x8: {  	s9 =	ssub.s32 $0x2, s4;
	s4 =	sadd.s32 $0xC1800, s5;
	s19 =	sor.u32 $0x1C02, s19  }
0x9: {  	s6 =	smul.u32 $0x4F0, s1;
	s1 =	rddreg [dreg:$0x2];
	_ =	strace $0x8000004D  }
0xa: {  	s30 =	sshrl.u32 s9, $0x1;
	s31 =	sshrl.u32 s10, $0x2;
	s8 =	sadd.s32 s7, s8  }
0xb: {  	s13 =	ssub.s32 s9, s30;
	s7 =	sadd.s32 s7, s2;
	s11 =	sadd.s32 s31, s2  }
0xc: {  	s6 =	sadd.s32 s6, s5;
	s8 =	sshrl.u32 s8, $0x3;
	s9 =	sadd.s32 $0x8000, s11  }
0xd: {  	s10 =	sadd.s32 $0xC000, s11;
	s13 =	smax.u32 s13, $0x1;
	s20 =	sshrl.u32 s7, $0x3  }
0xe: {  	s12 =	sadd.s32 s8, s5;
	s5 =	sadd.s32 $0x69600, s6;
	s6 =	sadd.s32 $0x11400, s6  }
0xf: {  	v0 =	vimm.f32 $0.0e+00;
	s8 =	sadd.s32 $0x4000, s11;
	s11 =	sadd.s32 $0x10000, s11;
	s12 =	sadd.s32 $0xE8A00, s12  }
.LBB2_1:
0x10: {  	[tilespmem:s3], [sflag:$0x2] =	stream.linear.gather [hbm4b:s5+s3], $0x2780, $0x38;
	[tilespmem:$0x1CF00] =	vst v63  }
0x11: {  	_ =	swait.ge [sflag:s14], $0x2780  }
0x12: {  	[sflag:s14] =	ssyncset.done $0x0  }
0x13: {  	[sflag:s14] =	ssyncadd.s32 $0xFFFFD880  }
0x14: {  	[tilespmem:s15], [sflag:$0x2] =	stream.linear.gather [hbm4b:s6+s3], $0x2780, $0x38;
	[tilespmem:$0x1CF00] =	vst v63  }
0x15: {  	_ =	swait.ge [sflag:s14], $0x2780  }
0x16: {  	[sflag:s14] =	ssyncset.done $0x0  }
0x17: {  	s22 =	simm.s32 $0x0;
	s23 =	simm.s32 $0x200;
	[sflag:s14] =	ssyncadd.s32 $0xFFFFD880  }
.LBB2_2:
0x18: {  	p0 =	sne.s32 s23, $0xFE00;
	[tilespmem:s22+$0x4F70] =	vst v0  }
0x19: {  	[tilespmem:s22+$0x4F00] =	vst v0  }
0x1a: {  	[tilespmem:s22+$0x4F10] =	vst v0  }
.Ltmp0:
0x1b: {  	[tilespmem:s22+$0x4F20] =	vst v0;
	(pc) =	sbr.rel @p0 .LBB2_2-.Ltmp0, $4  }
0x1c: {  	[tilespmem:s22+$0x4F30] =	vst v0  }
0x1d: {  	[tilespmem:s22+$0x4F40] =	vst v0  }
0x1e: {  	[tilespmem:s22+$0x4F50] =	vst v0  }
0x1f: {  	[tilespmem:s22+$0x4F60] =	vst v0;
	s22 =	sshra.s32 s23, $0x2;
	s23 =	sadd.s32 $0x200, s23  }
0x20: {  	[tilespmem:s22+$0x4F70] =	vst v0  }
0x21: {  	[tilespmem:s22+$0x4F00] =	vst v0  }
0x22: {  	[tilespmem:s22+$0x4F10] =	vst v0  }
0x23: {  	[tilespmem:s22+$0x4F20] =	vst v0  }
0x24: {  	[tilespmem:s22+$0x4F30] =	vst v0  }
0x25: {  	[tilespmem:s22+$0x4F40] =	vst v0  }
0x26: {  	[tilespmem:s22+$0x4F50] =	vst v0  }
0x27: {  	[tilespmem:s22+$0x4F60] =	vst v0  }
0x28: {  	[spmem:s7] =	stream.linear.scatter [tilespmem:s16], [sflag:$0x2], $0x4000, $0x38;
	[tilespmem:$0x1CF00] =	vst v63  }
0x29: {  	_ =	swait.ge [sflag:s14], $0x4000  }
0x2a: {  	[sflag:s14] =	ssyncset.done $0x0  }
0x2b: {  	[sflag:s14] =	ssyncadd.s32 $0xFFFFC000  }
0x2c: {  	[spmem:s8] =	stream.linear.scatter [tilespmem:s16], [sflag:$0x2], $0x4000, $0x38;
	[tilespmem:$0x1CF00] =	vst v63  }
0x2d: {  	_ =	swait.ge [sflag:s14], $0x4000  }
0x2e: {  	[sflag:s14] =	ssyncset.done $0x0  }
0x2f: {  	[sflag:s14] =	ssyncadd.s32 $0xFFFFC000  }
0x30: {  	[spmem:s9] =	stream.linear.scatter [tilespmem:s16], [sflag:$0x2], $0x4000, $0x38;
	[tilespmem:$0x1CF00] =	vst v63  }
0x31: {  	_ =	swait.ge [sflag:s14], $0x4000  }
0x32: {  	[sflag:s14] =	ssyncset.done $0x0  }
0x33: {  	[sflag:s14] =	ssyncadd.s32 $0xFFFFC000  }
0x34: {  	[spmem:s10] =	stream.linear.scatter [tilespmem:s16], [sflag:$0x2], $0x4000, $0x38;
	[tilespmem:$0x1CF00] =	vst v63  }
0x35: {  	_ =	swait.ge [sflag:s14], $0x4000  }
0x36: {  	[sflag:s14] =	ssyncset.done $0x0  }
0x37: {  	[sflag:s14] =	ssyncadd.s32 $0xFFFFC000  }
0x38: {  	[spmem:s11] =	stream.linear.scatter [tilespmem:s16], [sflag:$0x2], $0x4000, $0x38;
	[tilespmem:$0x1CF00] =	vst v63  }
0x39: {  	_ =	swait.ge [sflag:s14], $0x4000  }
0x3a: {  	[sflag:s14] =	ssyncset.done $0x0  }
0x3b: {  	[sflag:s14] =	ssyncadd.s32 $0xFFFFC000  }
0x3c: {  	s30 =	simm.s32 $0x0;
	[bflag:$0x0] =	sbarrier.arrive $0xFFFF  }
0x3d: {  	[tilespmem:s16], [sflag:$0x1] =	stream.indirect.gather [hbm4b:s4+s17], $0x80, s30, s17, $0xb8;
	[tilespmem:$0x1CF00] =	vst v63  }
0x3e: {  	_ =	swait.ge [sflag:s18], $0x4000  }
0x3f: {  	[sflag:s18] =	ssyncset.done $0x0  }
0x40: {  	s31 =	simm.s32 $0x2780;
	[sflag:s18] =	ssyncadd.s32 $0xFFFFC000  }
0x41: {  	[spmem:s2] =	stream.indirect.scatter.add.f32 [tilespmem:s16], [sflag:$0x2], $0x80, s31, s17, $0xb8;
	[tilespmem:$0x1CF00] =	vst v63  }
0x42: {  	_ =	swait.ge [sflag:s14], $0x4000  }
0x43: {  	s22 =	simm.s32 $0x200;
	s23 =	simm.s32 $0x400;
	[sflag:s14] =	ssyncset.done $0x0  }
.LBB2_4:
0x44: {  	s24 =	sshra.s32 s22, $0x2  }
0x45: {  	[sflag:s14] =	ssyncadd.s32 $0xFFFFC000;
	s22 =	smov.u32 s23;
	s25 =	sadd.s32 $0x200, s23  }
0x46: {  	[tilespmem:s16], [sflag:$0x1] =	stream.indirect.gather [hbm4b:s4+s17], $0x80, s24, s17, $0xb8;
	[tilespmem:$0x1CF00] =	vst v63  }
0x47: {  	p0 =	sne.s32 s23, $0x9C00;
	_ =	swait.ge [sflag:s18], $0x4000  }
.Ltmp1:
0x48: {  	[sflag:s18] =	ssyncset.done $0x0;
	(pc) =	sbr.rel @p0 .LBB2_4-.Ltmp1, $4  }
0x49: {  	s23 =	sadd.s32 $0x2780, s24;
	[sflag:s18] =	ssyncadd.s32 $0xFFFFC000  }
0x4a: {  	[spmem:s2] =	stream.indirect.scatter.add.f32 [tilespmem:s16], [sflag:$0x2], $0x80, s23, s17, $0xb8;
	[tilespmem:$0x1CF00] =	vst v63  }
0x4b: {  	_ =	swait.ge [sflag:s14], $0x4000  }
0x4c: {  	s23 =	smov.u32 s25;
	[sflag:s14] =	ssyncset.done $0x0  }
0x4d: {  	s22 =	sshra.s32 s22, $0x2;
	[sflag:s14] =	ssyncadd.s32 $0xFFFFC000  }
0x4e: {  	[tilespmem:s16], [sflag:$0x1] =	stream.indirect.gather [hbm4b:s4+s17], $0x80, s22, s17, $0xb8;
	[tilespmem:$0x1CF00] =	vst v63  }
0x4f: {  	_ =	swait.ge [sflag:s18], $0x4000  }
0x50: {  	[sflag:s18] =	ssyncset.done $0x0  }
0x51: {  	s22 =	sadd.s32 $0x2780, s22;
	[sflag:s18] =	ssyncadd.s32 $0xFFFFC000  }
0x52: {  	[spmem:s2] =	stream.indirect.scatter.add.f32 [tilespmem:s16], [sflag:$0x2], $0x80, s22, s17, $0xb8;
	[tilespmem:$0x1CF00] =	vst v63  }
0x53: {  	_ =	swait.ge [sflag:s14], $0x4000  }
0x54: {  	[sflag:s14] =	ssyncset.done $0x0  }
0x55: {  	s21 =	sadd.s32 $0x1, s21;
	[sflag:s14] =	ssyncadd.s32 $0xFFFFC000  }
0x56: {  	p0 =	sne.s32 s21, s13;
	[bflag:$0x0] =	sbarrier.arrive $0xFFFF  }
0x57: {  	[hbm:s12], [sflag:s19] =	dma.local [spmem:s20], $0x2800  }
.Ltmp2:
0x58: {  	_ =	swait.ge [sflag:s14], $0x2800;
	(pc) =	sbr.rel @p0 .LBB2_1-.Ltmp2, $3  }
0x59: {  	[sflag:s14] =	ssyncset.done $0x0  }
0x5a: {  	[sflag:s14] =	ssyncadd.s32 $0xFFFFD800  }
0x5b: {  	[bflag:$0x0] =	sbarrier.arrive $0xFFFF;
	_ =	sdelay $0x1  }
0x5c: {  	_ =	sfence.sel $0x180000  }
0x5d: {  	[bflag:$0x0] =	sbarrier.arrive $0xFFFF  }
0x5e: {  	p0 =	sne.s32 s0, $0x0;
	_ =	strace $0x9000004D  }
0x5f: {  	s0 =	sadd.s32 @!p0 $0x100000, s1;
	[bflag:$0x2] =	sbarrier.arrive $0xFFFF  }
0x60: {  	[sflag:s0] =	ssyncadd.tile.s32 @!p0 $0x1;
	_ =	shalt  }
.Lfunc_end2:
_tile_overlayer_lowered:
.L_overlay_start_2:
0x61: {  	(tag) =	ssettag $0x2  }
0x62: {  	s0 =	rddreg [dreg:$0x0];
	s2 =	stileid.u32  }
0x63: {  	s1 =	rddreg [dreg:$0x1];
	p0 =	sne.s32 s2, $0x0  }
0x64: {  	s3 =	rddreg [dreg:$0x2];
	[bflag:$0x3] =	sbarrier.arrive $0xFFFF;
	s2 =	simm.s32 @!p0 $0x1C02  }
0x65: {  	[timem:s3], [sflag:s2] =	dma.local @!p0 [hbm:s0], s1  }
0x66: {  	s0 =	simm.s32 @!p0 $0x2  }
0x67: {  	_ =	swait.ge @!p0 [sflag:s0], s1  }
0x68: {  	s1 =	ssub.s32 @!p0 $0x0, s1;
	[sflag:s0] =	ssyncset.done @!p0 $0x0  }
0x69: {  	[sflag:s0] =	ssyncadd.s32 @!p0 s1  }
0x6a: {  	[bflag:$0x3] =	sbarrier.arrive $0xFFFF  }
0x6b: {  	_ =	shalt  }

// kernel: kernel.28.cloned.1.call-start
scs
__scs_entry_jumppad:
0x0: {  	(pc) =	sbr.rel $0x88, $3  }
0x1: {  	(tag) =	ssettag $0x0;
	lr =	simm.s32 $0x1  }
0x2: {  	[smem:$0x3F75] =	sst lr;
	_ =	strace $0xD0000000  }
0x3: {  	_ = 	snop  }
0x4: {  	_ = 	snop  }
0x5: {  	_ = 	snop  }
0x6: {  	_ = 	snop  }
0x7: {  	_ = 	snop  }
__scs_overlays_trampoline_lowered:
0x8: {  	[smem:$0x3F84] =	sst s0  }
0x9: {  	[smem:$0x3F85] =	sst s1  }
0xa: {  	[smem:$0x3F86] =	sst s2  }
0xb: {  	[smem:$0x3F87] =	sst s3  }
0xc: {  	[smem:$0x3F88] =	sst s4  }
0xd: {  	[smem:$0x3F89] =	sst s5  }
0xe: {  	[smem:$0x3F8A] =	sst s6  }
0xf: {  	[smem:$0x3F8B] =	sst s7  }
0x10: {  	[smem:$0x3F8C] =	sst s8  }
0x11: {  	[smem:$0x3F8D] =	sst s9;
	s0 =	simm.s32 @!p0 $0x0  }
0x12: {  	s1 =	sld [smem:$0x3F73];
	s0 =	simm.s32 @p0 $0x1  }
0x13: {  	[smem:$0x3F8E] =	sst s0;
	s0 =	simm.s32 @!p1 $0x0  }
0x14: {  	s2 =	sld [smem:$0x3F72];
	s0 =	simm.s32 @p1 $0x1  }
0x15: {  	[smem:$0x3F8F] =	sst s0;
	s0 =	simm.s32 @!p2 $0x0  }
0x16: {  	s3 =	sld [smem:$0x3FDB];
	s0 =	simm.s32 @p2 $0x1  }
0x17: {  	s4 =	simm.s32 $0x1BF5;
	[smem:$0x3F91] =	sst s0  }
0x18: {  	s0 =	sld [smem:$0x3F74];
	_ =	swait.ge [sflag:s4], $0x0  }
0x19: {  	s7 =	sld [smem:$0x3F75]  }
0x1a: {  	s8 =	sadd.s32 $0xFFFFE003, lr  }
0x1b: {  	s9 =	sadd.s32 $0xFFFFFEF7, lr;
	s5 =	simm.s32 $0xFFFFFFFF;
	p2 =	slt.u32 s8, $0xFFFFF086  }
0x1c: {  	p1 =	slt.u32 s9, $0xF7A;
	s5 =	simm.s32 @!p2 $0x0  }
0x1d: {  	s5 =	simm.s32 @p1 $0x1;
	p0 =	seq.s32 s7, s2  }
0x1e: {  	s7 =	smul.u32 @!p0 $0xF7A, s2;
	p2 =	seq.s32 @!p0 s5, $0x0  }
0x1f: {  	s9 =	smul.u32 $0xF7A, s1;
	s8 =	simm.s32 @!p0 $0x1BF5;
	p2 =	por !p2, p0  }
0x20: {  	[sflag:s8] =	ssyncset.s32 @!p0 $0xFFFFF086;
	s6 =	sadd.s32 @!p0 s3, s7;
	s7 =	simm.s32 @!p0 $0x108  }
0x21: {  	s3 =	sadd.s32 s3, s9;
	s6 =	sadd.s32 @!p0 $0x88, s6;
	s7 =	simm.s32 @p2 $0x1082  }
0x22: {  	[simem:s7], [sflag:s8] =	dma.local @!p0 [hbm:s6], $0xF7A  }
0x23: {  	s9 =	sor.u32 $0xD0000000, s2;
	s6 =	simm.s32 $0x108;
	_ =	swait.ge @!p0 [sflag:s8], $0x0  }
0x24: {  	s3 =	sadd.s32 $0x88, s3;
	s6 =	simm.s32 @!p1 $0x1082;
	[sflag:s4] =	ssyncset.s32 $0xFFFFF086  }
0x25: {  	[simem:s6], [sflag:s4] =	dma.local [hbm:s3], $0xF7A  }
0x26: {  	[smem:$0x3F75] =	sst s1;
	(tag) =	ssettag s2;
	_ =	strace s9  }
0x27: {  	s1 =	sld [smem:$0x3F85]  }
0x28: {  	s2 =	sld [smem:$0x3F86]  }
0x29: {  	s4 =	sld [smem:$0x3F88]  }
0x2a: {  	p0 =	seq.s32 s5, $0x0;
	s5 =	sld [smem:$0x3F89]  }
0x2b: {  	s6 =	sld [smem:$0x3F8A]  }
0x2c: {  	s7 =	sld [smem:$0x3F8B]  }
0x2d: {  	s3 =	simm.s32 $0x108;
	s8 =	sld [smem:$0x3F8C]  }
0x2e: {  	s3 =	simm.s32 @!p0 $0x1082;
	s9 =	sld [smem:$0x3F8D]  }
0x2f: {  	lr =	sadd.s32 s0, s3;
	s0 =	sld [smem:$0x3F84]  }
0x30: {  	s3 =	sld [smem:$0x3F87]  }
0x31: {  	[smem:$0x3F90] =	sst s10  }
0x32: {  	s10 =	sld [smem:$0x3F8E];
	_ =	sdelay $0x3  }
0x33: {  	p0 =	seq.s32 s10, $0x1;
	s10 =	sld [smem:$0x3F90];
	_ =	sdelay $0x3  }
0x34: {  	[smem:$0x3F90] =	sst s10  }
0x35: {  	s10 =	sld [smem:$0x3F8F];
	_ =	sdelay $0x3  }
0x36: {  	p1 =	seq.s32 s10, $0x1;
	s10 =	sld [smem:$0x3F90];
	_ =	sdelay $0x3  }
0x37: {  	[smem:$0x3F90] =	sst s10  }
0x38: {  	s10 =	sld [smem:$0x3F91]  }
0x39: {  	_ = 	snop;
	(pc) =	sbr.ind lr, $3  }
0x3a: {  	_ = 	snop  }
0x3b: {  	_ = 	snop  }
0x3c: {  	p2 =	seq.s32 s10, $0x1;
	s10 =	sld [smem:$0x3F90]  }
0x3d: {  	_ =	shalt  }
0x3e: {  	_ =	shalt  }
0x3f: {  	_ =	shalt  }
0x40: {  	_ =	shalt  }
0x41: {  	_ =	shalt  }
0x42: {  	_ =	shalt  }
0x43: {  	_ =	shalt  }
0x44: {  	_ =	shalt  }
0x45: {  	_ =	shalt  }
0x46: {  	_ =	shalt  }
0x47: {  	_ =	shalt  }
0x48: {  	_ =	shalt  }
0x49: {  	_ =	shalt  }
0x4a: {  	_ =	shalt  }
0x4b: {  	_ =	shalt  }
0x4c: {  	_ =	shalt  }
0x4d: {  	_ =	shalt  }
0x4e: {  	_ =	shalt  }
0x4f: {  	_ =	shalt  }
0x50: {  	_ =	shalt  }
0x51: {  	_ =	shalt  }
0x52: {  	_ =	shalt  }
0x53: {  	_ =	shalt  }
0x54: {  	_ =	shalt  }
0x55: {  	_ =	shalt  }
0x56: {  	_ =	shalt  }
0x57: {  	_ =	shalt  }
0x58: {  	_ =	shalt  }
0x59: {  	_ =	shalt  }
0x5a: {  	_ =	shalt  }
0x5b: {  	_ =	shalt  }
0x5c: {  	_ =	shalt  }
0x5d: {  	_ =	shalt  }
0x5e: {  	_ =	shalt  }
0x5f: {  	_ =	shalt  }
0x60: {  	_ =	shalt  }
0x61: {  	_ =	shalt  }
0x62: {  	_ =	shalt  }
0x63: {  	_ =	shalt  }
0x64: {  	_ =	shalt  }
0x65: {  	_ =	shalt  }
0x66: {  	_ =	shalt  }
0x67: {  	_ =	shalt  }
0x68: {  	_ =	shalt  }
0x69: {  	_ =	shalt  }
0x6a: {  	_ =	shalt  }
0x6b: {  	_ =	shalt  }
0x6c: {  	_ =	shalt  }
0x6d: {  	_ =	shalt  }
0x6e: {  	_ =	shalt  }
0x6f: {  	_ =	shalt  }
0x70: {  	_ =	shalt  }
0x71: {  	_ =	shalt  }
0x72: {  	_ =	shalt  }
0x73: {  	_ =	shalt  }
0x74: {  	_ =	shalt  }
0x75: {  	_ =	shalt  }
0x76: {  	_ =	shalt  }
0x77: {  	_ =	shalt  }
0x78: {  	_ =	shalt  }
0x79: {  	_ =	shalt  }
0x7a: {  	_ =	shalt  }
0x7b: {  	_ =	shalt  }
0x7c: {  	_ =	shalt  }
0x7d: {  	_ =	shalt  }
0x7e: {  	_ =	shalt  }
0x7f: {  	_ =	shalt  }
0x80: {  	_ =	shalt  }
0x81: {  	_ =	shalt  }
0x82: {  	_ =	shalt  }
0x83: {  	_ =	shalt  }
0x84: {  	_ =	shalt  }
0x85: {  	_ =	shalt  }
0x86: {  	_ =	shalt  }
0x87: {  	_ =	shalt  }
.Lfunc_end0:
.L_simem_size_0:
called_computation.3_lowered:
.L_overlay_start_0:
0x88: {  	s2 =	sld [smem:$0x3FD9]  }
0x89: {  	s3 =	sld [smem:$0x3FFE];
	_ =	sdelay $0x1  }
0x8a: {  	s1 =	srdreg.scid  }
0x8b: {  	s0 =	sand.u32 $0x1, s1  }
0x8c: {  	s16 =	sshll.u32 s0, $0xA;
	s2 =	sadd.s32 s3, s2  }
0x8d: {  	s2 =	sadd.s32 s2, s16  }
0x8e: {  	[smem:$0x3F9C] =	sst s2  }
0x8f: {  	_ = 	snop  }
0x90: {  	(tm) =	ssettm $0x1  }
0x91: {  	s17 =	sld [smem:$0x3FFB];
	_ =	sdelay $0x3  }
0x92: {  	_ =	strace s17  }
0x93: {  	s2 =	sld [smem:$0x3FFC];
	_ =	sdelay $0x3  }
0x94: {  	_ =	strace s2  }
0x95: {  	s2 =	sld [smem:$0x3FFD];
	_ =	sdelay $0x3  }
0x96: {  	_ =	strace s2  }
0x97: {  	_ =	strace $0x8FFFFFFF  }
0x98: {  	s18 =	sld [smem:$0x3FDB];
	_ =	sdelay $0x1  }
0x99: {  	s19 =	simm.s32 $_scs_section_size  }
0x9a: {  	s4 =	simm.s32 $_size__tile_overlayer_lowered;
	s5 =	simm.s32 $_tile_overlayer_lowered  }
0x9b: {  	s22 =	simm.s32 $0x1BFF;
	s21 =	sshll.u32 s5, $0x1;
	s2 =	sadd.s32 s19, s18  }
0x9c: {  	s6 =	simm.s32 $0x0;
	s20 =	sshll.u32 s4, $0x1;
	s4 =	sadd.s32 s21, s2  }
0x9d: {  	[timem:s6], [sflag:s22] =	dma.local [hbm:s4], s20  }
0x9e: {  	_ =	swait.ge [sflag:s22], s20  }
0x9f: {  	s3 =	ssub.s32 $0x0, s20;
	[sflag:s22] =	ssyncset.done $0x0  }
0xa0: {  	[sflag:s22] =	ssyncadd.s32 s3;
	_ =	sdelay $0x1  }
0xa1: {  	s23 =	simm.s32 $0x1B8B  }
0xa2: {  	_ =	swait.ge [sflag:s23], $0x1  }
0xa3: {  	[sflag:s23] =	ssyncset.done $0x0  }
0xa4: {  	s25 =	simm.s32 $0x1B8E;
	s24 =	sld [smem:$0x3FFE];
	[sflag:s23] =	ssyncadd.s32 $0xFFFFFFFF  }
0xa5: {  	s26 =	simm.s32 $execute0_lowered;
	[smem:$0x3FD2] =	sst s25  }
0xa6: {  	s4 =	sshll.u32 s26, $0x1;
	_ =	strace $0x8000004F;
	[dreg:$0x1] =	wrdreg $0xFFFFFFFF  }
0xa7: {  	s28 =	simm.s32 $_size_execute0_lowered;
	s2 =	sadd.s32 s2, s4;
	[dreg:$0x0] =	wrdreg $0x0  }
0xa8: {  	s4 =	sshll.u32 s28, $0x1;
	[dreg:$0x2] =	wrdreg s2  }
0xa9: {  	[dreg:$0x3] =	wrdreg s4  }
0xaa: {  	[dreg:$0x4] =	wrdreg $0xC0  }
0xab: {  	_ =	task [dreg:s6], $0x5FFFF  }
0xac: {  	[dreg:$0x1] =	wrdreg $0xFFFFFFFF  }
0xad: {  	[dreg:$0x0] =	wrdreg $0x60  }
0xae: {  	[dreg:$0x2] =	wrdreg s24  }
0xaf: {  	[dreg:$0x3] =	wrdreg $0x8F000  }
0xb0: {  	[dreg:$0x4] =	wrdreg $0x9  }
0xb1: {  	_ =	task.clear_ibuf [dreg:s6], $0x5FFFF;
	_ =	strace $0x9000004F  }
0xb2: {  	s29 =	simm.s32 $0x9;
	_ =	strace $0x80000051  }
0xb3: {  	_ =	swait.ge [sflag:s29], $0x1  }
0xb4: {  	[sflag:s29] =	ssyncadd.s32 $0xFFFFFFFF  }
0xb5: {  	_ =	strace $0x90000051  }
0xb6: {  	_ =	sfence  }
0xb7: {  	s30 =	sld [smem:$0x0];
	_ =	sdelay $0x2  }
0xb8: {  	s31 =	sshll.u32 s1, $0xD;
	s1 =	sshrl.u32 s1, $0x2  }
0xb9: {  	s3 =	sand.u32 $0x4000, s31;
	s1 =	sadd.s32 s1, s30  }
0xba: {  	s0 =	sor.u32 s3, s0;
	s1 =	sshll.u32 s1, $0x11  }
0xbb: {  	s0 =	sor.u32 s1, s0  }
0xbc: {  	s0 =	sadd.s32 $0x8F2B, s0  }
0xbd: {  	[sflag:s0] =	ssyncadd.remote.s32 $0x1  }
0xbe: {  	_ =	sfence.sel $0xFFFF  }
0xbf: {  	[dreg:$0x0] =	wrdreg $0xFFFFFFFF;
	(pc) =	sbr.abs _section_cstart, $3  }
0xc0: {  	[dreg:$0x1] =	wrdreg $0xFFFFFFFF  }
0xc1: {  	_ =	task.clear_ibuf [dreg:s6], $0x2FFFF;
	_ =	strace $0x9FFFFFFF  }
0xc2: {  	(tm) =	ssettm $0x7FFFFFFF  }
0xc3: {  	_ =	shalt  }
tec
execute0_lowered:
.L_overlay_start_1:
0x0: {  	(tag) =	ssettag $0x1  }
0x1: {  	s1 =	srdreg.scid  }
0x2: {  	s0 =	stileid.u32;
	s7 =	rddreg [dreg:$0x0]  }
0x3: {  	s2 =	rddreg [dreg:$0x1];
	s3 =	simm.s32 $0x0;
	s16 =	simm.s32 $0x2  }
0x4: {  	s17 =	simm.s32 $0x2780;
	s18 =	simm.s32 $0x4F00;
	s19 =	simm.s32 $0x80  }
0x5: {  	s20 =	simm.s32 $0x1;
	s21 =	simm.s32 $0x0;
	s8 =	smul.u32 $0x14000, s0  }
0x6: {  	s6 =	sand.u32 $0x1, s1;
	s29 =	sshll.u32 s0, $0x1;
	s11 =	smul.u32 $0x50000, s0  }
0x7: {  	[smem:$0x7FF] =	sst s3;
	s1 =	sor.u32 s6, s29;
	s5 =	smul.u32 $0x140000, s6  }
0x8: {  	s6 =	ssub.s32 $0x2, s6;
	s4 =	smul.u32 $0x4F0, s1;
	s1 =	rddreg [dreg:$0x2]  }
0x9: {  	_ =	strace $0x80000050;
	s30 =	sshrl.u32 s6, $0x1;
	s31 =	sshrl.u32 s11, $0x2  }
0xa: {  	s10 =	sadd.s32 s8, s5;
	s5 =	sadd.s32 $0xE8A00, s7;
	s15 =	ssub.s32 s6, s30  }
0xb: {  	s12 =	sadd.s32 s31, s2;
	s8 =	sadd.s32 s8, s2;
	s9 =	sadd.s32 s4, s7  }
0xc: {  	s4 =	sadd.s32 $0x73400, s7;
	s10 =	sshrl.u32 s10, $0x3;
	s11 =	sadd.s32 $0xC000, s12  }
0xd: {  	s15 =	smax.u32 s15, $0x1;
	s14 =	sadd.s32 s10, s7;
	s6 =	sadd.s32 $0x69600, s9  }
0xe: {  	s7 =	sadd.s32 $0x11400, s9;
	s9 =	sadd.s32 $0x4000, s12;
	s10 =	sadd.s32 $0x8000, s12  }
0xf: {  	v0 =	vimm.f32 $0.0e+00;
	s12 =	sadd.s32 $0x10000, s12;
	s13 =	sadd.s32 $0x1AE000, s14;
	s14 =	sadd.s32 $0x1FE000, s14  }
.LBB2_1:
0x10: {  	[tilespmem:s3], [sflag:$0x2] =	stream.linear.gather [hbm4b:s6+s3], $0x2780, $0x38;
	[tilespmem:$0x1CF00] =	vst v63  }
0x11: {  	_ =	swait.ge [sflag:s16], $0x2780  }
0x12: {  	[sflag:s16] =	ssyncset.done $0x0  }
0x13: {  	[sflag:s16] =	ssyncadd.s32 $0xFFFFD880  }
0x14: {  	[tilespmem:s17], [sflag:$0x2] =	stream.linear.gather [hbm4b:s7+s3], $0x2780, $0x38;
	[tilespmem:$0x1CF00] =	vst v63  }
0x15: {  	_ =	swait.ge [sflag:s16], $0x2780  }
0x16: {  	[sflag:s16] =	ssyncset.done $0x0  }
0x17: {  	s22 =	simm.s32 $0x0;
	s23 =	simm.s32 $0x200;
	[sflag:s16] =	ssyncadd.s32 $0xFFFFD880  }
.LBB2_2:
0x18: {  	p0 =	sne.s32 s23, $0xFE00;
	[tilespmem:s22+$0x4F70] =	vst v0  }
0x19: {  	[tilespmem:s22+$0x4F00] =	vst v0  }
0x1a: {  	[tilespmem:s22+$0x4F10] =	vst v0  }
.Ltmp0:
0x1b: {  	[tilespmem:s22+$0x4F20] =	vst v0;
	(pc) =	sbr.rel @p0 .LBB2_2-.Ltmp0, $4  }
0x1c: {  	[tilespmem:s22+$0x4F30] =	vst v0  }
0x1d: {  	[tilespmem:s22+$0x4F40] =	vst v0  }
0x1e: {  	[tilespmem:s22+$0x4F50] =	vst v0  }
0x1f: {  	[tilespmem:s22+$0x4F60] =	vst v0;
	s22 =	sshra.s32 s23, $0x2;
	s23 =	sadd.s32 $0x200, s23  }
0x20: {  	[tilespmem:s22+$0x4F70] =	vst v0  }
0x21: {  	[tilespmem:s22+$0x4F00] =	vst v0  }
0x22: {  	[tilespmem:s22+$0x4F10] =	vst v0  }
0x23: {  	[tilespmem:s22+$0x4F20] =	vst v0  }
0x24: {  	[tilespmem:s22+$0x4F30] =	vst v0  }
0x25: {  	[tilespmem:s22+$0x4F40] =	vst v0  }
0x26: {  	[tilespmem:s22+$0x4F50] =	vst v0  }
0x27: {  	[tilespmem:s22+$0x4F60] =	vst v0  }
0x28: {  	[spmem:s8] =	stream.linear.scatter [tilespmem:s18], [sflag:$0x2], $0x4000, $0x38;
	[tilespmem:$0x1CF00] =	vst v63  }
0x29: {  	_ =	swait.ge [sflag:s16], $0x4000  }
0x2a: {  	[sflag:s16] =	ssyncset.done $0x0  }
0x2b: {  	[sflag:s16] =	ssyncadd.s32 $0xFFFFC000  }
0x2c: {  	[spmem:s9] =	stream.linear.scatter [tilespmem:s18], [sflag:$0x2], $0x4000, $0x38;
	[tilespmem:$0x1CF00] =	vst v63  }
0x2d: {  	_ =	swait.ge [sflag:s16], $0x4000  }
0x2e: {  	[sflag:s16] =	ssyncset.done $0x0  }
0x2f: {  	[sflag:s16] =	ssyncadd.s32 $0xFFFFC000  }
0x30: {  	[spmem:s10] =	stream.linear.scatter [tilespmem:s18], [sflag:$0x2], $0x4000, $0x38;
	[tilespmem:$0x1CF00] =	vst v63  }
0x31: {  	_ =	swait.ge [sflag:s16], $0x4000  }
0x32: {  	[sflag:s16] =	ssyncset.done $0x0  }
0x33: {  	[sflag:s16] =	ssyncadd.s32 $0xFFFFC000  }
0x34: {  	[spmem:s11] =	stream.linear.scatter [tilespmem:s18], [sflag:$0x2], $0x4000, $0x38;
	[tilespmem:$0x1CF00] =	vst v63  }
0x35: {  	_ =	swait.ge [sflag:s16], $0x4000  }
0x36: {  	[sflag:s16] =	ssyncset.done $0x0  }
0x37: {  	[sflag:s16] =	ssyncadd.s32 $0xFFFFC000  }
0x38: {  	[spmem:s12] =	stream.linear.scatter [tilespmem:s18], [sflag:$0x2], $0x4000, $0x38;
	[tilespmem:$0x1CF00] =	vst v63  }
0x39: {  	_ =	swait.ge [sflag:s16], $0x4000  }
0x3a: {  	[sflag:s16] =	ssyncset.done $0x0  }
0x3b: {  	[sflag:s16] =	ssyncadd.s32 $0xFFFFC000  }
0x3c: {  	s30 =	simm.s32 $0x0;
	[bflag:$0x0] =	sbarrier.arrive $0xFFFF  }
0x3d: {  	[tilespmem:s18], [sflag:$0x1] =	stream.indirect.gather [hbm4b:s4+s19], $0x80, s30, s19, $0xb8;
	[tilespmem:$0x1CF00] =	vst v63  }
0x3e: {  	_ =	swait.ge [sflag:s20], $0x4000  }
0x3f: {  	[sflag:s20] =	ssyncset.done $0x0  }
0x40: {  	s31 =	simm.s32 $0x2780;
	[sflag:s20] =	ssyncadd.s32 $0xFFFFC000  }
0x41: {  	[spmem:s2] =	stream.indirect.scatter.add.f32 [tilespmem:s18], [sflag:$0x2], $0x80, s31, s19, $0xb8;
	[tilespmem:$0x1CF00] =	vst v63  }
0x42: {  	_ =	swait.ge [sflag:s16], $0x4000  }
0x43: {  	s22 =	simm.s32 $0x200;
	s23 =	simm.s32 $0x400;
	[sflag:s16] =	ssyncset.done $0x0  }
.LBB2_4:
0x44: {  	s24 =	sshra.s32 s22, $0x2  }
0x45: {  	[sflag:s16] =	ssyncadd.s32 $0xFFFFC000;
	s22 =	smov.u32 s23;
	s25 =	sadd.s32 $0x200, s23  }
0x46: {  	[tilespmem:s18], [sflag:$0x1] =	stream.indirect.gather [hbm4b:s4+s19], $0x80, s24, s19, $0xb8;
	[tilespmem:$0x1CF00] =	vst v63  }
0x47: {  	p0 =	sne.s32 s23, $0x9C00;
	_ =	swait.ge [sflag:s20], $0x4000  }
.Ltmp1:
0x48: {  	[sflag:s20] =	ssyncset.done $0x0;
	(pc) =	sbr.rel @p0 .LBB2_4-.Ltmp1, $4  }
0x49: {  	s23 =	sadd.s32 $0x2780, s24;
	[sflag:s20] =	ssyncadd.s32 $0xFFFFC000  }
0x4a: {  	[spmem:s2] =	stream.indirect.scatter.add.f32 [tilespmem:s18], [sflag:$0x2], $0x80, s23, s19, $0xb8;
	[tilespmem:$0x1CF00] =	vst v63  }
0x4b: {  	_ =	swait.ge [sflag:s16], $0x4000  }
0x4c: {  	s23 =	smov.u32 s25;
	[sflag:s16] =	ssyncset.done $0x0  }
0x4d: {  	s22 =	sshra.s32 s22, $0x2;
	[sflag:s16] =	ssyncadd.s32 $0xFFFFC000  }
0x4e: {  	[tilespmem:s18], [sflag:$0x1] =	stream.indirect.gather [hbm4b:s4+s19], $0x80, s22, s19, $0xb8;
	[tilespmem:$0x1CF00] =	vst v63  }
0x4f: {  	_ =	swait.ge [sflag:s20], $0x4000  }
0x50: {  	[sflag:s20] =	ssyncset.done $0x0  }
0x51: {  	s22 =	sadd.s32 $0x2780, s22;
	[sflag:s20] =	ssyncadd.s32 $0xFFFFC000  }
0x52: {  	[spmem:s2] =	stream.indirect.scatter.add.f32 [tilespmem:s18], [sflag:$0x2], $0x80, s22, s19, $0xb8;
	[tilespmem:$0x1CF00] =	vst v63  }
0x53: {  	_ =	swait.ge [sflag:s16], $0x4000  }
0x54: {  	[sflag:s16] =	ssyncset.done $0x0  }
0x55: {  	s31 =	sshll.u32 s0, $0x6;
	[sflag:s16] =	ssyncadd.s32 $0xFFFFC000  }
0x56: {  	s23 =	sshrl.u32 s8, $0x3;
	s22 =	sor.u32 $0x1C02, s31;
	[bflag:$0x0] =	sbarrier.arrive $0xFFFF  }
0x57: {  	[hbm:s13], [sflag:s22] =	dma.local [spmem:s23], $0x2800  }
0x58: {  	_ =	swait.ge [sflag:s16], $0x2800  }
0x59: {  	[sflag:s16] =	ssyncset.done $0x0  }
0x5a: {  	[sflag:s16] =	ssyncadd.s32 $0xFFFFD800  }
0x5b: {  	s24 =	simm.s32 $0x0;
	s25 =	simm.s32 $0x200;
	[bflag:$0x0] =	sbarrier.arrive $0xFFFF  }
.LBB2_6:
0x5c: {  	p0 =	sne.s32 s25, $0xFE00;
	[tilespmem:s24+$0x4F70] =	vst v0  }
0x5d: {  	[tilespmem:s24+$0x4F00] =	vst v0  }
0x5e: {  	[tilespmem:s24+$0x4F10] =	vst v0  }
.Ltmp2:
0x5f: {  	[tilespmem:s24+$0x4F20] =	vst v0;
	(pc) =	sbr.rel @p0 .LBB2_6-.Ltmp2, $4  }
0x60: {  	[tilespmem:s24+$0x4F30] =	vst v0  }
0x61: {  	[tilespmem:s24+$0x4F40] =	vst v0  }
0x62: {  	[tilespmem:s24+$0x4F50] =	vst v0  }
0x63: {  	[tilespmem:s24+$0x4F60] =	vst v0;
	s24 =	sshra.s32 s25, $0x2;
	s25 =	sadd.s32 $0x200, s25  }
0x64: {  	[tilespmem:s24+$0x4F70] =	vst v0  }
0x65: {  	[tilespmem:s24+$0x4F00] =	vst v0  }
0x66: {  	[tilespmem:s24+$0x4F10] =	vst v0  }
0x67: {  	[tilespmem:s24+$0x4F20] =	vst v0  }
0x68: {  	[tilespmem:s24+$0x4F30] =	vst v0  }
0x69: {  	[tilespmem:s24+$0x4F40] =	vst v0  }
0x6a: {  	[tilespmem:s24+$0x4F50] =	vst v0  }
0x6b: {  	[tilespmem:s24+$0x4F60] =	vst v0  }
0x6c: {  	[spmem:s8] =	stream.linear.scatter [tilespmem:s18], [sflag:$0x2], $0x4000, $0x38;
	[tilespmem:$0x1CF00] =	vst v63  }
0x6d: {  	_ =	swait.ge [sflag:s16], $0x4000  }
0x6e: {  	[sflag:s16] =	ssyncset.done $0x0  }
0x6f: {  	[sflag:s16] =	ssyncadd.s32 $0xFFFFC000  }
0x70: {  	[spmem:s9] =	stream.linear.scatter [tilespmem:s18], [sflag:$0x2], $0x4000, $0x38;
	[tilespmem:$0x1CF00] =	vst v63  }
0x71: {  	_ =	swait.ge [sflag:s16], $0x4000  }
0x72: {  	[sflag:s16] =	ssyncset.done $0x0  }
0x73: {  	[sflag:s16] =	ssyncadd.s32 $0xFFFFC000  }
0x74: {  	[spmem:s10] =	stream.linear.scatter [tilespmem:s18], [sflag:$0x2], $0x4000, $0x38;
	[tilespmem:$0x1CF00] =	vst v63  }
0x75: {  	_ =	swait.ge [sflag:s16], $0x4000  }
0x76: {  	[sflag:s16] =	ssyncset.done $0x0  }
0x77: {  	[sflag:s16] =	ssyncadd.s32 $0xFFFFC000  }
0x78: {  	[spmem:s11] =	stream.linear.scatter [tilespmem:s18], [sflag:$0x2], $0x4000, $0x38;
	[tilespmem:$0x1CF00] =	vst v63  }
0x79: {  	_ =	swait.ge [sflag:s16], $0x4000  }
0x7a: {  	[sflag:s16] =	ssyncset.done $0x0  }
0x7b: {  	[sflag:s16] =	ssyncadd.s32 $0xFFFFC000  }
0x7c: {  	[spmem:s12] =	stream.linear.scatter [tilespmem:s18], [sflag:$0x2], $0x4000, $0x38;
	[tilespmem:$0x1CF00] =	vst v63  }
0x7d: {  	_ =	swait.ge [sflag:s16], $0x4000  }
0x7e: {  	[sflag:s16] =	ssyncset.done $0x0  }
0x7f: {  	[sflag:s16] =	ssyncadd.s32 $0xFFFFC000  }
0x80: {  	s30 =	simm.s32 $0x0;
	[bflag:$0x0] =	sbarrier.arrive $0xFFFF  }
0x81: {  	[tilespmem:s18], [sflag:$0x1] =	stream.indirect.gather [hbm4b:s5+s19], $0x80, s30, s19, $0xb8;
	[tilespmem:$0x1CF00] =	vst v63  }
0x82: {  	_ =	swait.ge [sflag:s20], $0x4000  }
0x83: {  	[sflag:s20] =	ssyncset.done $0x0  }
0x84: {  	s31 =	simm.s32 $0x2780;
	[sflag:s20] =	ssyncadd.s32 $0xFFFFC000  }
0x85: {  	[spmem:s2] =	stream.indirect.scatter.add.f32 [tilespmem:s18], [sflag:$0x2], $0x80, s31, s19, $0xb8;
	[tilespmem:$0x1CF00] =	vst v63  }
0x86: {  	_ =	swait.ge [sflag:s16], $0x4000  }
0x87: {  	s24 =	simm.s32 $0x200;
	s25 =	simm.s32 $0x400;
	[sflag:s16] =	ssyncset.done $0x0  }
.LBB2_8:
0x88: {  	s26 =	sshra.s32 s24, $0x2  }
0x89: {  	[sflag:s16] =	ssyncadd.s32 $0xFFFFC000;
	s24 =	smov.u32 s25;
	s28 =	sadd.s32 $0x200, s25  }
0x8a: {  	[tilespmem:s18], [sflag:$0x1] =	stream.indirect.gather [hbm4b:s5+s19], $0x80, s26, s19, $0xb8;
	[tilespmem:$0x1CF00] =	vst v63  }
0x8b: {  	p0 =	sne.s32 s25, $0x9C00;
	_ =	swait.ge [sflag:s20], $0x4000  }
.Ltmp3:
0x8c: {  	[sflag:s20] =	ssyncset.done $0x0;
	(pc) =	sbr.rel @p0 .LBB2_8-.Ltmp3, $4  }
0x8d: {  	s25 =	sadd.s32 $0x2780, s26;
	[sflag:s20] =	ssyncadd.s32 $0xFFFFC000  }
0x8e: {  	[spmem:s2] =	stream.indirect.scatter.add.f32 [tilespmem:s18], [sflag:$0x2], $0x80, s25, s19, $0xb8;
	[tilespmem:$0x1CF00] =	vst v63  }
0x8f: {  	_ =	swait.ge [sflag:s16], $0x4000  }
0x90: {  	s25 =	smov.u32 s28;
	[sflag:s16] =	ssyncset.done $0x0  }
0x91: {  	s24 =	sshra.s32 s24, $0x2;
	[sflag:s16] =	ssyncadd.s32 $0xFFFFC000  }
0x92: {  	[tilespmem:s18], [sflag:$0x1] =	stream.indirect.gather [hbm4b:s5+s19], $0x80, s24, s19, $0xb8;
	[tilespmem:$0x1CF00] =	vst v63  }
0x93: {  	_ =	swait.ge [sflag:s20], $0x4000  }
0x94: {  	[sflag:s20] =	ssyncset.done $0x0  }
0x95: {  	s24 =	sadd.s32 $0x2780, s24;
	[sflag:s20] =	ssyncadd.s32 $0xFFFFC000  }
0x96: {  	[spmem:s2] =	stream.indirect.scatter.add.f32 [tilespmem:s18], [sflag:$0x2], $0x80, s24, s19, $0xb8;
	[tilespmem:$0x1CF00] =	vst v63  }
0x97: {  	_ =	swait.ge [sflag:s16], $0x4000  }
0x98: {  	[sflag:s16] =	ssyncset.done $0x0  }
0x99: {  	s21 =	sadd.s32 $0x1, s21;
	[sflag:s16] =	ssyncadd.s32 $0xFFFFC000  }
0x9a: {  	p0 =	sne.s32 s21, s15;
	[bflag:$0x0] =	sbarrier.arrive $0xFFFF  }
0x9b: {  	[hbm:s14], [sflag:s22] =	dma.local [spmem:s23], $0x2800  }
.Ltmp4:
0x9c: {  	_ =	swait.ge [sflag:s16], $0x2800;
	(pc) =	sbr.rel @p0 .LBB2_1-.Ltmp4, $3  }
0x9d: {  	[sflag:s16] =	ssyncset.done $0x0  }
0x9e: {  	[sflag:s16] =	ssyncadd.s32 $0xFFFFD800  }
0x9f: {  	[bflag:$0x0] =	sbarrier.arrive $0xFFFF;
	_ =	sdelay $0x1  }
0xa0: {  	_ =	sfence.sel $0x180000  }
0xa1: {  	[bflag:$0x0] =	sbarrier.arrive $0xFFFF  }
0xa2: {  	p0 =	sne.s32 s0, $0x0;
	_ =	strace $0x90000050  }
0xa3: {  	s0 =	sadd.s32 @!p0 $0x100000, s1;
	[bflag:$0x2] =	sbarrier.arrive $0xFFFF  }
0xa4: {  	[sflag:s0] =	ssyncadd.tile.s32 @!p0 $0x1;
	_ =	shalt  }
.Lfunc_end2:
_tile_overlayer_lowered:
.L_overlay_start_2:
0xa5: {  	(tag) =	ssettag $0x2  }
0xa6: {  	s0 =	rddreg [dreg:$0x0];
	s2 =	stileid.u32  }
0xa7: {  	s1 =	rddreg [dreg:$0x1];
	p0 =	sne.s32 s2, $0x0  }
0xa8: {  	s3 =	rddreg [dreg:$0x2];
	[bflag:$0x3] =	sbarrier.arrive $0xFFFF;
	s2 =	simm.s32 @!p0 $0x1C02  }
0xa9: {  	[timem:s3], [sflag:s2] =	dma.local @!p0 [hbm:s0], s1  }
0xaa: {  	s0 =	simm.s32 @!p0 $0x2  }
0xab: {  	_ =	swait.ge @!p0 [sflag:s0], s1  }
0xac: {  	s1 =	ssub.s32 @!p0 $0x0, s1;
	[sflag:s0] =	ssyncset.done @!p0 $0x0  }
0xad: {  	[sflag:s0] =	ssyncadd.s32 @!p0 s1  }
0xae: {  	[bflag:$0x3] =	sbarrier.arrive $0xFFFF  }
0xaf: {  	_ =	shalt  }

// kernel: kernel.31.cloned.1.call-start
scs
__scs_entry_jumppad:
0x0: {  	(pc) =	sbr.rel $0x88, $3  }
0x1: {  	(tag) =	ssettag $0x0;
	lr =	simm.s32 $0x1  }
0x2: {  	[smem:$0x3F75] =	sst lr;
	_ =	strace $0xD0000000  }
0x3: {  	_ = 	snop  }
0x4: {  	_ = 	snop  }
0x5: {  	_ = 	snop  }
0x6: {  	_ = 	snop  }
0x7: {  	_ = 	snop  }
__scs_overlays_trampoline_lowered:
0x8: {  	[smem:$0x3F84] =	sst s0  }
0x9: {  	[smem:$0x3F85] =	sst s1  }
0xa: {  	[smem:$0x3F86] =	sst s2  }
0xb: {  	[smem:$0x3F87] =	sst s3  }
0xc: {  	[smem:$0x3F88] =	sst s4  }
0xd: {  	[smem:$0x3F89] =	sst s5  }
0xe: {  	[smem:$0x3F8A] =	sst s6  }
0xf: {  	[smem:$0x3F8B] =	sst s7  }
0x10: {  	[smem:$0x3F8C] =	sst s8  }
0x11: {  	[smem:$0x3F8D] =	sst s9;
	s0 =	simm.s32 @!p0 $0x0  }
0x12: {  	s1 =	sld [smem:$0x3F73];
	s0 =	simm.s32 @p0 $0x1  }
0x13: {  	[smem:$0x3F8E] =	sst s0;
	s0 =	simm.s32 @!p1 $0x0  }
0x14: {  	s2 =	sld [smem:$0x3F72];
	s0 =	simm.s32 @p1 $0x1  }
0x15: {  	[smem:$0x3F8F] =	sst s0;
	s0 =	simm.s32 @!p2 $0x0  }
0x16: {  	s3 =	sld [smem:$0x3FDB];
	s0 =	simm.s32 @p2 $0x1  }
0x17: {  	s4 =	simm.s32 $0x1BF5;
	[smem:$0x3F91] =	sst s0  }
0x18: {  	s0 =	sld [smem:$0x3F74];
	_ =	swait.ge [sflag:s4], $0x0  }
0x19: {  	s7 =	sld [smem:$0x3F75]  }
0x1a: {  	s8 =	sadd.s32 $0xFFFFE003, lr  }
0x1b: {  	s9 =	sadd.s32 $0xFFFFFEF7, lr;
	s5 =	simm.s32 $0xFFFFFFFF;
	p2 =	slt.u32 s8, $0xFFFFF086  }
0x1c: {  	p1 =	slt.u32 s9, $0xF7A;
	s5 =	simm.s32 @!p2 $0x0  }
0x1d: {  	s5 =	simm.s32 @p1 $0x1;
	p0 =	seq.s32 s7, s2  }
0x1e: {  	s7 =	smul.u32 @!p0 $0xF7A, s2;
	p2 =	seq.s32 @!p0 s5, $0x0  }
0x1f: {  	s9 =	smul.u32 $0xF7A, s1;
	s8 =	simm.s32 @!p0 $0x1BF5;
	p2 =	por !p2, p0  }
0x20: {  	[sflag:s8] =	ssyncset.s32 @!p0 $0xFFFFF086;
	s6 =	sadd.s32 @!p0 s3, s7;
	s7 =	simm.s32 @!p0 $0x108  }
0x21: {  	s3 =	sadd.s32 s3, s9;
	s6 =	sadd.s32 @!p0 $0x88, s6;
	s7 =	simm.s32 @p2 $0x1082  }
0x22: {  	[simem:s7], [sflag:s8] =	dma.local @!p0 [hbm:s6], $0xF7A  }
0x23: {  	s9 =	sor.u32 $0xD0000000, s2;
	s6 =	simm.s32 $0x108;
	_ =	swait.ge @!p0 [sflag:s8], $0x0  }
0x24: {  	s3 =	sadd.s32 $0x88, s3;
	s6 =	simm.s32 @!p1 $0x1082;
	[sflag:s4] =	ssyncset.s32 $0xFFFFF086  }
0x25: {  	[simem:s6], [sflag:s4] =	dma.local [hbm:s3], $0xF7A  }
0x26: {  	[smem:$0x3F75] =	sst s1;
	(tag) =	ssettag s2;
	_ =	strace s9  }
0x27: {  	s1 =	sld [smem:$0x3F85]  }
0x28: {  	s2 =	sld [smem:$0x3F86]  }
0x29: {  	s4 =	sld [smem:$0x3F88]  }
0x2a: {  	p0 =	seq.s32 s5, $0x0;
	s5 =	sld [smem:$0x3F89]  }
0x2b: {  	s6 =	sld [smem:$0x3F8A]  }
0x2c: {  	s7 =	sld [smem:$0x3F8B]  }
0x2d: {  	s3 =	simm.s32 $0x108;
	s8 =	sld [smem:$0x3F8C]  }
0x2e: {  	s3 =	simm.s32 @!p0 $0x1082;
	s9 =	sld [smem:$0x3F8D]  }
0x2f: {  	lr =	sadd.s32 s0, s3;
	s0 =	sld [smem:$0x3F84]  }
0x30: {  	s3 =	sld [smem:$0x3F87]  }
0x31: {  	[smem:$0x3F90] =	sst s10  }
0x32: {  	s10 =	sld [smem:$0x3F8E];
	_ =	sdelay $0x3  }
0x33: {  	p0 =	seq.s32 s10, $0x1;
	s10 =	sld [smem:$0x3F90];
	_ =	sdelay $0x3  }
0x34: {  	[smem:$0x3F90] =	sst s10  }
0x35: {  	s10 =	sld [smem:$0x3F8F];
	_ =	sdelay $0x3  }
0x36: {  	p1 =	seq.s32 s10, $0x1;
	s10 =	sld [smem:$0x3F90];
	_ =	sdelay $0x3  }
0x37: {  	[smem:$0x3F90] =	sst s10  }
0x38: {  	s10 =	sld [smem:$0x3F91]  }
0x39: {  	_ = 	snop;
	(pc) =	sbr.ind lr, $3  }
0x3a: {  	_ = 	snop  }
0x3b: {  	_ = 	snop  }
0x3c: {  	p2 =	seq.s32 s10, $0x1;
	s10 =	sld [smem:$0x3F90]  }
0x3d: {  	_ =	shalt  }
0x3e: {  	_ =	shalt  }
0x3f: {  	_ =	shalt  }
0x40: {  	_ =	shalt  }
0x41: {  	_ =	shalt  }
0x42: {  	_ =	shalt  }
0x43: {  	_ =	shalt  }
0x44: {  	_ =	shalt  }
0x45: {  	_ =	shalt  }
0x46: {  	_ =	shalt  }
0x47: {  	_ =	shalt  }
0x48: {  	_ =	shalt  }
0x49: {  	_ =	shalt  }
0x4a: {  	_ =	shalt  }
0x4b: {  	_ =	shalt  }
0x4c: {  	_ =	shalt  }
0x4d: {  	_ =	shalt  }
0x4e: {  	_ =	shalt  }
0x4f: {  	_ =	shalt  }
0x50: {  	_ =	shalt  }
0x51: {  	_ =	shalt  }
0x52: {  	_ =	shalt  }
0x53: {  	_ =	shalt  }
0x54: {  	_ =	shalt  }
0x55: {  	_ =	shalt  }
0x56: {  	_ =	shalt  }
0x57: {  	_ =	shalt  }
0x58: {  	_ =	shalt  }
0x59: {  	_ =	shalt  }
0x5a: {  	_ =	shalt  }
0x5b: {  	_ =	shalt  }
0x5c: {  	_ =	shalt  }
0x5d: {  	_ =	shalt  }
0x5e: {  	_ =	shalt  }
0x5f: {  	_ =	shalt  }
0x60: {  	_ =	shalt  }
0x61: {  	_ =	shalt  }
0x62: {  	_ =	shalt  }
0x63: {  	_ =	shalt  }
0x64: {  	_ =	shalt  }
0x65: {  	_ =	shalt  }
0x66: {  	_ =	shalt  }
0x67: {  	_ =	shalt  }
0x68: {  	_ =	shalt  }
0x69: {  	_ =	shalt  }
0x6a: {  	_ =	shalt  }
0x6b: {  	_ =	shalt  }
0x6c: {  	_ =	shalt  }
0x6d: {  	_ =	shalt  }
0x6e: {  	_ =	shalt  }
0x6f: {  	_ =	shalt  }
0x70: {  	_ =	shalt  }
0x71: {  	_ =	shalt  }
0x72: {  	_ =	shalt  }
0x73: {  	_ =	shalt  }
0x74: {  	_ =	shalt  }
0x75: {  	_ =	shalt  }
0x76: {  	_ =	shalt  }
0x77: {  	_ =	shalt  }
0x78: {  	_ =	shalt  }
0x79: {  	_ =	shalt  }
0x7a: {  	_ =	shalt  }
0x7b: {  	_ =	shalt  }
0x7c: {  	_ =	shalt  }
0x7d: {  	_ =	shalt  }
0x7e: {  	_ =	shalt  }
0x7f: {  	_ =	shalt  }
0x80: {  	_ =	shalt  }
0x81: {  	_ =	shalt  }
0x82: {  	_ =	shalt  }
0x83: {  	_ =	shalt  }
0x84: {  	_ =	shalt  }
0x85: {  	_ =	shalt  }
0x86: {  	_ =	shalt  }
0x87: {  	_ =	shalt  }
.Lfunc_end0:
.L_simem_size_0:
called_computation.4_lowered:
.L_overlay_start_0:
0x88: {  	s2 =	sld [smem:$0x3FD9]  }
0x89: {  	s3 =	sld [smem:$0x3FFE];
	_ =	sdelay $0x1  }
0x8a: {  	s1 =	srdreg.scid  }
0x8b: {  	s0 =	sand.u32 $0x1, s1  }
0x8c: {  	s15 =	sshll.u32 s0, $0xA;
	s2 =	sadd.s32 s3, s2  }
0x8d: {  	s2 =	sadd.s32 s2, s15  }
0x8e: {  	[smem:$0x3F9C] =	sst s2  }
0x8f: {  	_ = 	snop  }
0x90: {  	s2 =	sld [smem:$0x3FD0];
	_ =	sdelay $0x2  }
0x91: {  	s16 =	simm.s32 $0xB;
	s4 =	simm.s32 $0x10  }
0x92: {  	[smem:s4], [sflag:s16] =	dma.local [hbm:s2], $0x1  }
0x93: {  	_ =	swait.eq [sflag:s16], $0x1  }
0x94: {  	[sflag:s16] =	ssyncset.done $0x0  }
0x95: {  	[sflag:s16] =	ssyncadd.s32 $0xFFFFFFFF  }
0x96: {  	s17 =	sld [smem:$0x14];
	(tm) =	ssettm $0x1  }
0x97: {  	s18 =	sld [smem:$0x3FFB];
	_ =	sdelay $0x3  }
0x98: {  	_ =	strace s18  }
0x99: {  	s2 =	sld [smem:$0x3FFC];
	_ =	sdelay $0x3  }
0x9a: {  	_ =	strace s2  }
0x9b: {  	s2 =	sld [smem:$0x3FFD];
	_ =	sdelay $0x3  }
0x9c: {  	_ =	strace s2  }
0x9d: {  	_ =	strace $0x8FFFFFFF  }
0x9e: {  	s19 =	sld [smem:$0x3FDB];
	_ =	sdelay $0x1  }
0x9f: {  	s20 =	simm.s32 $_scs_section_size  }
0xa0: {  	s5 =	simm.s32 $_size__tile_overlayer_lowered;
	s6 =	simm.s32 $_tile_overlayer_lowered  }
0xa1: {  	s7 =	simm.s32 $0x1BFF;
	s21 =	sshll.u32 s6, $0x1;
	s4 =	sadd.s32 s20, s19  }
0xa2: {  	s22 =	simm.s32 $0x0;
	s5 =	sshll.u32 s5, $0x1;
	s6 =	sadd.s32 s21, s4  }
0xa3: {  	[timem:s22], [sflag:s7] =	dma.local [hbm:s6], s5  }
0xa4: {  	_ =	swait.ge [sflag:s7], s5  }
0xa5: {  	s5 =	ssub.s32 $0x0, s5;
	[sflag:s7] =	ssyncset.done $0x0  }
0xa6: {  	[sflag:s7] =	ssyncadd.s32 s5;
	_ =	sdelay $0x1  }
0xa7: {  	s23 =	simm.s32 $0x1B8B  }
0xa8: {  	_ =	swait.ge [sflag:s23], $0x1  }
0xa9: {  	[sflag:s23] =	ssyncset.done $0x0  }
0xaa: {  	[sflag:s23] =	ssyncadd.s32 $0xFFFFFFFF  }
0xab: {  	s5 =	sld [smem:$0x0]  }
0xac: {  	s6 =	sand.u32 $0xFFFFFFFE, s1  }
0xad: {  	p0 =	sne.s32 s1, s6  }
0xae: {  	s6 =	sshll.u32 @p0 s6, $0xE  }
0xaf: {  	s6 =	sadd.s32 @p0 $0x11B8D, s6;
	s7 =	sshll.u32 @p0 s5, $0x11  }
0xb0: {  	s6 =	sor.u32 @p0 s7, s6  }
0xb1: {  	[sflag:s6] =	ssyncadd.remote.s32 @p0 $0x1;
	_ =	sdelay $0x1  }
0xb2: {  	s6 =	simm.s32 @p0 $0x1B8D  }
0xb3: {  	_ =	swait.eq @p0 [sflag:s6], $0x1  }
0xb4: {  	[sflag:s6] =	ssyncadd.s32 @p0 $0xFFFFFFFF  }
0xb5: {  	s7 =	sshll.u32 @!p0 s1, $0xE  }
0xb6: {  	s7 =	sor.u32 @!p0 $0x4000, s7;
	s6 =	simm.s32 @!p0 $0x1B8D  }
0xb7: {  	s5 =	sshll.u32 @!p0 s5, $0x11;
	s7 =	sadd.s32 @!p0 $0x11B8D, s7;
	_ =	swait.eq @!p0 [sflag:s6], $0x1  }
0xb8: {  	s5 =	sor.u32 @!p0 s5, s7;
	[sflag:s6] =	ssyncadd.s32 @!p0 $0xFFFFFFFF  }
0xb9: {  	s25 =	simm.s32 $0x1B8E;
	s24 =	sld [smem:$0x3FFE];
	[sflag:s5] =	ssyncadd.remote.s32 @!p0 $0x1  }
0xba: {  	s26 =	simm.s32 $execute0_lowered;
	[smem:$0x3FD2] =	sst s25  }
0xbb: {  	s6 =	sshll.u32 s26, $0x1;
	_ =	strace $0x80000052;
	[dreg:$0x1] =	wrdreg $0xFFFFFFFF  }
0xbc: {  	s28 =	simm.s32 $_size_execute0_lowered;
	s4 =	sadd.s32 s4, s6;
	[dreg:$0x0] =	wrdreg $0x0  }
0xbd: {  	s6 =	sshll.u32 s28, $0x1;
	[dreg:$0x2] =	wrdreg s4  }
0xbe: {  	[dreg:$0x3] =	wrdreg s6  }
0xbf: {  	[dreg:$0x4] =	wrdreg $0xC0  }
0xc0: {  	_ =	task [dreg:s22], $0x5FFFF  }
0xc1: {  	[dreg:$0x1] =	wrdreg $0xFFFFFFFF  }
0xc2: {  	[dreg:$0x0] =	wrdreg $0x60  }
0xc3: {  	[dreg:$0x2] =	wrdreg s24  }
0xc4: {  	[dreg:$0x3] =	wrdreg s17  }
0xc5: {  	[dreg:$0x4] =	wrdreg $0x6F000  }
0xc6: {  	[dreg:$0x5] =	wrdreg $0xA  }
0xc7: {  	_ =	task.clear_ibuf [dreg:s22], $0x6FFFF;
	_ =	strace $0x90000052  }
0xc8: {  	s29 =	simm.s32 $0xA;
	_ =	strace $0x80000054  }
0xc9: {  	_ =	swait.ge [sflag:s29], $0x1  }
0xca: {  	[sflag:s29] =	ssyncadd.s32 $0xFFFFFFFF  }
0xcb: {  	_ =	strace $0x90000054  }
0xcc: {  	_ =	sfence  }
0xcd: {  	s30 =	sld [smem:$0x0];
	_ =	sdelay $0x2  }
0xce: {  	s31 =	sshll.u32 s1, $0xD;
	s1 =	sshrl.u32 s1, $0x2  }
0xcf: {  	s4 =	sand.u32 $0x4000, s31;
	s1 =	sadd.s32 s1, s30  }
0xd0: {  	s0 =	sor.u32 s4, s0;
	s1 =	sshll.u32 s1, $0x11  }
0xd1: {  	s0 =	sor.u32 s1, s0  }
0xd2: {  	s0 =	sadd.s32 $0x8F2B, s0  }
0xd3: {  	[sflag:s0] =	ssyncadd.remote.s32 $0x1  }
0xd4: {  	_ =	sfence.sel $0xFFFF  }
0xd5: {  	[dreg:$0x0] =	wrdreg $0xFFFFFFFF;
	(pc) =	sbr.abs _section_cstart, $3  }
0xd6: {  	[dreg:$0x1] =	wrdreg $0xFFFFFFFF  }
0xd7: {  	_ =	task.clear_ibuf [dreg:s22], $0x2FFFF;
	_ =	strace $0x9FFFFFFF  }
0xd8: {  	(tm) =	ssettm $0x7FFFFFFF  }
0xd9: {  	_ =	shalt  }
tec
execute0_lowered:
.L_overlay_start_1:
0x0: {  	(tag) =	ssettag $0x1  }
0x1: {  	s5 =	rddreg [dreg:$0x0]  }
0x2: {  	s2 =	rddreg [dreg:$0x1]  }
0x3: {  	s3 =	rddreg [dreg:$0x2];
	s4 =	srdreg.scid  }
0x4: {  	s1 =	stileid.u32;
	s0 =	rddreg [dreg:$0x3];
	s14 =	simm.s32 $0x2  }
0x5: {  	s15 =	simm.s32 $0x2780;
	s16 =	simm.s32 $0x4F00;
	s17 =	simm.s32 $0x80  }
0x6: {  	s18 =	simm.s32 $0x1;
	s21 =	simm.s32 $0x0;
	s7 =	smul.u32 $0xA000, s1  }
0x7: {  	s6 =	sand.u32 $0x1, s4;
	s4 =	simm.s32 $0x0;
	s10 =	smul.u32 $0x28000, s1  }
0x8: {  	s8 =	sshll.u32 s1, $0x1;
	s19 =	sshll.u32 s1, $0x6;
	s9 =	smul.u32 $0xA0000, s6  }
0x9: {  	[smem:$0x7FF] =	sst s4;
	s8 =	sor.u32 s6, s8;
	s6 =	ssub.s32 $0x2, s6  }
0xa: {  	s19 =	sor.u32 $0x1C02, s19;
	_ =	strace $0x80000053;
	s8 =	smul.u32 $0x4F0, s8  }
0xb: {  	s30 =	sshrl.u32 s6, $0x1;
	s31 =	sshrl.u32 s10, $0x2;
	s9 =	sadd.s32 s7, s9  }
0xc: {  	s13 =	ssub.s32 s6, s30;
	s7 =	sadd.s32 s7, s3;
	s11 =	sadd.s32 s31, s3  }
0xd: {  	s9 =	sshrl.u32 s9, $0x3;
	s8 =	sadd.s32 s8, s5;
	s10 =	sadd.s32 $0x6000, s11  }
0xe: {  	s13 =	smax.u32 s13, $0x1;
	s20 =	sshrl.u32 s7, $0x3;
	s12 =	sadd.s32 s9, s5  }
0xf: {  	s5 =	sadd.s32 $0x69600, s8;
	s6 =	sadd.s32 $0x11400, s8;
	s8 =	sadd.s32 $0x2000, s11  }
0x10: {  	v0 =	vimm.f32 $0.0e+00;
	s9 =	sadd.s32 $0x4000, s11;
	s11 =	sadd.s32 $0x8000, s11;
	s12 =	sadd.s32 $0x24E000, s12  }
.LBB2_1:
0x11: {  	[tilespmem:s4], [sflag:$0x2] =	stream.linear.gather [hbm4b:s5+s4], $0x2780, $0x38;
	[tilespmem:$0x10F00] =	vst v63  }
0x12: {  	_ =	swait.ge [sflag:s14], $0x2780  }
0x13: {  	[sflag:s14] =	ssyncset.done $0x0  }
0x14: {  	[sflag:s14] =	ssyncadd.s32 $0xFFFFD880  }
0x15: {  	[tilespmem:s15], [sflag:$0x2] =	stream.linear.gather [hbm4b:s6+s4], $0x2780, $0x38;
	[tilespmem:$0x10F00] =	vst v63  }
0x16: {  	_ =	swait.ge [sflag:s14], $0x2780  }
0x17: {  	[sflag:s14] =	ssyncset.done $0x0  }
0x18: {  	s23 =	simm.s32 $0x100;
	s22 =	simm.s32 $0x0;
	[sflag:s14] =	ssyncadd.s32 $0xFFFFD880  }
.LBB2_2:
0x19: {  	p0 =	sne.s32 s23, $0x7F00;
	[tilespmem:s22+$0x4F30] =	vst v0;
	s24 =	smov.u32 s23;
	s23 =	sadd.s32 $0x100, s23  }
.Ltmp0:
0x1a: {  	[tilespmem:s22+$0x4F20] =	vst v0;
	(pc) =	sbr.rel @p0 .LBB2_2-.Ltmp0, $3  }
0x1b: {  	[tilespmem:s22+$0x4F00] =	vst v0  }
0x1c: {  	[tilespmem:s22+$0x4F10] =	vst v0;
	_ =	sdelay $0x1  }
0x1d: {  	s22 =	sshra.s32 s24, $0x2  }
0x1e: {  	[tilespmem:s22+$0x4F30] =	vst v0  }
0x1f: {  	[tilespmem:s22+$0x4F20] =	vst v0  }
0x20: {  	[tilespmem:s22+$0x4F00] =	vst v0  }
0x21: {  	[tilespmem:s22+$0x4F10] =	vst v0  }
0x22: {  	[spmem:s7] =	stream.linear.scatter [tilespmem:s16], [sflag:$0x2], $0x2000, $0x38;
	[tilespmem:$0x10F00] =	vst v63  }
0x23: {  	_ =	swait.ge [sflag:s14], $0x2000  }
0x24: {  	[sflag:s14] =	ssyncset.done $0x0  }
0x25: {  	[sflag:s14] =	ssyncadd.s32 $0xFFFFE000  }
0x26: {  	[spmem:s8] =	stream.linear.scatter [tilespmem:s16], [sflag:$0x2], $0x2000, $0x38;
	[tilespmem:$0x10F00] =	vst v63  }
0x27: {  	_ =	swait.ge [sflag:s14], $0x2000  }
0x28: {  	[sflag:s14] =	ssyncset.done $0x0  }
0x29: {  	[sflag:s14] =	ssyncadd.s32 $0xFFFFE000  }
0x2a: {  	[spmem:s9] =	stream.linear.scatter [tilespmem:s16], [sflag:$0x2], $0x2000, $0x38;
	[tilespmem:$0x10F00] =	vst v63  }
0x2b: {  	_ =	swait.ge [sflag:s14], $0x2000  }
0x2c: {  	[sflag:s14] =	ssyncset.done $0x0  }
0x2d: {  	[sflag:s14] =	ssyncadd.s32 $0xFFFFE000  }
0x2e: {  	[spmem:s10] =	stream.linear.scatter [tilespmem:s16], [sflag:$0x2], $0x2000, $0x38;
	[tilespmem:$0x10F00] =	vst v63  }
0x2f: {  	_ =	swait.ge [sflag:s14], $0x2000  }
0x30: {  	[sflag:s14] =	ssyncset.done $0x0  }
0x31: {  	[sflag:s14] =	ssyncadd.s32 $0xFFFFE000  }
0x32: {  	[spmem:s11] =	stream.linear.scatter [tilespmem:s16], [sflag:$0x2], $0x2000, $0x38;
	[tilespmem:$0x10F00] =	vst v63  }
0x33: {  	_ =	swait.ge [sflag:s14], $0x2000  }
0x34: {  	[sflag:s14] =	ssyncset.done $0x0  }
0x35: {  	[sflag:s14] =	ssyncadd.s32 $0xFFFFE000  }
0x36: {  	s30 =	simm.s32 $0x0;
	[bflag:$0x0] =	sbarrier.arrive $0xFFFF  }
0x37: {  	[tilespmem:s16], [sflag:$0x1] =	stream.indirect.gather [hbm4b:s2+s17], $0x40, s30, s17, $0xb8;
	[tilespmem:$0x10F00] =	vst v63  }
0x38: {  	_ =	swait.ge [sflag:s18], $0x2000  }
0x39: {  	[sflag:s18] =	ssyncset.done $0x0  }
0x3a: {  	s31 =	simm.s32 $0x2780;
	[sflag:s18] =	ssyncadd.s32 $0xFFFFE000  }
0x3b: {  	[spmem:s3] =	stream.indirect.scatter.add.f32 [tilespmem:s16], [sflag:$0x2], $0x40, s31, s17, $0xb8;
	[tilespmem:$0x10F00] =	vst v63  }
0x3c: {  	_ =	swait.ge [sflag:s14], $0x2000  }
0x3d: {  	s22 =	simm.s32 $0x200;
	s23 =	simm.s32 $0x400;
	[sflag:s14] =	ssyncset.done $0x0  }
.LBB2_4:
0x3e: {  	s24 =	sshra.s32 s22, $0x2  }
0x3f: {  	[sflag:s14] =	ssyncadd.s32 $0xFFFFE000;
	s22 =	smov.u32 s23;
	s25 =	sadd.s32 $0x200, s23  }
0x40: {  	[tilespmem:s16], [sflag:$0x1] =	stream.indirect.gather [hbm4b:s2+s17], $0x40, s24, s17, $0xb8;
	[tilespmem:$0x10F00] =	vst v63  }
0x41: {  	p0 =	sne.s32 s23, $0x9C00;
	_ =	swait.ge [sflag:s18], $0x2000  }
.Ltmp1:
0x42: {  	[sflag:s18] =	ssyncset.done $0x0;
	(pc) =	sbr.rel @p0 .LBB2_4-.Ltmp1, $4  }
0x43: {  	s23 =	sadd.s32 $0x2780, s24;
	[sflag:s18] =	ssyncadd.s32 $0xFFFFE000  }
0x44: {  	[spmem:s3] =	stream.indirect.scatter.add.f32 [tilespmem:s16], [sflag:$0x2], $0x40, s23, s17, $0xb8;
	[tilespmem:$0x10F00] =	vst v63  }
0x45: {  	_ =	swait.ge [sflag:s14], $0x2000  }
0x46: {  	s23 =	smov.u32 s25;
	[sflag:s14] =	ssyncset.done $0x0  }
0x47: {  	s22 =	sshra.s32 s22, $0x2;
	[sflag:s14] =	ssyncadd.s32 $0xFFFFE000  }
0x48: {  	[tilespmem:s16], [sflag:$0x1] =	stream.indirect.gather [hbm4b:s2+s17], $0x40, s22, s17, $0xb8;
	[tilespmem:$0x10F00] =	vst v63  }
0x49: {  	_ =	swait.ge [sflag:s18], $0x2000  }
0x4a: {  	[sflag:s18] =	ssyncset.done $0x0  }
0x4b: {  	s22 =	sadd.s32 $0x2780, s22;
	[sflag:s18] =	ssyncadd.s32 $0xFFFFE000  }
0x4c: {  	[spmem:s3] =	stream.indirect.scatter.add.f32 [tilespmem:s16], [sflag:$0x2], $0x40, s22, s17, $0xb8;
	[tilespmem:$0x10F00] =	vst v63  }
0x4d: {  	_ =	swait.ge [sflag:s14], $0x2000  }
0x4e: {  	[sflag:s14] =	ssyncset.done $0x0  }
0x4f: {  	s21 =	sadd.s32 $0x1, s21;
	[sflag:s14] =	ssyncadd.s32 $0xFFFFE000  }
0x50: {  	p0 =	sne.s32 s21, s13;
	[bflag:$0x0] =	sbarrier.arrive $0xFFFF  }
0x51: {  	[hbm:s12], [sflag:s19] =	dma.local [spmem:s20], $0x1400  }
.Ltmp2:
0x52: {  	_ =	swait.ge [sflag:s14], $0x1400;
	(pc) =	sbr.rel @p0 .LBB2_1-.Ltmp2, $3  }
0x53: {  	[sflag:s14] =	ssyncset.done $0x0  }
0x54: {  	[sflag:s14] =	ssyncadd.s32 $0xFFFFEC00  }
0x55: {  	[bflag:$0x0] =	sbarrier.arrive $0xFFFF;
	_ =	sdelay $0x1  }
0x56: {  	_ =	sfence.sel $0x180000  }
0x57: {  	[bflag:$0x0] =	sbarrier.arrive $0xFFFF  }
0x58: {  	p0 =	sne.s32 s1, $0x0;
	_ =	strace $0x90000053  }
0x59: {  	s0 =	sadd.s32 @!p0 $0x100000, s0;
	[bflag:$0x2] =	sbarrier.arrive $0xFFFF  }
0x5a: {  	[sflag:s0] =	ssyncadd.tile.s32 @!p0 $0x1;
	_ =	shalt  }
.Lfunc_end2:
_tile_overlayer_lowered:
.L_overlay_start_2:
0x5b: {  	(tag) =	ssettag $0x2  }
0x5c: {  	s0 =	rddreg [dreg:$0x0];
	s2 =	stileid.u32  }
0x5d: {  	s1 =	rddreg [dreg:$0x1];
	p0 =	sne.s32 s2, $0x0  }
0x5e: {  	s3 =	rddreg [dreg:$0x2];
	[bflag:$0x3] =	sbarrier.arrive $0xFFFF;
	s2 =	simm.s32 @!p0 $0x1C02  }
0x5f: {  	[timem:s3], [sflag:s2] =	dma.local @!p0 [hbm:s0], s1  }
0x60: {  	s0 =	simm.s32 @!p0 $0x2  }
0x61: {  	_ =	swait.ge @!p0 [sflag:s0], s1  }
0x62: {  	s1 =	ssub.s32 @!p0 $0x0, s1;
	[sflag:s0] =	ssyncset.done @!p0 $0x0  }
0x63: {  	[sflag:s0] =	ssyncadd.s32 @!p0 s1  }
0x64: {  	[bflag:$0x3] =	sbarrier.arrive $0xFFFF  }
0x65: {  	_ =	shalt  }

// kernel: kernel.34.cloned.1.call-start
scs
__scs_entry_jumppad:
0x0: {  	(pc) =	sbr.rel $0x88, $3  }
0x1: {  	(tag) =	ssettag $0x0;
	lr =	simm.s32 $0x1  }
0x2: {  	[smem:$0x3F75] =	sst lr;
	_ =	strace $0xD0000000  }
0x3: {  	_ = 	snop  }
0x4: {  	_ = 	snop  }
0x5: {  	_ = 	snop  }
0x6: {  	_ = 	snop  }
0x7: {  	_ = 	snop  }
__scs_overlays_trampoline_lowered:
0x8: {  	[smem:$0x3F84] =	sst s0  }
0x9: {  	[smem:$0x3F85] =	sst s1  }
0xa: {  	[smem:$0x3F86] =	sst s2  }
0xb: {  	[smem:$0x3F87] =	sst s3  }
0xc: {  	[smem:$0x3F88] =	sst s4  }
0xd: {  	[smem:$0x3F89] =	sst s5  }
0xe: {  	[smem:$0x3F8A] =	sst s6  }
0xf: {  	[smem:$0x3F8B] =	sst s7  }
0x10: {  	[smem:$0x3F8C] =	sst s8  }
0x11: {  	[smem:$0x3F8D] =	sst s9;
	s0 =	simm.s32 @!p0 $0x0  }
0x12: {  	s1 =	sld [smem:$0x3F73];
	s0 =	simm.s32 @p0 $0x1  }
0x13: {  	[smem:$0x3F8E] =	sst s0;
	s0 =	simm.s32 @!p1 $0x0  }
0x14: {  	s2 =	sld [smem:$0x3F72];
	s0 =	simm.s32 @p1 $0x1  }
0x15: {  	[smem:$0x3F8F] =	sst s0;
	s0 =	simm.s32 @!p2 $0x0  }
0x16: {  	s3 =	sld [smem:$0x3FDB];
	s0 =	simm.s32 @p2 $0x1  }
0x17: {  	s4 =	simm.s32 $0x1BF5;
	[smem:$0x3F91] =	sst s0  }
0x18: {  	s0 =	sld [smem:$0x3F74];
	_ =	swait.ge [sflag:s4], $0x0  }
0x19: {  	s7 =	sld [smem:$0x3F75]  }
0x1a: {  	s8 =	sadd.s32 $0xFFFFE003, lr  }
0x1b: {  	s9 =	sadd.s32 $0xFFFFFEF7, lr;
	s5 =	simm.s32 $0xFFFFFFFF;
	p2 =	slt.u32 s8, $0xFFFFF086  }
0x1c: {  	p1 =	slt.u32 s9, $0xF7A;
	s5 =	simm.s32 @!p2 $0x0  }
0x1d: {  	s5 =	simm.s32 @p1 $0x1;
	p0 =	seq.s32 s7, s2  }
0x1e: {  	s7 =	smul.u32 @!p0 $0xF7A, s2;
	p2 =	seq.s32 @!p0 s5, $0x0  }
0x1f: {  	s9 =	smul.u32 $0xF7A, s1;
	s8 =	simm.s32 @!p0 $0x1BF5;
	p2 =	por !p2, p0  }
0x20: {  	[sflag:s8] =	ssyncset.s32 @!p0 $0xFFFFF086;
	s6 =	sadd.s32 @!p0 s3, s7;
	s7 =	simm.s32 @!p0 $0x108  }
0x21: {  	s3 =	sadd.s32 s3, s9;
	s6 =	sadd.s32 @!p0 $0x88, s6;
	s7 =	simm.s32 @p2 $0x1082  }
0x22: {  	[simem:s7], [sflag:s8] =	dma.local @!p0 [hbm:s6], $0xF7A  }
0x23: {  	s9 =	sor.u32 $0xD0000000, s2;
	s6 =	simm.s32 $0x108;
	_ =	swait.ge @!p0 [sflag:s8], $0x0  }
0x24: {  	s3 =	sadd.s32 $0x88, s3;
	s6 =	simm.s32 @!p1 $0x1082;
	[sflag:s4] =	ssyncset.s32 $0xFFFFF086  }
0x25: {  	[simem:s6], [sflag:s4] =	dma.local [hbm:s3], $0xF7A  }
0x26: {  	[smem:$0x3F75] =	sst s1;
	(tag) =	ssettag s2;
	_ =	strace s9  }
0x27: {  	s1 =	sld [smem:$0x3F85]  }
0x28: {  	s2 =	sld [smem:$0x3F86]  }
0x29: {  	s4 =	sld [smem:$0x3F88]  }
0x2a: {  	p0 =	seq.s32 s5, $0x0;
	s5 =	sld [smem:$0x3F89]  }
0x2b: {  	s6 =	sld [smem:$0x3F8A]  }
0x2c: {  	s7 =	sld [smem:$0x3F8B]  }
0x2d: {  	s3 =	simm.s32 $0x108;
	s8 =	sld [smem:$0x3F8C]  }
0x2e: {  	s3 =	simm.s32 @!p0 $0x1082;
	s9 =	sld [smem:$0x3F8D]  }
0x2f: {  	lr =	sadd.s32 s0, s3;
	s0 =	sld [smem:$0x3F84]  }
0x30: {  	s3 =	sld [smem:$0x3F87]  }
0x31: {  	[smem:$0x3F90] =	sst s10  }
0x32: {  	s10 =	sld [smem:$0x3F8E];
	_ =	sdelay $0x3  }
0x33: {  	p0 =	seq.s32 s10, $0x1;
	s10 =	sld [smem:$0x3F90];
	_ =	sdelay $0x3  }
0x34: {  	[smem:$0x3F90] =	sst s10  }
0x35: {  	s10 =	sld [smem:$0x3F8F];
	_ =	sdelay $0x3  }
0x36: {  	p1 =	seq.s32 s10, $0x1;
	s10 =	sld [smem:$0x3F90];
	_ =	sdelay $0x3  }
0x37: {  	[smem:$0x3F90] =	sst s10  }
0x38: {  	s10 =	sld [smem:$0x3F91]  }
0x39: {  	_ = 	snop;
	(pc) =	sbr.ind lr, $3  }
0x3a: {  	_ = 	snop  }
0x3b: {  	_ = 	snop  }
0x3c: {  	p2 =	seq.s32 s10, $0x1;
	s10 =	sld [smem:$0x3F90]  }
0x3d: {  	_ =	shalt  }
0x3e: {  	_ =	shalt  }
0x3f: {  	_ =	shalt  }
0x40: {  	_ =	shalt  }
0x41: {  	_ =	shalt  }
0x42: {  	_ =	shalt  }
0x43: {  	_ =	shalt  }
0x44: {  	_ =	shalt  }
0x45: {  	_ =	shalt  }
0x46: {  	_ =	shalt  }
0x47: {  	_ =	shalt  }
0x48: {  	_ =	shalt  }
0x49: {  	_ =	shalt  }
0x4a: {  	_ =	shalt  }
0x4b: {  	_ =	shalt  }
0x4c: {  	_ =	shalt  }
0x4d: {  	_ =	shalt  }
0x4e: {  	_ =	shalt  }
0x4f: {  	_ =	shalt  }
0x50: {  	_ =	shalt  }
0x51: {  	_ =	shalt  }
0x52: {  	_ =	shalt  }
0x53: {  	_ =	shalt  }
0x54: {  	_ =	shalt  }
0x55: {  	_ =	shalt  }
0x56: {  	_ =	shalt  }
0x57: {  	_ =	shalt  }
0x58: {  	_ =	shalt  }
0x59: {  	_ =	shalt  }
0x5a: {  	_ =	shalt  }
0x5b: {  	_ =	shalt  }
0x5c: {  	_ =	shalt  }
0x5d: {  	_ =	shalt  }
0x5e: {  	_ =	shalt  }
0x5f: {  	_ =	shalt  }
0x60: {  	_ =	shalt  }
0x61: {  	_ =	shalt  }
0x62: {  	_ =	shalt  }
0x63: {  	_ =	shalt  }
0x64: {  	_ =	shalt  }
0x65: {  	_ =	shalt  }
0x66: {  	_ =	shalt  }
0x67: {  	_ =	shalt  }
0x68: {  	_ =	shalt  }
0x69: {  	_ =	shalt  }
0x6a: {  	_ =	shalt  }
0x6b: {  	_ =	shalt  }
0x6c: {  	_ =	shalt  }
0x6d: {  	_ =	shalt  }
0x6e: {  	_ =	shalt  }
0x6f: {  	_ =	shalt  }
0x70: {  	_ =	shalt  }
0x71: {  	_ =	shalt  }
0x72: {  	_ =	shalt  }
0x73: {  	_ =	shalt  }
0x74: {  	_ =	shalt  }
0x75: {  	_ =	shalt  }
0x76: {  	_ =	shalt  }
0x77: {  	_ =	shalt  }
0x78: {  	_ =	shalt  }
0x79: {  	_ =	shalt  }
0x7a: {  	_ =	shalt  }
0x7b: {  	_ =	shalt  }
0x7c: {  	_ =	shalt  }
0x7d: {  	_ =	shalt  }
0x7e: {  	_ =	shalt  }
0x7f: {  	_ =	shalt  }
0x80: {  	_ =	shalt  }
0x81: {  	_ =	shalt  }
0x82: {  	_ =	shalt  }
0x83: {  	_ =	shalt  }
0x84: {  	_ =	shalt  }
0x85: {  	_ =	shalt  }
0x86: {  	_ =	shalt  }
0x87: {  	_ =	shalt  }
.Lfunc_end0:
.L_simem_size_0:
called_computation.5_lowered:
.L_overlay_start_0:
0x88: {  	s2 =	sld [smem:$0x3FD9]  }
0x89: {  	s3 =	sld [smem:$0x3FFE];
	_ =	sdelay $0x1  }
0x8a: {  	s1 =	srdreg.scid  }
0x8b: {  	s0 =	sand.u32 $0x1, s1  }
0x8c: {  	s14 =	sshll.u32 s0, $0xA;
	s2 =	sadd.s32 s3, s2  }
0x8d: {  	s2 =	sadd.s32 s2, s14  }
0x8e: {  	[smem:$0x3F9C] =	sst s2  }
0x8f: {  	_ = 	snop  }
0x90: {  	s2 =	sld [smem:$0x3FD0];
	_ =	sdelay $0x2  }
0x91: {  	s15 =	simm.s32 $0xB;
	s4 =	simm.s32 $0x10  }
0x92: {  	[smem:s4], [sflag:s15] =	dma.local [hbm:s2], $0x1  }
0x93: {  	_ =	swait.eq [sflag:s15], $0x1  }
0x94: {  	[sflag:s15] =	ssyncset.done $0x0  }
0x95: {  	[sflag:s15] =	ssyncadd.s32 $0xFFFFFFFF  }
0x96: {  	s16 =	sld [smem:$0x14];
	(tm) =	ssettm $0x1  }
0x97: {  	s17 =	sld [smem:$0x3FFB];
	_ =	sdelay $0x3  }
0x98: {  	_ =	strace s17  }
0x99: {  	s3 =	sld [smem:$0x3FFC];
	_ =	sdelay $0x3  }
0x9a: {  	_ =	strace s3  }
0x9b: {  	s3 =	sld [smem:$0x3FFD];
	_ =	sdelay $0x3  }
0x9c: {  	_ =	strace s3  }
0x9d: {  	_ =	strace $0x8FFFFFFF  }
0x9e: {  	s18 =	sld [smem:$0x3FDB];
	_ =	sdelay $0x1  }
0x9f: {  	s19 =	simm.s32 $_scs_section_size  }
0xa0: {  	s5 =	simm.s32 $_size__tile_overlayer_lowered;
	s6 =	simm.s32 $_tile_overlayer_lowered  }
0xa1: {  	s22 =	simm.s32 $0x1BFF;
	s21 =	sshll.u32 s6, $0x1;
	s3 =	sadd.s32 s19, s18  }
0xa2: {  	s7 =	simm.s32 $0x0;
	s20 =	sshll.u32 s5, $0x1;
	s5 =	sadd.s32 s21, s3  }
0xa3: {  	[timem:s7], [sflag:s22] =	dma.local [hbm:s5], s20  }
0xa4: {  	_ =	swait.ge [sflag:s22], s20  }
0xa5: {  	s4 =	ssub.s32 $0x0, s20;
	[sflag:s22] =	ssyncset.done $0x0  }
0xa6: {  	[sflag:s22] =	ssyncadd.s32 s4;
	_ =	sdelay $0x1  }
0xa7: {  	s23 =	simm.s32 $0x1B8B  }
0xa8: {  	_ =	swait.ge [sflag:s23], $0x1  }
0xa9: {  	[sflag:s23] =	ssyncset.done $0x0  }
0xaa: {  	s25 =	simm.s32 $0x1B8E;
	s24 =	sld [smem:$0x3FFE];
	[sflag:s23] =	ssyncadd.s32 $0xFFFFFFFF  }
0xab: {  	s26 =	simm.s32 $execute0_lowered;
	[smem:$0x3FD2] =	sst s25  }
0xac: {  	s5 =	sshll.u32 s26, $0x1;
	_ =	strace $0x80000055;
	[dreg:$0x1] =	wrdreg $0xFFFFFFFF  }
0xad: {  	s28 =	simm.s32 $_size_execute0_lowered;
	s3 =	sadd.s32 s3, s5;
	[dreg:$0x0] =	wrdreg $0x0  }
0xae: {  	s5 =	sshll.u32 s28, $0x1;
	[dreg:$0x2] =	wrdreg s3  }
0xaf: {  	[dreg:$0x3] =	wrdreg s5  }
0xb0: {  	[dreg:$0x4] =	wrdreg $0xC0  }
0xb1: {  	_ =	task [dreg:s7], $0x5FFFF  }
0xb2: {  	[dreg:$0x1] =	wrdreg $0xFFFFFFFF  }
0xb3: {  	[dreg:$0x0] =	wrdreg $0x60  }
0xb4: {  	[dreg:$0x2] =	wrdreg s24  }
0xb5: {  	[dreg:$0x3] =	wrdreg s16  }
0xb6: {  	[dreg:$0x4] =	wrdreg $0x6F000  }
0xb7: {  	[dreg:$0x5] =	wrdreg $0x9  }
0xb8: {  	_ =	task.clear_ibuf [dreg:s7], $0x6FFFF;
	_ =	strace $0x90000055  }
0xb9: {  	s29 =	simm.s32 $0x9;
	_ =	strace $0x80000057  }
0xba: {  	_ =	swait.ge [sflag:s29], $0x1  }
0xbb: {  	[sflag:s29] =	ssyncadd.s32 $0xFFFFFFFF  }
0xbc: {  	_ =	strace $0x90000057  }
0xbd: {  	_ =	sfence  }
0xbe: {  	s30 =	sld [smem:$0x0];
	_ =	sdelay $0x2  }
0xbf: {  	s31 =	sshll.u32 s1, $0xD;
	s1 =	sshrl.u32 s1, $0x2  }
0xc0: {  	s3 =	sand.u32 $0x4000, s31;
	s1 =	sadd.s32 s1, s30  }
0xc1: {  	s0 =	sor.u32 s3, s0;
	s1 =	sshll.u32 s1, $0x11  }
0xc2: {  	s0 =	sor.u32 s1, s0  }
0xc3: {  	s0 =	sadd.s32 $0x8F2B, s0  }
0xc4: {  	[sflag:s0] =	ssyncadd.remote.s32 $0x1  }
0xc5: {  	_ =	sfence.sel $0xFFFF  }
0xc6: {  	[dreg:$0x0] =	wrdreg $0xFFFFFFFF;
	(pc) =	sbr.abs _section_cstart, $3  }
0xc7: {  	[dreg:$0x1] =	wrdreg $0xFFFFFFFF  }
0xc8: {  	_ =	task.clear_ibuf [dreg:s7], $0x2FFFF;
	_ =	strace $0x9FFFFFFF  }
0xc9: {  	(tm) =	ssettm $0x7FFFFFFF  }
tec
execute0_lowered:
.L_overlay_start_1:
0x0: {  	(tag) =	ssettag $0x1  }
0x1: {  	s5 =	rddreg [dreg:$0x0]  }
0x2: {  	s2 =	rddreg [dreg:$0x1]  }
0x3: {  	s3 =	rddreg [dreg:$0x2];
	s4 =	srdreg.scid  }
0x4: {  	s1 =	stileid.u32;
	s0 =	rddreg [dreg:$0x3];
	s14 =	simm.s32 $0x2  }
0x5: {  	s15 =	simm.s32 $0x2780;
	s16 =	simm.s32 $0x4F00;
	s17 =	simm.s32 $0x80  }
0x6: {  	s18 =	simm.s32 $0x1;
	s21 =	simm.s32 $0x0;
	s7 =	smul.u32 $0xA000, s1  }
0x7: {  	s6 =	sand.u32 $0x1, s4;
	s4 =	simm.s32 $0x0;
	s10 =	smul.u32 $0x28000, s1  }
0x8: {  	s8 =	sshll.u32 s1, $0x1;
	s19 =	sshll.u32 s1, $0x6;
	s9 =	smul.u32 $0xA0000, s6  }
0x9: {  	[smem:$0x7FF] =	sst s4;
	s8 =	sor.u32 s6, s8;
	s6 =	ssub.s32 $0x2, s6  }
0xa: {  	s19 =	sor.u32 $0x1C02, s19;
	_ =	strace $0x80000056;
	s8 =	smul.u32 $0x4F0, s8  }
0xb: {  	s30 =	sshrl.u32 s6, $0x1;
	s31 =	sshrl.u32 s10, $0x2;
	s9 =	sadd.s32 s7, s9  }
0xc: {  	s13 =	ssub.s32 s6, s30;
	s7 =	sadd.s32 s7, s3;
	s11 =	sadd.s32 s31, s3  }
0xd: {  	s9 =	sshrl.u32 s9, $0x3;
	s8 =	sadd.s32 s8, s5;
	s10 =	sadd.s32 $0x6000, s11  }
0xe: {  	s13 =	smax.u32 s13, $0x1;
	s20 =	sshrl.u32 s7, $0x3;
	s12 =	sadd.s32 s9, s5  }
0xf: {  	s5 =	sadd.s32 $0x69600, s8;
	s6 =	sadd.s32 $0x11400, s8;
	s8 =	sadd.s32 $0x2000, s11  }
0x10: {  	v0 =	vimm.f32 $0.0e+00;
	s9 =	sadd.s32 $0x4000, s11;
	s11 =	sadd.s32 $0x8000, s11;
	s12 =	sadd.s32 $0x1AE000, s12  }
.LBB2_1:
0x11: {  	[tilespmem:s4], [sflag:$0x2] =	stream.linear.gather [hbm4b:s5+s4], $0x2780, $0x38;
	[tilespmem:$0x10F00] =	vst v63  }
0x12: {  	_ =	swait.ge [sflag:s14], $0x2780  }
0x13: {  	[sflag:s14] =	ssyncset.done $0x0  }
0x14: {  	[sflag:s14] =	ssyncadd.s32 $0xFFFFD880  }
0x15: {  	[tilespmem:s15], [sflag:$0x2] =	stream.linear.gather [hbm4b:s6+s4], $0x2780, $0x38;
	[tilespmem:$0x10F00] =	vst v63  }
0x16: {  	_ =	swait.ge [sflag:s14], $0x2780  }
0x17: {  	[sflag:s14] =	ssyncset.done $0x0  }
0x18: {  	s23 =	simm.s32 $0x100;
	s22 =	simm.s32 $0x0;
	[sflag:s14] =	ssyncadd.s32 $0xFFFFD880  }
.LBB2_2:
0x19: {  	p0 =	sne.s32 s23, $0x7F00;
	[tilespmem:s22+$0x4F30] =	vst v0;
	s24 =	smov.u32 s23;
	s23 =	sadd.s32 $0x100, s23  }
.Ltmp0:
0x1a: {  	[tilespmem:s22+$0x4F20] =	vst v0;
	(pc) =	sbr.rel @p0 .LBB2_2-.Ltmp0, $3  }
0x1b: {  	[tilespmem:s22+$0x4F00] =	vst v0  }
0x1c: {  	[tilespmem:s22+$0x4F10] =	vst v0;
	_ =	sdelay $0x1  }
0x1d: {  	s22 =	sshra.s32 s24, $0x2  }
0x1e: {  	[tilespmem:s22+$0x4F30] =	vst v0  }
0x1f: {  	[tilespmem:s22+$0x4F20] =	vst v0  }
0x20: {  	[tilespmem:s22+$0x4F00] =	vst v0  }
0x21: {  	[tilespmem:s22+$0x4F10] =	vst v0  }
0x22: {  	[spmem:s7] =	stream.linear.scatter [tilespmem:s16], [sflag:$0x2], $0x2000, $0x38;
	[tilespmem:$0x10F00] =	vst v63  }
0x23: {  	_ =	swait.ge [sflag:s14], $0x2000  }
0x24: {  	[sflag:s14] =	ssyncset.done $0x0  }
0x25: {  	[sflag:s14] =	ssyncadd.s32 $0xFFFFE000  }
0x26: {  	[spmem:s8] =	stream.linear.scatter [tilespmem:s16], [sflag:$0x2], $0x2000, $0x38;
	[tilespmem:$0x10F00] =	vst v63  }
0x27: {  	_ =	swait.ge [sflag:s14], $0x2000  }
0x28: {  	[sflag:s14] =	ssyncset.done $0x0  }
0x29: {  	[sflag:s14] =	ssyncadd.s32 $0xFFFFE000  }
0x2a: {  	[spmem:s9] =	stream.linear.scatter [tilespmem:s16], [sflag:$0x2], $0x2000, $0x38;
	[tilespmem:$0x10F00] =	vst v63  }
0x2b: {  	_ =	swait.ge [sflag:s14], $0x2000  }
0x2c: {  	[sflag:s14] =	ssyncset.done $0x0  }
0x2d: {  	[sflag:s14] =	ssyncadd.s32 $0xFFFFE000  }
0x2e: {  	[spmem:s10] =	stream.linear.scatter [tilespmem:s16], [sflag:$0x2], $0x2000, $0x38;
	[tilespmem:$0x10F00] =	vst v63  }
0x2f: {  	_ =	swait.ge [sflag:s14], $0x2000  }
0x30: {  	[sflag:s14] =	ssyncset.done $0x0  }
0x31: {  	[sflag:s14] =	ssyncadd.s32 $0xFFFFE000  }
0x32: {  	[spmem:s11] =	stream.linear.scatter [tilespmem:s16], [sflag:$0x2], $0x2000, $0x38;
	[tilespmem:$0x10F00] =	vst v63  }
0x33: {  	_ =	swait.ge [sflag:s14], $0x2000  }
0x34: {  	[sflag:s14] =	ssyncset.done $0x0  }
0x35: {  	[sflag:s14] =	ssyncadd.s32 $0xFFFFE000  }
0x36: {  	s30 =	simm.s32 $0x0;
	[bflag:$0x0] =	sbarrier.arrive $0xFFFF  }
0x37: {  	[tilespmem:s16], [sflag:$0x1] =	stream.indirect.gather [hbm4b:s2+s17], $0x40, s30, s17, $0xb8;
	[tilespmem:$0x10F00] =	vst v63  }
0x38: {  	_ =	swait.ge [sflag:s18], $0x2000  }
0x39: {  	[sflag:s18] =	ssyncset.done $0x0  }
0x3a: {  	s31 =	simm.s32 $0x2780;
	[sflag:s18] =	ssyncadd.s32 $0xFFFFE000  }
0x3b: {  	[spmem:s3] =	stream.indirect.scatter.add.f32 [tilespmem:s16], [sflag:$0x2], $0x40, s31, s17, $0xb8;
	[tilespmem:$0x10F00] =	vst v63  }
0x3c: {  	_ =	swait.ge [sflag:s14], $0x2000  }
0x3d: {  	s22 =	simm.s32 $0x200;
	s23 =	simm.s32 $0x400;
	[sflag:s14] =	ssyncset.done $0x0  }
.LBB2_4:
0x3e: {  	s24 =	sshra.s32 s22, $0x2  }
0x3f: {  	[sflag:s14] =	ssyncadd.s32 $0xFFFFE000;
	s22 =	smov.u32 s23;
	s25 =	sadd.s32 $0x200, s23  }
0x40: {  	[tilespmem:s16], [sflag:$0x1] =	stream.indirect.gather [hbm4b:s2+s17], $0x40, s24, s17, $0xb8;
	[tilespmem:$0x10F00] =	vst v63  }
0x41: {  	p0 =	sne.s32 s23, $0x9C00;
	_ =	swait.ge [sflag:s18], $0x2000  }
.Ltmp1:
0x42: {  	[sflag:s18] =	ssyncset.done $0x0;
	(pc) =	sbr.rel @p0 .LBB2_4-.Ltmp1, $4  }
0x43: {  	s23 =	sadd.s32 $0x2780, s24;
	[sflag:s18] =	ssyncadd.s32 $0xFFFFE000  }
0x44: {  	[spmem:s3] =	stream.indirect.scatter.add.f32 [tilespmem:s16], [sflag:$0x2], $0x40, s23, s17, $0xb8;
	[tilespmem:$0x10F00] =	vst v63  }
0x45: {  	_ =	swait.ge [sflag:s14], $0x2000  }
0x46: {  	s23 =	smov.u32 s25;
	[sflag:s14] =	ssyncset.done $0x0  }
0x47: {  	s22 =	sshra.s32 s22, $0x2;
	[sflag:s14] =	ssyncadd.s32 $0xFFFFE000  }
0x48: {  	[tilespmem:s16], [sflag:$0x1] =	stream.indirect.gather [hbm4b:s2+s17], $0x40, s22, s17, $0xb8;
	[tilespmem:$0x10F00] =	vst v63  }
0x49: {  	_ =	swait.ge [sflag:s18], $0x2000  }
0x4a: {  	[sflag:s18] =	ssyncset.done $0x0  }
0x4b: {  	s22 =	sadd.s32 $0x2780, s22;
	[sflag:s18] =	ssyncadd.s32 $0xFFFFE000  }
0x4c: {  	[spmem:s3] =	stream.indirect.scatter.add.f32 [tilespmem:s16], [sflag:$0x2], $0x40, s22, s17, $0xb8;
	[tilespmem:$0x10F00] =	vst v63  }
0x4d: {  	_ =	swait.ge [sflag:s14], $0x2000  }
0x4e: {  	[sflag:s14] =	ssyncset.done $0x0  }
0x4f: {  	s21 =	sadd.s32 $0x1, s21;
	[sflag:s14] =	ssyncadd.s32 $0xFFFFE000  }
0x50: {  	p0 =	sne.s32 s21, s13;
	[bflag:$0x0] =	sbarrier.arrive $0xFFFF  }
0x51: {  	[hbm:s12], [sflag:s19] =	dma.local [spmem:s20], $0x1400  }
.Ltmp2:
0x52: {  	_ =	swait.ge [sflag:s14], $0x1400;
	(pc) =	sbr.rel @p0 .LBB2_1-.Ltmp2, $3  }
0x53: {  	[sflag:s14] =	ssyncset.done $0x0  }
0x54: {  	[sflag:s14] =	ssyncadd.s32 $0xFFFFEC00  }
0x55: {  	[bflag:$0x0] =	sbarrier.arrive $0xFFFF;
	_ =	sdelay $0x1  }
0x56: {  	_ =	sfence.sel $0x180000  }
0x57: {  	[bflag:$0x0] =	sbarrier.arrive $0xFFFF  }
0x58: {  	p0 =	sne.s32 s1, $0x0;
	_ =	strace $0x90000056  }
0x59: {  	s0 =	sadd.s32 @!p0 $0x100000, s0;
	[bflag:$0x2] =	sbarrier.arrive $0xFFFF  }
0x5a: {  	[sflag:s0] =	ssyncadd.tile.s32 @!p0 $0x1;
	_ =	shalt  }
.Lfunc_end2:
_tile_overlayer_lowered:
.L_overlay_start_2:
0x5b: {  	(tag) =	ssettag $0x2  }
0x5c: {  	s0 =	rddreg [dreg:$0x0];
	s2 =	stileid.u32  }
0x5d: {  	s1 =	rddreg [dreg:$0x1];
	p0 =	sne.s32 s2, $0x0  }
0x5e: {  	s3 =	rddreg [dreg:$0x2];
	[bflag:$0x3] =	sbarrier.arrive $0xFFFF;
	s2 =	simm.s32 @!p0 $0x1C02  }
0x5f: {  	[timem:s3], [sflag:s2] =	dma.local @!p0 [hbm:s0], s1  }
0x60: {  	s0 =	simm.s32 @!p0 $0x2  }
0x61: {  	_ =	swait.ge @!p0 [sflag:s0], s1  }
0x62: {  	s1 =	ssub.s32 @!p0 $0x0, s1;
	[sflag:s0] =	ssyncset.done @!p0 $0x0  }
0x63: {  	[sflag:s0] =	ssyncadd.s32 @!p0 s1  }
0x64: {  	[bflag:$0x3] =	sbarrier.arrive $0xFFFF  }
0x65: {  	_ =	shalt  }

// kernel: kernel.37.cloned.1.call-start
scs
__scs_entry_jumppad:
0x0: {  	(pc) =	sbr.rel $0x88, $3  }
0x1: {  	(tag) =	ssettag $0x0;
	lr =	simm.s32 $0x1  }
0x2: {  	[smem:$0x3F75] =	sst lr;
	_ =	strace $0xD0000000  }
0x3: {  	_ = 	snop  }
0x4: {  	_ = 	snop  }
0x5: {  	_ = 	snop  }
0x6: {  	_ = 	snop  }
0x7: {  	_ = 	snop  }
__scs_overlays_trampoline_lowered:
0x8: {  	[smem:$0x3F84] =	sst s0  }
0x9: {  	[smem:$0x3F85] =	sst s1  }
0xa: {  	[smem:$0x3F86] =	sst s2  }
0xb: {  	[smem:$0x3F87] =	sst s3  }
0xc: {  	[smem:$0x3F88] =	sst s4  }
0xd: {  	[smem:$0x3F89] =	sst s5  }
0xe: {  	[smem:$0x3F8A] =	sst s6  }
0xf: {  	[smem:$0x3F8B] =	sst s7  }
0x10: {  	[smem:$0x3F8C] =	sst s8  }
0x11: {  	[smem:$0x3F8D] =	sst s9;
	s0 =	simm.s32 @!p0 $0x0  }
0x12: {  	s1 =	sld [smem:$0x3F73];
	s0 =	simm.s32 @p0 $0x1  }
0x13: {  	[smem:$0x3F8E] =	sst s0;
	s0 =	simm.s32 @!p1 $0x0  }
0x14: {  	s2 =	sld [smem:$0x3F72];
	s0 =	simm.s32 @p1 $0x1  }
0x15: {  	[smem:$0x3F8F] =	sst s0;
	s0 =	simm.s32 @!p2 $0x0  }
0x16: {  	s3 =	sld [smem:$0x3FDB];
	s0 =	simm.s32 @p2 $0x1  }
0x17: {  	s4 =	simm.s32 $0x1BF5;
	[smem:$0x3F91] =	sst s0  }
0x18: {  	s0 =	sld [smem:$0x3F74];
	_ =	swait.ge [sflag:s4], $0x0  }
0x19: {  	s7 =	sld [smem:$0x3F75]  }
0x1a: {  	s8 =	sadd.s32 $0xFFFFE003, lr  }
0x1b: {  	s9 =	sadd.s32 $0xFFFFFEF7, lr;
	s5 =	simm.s32 $0xFFFFFFFF;
	p2 =	slt.u32 s8, $0xFFFFF086  }
0x1c: {  	p1 =	slt.u32 s9, $0xF7A;
	s5 =	simm.s32 @!p2 $0x0  }
0x1d: {  	s5 =	simm.s32 @p1 $0x1;
	p0 =	seq.s32 s7, s2  }
0x1e: {  	s7 =	smul.u32 @!p0 $0xF7A, s2;
	p2 =	seq.s32 @!p0 s5, $0x0  }
0x1f: {  	s9 =	smul.u32 $0xF7A, s1;
	s8 =	simm.s32 @!p0 $0x1BF5;
	p2 =	por !p2, p0  }
0x20: {  	[sflag:s8] =	ssyncset.s32 @!p0 $0xFFFFF086;
	s6 =	sadd.s32 @!p0 s3, s7;
	s7 =	simm.s32 @!p0 $0x108  }
0x21: {  	s3 =	sadd.s32 s3, s9;
	s6 =	sadd.s32 @!p0 $0x88, s6;
	s7 =	simm.s32 @p2 $0x1082  }
0x22: {  	[simem:s7], [sflag:s8] =	dma.local @!p0 [hbm:s6], $0xF7A  }
0x23: {  	s9 =	sor.u32 $0xD0000000, s2;
	s6 =	simm.s32 $0x108;
	_ =	swait.ge @!p0 [sflag:s8], $0x0  }
0x24: {  	s3 =	sadd.s32 $0x88, s3;
	s6 =	simm.s32 @!p1 $0x1082;
	[sflag:s4] =	ssyncset.s32 $0xFFFFF086  }
0x25: {  	[simem:s6], [sflag:s4] =	dma.local [hbm:s3], $0xF7A  }
0x26: {  	[smem:$0x3F75] =	sst s1;
	(tag) =	ssettag s2;
	_ =	strace s9  }
0x27: {  	s1 =	sld [smem:$0x3F85]  }
0x28: {  	s2 =	sld [smem:$0x3F86]  }
0x29: {  	s4 =	sld [smem:$0x3F88]  }
0x2a: {  	p0 =	seq.s32 s5, $0x0;
	s5 =	sld [smem:$0x3F89]  }
0x2b: {  	s6 =	sld [smem:$0x3F8A]  }
0x2c: {  	s7 =	sld [smem:$0x3F8B]  }
0x2d: {  	s3 =	simm.s32 $0x108;
	s8 =	sld [smem:$0x3F8C]  }
0x2e: {  	s3 =	simm.s32 @!p0 $0x1082;
	s9 =	sld [smem:$0x3F8D]  }
0x2f: {  	lr =	sadd.s32 s0, s3;
	s0 =	sld [smem:$0x3F84]  }
0x30: {  	s3 =	sld [smem:$0x3F87]  }
0x31: {  	[smem:$0x3F90] =	sst s10  }
0x32: {  	s10 =	sld [smem:$0x3F8E];
	_ =	sdelay $0x3  }
0x33: {  	p0 =	seq.s32 s10, $0x1;
	s10 =	sld [smem:$0x3F90];
	_ =	sdelay $0x3  }
0x34: {  	[smem:$0x3F90] =	sst s10  }
0x35: {  	s10 =	sld [smem:$0x3F8F];
	_ =	sdelay $0x3  }
0x36: {  	p1 =	seq.s32 s10, $0x1;
	s10 =	sld [smem:$0x3F90];
	_ =	sdelay $0x3  }
0x37: {  	[smem:$0x3F90] =	sst s10  }
0x38: {  	s10 =	sld [smem:$0x3F91]  }
0x39: {  	_ = 	snop;
	(pc) =	sbr.ind lr, $3  }
0x3a: {  	_ = 	snop  }
0x3b: {  	_ = 	snop  }
0x3c: {  	p2 =	seq.s32 s10, $0x1;
	s10 =	sld [smem:$0x3F90]  }
0x3d: {  	_ =	shalt  }
0x3e: {  	_ =	shalt  }
0x3f: {  	_ =	shalt  }
0x40: {  	_ =	shalt  }
0x41: {  	_ =	shalt  }
0x42: {  	_ =	shalt  }
0x43: {  	_ =	shalt  }
0x44: {  	_ =	shalt  }
0x45: {  	_ =	shalt  }
0x46: {  	_ =	shalt  }
0x47: {  	_ =	shalt  }
0x48: {  	_ =	shalt  }
0x49: {  	_ =	shalt  }
0x4a: {  	_ =	shalt  }
0x4b: {  	_ =	shalt  }
0x4c: {  	_ =	shalt  }
0x4d: {  	_ =	shalt  }
0x4e: {  	_ =	shalt  }
0x4f: {  	_ =	shalt  }
0x50: {  	_ =	shalt  }
0x51: {  	_ =	shalt  }
0x52: {  	_ =	shalt  }
0x53: {  	_ =	shalt  }
0x54: {  	_ =	shalt  }
0x55: {  	_ =	shalt  }
0x56: {  	_ =	shalt  }
0x57: {  	_ =	shalt  }
0x58: {  	_ =	shalt  }
0x59: {  	_ =	shalt  }
0x5a: {  	_ =	shalt  }
0x5b: {  	_ =	shalt  }
0x5c: {  	_ =	shalt  }
0x5d: {  	_ =	shalt  }
0x5e: {  	_ =	shalt  }
0x5f: {  	_ =	shalt  }
0x60: {  	_ =	shalt  }
0x61: {  	_ =	shalt  }
0x62: {  	_ =	shalt  }
0x63: {  	_ =	shalt  }
0x64: {  	_ =	shalt  }
0x65: {  	_ =	shalt  }
0x66: {  	_ =	shalt  }
0x67: {  	_ =	shalt  }
0x68: {  	_ =	shalt  }
0x69: {  	_ =	shalt  }
0x6a: {  	_ =	shalt  }
0x6b: {  	_ =	shalt  }
0x6c: {  	_ =	shalt  }
0x6d: {  	_ =	shalt  }
0x6e: {  	_ =	shalt  }
0x6f: {  	_ =	shalt  }
0x70: {  	_ =	shalt  }
0x71: {  	_ =	shalt  }
0x72: {  	_ =	shalt  }
0x73: {  	_ =	shalt  }
0x74: {  	_ =	shalt  }
0x75: {  	_ =	shalt  }
0x76: {  	_ =	shalt  }
0x77: {  	_ =	shalt  }
0x78: {  	_ =	shalt  }
0x79: {  	_ =	shalt  }
0x7a: {  	_ =	shalt  }
0x7b: {  	_ =	shalt  }
0x7c: {  	_ =	shalt  }
0x7d: {  	_ =	shalt  }
0x7e: {  	_ =	shalt  }
0x7f: {  	_ =	shalt  }
0x80: {  	_ =	shalt  }
0x81: {  	_ =	shalt  }
0x82: {  	_ =	shalt  }
0x83: {  	_ =	shalt  }
0x84: {  	_ =	shalt  }
0x85: {  	_ =	shalt  }
0x86: {  	_ =	shalt  }
0x87: {  	_ =	shalt  }
.Lfunc_end0:
.L_simem_size_0:
called_computation.6_lowered:
.L_overlay_start_0:
0x88: {  	s2 =	sld [smem:$0x3FD9]  }
0x89: {  	s3 =	sld [smem:$0x3FFE];
	_ =	sdelay $0x1  }
0x8a: {  	s1 =	srdreg.scid  }
0x8b: {  	s0 =	sand.u32 $0x1, s1  }
0x8c: {  	s16 =	sshll.u32 s0, $0xA;
	s2 =	sadd.s32 s3, s2  }
0x8d: {  	s2 =	sadd.s32 s2, s16  }
0x8e: {  	[smem:$0x3F9C] =	sst s2  }
0x8f: {  	_ = 	snop  }
0x90: {  	(tm) =	ssettm $0x1  }
0x91: {  	s17 =	sld [smem:$0x3FFB];
	_ =	sdelay $0x3  }
0x92: {  	_ =	strace s17  }
0x93: {  	s2 =	sld [smem:$0x3FFC];
	_ =	sdelay $0x3  }
0x94: {  	_ =	strace s2  }
0x95: {  	s2 =	sld [smem:$0x3FFD];
	_ =	sdelay $0x3  }
0x96: {  	_ =	strace s2  }
0x97: {  	_ =	strace $0x8FFFFFFF  }
0x98: {  	s18 =	sld [smem:$0x3FDB];
	_ =	sdelay $0x1  }
0x99: {  	s19 =	simm.s32 $_scs_section_size  }
0x9a: {  	s4 =	simm.s32 $_size__tile_overlayer_lowered;
	s5 =	simm.s32 $_tile_overlayer_lowered  }
0x9b: {  	s22 =	simm.s32 $0x1BFF;
	s21 =	sshll.u32 s5, $0x1;
	s2 =	sadd.s32 s19, s18  }
0x9c: {  	s6 =	simm.s32 $0x0;
	s20 =	sshll.u32 s4, $0x1;
	s4 =	sadd.s32 s21, s2  }
0x9d: {  	[timem:s6], [sflag:s22] =	dma.local [hbm:s4], s20  }
0x9e: {  	_ =	swait.ge [sflag:s22], s20  }
0x9f: {  	s3 =	ssub.s32 $0x0, s20;
	[sflag:s22] =	ssyncset.done $0x0  }
0xa0: {  	[sflag:s22] =	ssyncadd.s32 s3;
	_ =	sdelay $0x1  }
0xa1: {  	s23 =	simm.s32 $0x1B8B  }
0xa2: {  	_ =	swait.ge [sflag:s23], $0x1  }
0xa3: {  	[sflag:s23] =	ssyncset.done $0x0  }
0xa4: {  	s25 =	simm.s32 $0x1B8E;
	s24 =	sld [smem:$0x3FFE];
	[sflag:s23] =	ssyncadd.s32 $0xFFFFFFFF  }
0xa5: {  	s26 =	simm.s32 $execute0_lowered;
	[smem:$0x3FD2] =	sst s25  }
0xa6: {  	s4 =	sshll.u32 s26, $0x1;
	_ =	strace $0x80000058;
	[dreg:$0x1] =	wrdreg $0xFFFFFFFF  }
0xa7: {  	s28 =	simm.s32 $_size_execute0_lowered;
	s2 =	sadd.s32 s2, s4;
	[dreg:$0x0] =	wrdreg $0x0  }
0xa8: {  	s4 =	sshll.u32 s28, $0x1;
	[dreg:$0x2] =	wrdreg s2  }
0xa9: {  	[dreg:$0x3] =	wrdreg s4  }
0xaa: {  	[dreg:$0x4] =	wrdreg $0xC0  }
0xab: {  	_ =	task [dreg:s6], $0x5FFFF  }
0xac: {  	[dreg:$0x1] =	wrdreg $0xFFFFFFFF  }
0xad: {  	[dreg:$0x0] =	wrdreg $0x60  }
0xae: {  	[dreg:$0x2] =	wrdreg s24  }
0xaf: {  	[dreg:$0x3] =	wrdreg $0x8F000  }
0xb0: {  	[dreg:$0x4] =	wrdreg $0x9  }
0xb1: {  	_ =	task.clear_ibuf [dreg:s6], $0x5FFFF;
	_ =	strace $0x90000058  }
0xb2: {  	s29 =	simm.s32 $0x9;
	_ =	strace $0x8000005A  }
0xb3: {  	_ =	swait.ge [sflag:s29], $0x1  }
0xb4: {  	[sflag:s29] =	ssyncadd.s32 $0xFFFFFFFF  }
0xb5: {  	_ =	strace $0x9000005A  }
0xb6: {  	_ =	sfence  }
0xb7: {  	s30 =	sld [smem:$0x0];
	_ =	sdelay $0x2  }
0xb8: {  	s31 =	sshll.u32 s1, $0xD;
	s1 =	sshrl.u32 s1, $0x2  }
0xb9: {  	s3 =	sand.u32 $0x4000, s31;
	s1 =	sadd.s32 s1, s30  }
0xba: {  	s0 =	sor.u32 s3, s0;
	s1 =	sshll.u32 s1, $0x11  }
0xbb: {  	s0 =	sor.u32 s1, s0  }
0xbc: {  	s0 =	sadd.s32 $0x8F2B, s0  }
0xbd: {  	[sflag:s0] =	ssyncadd.remote.s32 $0x1  }
0xbe: {  	_ =	sfence.sel $0xFFFF  }
0xbf: {  	[dreg:$0x0] =	wrdreg $0xFFFFFFFF;
	(pc) =	sbr.abs _section_cstart, $3  }
0xc0: {  	[dreg:$0x1] =	wrdreg $0xFFFFFFFF  }
0xc1: {  	_ =	task.clear_ibuf [dreg:s6], $0x2FFFF;
	_ =	strace $0x9FFFFFFF  }
0xc2: {  	(tm) =	ssettm $0x7FFFFFFF  }
0xc3: {  	_ =	shalt  }
tec
execute0_lowered:
.L_overlay_start_1:
0x0: {  	(tag) =	ssettag $0x1  }
0x1: {  	s1 =	srdreg.scid  }
0x2: {  	s0 =	stileid.u32;
	s7 =	rddreg [dreg:$0x0]  }
0x3: {  	s2 =	rddreg [dreg:$0x1];
	s3 =	simm.s32 $0x0;
	s16 =	simm.s32 $0x2  }
0x4: {  	s17 =	simm.s32 $0x2780;
	s18 =	simm.s32 $0x4F00;
	s19 =	simm.s32 $0x80  }
0x5: {  	s20 =	simm.s32 $0x1;
	s21 =	simm.s32 $0x0;
	s8 =	smul.u32 $0x14000, s0  }
0x6: {  	s6 =	sand.u32 $0x1, s1;
	s29 =	sshll.u32 s0, $0x1;
	s11 =	smul.u32 $0x50000, s0  }
0x7: {  	[smem:$0x7FF] =	sst s3;
	s1 =	sor.u32 s6, s29;
	s5 =	smul.u32 $0x140000, s6  }
0x8: {  	s6 =	ssub.s32 $0x2, s6;
	s4 =	smul.u32 $0x4F0, s1;
	s1 =	rddreg [dreg:$0x2]  }
0x9: {  	_ =	strace $0x80000059;
	s30 =	sshrl.u32 s6, $0x1;
	s31 =	sshrl.u32 s11, $0x2  }
0xa: {  	s10 =	sadd.s32 s8, s5;
	s5 =	sadd.s32 $0xE8A00, s7;
	s15 =	ssub.s32 s6, s30  }
0xb: {  	s12 =	sadd.s32 s31, s2;
	s8 =	sadd.s32 s8, s2;
	s9 =	sadd.s32 s4, s7  }
0xc: {  	s4 =	sadd.s32 $0x73400, s7;
	s10 =	sshrl.u32 s10, $0x3;
	s11 =	sadd.s32 $0xC000, s12  }
0xd: {  	s15 =	smax.u32 s15, $0x1;
	s14 =	sadd.s32 s10, s7;
	s6 =	sadd.s32 $0x69600, s9  }
0xe: {  	s7 =	sadd.s32 $0x11400, s9;
	s9 =	sadd.s32 $0x4000, s12;
	s10 =	sadd.s32 $0x8000, s12  }
0xf: {  	v0 =	vimm.f32 $0.0e+00;
	s12 =	sadd.s32 $0x10000, s12;
	s13 =	sadd.s32 $0x1AE000, s14;
	s14 =	sadd.s32 $0x1FE000, s14  }
.LBB2_1:
0x10: {  	[tilespmem:s3], [sflag:$0x2] =	stream.linear.gather [hbm4b:s6+s3], $0x2780, $0x38;
	[tilespmem:$0x1CF00] =	vst v63  }
0x11: {  	_ =	swait.ge [sflag:s16], $0x2780  }
0x12: {  	[sflag:s16] =	ssyncset.done $0x0  }
0x13: {  	[sflag:s16] =	ssyncadd.s32 $0xFFFFD880  }
0x14: {  	[tilespmem:s17], [sflag:$0x2] =	stream.linear.gather [hbm4b:s7+s3], $0x2780, $0x38;
	[tilespmem:$0x1CF00] =	vst v63  }
0x15: {  	_ =	swait.ge [sflag:s16], $0x2780  }
0x16: {  	[sflag:s16] =	ssyncset.done $0x0  }
0x17: {  	s22 =	simm.s32 $0x0;
	s23 =	simm.s32 $0x200;
	[sflag:s16] =	ssyncadd.s32 $0xFFFFD880  }
.LBB2_2:
0x18: {  	p0 =	sne.s32 s23, $0xFE00;
	[tilespmem:s22+$0x4F70] =	vst v0  }
0x19: {  	[tilespmem:s22+$0x4F00] =	vst v0  }
0x1a: {  	[tilespmem:s22+$0x4F10] =	vst v0  }
.Ltmp0:
0x1b: {  	[tilespmem:s22+$0x4F20] =	vst v0;
	(pc) =	sbr.rel @p0 .LBB2_2-.Ltmp0, $4  }
0x1c: {  	[tilespmem:s22+$0x4F30] =	vst v0  }
0x1d: {  	[tilespmem:s22+$0x4F40] =	vst v0  }
0x1e: {  	[tilespmem:s22+$0x4F50] =	vst v0  }
0x1f: {  	[tilespmem:s22+$0x4F60] =	vst v0;
	s22 =	sshra.s32 s23, $0x2;
	s23 =	sadd.s32 $0x200, s23  }
0x20: {  	[tilespmem:s22+$0x4F70] =	vst v0  }
0x21: {  	[tilespmem:s22+$0x4F00] =	vst v0  }
0x22: {  	[tilespmem:s22+$0x4F10] =	vst v0  }
0x23: {  	[tilespmem:s22+$0x4F20] =	vst v0  }
0x24: {  	[tilespmem:s22+$0x4F30] =	vst v0  }
0x25: {  	[tilespmem:s22+$0x4F40] =	vst v0  }
0x26: {  	[tilespmem:s22+$0x4F50] =	vst v0  }
0x27: {  	[tilespmem:s22+$0x4F60] =	vst v0  }
0x28: {  	[spmem:s8] =	stream.linear.scatter [tilespmem:s18], [sflag:$0x2], $0x4000, $0x38;
	[tilespmem:$0x1CF00] =	vst v63  }
0x29: {  	_ =	swait.ge [sflag:s16], $0x4000  }
0x2a: {  	[sflag:s16] =	ssyncset.done $0x0  }
0x2b: {  	[sflag:s16] =	ssyncadd.s32 $0xFFFFC000  }
0x2c: {  	[spmem:s9] =	stream.linear.scatter [tilespmem:s18], [sflag:$0x2], $0x4000, $0x38;
	[tilespmem:$0x1CF00] =	vst v63  }
0x2d: {  	_ =	swait.ge [sflag:s16], $0x4000  }
0x2e: {  	[sflag:s16] =	ssyncset.done $0x0  }
0x2f: {  	[sflag:s16] =	ssyncadd.s32 $0xFFFFC000  }
0x30: {  	[spmem:s10] =	stream.linear.scatter [tilespmem:s18], [sflag:$0x2], $0x4000, $0x38;
	[tilespmem:$0x1CF00] =	vst v63  }
0x31: {  	_ =	swait.ge [sflag:s16], $0x4000  }
0x32: {  	[sflag:s16] =	ssyncset.done $0x0  }
0x33: {  	[sflag:s16] =	ssyncadd.s32 $0xFFFFC000  }
0x34: {  	[spmem:s11] =	stream.linear.scatter [tilespmem:s18], [sflag:$0x2], $0x4000, $0x38;
	[tilespmem:$0x1CF00] =	vst v63  }
0x35: {  	_ =	swait.ge [sflag:s16], $0x4000  }
0x36: {  	[sflag:s16] =	ssyncset.done $0x0  }
0x37: {  	[sflag:s16] =	ssyncadd.s32 $0xFFFFC000  }
0x38: {  	[spmem:s12] =	stream.linear.scatter [tilespmem:s18], [sflag:$0x2], $0x4000, $0x38;
	[tilespmem:$0x1CF00] =	vst v63  }
0x39: {  	_ =	swait.ge [sflag:s16], $0x4000  }
0x3a: {  	[sflag:s16] =	ssyncset.done $0x0  }
0x3b: {  	[sflag:s16] =	ssyncadd.s32 $0xFFFFC000  }
0x3c: {  	s30 =	simm.s32 $0x0;
	[bflag:$0x0] =	sbarrier.arrive $0xFFFF  }
0x3d: {  	[tilespmem:s18], [sflag:$0x1] =	stream.indirect.gather [hbm4b:s4+s19], $0x80, s30, s19, $0xb8;
	[tilespmem:$0x1CF00] =	vst v63  }
0x3e: {  	_ =	swait.ge [sflag:s20], $0x4000  }
0x3f: {  	[sflag:s20] =	ssyncset.done $0x0  }
0x40: {  	s31 =	simm.s32 $0x2780;
	[sflag:s20] =	ssyncadd.s32 $0xFFFFC000  }
0x41: {  	[spmem:s2] =	stream.indirect.scatter.add.f32 [tilespmem:s18], [sflag:$0x2], $0x80, s31, s19, $0xb8;
	[tilespmem:$0x1CF00] =	vst v63  }
0x42: {  	_ =	swait.ge [sflag:s16], $0x4000  }
0x43: {  	s22 =	simm.s32 $0x200;
	s23 =	simm.s32 $0x400;
	[sflag:s16] =	ssyncset.done $0x0  }
.LBB2_4:
0x44: {  	s24 =	sshra.s32 s22, $0x2  }
0x45: {  	[sflag:s16] =	ssyncadd.s32 $0xFFFFC000;
	s22 =	smov.u32 s23;
	s25 =	sadd.s32 $0x200, s23  }
0x46: {  	[tilespmem:s18], [sflag:$0x1] =	stream.indirect.gather [hbm4b:s4+s19], $0x80, s24, s19, $0xb8;
	[tilespmem:$0x1CF00] =	vst v63  }
0x47: {  	p0 =	sne.s32 s23, $0x9C00;
	_ =	swait.ge [sflag:s20], $0x4000  }
.Ltmp1:
0x48: {  	[sflag:s20] =	ssyncset.done $0x0;
	(pc) =	sbr.rel @p0 .LBB2_4-.Ltmp1, $4  }
0x49: {  	s23 =	sadd.s32 $0x2780, s24;
	[sflag:s20] =	ssyncadd.s32 $0xFFFFC000  }
0x4a: {  	[spmem:s2] =	stream.indirect.scatter.add.f32 [tilespmem:s18], [sflag:$0x2], $0x80, s23, s19, $0xb8;
	[tilespmem:$0x1CF00] =	vst v63  }
0x4b: {  	_ =	swait.ge [sflag:s16], $0x4000  }
0x4c: {  	s23 =	smov.u32 s25;
	[sflag:s16] =	ssyncset.done $0x0  }
0x4d: {  	s22 =	sshra.s32 s22, $0x2;
	[sflag:s16] =	ssyncadd.s32 $0xFFFFC000  }
0x4e: {  	[tilespmem:s18], [sflag:$0x1] =	stream.indirect.gather [hbm4b:s4+s19], $0x80, s22, s19, $0xb8;
	[tilespmem:$0x1CF00] =	vst v63  }
0x4f: {  	_ =	swait.ge [sflag:s20], $0x4000  }
0x50: {  	[sflag:s20] =	ssyncset.done $0x0  }
0x51: {  	s22 =	sadd.s32 $0x2780, s22;
	[sflag:s20] =	ssyncadd.s32 $0xFFFFC000  }
0x52: {  	[spmem:s2] =	stream.indirect.scatter.add.f32 [tilespmem:s18], [sflag:$0x2], $0x80, s22, s19, $0xb8;
	[tilespmem:$0x1CF00] =	vst v63  }
0x53: {  	_ =	swait.ge [sflag:s16], $0x4000  }
0x54: {  	[sflag:s16] =	ssyncset.done $0x0  }
0x55: {  	s31 =	sshll.u32 s0, $0x6;
	[sflag:s16] =	ssyncadd.s32 $0xFFFFC000  }
0x56: {  	s23 =	sshrl.u32 s8, $0x3;
	s22 =	sor.u32 $0x1C02, s31;
	[bflag:$0x0] =	sbarrier.arrive $0xFFFF  }
0x57: {  	[hbm:s13], [sflag:s22] =	dma.local [spmem:s23], $0x2800  }
0x58: {  	_ =	swait.ge [sflag:s16], $0x2800  }
0x59: {  	[sflag:s16] =	ssyncset.done $0x0  }
0x5a: {  	[sflag:s16] =	ssyncadd.s32 $0xFFFFD800  }
0x5b: {  	s24 =	simm.s32 $0x0;
	s25 =	simm.s32 $0x200;
	[bflag:$0x0] =	sbarrier.arrive $0xFFFF  }
.LBB2_6:
0x5c: {  	p0 =	sne.s32 s25, $0xFE00;
	[tilespmem:s24+$0x4F70] =	vst v0  }
0x5d: {  	[tilespmem:s24+$0x4F00] =	vst v0  }
0x5e: {  	[tilespmem:s24+$0x4F10] =	vst v0  }
.Ltmp2:
0x5f: {  	[tilespmem:s24+$0x4F20] =	vst v0;
	(pc) =	sbr.rel @p0 .LBB2_6-.Ltmp2, $4  }
0x60: {  	[tilespmem:s24+$0x4F30] =	vst v0  }
0x61: {  	[tilespmem:s24+$0x4F40] =	vst v0  }
0x62: {  	[tilespmem:s24+$0x4F50] =	vst v0  }
0x63: {  	[tilespmem:s24+$0x4F60] =	vst v0;
	s24 =	sshra.s32 s25, $0x2;
	s25 =	sadd.s32 $0x200, s25  }
0x64: {  	[tilespmem:s24+$0x4F70] =	vst v0  }
0x65: {  	[tilespmem:s24+$0x4F00] =	vst v0  }
0x66: {  	[tilespmem:s24+$0x4F10] =	vst v0  }
0x67: {  	[tilespmem:s24+$0x4F20] =	vst v0  }
0x68: {  	[tilespmem:s24+$0x4F30] =	vst v0  }
0x69: {  	[tilespmem:s24+$0x4F40] =	vst v0  }
0x6a: {  	[tilespmem:s24+$0x4F50] =	vst v0  }
0x6b: {  	[tilespmem:s24+$0x4F60] =	vst v0  }
0x6c: {  	[spmem:s8] =	stream.linear.scatter [tilespmem:s18], [sflag:$0x2], $0x4000, $0x38;
	[tilespmem:$0x1CF00] =	vst v63  }
0x6d: {  	_ =	swait.ge [sflag:s16], $0x4000  }
0x6e: {  	[sflag:s16] =	ssyncset.done $0x0  }
0x6f: {  	[sflag:s16] =	ssyncadd.s32 $0xFFFFC000  }
0x70: {  	[spmem:s9] =	stream.linear.scatter [tilespmem:s18], [sflag:$0x2], $0x4000, $0x38;
	[tilespmem:$0x1CF00] =	vst v63  }
0x71: {  	_ =	swait.ge [sflag:s16], $0x4000  }
0x72: {  	[sflag:s16] =	ssyncset.done $0x0  }
0x73: {  	[sflag:s16] =	ssyncadd.s32 $0xFFFFC000  }
0x74: {  	[spmem:s10] =	stream.linear.scatter [tilespmem:s18], [sflag:$0x2], $0x4000, $0x38;
	[tilespmem:$0x1CF00] =	vst v63  }
0x75: {  	_ =	swait.ge [sflag:s16], $0x4000  }
0x76: {  	[sflag:s16] =	ssyncset.done $0x0  }
0x77: {  	[sflag:s16] =	ssyncadd.s32 $0xFFFFC000  }
0x78: {  	[spmem:s11] =	stream.linear.scatter [tilespmem:s18], [sflag:$0x2], $0x4000, $0x38;
	[tilespmem:$0x1CF00] =	vst v63  }
0x79: {  	_ =	swait.ge [sflag:s16], $0x4000  }
0x7a: {  	[sflag:s16] =	ssyncset.done $0x0  }
0x7b: {  	[sflag:s16] =	ssyncadd.s32 $0xFFFFC000  }
0x7c: {  	[spmem:s12] =	stream.linear.scatter [tilespmem:s18], [sflag:$0x2], $0x4000, $0x38;
	[tilespmem:$0x1CF00] =	vst v63  }
0x7d: {  	_ =	swait.ge [sflag:s16], $0x4000  }
0x7e: {  	[sflag:s16] =	ssyncset.done $0x0  }
0x7f: {  	[sflag:s16] =	ssyncadd.s32 $0xFFFFC000  }
0x80: {  	s30 =	simm.s32 $0x0;
	[bflag:$0x0] =	sbarrier.arrive $0xFFFF  }
0x81: {  	[tilespmem:s18], [sflag:$0x1] =	stream.indirect.gather [hbm4b:s5+s19], $0x80, s30, s19, $0xb8;
	[tilespmem:$0x1CF00] =	vst v63  }
0x82: {  	_ =	swait.ge [sflag:s20], $0x4000  }
0x83: {  	[sflag:s20] =	ssyncset.done $0x0  }
0x84: {  	s31 =	simm.s32 $0x2780;
	[sflag:s20] =	ssyncadd.s32 $0xFFFFC000  }
0x85: {  	[spmem:s2] =	stream.indirect.scatter.add.f32 [tilespmem:s18], [sflag:$0x2], $0x80, s31, s19, $0xb8;
	[tilespmem:$0x1CF00] =	vst v63  }
0x86: {  	_ =	swait.ge [sflag:s16], $0x4000  }
0x87: {  	s24 =	simm.s32 $0x200;
	s25 =	simm.s32 $0x400;
	[sflag:s16] =	ssyncset.done $0x0  }
.LBB2_8:
0x88: {  	s26 =	sshra.s32 s24, $0x2  }
0x89: {  	[sflag:s16] =	ssyncadd.s32 $0xFFFFC000;
	s24 =	smov.u32 s25;
	s28 =	sadd.s32 $0x200, s25  }
0x8a: {  	[tilespmem:s18], [sflag:$0x1] =	stream.indirect.gather [hbm4b:s5+s19], $0x80, s26, s19, $0xb8;
	[tilespmem:$0x1CF00] =	vst v63  }
0x8b: {  	p0 =	sne.s32 s25, $0x9C00;
	_ =	swait.ge [sflag:s20], $0x4000  }
.Ltmp3:
0x8c: {  	[sflag:s20] =	ssyncset.done $0x0;
	(pc) =	sbr.rel @p0 .LBB2_8-.Ltmp3, $4  }
0x8d: {  	s25 =	sadd.s32 $0x2780, s26;
	[sflag:s20] =	ssyncadd.s32 $0xFFFFC000  }
0x8e: {  	[spmem:s2] =	stream.indirect.scatter.add.f32 [tilespmem:s18], [sflag:$0x2], $0x80, s25, s19, $0xb8;
	[tilespmem:$0x1CF00] =	vst v63  }
0x8f: {  	_ =	swait.ge [sflag:s16], $0x4000  }
0x90: {  	s25 =	smov.u32 s28;
	[sflag:s16] =	ssyncset.done $0x0  }
0x91: {  	s24 =	sshra.s32 s24, $0x2;
	[sflag:s16] =	ssyncadd.s32 $0xFFFFC000  }
0x92: {  	[tilespmem:s18], [sflag:$0x1] =	stream.indirect.gather [hbm4b:s5+s19], $0x80, s24, s19, $0xb8;
	[tilespmem:$0x1CF00] =	vst v63  }
0x93: {  	_ =	swait.ge [sflag:s20], $0x4000  }
0x94: {  	[sflag:s20] =	ssyncset.done $0x0  }
0x95: {  	s24 =	sadd.s32 $0x2780, s24;
	[sflag:s20] =	ssyncadd.s32 $0xFFFFC000  }
0x96: {  	[spmem:s2] =	stream.indirect.scatter.add.f32 [tilespmem:s18], [sflag:$0x2], $0x80, s24, s19, $0xb8;
	[tilespmem:$0x1CF00] =	vst v63  }
0x97: {  	_ =	swait.ge [sflag:s16], $0x4000  }
0x98: {  	[sflag:s16] =	ssyncset.done $0x0  }
0x99: {  	s21 =	sadd.s32 $0x1, s21;
	[sflag:s16] =	ssyncadd.s32 $0xFFFFC000  }
0x9a: {  	p0 =	sne.s32 s21, s15;
	[bflag:$0x0] =	sbarrier.arrive $0xFFFF  }
0x9b: {  	[hbm:s14], [sflag:s22] =	dma.local [spmem:s23], $0x2800  }
.Ltmp4:
0x9c: {  	_ =	swait.ge [sflag:s16], $0x2800;
	(pc) =	sbr.rel @p0 .LBB2_1-.Ltmp4, $3  }
0x9d: {  	[sflag:s16] =	ssyncset.done $0x0  }
0x9e: {  	[sflag:s16] =	ssyncadd.s32 $0xFFFFD800  }
0x9f: {  	[bflag:$0x0] =	sbarrier.arrive $0xFFFF;
	_ =	sdelay $0x1  }
0xa0: {  	_ =	sfence.sel $0x180000  }
0xa1: {  	[bflag:$0x0] =	sbarrier.arrive $0xFFFF  }
0xa2: {  	p0 =	sne.s32 s0, $0x0;
	_ =	strace $0x90000059  }
0xa3: {  	s0 =	sadd.s32 @!p0 $0x100000, s1;
	[bflag:$0x2] =	sbarrier.arrive $0xFFFF  }
0xa4: {  	[sflag:s0] =	ssyncadd.tile.s32 @!p0 $0x1;
	_ =	shalt  }
.Lfunc_end2:
_tile_overlayer_lowered:
.L_overlay_start_2:
0xa5: {  	(tag) =	ssettag $0x2  }
0xa6: {  	s0 =	rddreg [dreg:$0x0];
	s2 =	stileid.u32  }
0xa7: {  	s1 =	rddreg [dreg:$0x1];
	p0 =	sne.s32 s2, $0x0  }
0xa8: {  	s3 =	rddreg [dreg:$0x2];
	[bflag:$0x3] =	sbarrier.arrive $0xFFFF;
	s2 =	simm.s32 @!p0 $0x1C02  }
0xa9: {  	[timem:s3], [sflag:s2] =	dma.local @!p0 [hbm:s0], s1  }
0xaa: {  	s0 =	simm.s32 @!p0 $0x2  }
0xab: {  	_ =	swait.ge @!p0 [sflag:s0], s1  }
0xac: {  	s1 =	ssub.s32 @!p0 $0x0, s1;
	[sflag:s0] =	ssyncset.done @!p0 $0x0  }
0xad: {  	[sflag:s0] =	ssyncadd.s32 @!p0 s1  }
0xae: {  	[bflag:$0x3] =	sbarrier.arrive $0xFFFF  }
0xaf: {  	_ =	shalt  }

// kernel: kernel.40.cloned.1.call-start
scs
__scs_entry_jumppad:
0x0: {  	(pc) =	sbr.rel $0x88, $3  }
0x1: {  	(tag) =	ssettag $0x0;
	lr =	simm.s32 $0x1  }
0x2: {  	[smem:$0x3F75] =	sst lr;
	_ =	strace $0xD0000000  }
0x3: {  	_ = 	snop  }
0x4: {  	_ = 	snop  }
0x5: {  	_ = 	snop  }
0x6: {  	_ = 	snop  }
0x7: {  	_ = 	snop  }
__scs_overlays_trampoline_lowered:
0x8: {  	[smem:$0x3F84] =	sst s0  }
0x9: {  	[smem:$0x3F85] =	sst s1  }
0xa: {  	[smem:$0x3F86] =	sst s2  }
0xb: {  	[smem:$0x3F87] =	sst s3  }
0xc: {  	[smem:$0x3F88] =	sst s4  }
0xd: {  	[smem:$0x3F89] =	sst s5  }
0xe: {  	[smem:$0x3F8A] =	sst s6  }
0xf: {  	[smem:$0x3F8B] =	sst s7  }
0x10: {  	[smem:$0x3F8C] =	sst s8  }
0x11: {  	[smem:$0x3F8D] =	sst s9;
	s0 =	simm.s32 @!p0 $0x0  }
0x12: {  	s1 =	sld [smem:$0x3F73];
	s0 =	simm.s32 @p0 $0x1  }
0x13: {  	[smem:$0x3F8E] =	sst s0;
	s0 =	simm.s32 @!p1 $0x0  }
0x14: {  	s2 =	sld [smem:$0x3F72];
	s0 =	simm.s32 @p1 $0x1  }
0x15: {  	[smem:$0x3F8F] =	sst s0;
	s0 =	simm.s32 @!p2 $0x0  }
0x16: {  	s3 =	sld [smem:$0x3FDB];
	s0 =	simm.s32 @p2 $0x1  }
0x17: {  	s4 =	simm.s32 $0x1BF5;
	[smem:$0x3F91] =	sst s0  }
0x18: {  	s0 =	sld [smem:$0x3F74];
	_ =	swait.ge [sflag:s4], $0x0  }
0x19: {  	s7 =	sld [smem:$0x3F75]  }
0x1a: {  	s8 =	sadd.s32 $0xFFFFE003, lr  }
0x1b: {  	s9 =	sadd.s32 $0xFFFFFEF7, lr;
	s5 =	simm.s32 $0xFFFFFFFF;
	p2 =	slt.u32 s8, $0xFFFFF086  }
0x1c: {  	p1 =	slt.u32 s9, $0xF7A;
	s5 =	simm.s32 @!p2 $0x0  }
0x1d: {  	s5 =	simm.s32 @p1 $0x1;
	p0 =	seq.s32 s7, s2  }
0x1e: {  	s7 =	smul.u32 @!p0 $0xF7A, s2;
	p2 =	seq.s32 @!p0 s5, $0x0  }
0x1f: {  	s9 =	smul.u32 $0xF7A, s1;
	s8 =	simm.s32 @!p0 $0x1BF5;
	p2 =	por !p2, p0  }
0x20: {  	[sflag:s8] =	ssyncset.s32 @!p0 $0xFFFFF086;
	s6 =	sadd.s32 @!p0 s3, s7;
	s7 =	simm.s32 @!p0 $0x108  }
0x21: {  	s3 =	sadd.s32 s3, s9;
	s6 =	sadd.s32 @!p0 $0x88, s6;
	s7 =	simm.s32 @p2 $0x1082  }
0x22: {  	[simem:s7], [sflag:s8] =	dma.local @!p0 [hbm:s6], $0xF7A  }
0x23: {  	s9 =	sor.u32 $0xD0000000, s2;
	s6 =	simm.s32 $0x108;
	_ =	swait.ge @!p0 [sflag:s8], $0x0  }
0x24: {  	s3 =	sadd.s32 $0x88, s3;
	s6 =	simm.s32 @!p1 $0x1082;
	[sflag:s4] =	ssyncset.s32 $0xFFFFF086  }
0x25: {  	[simem:s6], [sflag:s4] =	dma.local [hbm:s3], $0xF7A  }
0x26: {  	[smem:$0x3F75] =	sst s1;
	(tag) =	ssettag s2;
	_ =	strace s9  }
0x27: {  	s1 =	sld [smem:$0x3F85]  }
0x28: {  	s2 =	sld [smem:$0x3F86]  }
0x29: {  	s4 =	sld [smem:$0x3F88]  }
0x2a: {  	p0 =	seq.s32 s5, $0x0;
	s5 =	sld [smem:$0x3F89]  }
0x2b: {  	s6 =	sld [smem:$0x3F8A]  }
0x2c: {  	s7 =	sld [smem:$0x3F8B]  }
0x2d: {  	s3 =	simm.s32 $0x108;
	s8 =	sld [smem:$0x3F8C]  }
0x2e: {  	s3 =	simm.s32 @!p0 $0x1082;
	s9 =	sld [smem:$0x3F8D]  }
0x2f: {  	lr =	sadd.s32 s0, s3;
	s0 =	sld [smem:$0x3F84]  }
0x30: {  	s3 =	sld [smem:$0x3F87]  }
0x31: {  	[smem:$0x3F90] =	sst s10  }
0x32: {  	s10 =	sld [smem:$0x3F8E];
	_ =	sdelay $0x3  }
0x33: {  	p0 =	seq.s32 s10, $0x1;
	s10 =	sld [smem:$0x3F90];
	_ =	sdelay $0x3  }
0x34: {  	[smem:$0x3F90] =	sst s10  }
0x35: {  	s10 =	sld [smem:$0x3F8F];
	_ =	sdelay $0x3  }
0x36: {  	p1 =	seq.s32 s10, $0x1;
	s10 =	sld [smem:$0x3F90];
	_ =	sdelay $0x3  }
0x37: {  	[smem:$0x3F90] =	sst s10  }
0x38: {  	s10 =	sld [smem:$0x3F91]  }
0x39: {  	_ = 	snop;
	(pc) =	sbr.ind lr, $3  }
0x3a: {  	_ = 	snop  }
0x3b: {  	_ = 	snop  }
0x3c: {  	p2 =	seq.s32 s10, $0x1;
	s10 =	sld [smem:$0x3F90]  }
0x3d: {  	_ =	shalt  }
0x3e: {  	_ =	shalt  }
0x3f: {  	_ =	shalt  }
0x40: {  	_ =	shalt  }
0x41: {  	_ =	shalt  }
0x42: {  	_ =	shalt  }
0x43: {  	_ =	shalt  }
0x44: {  	_ =	shalt  }
0x45: {  	_ =	shalt  }
0x46: {  	_ =	shalt  }
0x47: {  	_ =	shalt  }
0x48: {  	_ =	shalt  }
0x49: {  	_ =	shalt  }
0x4a: {  	_ =	shalt  }
0x4b: {  	_ =	shalt  }
0x4c: {  	_ =	shalt  }
0x4d: {  	_ =	shalt  }
0x4e: {  	_ =	shalt  }
0x4f: {  	_ =	shalt  }
0x50: {  	_ =	shalt  }
0x51: {  	_ =	shalt  }
0x52: {  	_ =	shalt  }
0x53: {  	_ =	shalt  }
0x54: {  	_ =	shalt  }
0x55: {  	_ =	shalt  }
0x56: {  	_ =	shalt  }
0x57: {  	_ =	shalt  }
0x58: {  	_ =	shalt  }
0x59: {  	_ =	shalt  }
0x5a: {  	_ =	shalt  }
0x5b: {  	_ =	shalt  }
0x5c: {  	_ =	shalt  }
0x5d: {  	_ =	shalt  }
0x5e: {  	_ =	shalt  }
0x5f: {  	_ =	shalt  }
0x60: {  	_ =	shalt  }
0x61: {  	_ =	shalt  }
0x62: {  	_ =	shalt  }
0x63: {  	_ =	shalt  }
0x64: {  	_ =	shalt  }
0x65: {  	_ =	shalt  }
0x66: {  	_ =	shalt  }
0x67: {  	_ =	shalt  }
0x68: {  	_ =	shalt  }
0x69: {  	_ =	shalt  }
0x6a: {  	_ =	shalt  }
0x6b: {  	_ =	shalt  }
0x6c: {  	_ =	shalt  }
0x6d: {  	_ =	shalt  }
0x6e: {  	_ =	shalt  }
0x6f: {  	_ =	shalt  }
0x70: {  	_ =	shalt  }
0x71: {  	_ =	shalt  }
0x72: {  	_ =	shalt  }
0x73: {  	_ =	shalt  }
0x74: {  	_ =	shalt  }
0x75: {  	_ =	shalt  }
0x76: {  	_ =	shalt  }
0x77: {  	_ =	shalt  }
0x78: {  	_ =	shalt  }
0x79: {  	_ =	shalt  }
0x7a: {  	_ =	shalt  }
0x7b: {  	_ =	shalt  }
0x7c: {  	_ =	shalt  }
0x7d: {  	_ =	shalt  }
0x7e: {  	_ =	shalt  }
0x7f: {  	_ =	shalt  }
0x80: {  	_ =	shalt  }
0x81: {  	_ =	shalt  }
0x82: {  	_ =	shalt  }
0x83: {  	_ =	shalt  }
0x84: {  	_ =	shalt  }
0x85: {  	_ =	shalt  }
0x86: {  	_ =	shalt  }
0x87: {  	_ =	shalt  }
.Lfunc_end0:
.L_simem_size_0:
called_computation.7_lowered:
.L_overlay_start_0:
0x88: {  	s2 =	sld [smem:$0x3FD9]  }
0x89: {  	s3 =	sld [smem:$0x3FFE];
	_ =	sdelay $0x1  }
0x8a: {  	s1 =	srdreg.scid  }
0x8b: {  	s0 =	sand.u32 $0x1, s1  }
0x8c: {  	s15 =	sshll.u32 s0, $0xA;
	s2 =	sadd.s32 s3, s2  }
0x8d: {  	s2 =	sadd.s32 s2, s15  }
0x8e: {  	[smem:$0x3F9C] =	sst s2  }
0x8f: {  	_ = 	snop  }
0x90: {  	s2 =	sld [smem:$0x3FD0];
	_ =	sdelay $0x2  }
0x91: {  	s16 =	simm.s32 $0xB;
	s4 =	simm.s32 $0x10  }
0x92: {  	[smem:s4], [sflag:s16] =	dma.local [hbm:s2], $0x1  }
0x93: {  	_ =	swait.eq [sflag:s16], $0x1  }
0x94: {  	[sflag:s16] =	ssyncset.done $0x0  }
0x95: {  	[sflag:s16] =	ssyncadd.s32 $0xFFFFFFFF  }
0x96: {  	s17 =	sld [smem:$0x14];
	(tm) =	ssettm $0x1  }
0x97: {  	s18 =	sld [smem:$0x3FFB];
	_ =	sdelay $0x3  }
0x98: {  	_ =	strace s18  }
0x99: {  	s2 =	sld [smem:$0x3FFC];
	_ =	sdelay $0x3  }
0x9a: {  	_ =	strace s2  }
0x9b: {  	s2 =	sld [smem:$0x3FFD];
	_ =	sdelay $0x3  }
0x9c: {  	_ =	strace s2  }
0x9d: {  	_ =	strace $0x8FFFFFFF  }
0x9e: {  	s19 =	sld [smem:$0x3FDB];
	_ =	sdelay $0x1  }
0x9f: {  	s20 =	simm.s32 $_scs_section_size  }
0xa0: {  	s5 =	simm.s32 $_size__tile_overlayer_lowered;
	s6 =	simm.s32 $_tile_overlayer_lowered  }
0xa1: {  	s7 =	simm.s32 $0x1BFF;
	s21 =	sshll.u32 s6, $0x1;
	s4 =	sadd.s32 s20, s19  }
0xa2: {  	s22 =	simm.s32 $0x0;
	s5 =	sshll.u32 s5, $0x1;
	s6 =	sadd.s32 s21, s4  }
0xa3: {  	[timem:s22], [sflag:s7] =	dma.local [hbm:s6], s5  }
0xa4: {  	_ =	swait.ge [sflag:s7], s5  }
0xa5: {  	s5 =	ssub.s32 $0x0, s5;
	[sflag:s7] =	ssyncset.done $0x0  }
0xa6: {  	[sflag:s7] =	ssyncadd.s32 s5;
	_ =	sdelay $0x1  }
0xa7: {  	s23 =	simm.s32 $0x1B8B  }
0xa8: {  	_ =	swait.ge [sflag:s23], $0x1  }
0xa9: {  	[sflag:s23] =	ssyncset.done $0x0  }
0xaa: {  	[sflag:s23] =	ssyncadd.s32 $0xFFFFFFFF  }
0xab: {  	s5 =	sld [smem:$0x0]  }
0xac: {  	s6 =	sand.u32 $0xFFFFFFFE, s1  }
0xad: {  	p0 =	sne.s32 s1, s6  }
0xae: {  	s6 =	sshll.u32 @p0 s6, $0xE  }
0xaf: {  	s6 =	sadd.s32 @p0 $0x11B8D, s6;
	s7 =	sshll.u32 @p0 s5, $0x11  }
0xb0: {  	s6 =	sor.u32 @p0 s7, s6  }
0xb1: {  	[sflag:s6] =	ssyncadd.remote.s32 @p0 $0x1;
	_ =	sdelay $0x1  }
0xb2: {  	s6 =	simm.s32 @p0 $0x1B8D  }
0xb3: {  	_ =	swait.eq @p0 [sflag:s6], $0x1  }
0xb4: {  	[sflag:s6] =	ssyncadd.s32 @p0 $0xFFFFFFFF  }
0xb5: {  	s7 =	sshll.u32 @!p0 s1, $0xE  }
0xb6: {  	s7 =	sor.u32 @!p0 $0x4000, s7;
	s6 =	simm.s32 @!p0 $0x1B8D  }
0xb7: {  	s5 =	sshll.u32 @!p0 s5, $0x11;
	s7 =	sadd.s32 @!p0 $0x11B8D, s7;
	_ =	swait.eq @!p0 [sflag:s6], $0x1  }
0xb8: {  	s5 =	sor.u32 @!p0 s5, s7;
	[sflag:s6] =	ssyncadd.s32 @!p0 $0xFFFFFFFF  }
0xb9: {  	s25 =	simm.s32 $0x1B8E;
	s24 =	sld [smem:$0x3FFE];
	[sflag:s5] =	ssyncadd.remote.s32 @!p0 $0x1  }
0xba: {  	s26 =	simm.s32 $execute0_lowered;
	[smem:$0x3FD2] =	sst s25  }
0xbb: {  	s6 =	sshll.u32 s26, $0x1;
	_ =	strace $0x8000005B;
	[dreg:$0x1] =	wrdreg $0xFFFFFFFF  }
0xbc: {  	s28 =	simm.s32 $_size_execute0_lowered;
	s4 =	sadd.s32 s4, s6;
	[dreg:$0x0] =	wrdreg $0x0  }
0xbd: {  	s6 =	sshll.u32 s28, $0x1;
	[dreg:$0x2] =	wrdreg s4  }
0xbe: {  	[dreg:$0x3] =	wrdreg s6  }
0xbf: {  	[dreg:$0x4] =	wrdreg $0xC0  }
0xc0: {  	_ =	task [dreg:s22], $0x5FFFF  }
0xc1: {  	[dreg:$0x1] =	wrdreg $0xFFFFFFFF  }
0xc2: {  	[dreg:$0x0] =	wrdreg $0x60  }
0xc3: {  	[dreg:$0x2] =	wrdreg s24  }
0xc4: {  	[dreg:$0x3] =	wrdreg s17  }
0xc5: {  	[dreg:$0x4] =	wrdreg $0x6F000  }
0xc6: {  	[dreg:$0x5] =	wrdreg $0xA  }
0xc7: {  	_ =	task.clear_ibuf [dreg:s22], $0x6FFFF;
	_ =	strace $0x9000005B  }
0xc8: {  	s29 =	simm.s32 $0xA;
	_ =	strace $0x8000005D  }
0xc9: {  	_ =	swait.ge [sflag:s29], $0x1  }
0xca: {  	[sflag:s29] =	ssyncadd.s32 $0xFFFFFFFF  }
0xcb: {  	_ =	strace $0x9000005D  }
0xcc: {  	_ =	sfence  }
0xcd: {  	s30 =	sld [smem:$0x0];
	_ =	sdelay $0x2  }
0xce: {  	s31 =	sshll.u32 s1, $0xD;
	s1 =	sshrl.u32 s1, $0x2  }
0xcf: {  	s4 =	sand.u32 $0x4000, s31;
	s1 =	sadd.s32 s1, s30  }
0xd0: {  	s0 =	sor.u32 s4, s0;
	s1 =	sshll.u32 s1, $0x11  }
0xd1: {  	s0 =	sor.u32 s1, s0  }
0xd2: {  	s0 =	sadd.s32 $0x8F2B, s0  }
0xd3: {  	[sflag:s0] =	ssyncadd.remote.s32 $0x1  }
0xd4: {  	_ =	sfence.sel $0xFFFF  }
0xd5: {  	[dreg:$0x0] =	wrdreg $0xFFFFFFFF;
	(pc) =	sbr.abs _section_cstart, $3  }
0xd6: {  	[dreg:$0x1] =	wrdreg $0xFFFFFFFF  }
0xd7: {  	_ =	task.clear_ibuf [dreg:s22], $0x2FFFF;
	_ =	strace $0x9FFFFFFF  }
0xd8: {  	(tm) =	ssettm $0x7FFFFFFF  }
0xd9: {  	_ =	shalt  }
tec
execute0_lowered:
.L_overlay_start_1:
0x0: {  	(tag) =	ssettag $0x1  }
0x1: {  	s5 =	rddreg [dreg:$0x0]  }
0x2: {  	s2 =	rddreg [dreg:$0x1]  }
0x3: {  	s3 =	rddreg [dreg:$0x2];
	s4 =	srdreg.scid  }
0x4: {  	s1 =	stileid.u32;
	s0 =	rddreg [dreg:$0x3];
	s14 =	simm.s32 $0x2  }
0x5: {  	s15 =	simm.s32 $0x2780;
	s16 =	simm.s32 $0x4F00;
	s17 =	simm.s32 $0x80  }
0x6: {  	s18 =	simm.s32 $0x1;
	s21 =	simm.s32 $0x0;
	s7 =	smul.u32 $0xA000, s1  }
0x7: {  	s6 =	sand.u32 $0x1, s4;
	s4 =	simm.s32 $0x0;
	s10 =	smul.u32 $0x28000, s1  }
0x8: {  	s8 =	sshll.u32 s1, $0x1;
	s19 =	sshll.u32 s1, $0x6;
	s9 =	smul.u32 $0xA0000, s6  }
0x9: {  	[smem:$0x7FF] =	sst s4;
	s8 =	sor.u32 s6, s8;
	s6 =	ssub.s32 $0x2, s6  }
0xa: {  	s19 =	sor.u32 $0x1C02, s19;
	_ =	strace $0x8000005C;
	s8 =	smul.u32 $0x4F0, s8  }
0xb: {  	s30 =	sshrl.u32 s6, $0x1;
	s31 =	sshrl.u32 s10, $0x2;
	s9 =	sadd.s32 s7, s9  }
0xc: {  	s13 =	ssub.s32 s6, s30;
	s7 =	sadd.s32 s7, s3;
	s11 =	sadd.s32 s31, s3  }
0xd: {  	s9 =	sshrl.u32 s9, $0x3;
	s8 =	sadd.s32 s8, s5;
	s10 =	sadd.s32 $0x6000, s11  }
0xe: {  	s13 =	smax.u32 s13, $0x1;
	s20 =	sshrl.u32 s7, $0x3;
	s12 =	sadd.s32 s9, s5  }
0xf: {  	s5 =	sadd.s32 $0x69600, s8;
	s6 =	sadd.s32 $0x11400, s8;
	s8 =	sadd.s32 $0x2000, s11  }
0x10: {  	v0 =	vimm.f32 $0.0e+00;
	s9 =	sadd.s32 $0x4000, s11;
	s11 =	sadd.s32 $0x8000, s11;
	s12 =	sadd.s32 $0x136E00, s12  }
.LBB2_1:
0x11: {  	[tilespmem:s4], [sflag:$0x2] =	stream.linear.gather [hbm4b:s5+s4], $0x2780, $0x38;
	[tilespmem:$0x10F00] =	vst v63  }
0x12: {  	_ =	swait.ge [sflag:s14], $0x2780  }
0x13: {  	[sflag:s14] =	ssyncset.done $0x0  }
0x14: {  	[sflag:s14] =	ssyncadd.s32 $0xFFFFD880  }
0x15: {  	[tilespmem:s15], [sflag:$0x2] =	stream.linear.gather [hbm4b:s6+s4], $0x2780, $0x38;
	[tilespmem:$0x10F00] =	vst v63  }
0x16: {  	_ =	swait.ge [sflag:s14], $0x2780  }
0x17: {  	[sflag:s14] =	ssyncset.done $0x0  }
0x18: {  	s23 =	simm.s32 $0x100;
	s22 =	simm.s32 $0x0;
	[sflag:s14] =	ssyncadd.s32 $0xFFFFD880  }
.LBB2_2:
0x19: {  	p0 =	sne.s32 s23, $0x7F00;
	[tilespmem:s22+$0x4F30] =	vst v0;
	s24 =	smov.u32 s23;
	s23 =	sadd.s32 $0x100, s23  }
.Ltmp0:
0x1a: {  	[tilespmem:s22+$0x4F20] =	vst v0;
	(pc) =	sbr.rel @p0 .LBB2_2-.Ltmp0, $3  }
0x1b: {  	[tilespmem:s22+$0x4F00] =	vst v0  }
0x1c: {  	[tilespmem:s22+$0x4F10] =	vst v0;
	_ =	sdelay $0x1  }
0x1d: {  	s22 =	sshra.s32 s24, $0x2  }
0x1e: {  	[tilespmem:s22+$0x4F30] =	vst v0  }
0x1f: {  	[tilespmem:s22+$0x4F20] =	vst v0  }
0x20: {  	[tilespmem:s22+$0x4F00] =	vst v0  }
0x21: {  	[tilespmem:s22+$0x4F10] =	vst v0  }
0x22: {  	[spmem:s7] =	stream.linear.scatter [tilespmem:s16], [sflag:$0x2], $0x2000, $0x38;
	[tilespmem:$0x10F00] =	vst v63  }
0x23: {  	_ =	swait.ge [sflag:s14], $0x2000  }
0x24: {  	[sflag:s14] =	ssyncset.done $0x0  }
0x25: {  	[sflag:s14] =	ssyncadd.s32 $0xFFFFE000  }
0x26: {  	[spmem:s8] =	stream.linear.scatter [tilespmem:s16], [sflag:$0x2], $0x2000, $0x38;
	[tilespmem:$0x10F00] =	vst v63  }
0x27: {  	_ =	swait.ge [sflag:s14], $0x2000  }
0x28: {  	[sflag:s14] =	ssyncset.done $0x0  }
0x29: {  	[sflag:s14] =	ssyncadd.s32 $0xFFFFE000  }
0x2a: {  	[spmem:s9] =	stream.linear.scatter [tilespmem:s16], [sflag:$0x2], $0x2000, $0x38;
	[tilespmem:$0x10F00] =	vst v63  }
0x2b: {  	_ =	swait.ge [sflag:s14], $0x2000  }
0x2c: {  	[sflag:s14] =	ssyncset.done $0x0  }
0x2d: {  	[sflag:s14] =	ssyncadd.s32 $0xFFFFE000  }
0x2e: {  	[spmem:s10] =	stream.linear.scatter [tilespmem:s16], [sflag:$0x2], $0x2000, $0x38;
	[tilespmem:$0x10F00] =	vst v63  }
0x2f: {  	_ =	swait.ge [sflag:s14], $0x2000  }
0x30: {  	[sflag:s14] =	ssyncset.done $0x0  }
0x31: {  	[sflag:s14] =	ssyncadd.s32 $0xFFFFE000  }
0x32: {  	[spmem:s11] =	stream.linear.scatter [tilespmem:s16], [sflag:$0x2], $0x2000, $0x38;
	[tilespmem:$0x10F00] =	vst v63  }
0x33: {  	_ =	swait.ge [sflag:s14], $0x2000  }
0x34: {  	[sflag:s14] =	ssyncset.done $0x0  }
0x35: {  	[sflag:s14] =	ssyncadd.s32 $0xFFFFE000  }
0x36: {  	s30 =	simm.s32 $0x0;
	[bflag:$0x0] =	sbarrier.arrive $0xFFFF  }
0x37: {  	[tilespmem:s16], [sflag:$0x1] =	stream.indirect.gather [hbm4b:s2+s17], $0x40, s30, s17, $0xb8;
	[tilespmem:$0x10F00] =	vst v63  }
0x38: {  	_ =	swait.ge [sflag:s18], $0x2000  }
0x39: {  	[sflag:s18] =	ssyncset.done $0x0  }
0x3a: {  	s31 =	simm.s32 $0x2780;
	[sflag:s18] =	ssyncadd.s32 $0xFFFFE000  }
0x3b: {  	[spmem:s3] =	stream.indirect.scatter.add.f32 [tilespmem:s16], [sflag:$0x2], $0x40, s31, s17, $0xb8;
	[tilespmem:$0x10F00] =	vst v63  }
0x3c: {  	_ =	swait.ge [sflag:s14], $0x2000  }
0x3d: {  	s22 =	simm.s32 $0x200;
	s23 =	simm.s32 $0x400;
	[sflag:s14] =	ssyncset.done $0x0  }
.LBB2_4:
0x3e: {  	s24 =	sshra.s32 s22, $0x2  }
0x3f: {  	[sflag:s14] =	ssyncadd.s32 $0xFFFFE000;
	s22 =	smov.u32 s23;
	s25 =	sadd.s32 $0x200, s23  }
0x40: {  	[tilespmem:s16], [sflag:$0x1] =	stream.indirect.gather [hbm4b:s2+s17], $0x40, s24, s17, $0xb8;
	[tilespmem:$0x10F00] =	vst v63  }
0x41: {  	p0 =	sne.s32 s23, $0x9C00;
	_ =	swait.ge [sflag:s18], $0x2000  }
.Ltmp1:
0x42: {  	[sflag:s18] =	ssyncset.done $0x0;
	(pc) =	sbr.rel @p0 .LBB2_4-.Ltmp1, $4  }
0x43: {  	s23 =	sadd.s32 $0x2780, s24;
	[sflag:s18] =	ssyncadd.s32 $0xFFFFE000  }
0x44: {  	[spmem:s3] =	stream.indirect.scatter.add.f32 [tilespmem:s16], [sflag:$0x2], $0x40, s23, s17, $0xb8;
	[tilespmem:$0x10F00] =	vst v63  }
0x45: {  	_ =	swait.ge [sflag:s14], $0x2000  }
0x46: {  	s23 =	smov.u32 s25;
	[sflag:s14] =	ssyncset.done $0x0  }
0x47: {  	s22 =	sshra.s32 s22, $0x2;
	[sflag:s14] =	ssyncadd.s32 $0xFFFFE000  }
0x48: {  	[tilespmem:s16], [sflag:$0x1] =	stream.indirect.gather [hbm4b:s2+s17], $0x40, s22, s17, $0xb8;
	[tilespmem:$0x10F00] =	vst v63  }
0x49: {  	_ =	swait.ge [sflag:s18], $0x2000  }
0x4a: {  	[sflag:s18] =	ssyncset.done $0x0  }
0x4b: {  	s22 =	sadd.s32 $0x2780, s22;
	[sflag:s18] =	ssyncadd.s32 $0xFFFFE000  }
0x4c: {  	[spmem:s3] =	stream.indirect.scatter.add.f32 [tilespmem:s16], [sflag:$0x2], $0x40, s22, s17, $0xb8;
	[tilespmem:$0x10F00] =	vst v63  }
0x4d: {  	_ =	swait.ge [sflag:s14], $0x2000  }
0x4e: {  	[sflag:s14] =	ssyncset.done $0x0  }
0x4f: {  	s21 =	sadd.s32 $0x1, s21;
	[sflag:s14] =	ssyncadd.s32 $0xFFFFE000  }
0x50: {  	p0 =	sne.s32 s21, s13;
	[bflag:$0x0] =	sbarrier.arrive $0xFFFF  }
0x51: {  	[hbm:s12], [sflag:s19] =	dma.local [spmem:s20], $0x1400  }
.Ltmp2:
0x52: {  	_ =	swait.ge [sflag:s14], $0x1400;
	(pc) =	sbr.rel @p0 .LBB2_1-.Ltmp2, $3  }
0x53: {  	[sflag:s14] =	ssyncset.done $0x0  }
0x54: {  	[sflag:s14] =	ssyncadd.s32 $0xFFFFEC00  }
0x55: {  	[bflag:$0x0] =	sbarrier.arrive $0xFFFF;
	_ =	sdelay $0x1  }
0x56: {  	_ =	sfence.sel $0x180000  }
0x57: {  	[bflag:$0x0] =	sbarrier.arrive $0xFFFF  }
0x58: {  	p0 =	sne.s32 s1, $0x0;
	_ =	strace $0x9000005C  }
0x59: {  	s0 =	sadd.s32 @!p0 $0x100000, s0;
	[bflag:$0x2] =	sbarrier.arrive $0xFFFF  }
0x5a: {  	[sflag:s0] =	ssyncadd.tile.s32 @!p0 $0x1;
	_ =	shalt  }
.Lfunc_end2:
_tile_overlayer_lowered:
.L_overlay_start_2:
0x5b: {  	(tag) =	ssettag $0x2  }
0x5c: {  	s0 =	rddreg [dreg:$0x0];
	s2 =	stileid.u32  }
0x5d: {  	s1 =	rddreg [dreg:$0x1];
	p0 =	sne.s32 s2, $0x0  }
0x5e: {  	s3 =	rddreg [dreg:$0x2];
	[bflag:$0x3] =	sbarrier.arrive $0xFFFF;
	s2 =	simm.s32 @!p0 $0x1C02  }
0x5f: {  	[timem:s3], [sflag:s2] =	dma.local @!p0 [hbm:s0], s1  }
0x60: {  	s0 =	simm.s32 @!p0 $0x2  }
0x61: {  	_ =	swait.ge @!p0 [sflag:s0], s1  }
0x62: {  	s1 =	ssub.s32 @!p0 $0x0, s1;
	[sflag:s0] =	ssyncset.done @!p0 $0x0  }
0x63: {  	[sflag:s0] =	ssyncadd.s32 @!p0 s1  }
0x64: {  	[bflag:$0x3] =	sbarrier.arrive $0xFFFF  }
0x65: {  	_ =	shalt  }

// kernel: kernel.43.cloned.1.call-start
scs
__scs_entry_jumppad:
0x0: {  	(pc) =	sbr.rel $0x88, $3  }
0x1: {  	(tag) =	ssettag $0x0;
	lr =	simm.s32 $0x1  }
0x2: {  	[smem:$0x3F75] =	sst lr;
	_ =	strace $0xD0000000  }
0x3: {  	_ = 	snop  }
0x4: {  	_ = 	snop  }
0x5: {  	_ = 	snop  }
0x6: {  	_ = 	snop  }
0x7: {  	_ = 	snop  }
__scs_overlays_trampoline_lowered:
0x8: {  	[smem:$0x3F84] =	sst s0  }
0x9: {  	[smem:$0x3F85] =	sst s1  }
0xa: {  	[smem:$0x3F86] =	sst s2  }
0xb: {  	[smem:$0x3F87] =	sst s3  }
0xc: {  	[smem:$0x3F88] =	sst s4  }
0xd: {  	[smem:$0x3F89] =	sst s5  }
0xe: {  	[smem:$0x3F8A] =	sst s6  }
0xf: {  	[smem:$0x3F8B] =	sst s7  }
0x10: {  	[smem:$0x3F8C] =	sst s8  }
0x11: {  	[smem:$0x3F8D] =	sst s9;
	s0 =	simm.s32 @!p0 $0x0  }
0x12: {  	s1 =	sld [smem:$0x3F73];
	s0 =	simm.s32 @p0 $0x1  }
0x13: {  	[smem:$0x3F8E] =	sst s0;
	s0 =	simm.s32 @!p1 $0x0  }
0x14: {  	s2 =	sld [smem:$0x3F72];
	s0 =	simm.s32 @p1 $0x1  }
0x15: {  	[smem:$0x3F8F] =	sst s0;
	s0 =	simm.s32 @!p2 $0x0  }
0x16: {  	s3 =	sld [smem:$0x3FDB];
	s0 =	simm.s32 @p2 $0x1  }
0x17: {  	s4 =	simm.s32 $0x1BF5;
	[smem:$0x3F91] =	sst s0  }
0x18: {  	s0 =	sld [smem:$0x3F74];
	_ =	swait.ge [sflag:s4], $0x0  }
0x19: {  	s7 =	sld [smem:$0x3F75]  }
0x1a: {  	s8 =	sadd.s32 $0xFFFFE003, lr  }
0x1b: {  	s9 =	sadd.s32 $0xFFFFFEF7, lr;
	s5 =	simm.s32 $0xFFFFFFFF;
	p2 =	slt.u32 s8, $0xFFFFF086  }
0x1c: {  	p1 =	slt.u32 s9, $0xF7A;
	s5 =	simm.s32 @!p2 $0x0  }
0x1d: {  	s5 =	simm.s32 @p1 $0x1;
	p0 =	seq.s32 s7, s2  }
0x1e: {  	s7 =	smul.u32 @!p0 $0xF7A, s2;
	p2 =	seq.s32 @!p0 s5, $0x0  }
0x1f: {  	s9 =	smul.u32 $0xF7A, s1;
	s8 =	simm.s32 @!p0 $0x1BF5;
	p2 =	por !p2, p0  }
0x20: {  	[sflag:s8] =	ssyncset.s32 @!p0 $0xFFFFF086;
	s6 =	sadd.s32 @!p0 s3, s7;
	s7 =	simm.s32 @!p0 $0x108  }
0x21: {  	s3 =	sadd.s32 s3, s9;
	s6 =	sadd.s32 @!p0 $0x88, s6;
	s7 =	simm.s32 @p2 $0x1082  }
0x22: {  	[simem:s7], [sflag:s8] =	dma.local @!p0 [hbm:s6], $0xF7A  }
0x23: {  	s9 =	sor.u32 $0xD0000000, s2;
	s6 =	simm.s32 $0x108;
	_ =	swait.ge @!p0 [sflag:s8], $0x0  }
0x24: {  	s3 =	sadd.s32 $0x88, s3;
	s6 =	simm.s32 @!p1 $0x1082;
	[sflag:s4] =	ssyncset.s32 $0xFFFFF086  }
0x25: {  	[simem:s6], [sflag:s4] =	dma.local [hbm:s3], $0xF7A  }
0x26: {  	[smem:$0x3F75] =	sst s1;
	(tag) =	ssettag s2;
	_ =	strace s9  }
0x27: {  	s1 =	sld [smem:$0x3F85]  }
0x28: {  	s2 =	sld [smem:$0x3F86]  }
0x29: {  	s4 =	sld [smem:$0x3F88]  }
0x2a: {  	p0 =	seq.s32 s5, $0x0;
	s5 =	sld [smem:$0x3F89]  }
0x2b: {  	s6 =	sld [smem:$0x3F8A]  }
0x2c: {  	s7 =	sld [smem:$0x3F8B]  }
0x2d: {  	s3 =	simm.s32 $0x108;
	s8 =	sld [smem:$0x3F8C]  }
0x2e: {  	s3 =	simm.s32 @!p0 $0x1082;
	s9 =	sld [smem:$0x3F8D]  }
0x2f: {  	lr =	sadd.s32 s0, s3;
	s0 =	sld [smem:$0x3F84]  }
0x30: {  	s3 =	sld [smem:$0x3F87]  }
0x31: {  	[smem:$0x3F90] =	sst s10  }
0x32: {  	s10 =	sld [smem:$0x3F8E];
	_ =	sdelay $0x3  }
0x33: {  	p0 =	seq.s32 s10, $0x1;
	s10 =	sld [smem:$0x3F90];
	_ =	sdelay $0x3  }
0x34: {  	[smem:$0x3F90] =	sst s10  }
0x35: {  	s10 =	sld [smem:$0x3F8F];
	_ =	sdelay $0x3  }
0x36: {  	p1 =	seq.s32 s10, $0x1;
	s10 =	sld [smem:$0x3F90];
	_ =	sdelay $0x3  }
0x37: {  	[smem:$0x3F90] =	sst s10  }
0x38: {  	s10 =	sld [smem:$0x3F91]  }
0x39: {  	_ = 	snop;
	(pc) =	sbr.ind lr, $3  }
0x3a: {  	_ = 	snop  }
0x3b: {  	_ = 	snop  }
0x3c: {  	p2 =	seq.s32 s10, $0x1;
	s10 =	sld [smem:$0x3F90]  }
0x3d: {  	_ =	shalt  }
0x3e: {  	_ =	shalt  }
0x3f: {  	_ =	shalt  }
0x40: {  	_ =	shalt  }
0x41: {  	_ =	shalt  }
0x42: {  	_ =	shalt  }
0x43: {  	_ =	shalt  }
0x44: {  	_ =	shalt  }
0x45: {  	_ =	shalt  }
0x46: {  	_ =	shalt  }
0x47: {  	_ =	shalt  }
0x48: {  	_ =	shalt  }
0x49: {  	_ =	shalt  }
0x4a: {  	_ =	shalt  }
0x4b: {  	_ =	shalt  }
0x4c: {  	_ =	shalt  }
0x4d: {  	_ =	shalt  }
0x4e: {  	_ =	shalt  }
0x4f: {  	_ =	shalt  }
0x50: {  	_ =	shalt  }
0x51: {  	_ =	shalt  }
0x52: {  	_ =	shalt  }
0x53: {  	_ =	shalt  }
0x54: {  	_ =	shalt  }
0x55: {  	_ =	shalt  }
0x56: {  	_ =	shalt  }
0x57: {  	_ =	shalt  }
0x58: {  	_ =	shalt  }
0x59: {  	_ =	shalt  }
0x5a: {  	_ =	shalt  }
0x5b: {  	_ =	shalt  }
0x5c: {  	_ =	shalt  }
0x5d: {  	_ =	shalt  }
0x5e: {  	_ =	shalt  }
0x5f: {  	_ =	shalt  }
0x60: {  	_ =	shalt  }
0x61: {  	_ =	shalt  }
0x62: {  	_ =	shalt  }
0x63: {  	_ =	shalt  }
0x64: {  	_ =	shalt  }
0x65: {  	_ =	shalt  }
0x66: {  	_ =	shalt  }
0x67: {  	_ =	shalt  }
0x68: {  	_ =	shalt  }
0x69: {  	_ =	shalt  }
0x6a: {  	_ =	shalt  }
0x6b: {  	_ =	shalt  }
0x6c: {  	_ =	shalt  }
0x6d: {  	_ =	shalt  }
0x6e: {  	_ =	shalt  }
0x6f: {  	_ =	shalt  }
0x70: {  	_ =	shalt  }
0x71: {  	_ =	shalt  }
0x72: {  	_ =	shalt  }
0x73: {  	_ =	shalt  }
0x74: {  	_ =	shalt  }
0x75: {  	_ =	shalt  }
0x76: {  	_ =	shalt  }
0x77: {  	_ =	shalt  }
0x78: {  	_ =	shalt  }
0x79: {  	_ =	shalt  }
0x7a: {  	_ =	shalt  }
0x7b: {  	_ =	shalt  }
0x7c: {  	_ =	shalt  }
0x7d: {  	_ =	shalt  }
0x7e: {  	_ =	shalt  }
0x7f: {  	_ =	shalt  }
0x80: {  	_ =	shalt  }
0x81: {  	_ =	shalt  }
0x82: {  	_ =	shalt  }
0x83: {  	_ =	shalt  }
0x84: {  	_ =	shalt  }
0x85: {  	_ =	shalt  }
0x86: {  	_ =	shalt  }
0x87: {  	_ =	shalt  }
.Lfunc_end0:
.L_simem_size_0:
called_computation.8_lowered:
.L_overlay_start_0:
0x88: {  	s2 =	sld [smem:$0x3FD9]  }
0x89: {  	s3 =	sld [smem:$0x3FFE];
	_ =	sdelay $0x1  }
0x8a: {  	s1 =	srdreg.scid  }
0x8b: {  	s0 =	sand.u32 $0x1, s1  }
0x8c: {  	s16 =	sshll.u32 s0, $0xA;
	s2 =	sadd.s32 s3, s2  }
0x8d: {  	s2 =	sadd.s32 s2, s16  }
0x8e: {  	[smem:$0x3F9C] =	sst s2  }
0x8f: {  	_ = 	snop  }
0x90: {  	(tm) =	ssettm $0x1  }
0x91: {  	s17 =	sld [smem:$0x3FFB];
	_ =	sdelay $0x3  }
0x92: {  	_ =	strace s17  }
0x93: {  	s2 =	sld [smem:$0x3FFC];
	_ =	sdelay $0x3  }
0x94: {  	_ =	strace s2  }
0x95: {  	s2 =	sld [smem:$0x3FFD];
	_ =	sdelay $0x3  }
0x96: {  	_ =	strace s2  }
0x97: {  	_ =	strace $0x8FFFFFFF  }
0x98: {  	s18 =	sld [smem:$0x3FDB];
	_ =	sdelay $0x1  }
0x99: {  	s19 =	simm.s32 $_scs_section_size  }
0x9a: {  	s4 =	simm.s32 $_size__tile_overlayer_lowered;
	s5 =	simm.s32 $_tile_overlayer_lowered  }
0x9b: {  	s22 =	simm.s32 $0x1BFF;
	s21 =	sshll.u32 s5, $0x1;
	s2 =	sadd.s32 s19, s18  }
0x9c: {  	s6 =	simm.s32 $0x0;
	s20 =	sshll.u32 s4, $0x1;
	s4 =	sadd.s32 s21, s2  }
0x9d: {  	[timem:s6], [sflag:s22] =	dma.local [hbm:s4], s20  }
0x9e: {  	_ =	swait.ge [sflag:s22], s20  }
0x9f: {  	s3 =	ssub.s32 $0x0, s20;
	[sflag:s22] =	ssyncset.done $0x0  }
0xa0: {  	[sflag:s22] =	ssyncadd.s32 s3;
	_ =	sdelay $0x1  }
0xa1: {  	s23 =	simm.s32 $0x1B8B  }
0xa2: {  	_ =	swait.ge [sflag:s23], $0x1  }
0xa3: {  	[sflag:s23] =	ssyncset.done $0x0  }
0xa4: {  	s25 =	simm.s32 $0x1B8E;
	s24 =	sld [smem:$0x3FFE];
	[sflag:s23] =	ssyncadd.s32 $0xFFFFFFFF  }
0xa5: {  	s26 =	simm.s32 $execute0_lowered;
	[smem:$0x3FD2] =	sst s25  }
0xa6: {  	s4 =	sshll.u32 s26, $0x1;
	_ =	strace $0x8000005E;
	[dreg:$0x1] =	wrdreg $0xFFFFFFFF  }
0xa7: {  	s28 =	simm.s32 $_size_execute0_lowered;
	s2 =	sadd.s32 s2, s4;
	[dreg:$0x0] =	wrdreg $0x0  }
0xa8: {  	s4 =	sshll.u32 s28, $0x1;
	[dreg:$0x2] =	wrdreg s2  }
0xa9: {  	[dreg:$0x3] =	wrdreg s4  }
0xaa: {  	[dreg:$0x4] =	wrdreg $0xC0  }
0xab: {  	_ =	task [dreg:s6], $0x5FFFF  }
0xac: {  	[dreg:$0x1] =	wrdreg $0xFFFFFFFF  }
0xad: {  	[dreg:$0x0] =	wrdreg $0x60  }
0xae: {  	[dreg:$0x2] =	wrdreg s24  }
0xaf: {  	[dreg:$0x3] =	wrdreg $0x6F000  }
0xb0: {  	[dreg:$0x4] =	wrdreg $0x9  }
0xb1: {  	_ =	task.clear_ibuf [dreg:s6], $0x5FFFF;
	_ =	strace $0x9000005E  }
0xb2: {  	s29 =	simm.s32 $0x9;
	_ =	strace $0x80000060  }
0xb3: {  	_ =	swait.ge [sflag:s29], $0x1  }
0xb4: {  	[sflag:s29] =	ssyncadd.s32 $0xFFFFFFFF  }
0xb5: {  	_ =	strace $0x90000060  }
0xb6: {  	_ =	sfence  }
0xb7: {  	s30 =	sld [smem:$0x0];
	_ =	sdelay $0x2  }
0xb8: {  	s31 =	sshll.u32 s1, $0xD;
	s1 =	sshrl.u32 s1, $0x2  }
0xb9: {  	s3 =	sand.u32 $0x4000, s31;
	s1 =	sadd.s32 s1, s30  }
0xba: {  	s0 =	sor.u32 s3, s0;
	s1 =	sshll.u32 s1, $0x11  }
0xbb: {  	s0 =	sor.u32 s1, s0  }
0xbc: {  	s0 =	sadd.s32 $0x8F2B, s0  }
0xbd: {  	[sflag:s0] =	ssyncadd.remote.s32 $0x1  }
0xbe: {  	_ =	sfence.sel $0xFFFF  }
0xbf: {  	[dreg:$0x0] =	wrdreg $0xFFFFFFFF;
	(pc) =	sbr.abs _section_cstart, $3  }
0xc0: {  	[dreg:$0x1] =	wrdreg $0xFFFFFFFF  }
0xc1: {  	_ =	task.clear_ibuf [dreg:s6], $0x2FFFF;
	_ =	strace $0x9FFFFFFF  }
0xc2: {  	(tm) =	ssettm $0x7FFFFFFF  }
0xc3: {  	_ =	shalt  }
tec
execute0_lowered:
.L_overlay_start_1:
0x0: {  	(tag) =	ssettag $0x1  }
0x1: {  	s1 =	srdreg.scid;
	s5 =	rddreg [dreg:$0x0]  }
0x2: {  	s0 =	stileid.u32;
	s2 =	rddreg [dreg:$0x1]  }
0x3: {  	s3 =	simm.s32 $0x0;
	s14 =	simm.s32 $0x2;
	s15 =	simm.s32 $0x2780  }
0x4: {  	s16 =	simm.s32 $0x4F00;
	s17 =	simm.s32 $0x80;
	s18 =	simm.s32 $0x1  }
0x5: {  	s21 =	simm.s32 $0x0;
	s4 =	sand.u32 $0x1, s1;
	s7 =	smul.u32 $0xA000, s0  }
0x6: {  	s29 =	sshll.u32 s0, $0x1;
	[smem:$0x7FF] =	sst s3;
	s10 =	smul.u32 $0x28000, s0  }
0x7: {  	s19 =	sshll.u32 s0, $0x6;
	s1 =	sor.u32 s4, s29;
	s8 =	smul.u32 $0xA0000, s4  }
0x8: {  	s9 =	ssub.s32 $0x2, s4;
	s4 =	sadd.s32 $0xE8A00, s5;
	s19 =	sor.u32 $0x1C02, s19  }
0x9: {  	s6 =	smul.u32 $0x4F0, s1;
	s1 =	rddreg [dreg:$0x2];
	_ =	strace $0x8000005F  }
0xa: {  	s30 =	sshrl.u32 s9, $0x1;
	s31 =	sshrl.u32 s10, $0x2;
	s8 =	sadd.s32 s7, s8  }
0xb: {  	s13 =	ssub.s32 s9, s30;
	s7 =	sadd.s32 s7, s2;
	s11 =	sadd.s32 s31, s2  }
0xc: {  	s6 =	sadd.s32 s6, s5;
	s8 =	sshrl.u32 s8, $0x3;
	s9 =	sadd.s32 $0x4000, s11  }
0xd: {  	s10 =	sadd.s32 $0x6000, s11;
	s13 =	smax.u32 s13, $0x1;
	s20 =	sshrl.u32 s7, $0x3  }
0xe: {  	s12 =	sadd.s32 s8, s5;
	s5 =	sadd.s32 $0x69600, s6;
	s6 =	sadd.s32 $0x11400, s6  }
0xf: {  	v0 =	vimm.f32 $0.0e+00;
	s8 =	sadd.s32 $0x2000, s11;
	s11 =	sadd.s32 $0x8000, s11;
	s12 =	sadd.s32 $0xFC400, s12  }
.LBB2_1:
0x10: {  	[tilespmem:s3], [sflag:$0x2] =	stream.linear.gather [hbm4b:s5+s3], $0x2780, $0x38;
	[tilespmem:$0x10F00] =	vst v63  }
0x11: {  	_ =	swait.ge [sflag:s14], $0x2780  }
0x12: {  	[sflag:s14] =	ssyncset.done $0x0  }
0x13: {  	[sflag:s14] =	ssyncadd.s32 $0xFFFFD880  }
0x14: {  	[tilespmem:s15], [sflag:$0x2] =	stream.linear.gather [hbm4b:s6+s3], $0x2780, $0x38;
	[tilespmem:$0x10F00] =	vst v63  }
0x15: {  	_ =	swait.ge [sflag:s14], $0x2780  }
0x16: {  	[sflag:s14] =	ssyncset.done $0x0  }
0x17: {  	s23 =	simm.s32 $0x100;
	s22 =	simm.s32 $0x0;
	[sflag:s14] =	ssyncadd.s32 $0xFFFFD880  }
.LBB2_2:
0x18: {  	p0 =	sne.s32 s23, $0x7F00;
	[tilespmem:s22+$0x4F30] =	vst v0;
	s24 =	smov.u32 s23;
	s23 =	sadd.s32 $0x100, s23  }
.Ltmp0:
0x19: {  	[tilespmem:s22+$0x4F20] =	vst v0;
	(pc) =	sbr.rel @p0 .LBB2_2-.Ltmp0, $3  }
0x1a: {  	[tilespmem:s22+$0x4F00] =	vst v0  }
0x1b: {  	[tilespmem:s22+$0x4F10] =	vst v0;
	_ =	sdelay $0x1  }
0x1c: {  	s22 =	sshra.s32 s24, $0x2  }
0x1d: {  	[tilespmem:s22+$0x4F30] =	vst v0  }
0x1e: {  	[tilespmem:s22+$0x4F20] =	vst v0  }
0x1f: {  	[tilespmem:s22+$0x4F00] =	vst v0  }
0x20: {  	[tilespmem:s22+$0x4F10] =	vst v0  }
0x21: {  	[spmem:s7] =	stream.linear.scatter [tilespmem:s16], [sflag:$0x2], $0x2000, $0x38;
	[tilespmem:$0x10F00] =	vst v63  }
0x22: {  	_ =	swait.ge [sflag:s14], $0x2000  }
0x23: {  	[sflag:s14] =	ssyncset.done $0x0  }
0x24: {  	[sflag:s14] =	ssyncadd.s32 $0xFFFFE000  }
0x25: {  	[spmem:s8] =	stream.linear.scatter [tilespmem:s16], [sflag:$0x2], $0x2000, $0x38;
	[tilespmem:$0x10F00] =	vst v63  }
0x26: {  	_ =	swait.ge [sflag:s14], $0x2000  }
0x27: {  	[sflag:s14] =	ssyncset.done $0x0  }
0x28: {  	[sflag:s14] =	ssyncadd.s32 $0xFFFFE000  }
0x29: {  	[spmem:s9] =	stream.linear.scatter [tilespmem:s16], [sflag:$0x2], $0x2000, $0x38;
	[tilespmem:$0x10F00] =	vst v63  }
0x2a: {  	_ =	swait.ge [sflag:s14], $0x2000  }
0x2b: {  	[sflag:s14] =	ssyncset.done $0x0  }
0x2c: {  	[sflag:s14] =	ssyncadd.s32 $0xFFFFE000  }
0x2d: {  	[spmem:s10] =	stream.linear.scatter [tilespmem:s16], [sflag:$0x2], $0x2000, $0x38;
	[tilespmem:$0x10F00] =	vst v63  }
0x2e: {  	_ =	swait.ge [sflag:s14], $0x2000  }
0x2f: {  	[sflag:s14] =	ssyncset.done $0x0  }
0x30: {  	[sflag:s14] =	ssyncadd.s32 $0xFFFFE000  }
0x31: {  	[spmem:s11] =	stream.linear.scatter [tilespmem:s16], [sflag:$0x2], $0x2000, $0x38;
	[tilespmem:$0x10F00] =	vst v63  }
0x32: {  	_ =	swait.ge [sflag:s14], $0x2000  }
0x33: {  	[sflag:s14] =	ssyncset.done $0x0  }
0x34: {  	[sflag:s14] =	ssyncadd.s32 $0xFFFFE000  }
0x35: {  	s30 =	simm.s32 $0x0;
	[bflag:$0x0] =	sbarrier.arrive $0xFFFF  }
0x36: {  	[tilespmem:s16], [sflag:$0x1] =	stream.indirect.gather [hbm4b:s4+s17], $0x40, s30, s17, $0xb8;
	[tilespmem:$0x10F00] =	vst v63  }
0x37: {  	_ =	swait.ge [sflag:s18], $0x2000  }
0x38: {  	[sflag:s18] =	ssyncset.done $0x0  }
0x39: {  	s31 =	simm.s32 $0x2780;
	[sflag:s18] =	ssyncadd.s32 $0xFFFFE000  }
0x3a: {  	[spmem:s2] =	stream.indirect.scatter.add.f32 [tilespmem:s16], [sflag:$0x2], $0x40, s31, s17, $0xb8;
	[tilespmem:$0x10F00] =	vst v63  }
0x3b: {  	_ =	swait.ge [sflag:s14], $0x2000  }
0x3c: {  	s22 =	simm.s32 $0x200;
	s23 =	simm.s32 $0x400;
	[sflag:s14] =	ssyncset.done $0x0  }
.LBB2_4:
0x3d: {  	s24 =	sshra.s32 s22, $0x2  }
0x3e: {  	[sflag:s14] =	ssyncadd.s32 $0xFFFFE000;
	s22 =	smov.u32 s23;
	s25 =	sadd.s32 $0x200, s23  }
0x3f: {  	[tilespmem:s16], [sflag:$0x1] =	stream.indirect.gather [hbm4b:s4+s17], $0x40, s24, s17, $0xb8;
	[tilespmem:$0x10F00] =	vst v63  }
0x40: {  	p0 =	sne.s32 s23, $0x9C00;
	_ =	swait.ge [sflag:s18], $0x2000  }
.Ltmp1:
0x41: {  	[sflag:s18] =	ssyncset.done $0x0;
	(pc) =	sbr.rel @p0 .LBB2_4-.Ltmp1, $4  }
0x42: {  	s23 =	sadd.s32 $0x2780, s24;
	[sflag:s18] =	ssyncadd.s32 $0xFFFFE000  }
0x43: {  	[spmem:s2] =	stream.indirect.scatter.add.f32 [tilespmem:s16], [sflag:$0x2], $0x40, s23, s17, $0xb8;
	[tilespmem:$0x10F00] =	vst v63  }
0x44: {  	_ =	swait.ge [sflag:s14], $0x2000  }
0x45: {  	s23 =	smov.u32 s25;
	[sflag:s14] =	ssyncset.done $0x0  }
0x46: {  	s22 =	sshra.s32 s22, $0x2;
	[sflag:s14] =	ssyncadd.s32 $0xFFFFE000  }
0x47: {  	[tilespmem:s16], [sflag:$0x1] =	stream.indirect.gather [hbm4b:s4+s17], $0x40, s22, s17, $0xb8;
	[tilespmem:$0x10F00] =	vst v63  }
0x48: {  	_ =	swait.ge [sflag:s18], $0x2000  }
0x49: {  	[sflag:s18] =	ssyncset.done $0x0  }
0x4a: {  	s22 =	sadd.s32 $0x2780, s22;
	[sflag:s18] =	ssyncadd.s32 $0xFFFFE000  }
0x4b: {  	[spmem:s2] =	stream.indirect.scatter.add.f32 [tilespmem:s16], [sflag:$0x2], $0x40, s22, s17, $0xb8;
	[tilespmem:$0x10F00] =	vst v63  }
0x4c: {  	_ =	swait.ge [sflag:s14], $0x2000  }
0x4d: {  	[sflag:s14] =	ssyncset.done $0x0  }
0x4e: {  	s21 =	sadd.s32 $0x1, s21;
	[sflag:s14] =	ssyncadd.s32 $0xFFFFE000  }
0x4f: {  	p0 =	sne.s32 s21, s13;
	[bflag:$0x0] =	sbarrier.arrive $0xFFFF  }
0x50: {  	[hbm:s12], [sflag:s19] =	dma.local [spmem:s20], $0x1400  }
.Ltmp2:
0x51: {  	_ =	swait.ge [sflag:s14], $0x1400;
	(pc) =	sbr.rel @p0 .LBB2_1-.Ltmp2, $3  }
0x52: {  	[sflag:s14] =	ssyncset.done $0x0  }
0x53: {  	[sflag:s14] =	ssyncadd.s32 $0xFFFFEC00  }
0x54: {  	[bflag:$0x0] =	sbarrier.arrive $0xFFFF;
	_ =	sdelay $0x1  }
0x55: {  	_ =	sfence.sel $0x180000  }
0x56: {  	[bflag:$0x0] =	sbarrier.arrive $0xFFFF  }
0x57: {  	p0 =	sne.s32 s0, $0x0;
	_ =	strace $0x9000005F  }
0x58: {  	s0 =	sadd.s32 @!p0 $0x100000, s1;
	[bflag:$0x2] =	sbarrier.arrive $0xFFFF  }
0x59: {  	[sflag:s0] =	ssyncadd.tile.s32 @!p0 $0x1;
	_ =	shalt  }
.Lfunc_end2:
_tile_overlayer_lowered:
.L_overlay_start_2:
0x5a: {  	(tag) =	ssettag $0x2  }
0x5b: {  	s0 =	rddreg [dreg:$0x0];
	s2 =	stileid.u32  }
0x5c: {  	s1 =	rddreg [dreg:$0x1];
	p0 =	sne.s32 s2, $0x0  }
0x5d: {  	s3 =	rddreg [dreg:$0x2];
	[bflag:$0x3] =	sbarrier.arrive $0xFFFF;
	s2 =	simm.s32 @!p0 $0x1C02  }
0x5e: {  	[timem:s3], [sflag:s2] =	dma.local @!p0 [hbm:s0], s1  }
0x5f: {  	s0 =	simm.s32 @!p0 $0x2  }
0x60: {  	_ =	swait.ge @!p0 [sflag:s0], s1  }
0x61: {  	s1 =	ssub.s32 @!p0 $0x0, s1;
	[sflag:s0] =	ssyncset.done @!p0 $0x0  }
0x62: {  	[sflag:s0] =	ssyncadd.s32 @!p0 s1  }
0x63: {  	[bflag:$0x3] =	sbarrier.arrive $0xFFFF  }
0x64: {  	_ =	shalt  }

</sc_bundles>
